<compile_context>
chip_gen: v7x
topology: tpu7x:2x2x1
jax: 0.10.2.dev20260603
libtpu: 0.0.44.dev20260713+nightly
codegen_flags: <defaults>
</compile_context>

<pallas_src>
import functools

import jax
import jax.numpy as jnp
from jax import lax
from jax.experimental import pallas as pl
from jax.experimental.pallas import tpu as pltpu
from jax.experimental.pallas import tpu_sc as plsc

BATCH = 1024
SEQ = 128
VOCAB = 100000
D = 128

NC = 2
NS = 16
NW = NC * NS
TOK = BATCH * SEQ
TPW = TOK // NW
G = 128
KCH = TPW // G
NBUF = 7
GA = 3


def _sc_body(ids_hbm, mask_hbm, table_hbm, out_hbm, idx_v, mask_iv, mask_v,
             rows, gs, os):
    c = lax.axis_index("c")
    s = lax.axis_index("s")
    wid = s * NC + c
    base = wid * TPW

    pltpu.sync_copy(ids_hbm.at[pl.ds(wid * KCH, KCH)], idx_v)
    pltpu.sync_copy(mask_hbm.at[pl.ds(wid * KCH, KCH)], mask_iv)

    def cvt_row(r, carry):
        for cgrp in range(G // 16):
            sl = pl.ds(cgrp * 16, 16)
            mask_v[pl.ds(r * G + cgrp * 16, 16)] = mask_iv[r, sl].astype(
                jnp.float32)
        return carry

    lax.fori_loop(0, KCH, cvt_row, 0)

    ghandle = [None] * NBUF
    ohandle = [None] * NBUF

    def multiply(rv, g):
        def tok(t, carry2):
            midx = jnp.full((16,), 0, jnp.int32) + (g * G + t)
            m = plsc.load_gather(mask_v, [midx])
            for j in range(D // 16):
                sl = pl.ds(j * 16, 16)
                rv[t, sl] = rv[t, sl] * m
            return carry2

        lax.fori_loop(0, G, tok, 0)

    def start_gather(g):
        b = g % NBUF
        ghandle[b] = pltpu.async_copy(
            table_hbm.at[idx_v.at[g]], rows[b], gs[b])

    for g in range(GA + 1):
        start_gather(g)

    for g in range(KCH):
        b = g % NBUF
        gn = g + GA + 1
        if gn < KCH:
            bn = gn % NBUF
            if ohandle[bn] is not None:
                ohandle[bn].wait()
                ohandle[bn] = None
            start_gather(gn)
        ghandle[b].wait()
        multiply(rows[b], g)
        ohandle[b] = pltpu.async_copy(
            rows[b], out_hbm.at[pl.ds(base + g * G, G)], os[b])
    for b in range(NBUF):
        if ohandle[b] is not None:
            ohandle[b].wait()


def _sc_entry(ids_hbm, mask_hbm, table_hbm, out_hbm, *scratch):
    rows = scratch[3:3 + NBUF]
    gs = scratch[3 + NBUF:3 + 2 * NBUF]
    os = scratch[3 + 2 * NBUF:3 + 3 * NBUF]
    _sc_body(ids_hbm, mask_hbm, table_hbm, out_hbm, scratch[0], scratch[1],
             scratch[2], rows, gs, os)


@jax.jit
def _sc_call(ids, mask, table):
    mesh = plsc.VectorSubcoreMesh(core_axis_name="c", subcore_axis_name="s")
    kfn = functools.partial(
        pl.kernel,
        mesh=mesh,
        out_type=jax.ShapeDtypeStruct((TOK, D), jnp.float32),
        scratch_types=[
            pltpu.VMEM((KCH, G), jnp.int32),
            pltpu.VMEM((KCH, G), jnp.int32),
            pltpu.VMEM((TPW,), jnp.float32),
        ] + [pltpu.VMEM((G, D), jnp.float32) for _ in range(NBUF)]
          + [pltpu.SemaphoreType.DMA for _ in range(2 * NBUF)],
        compiler_params=pltpu.CompilerParams(needs_layout_passes=False),
    )(_sc_entry)
    return kfn(ids, mask, table)


def kernel(input_ids, attention_mask, embedding_table):
    out = _sc_call(input_ids, attention_mask, embedding_table)
    return out.reshape(BATCH, SEQ, D)

# --- scband reference (transcript-rebuilt; emitter-appended) ---
"""Pipeline reference for scband-cppencoder-8796093022790 (READ-ONLY COPY).

The authoritative reference and input builder live on the scoring server;
editing this copy changes nothing except your own understanding.
"""

import jax, jax.numpy as jnp
import numpy as np

BATCH = 1024
SEQ = 128
VOCAB = 100000
EMBED_DIM = 128

def setup_inputs(seed: int = 0) -> dict:
    key = jax.random.key(seed)
    k1, k2, k3 = jax.random.split(key, 3)
    input_ids = jax.random.randint(k1, (BATCH, SEQ), 0, VOCAB, dtype=jnp.int64 if jax.config.jax_enable_x64 else jnp.int32).astype(jnp.int32)
    attention_mask = jax.random.randint(k2, (BATCH, SEQ), 0, 2, dtype=jnp.int32)
    embedding_table = jax.random.normal(k3, (VOCAB, EMBED_DIM), dtype=jnp.float32) * 0.02
    return {"input_ids": input_ids, "attention_mask": attention_mask, "embedding_table": embedding_table}

def reference(input_ids, attention_mask, embedding_table):
    # tokenizer step is external; we start from token ids (equivalent of enc['input_ids'])
    word_embed = jnp.take(embedding_table, input_ids, axis=0)  # [B, S, D] embedding gather
    word_embed = word_embed * attention_mask[..., None].astype(word_embed.dtype)
    return word_embed

if __name__ == "__main__":
    import jax
    _d = setup_inputs()
    print(jax.jit(kernel)(*tuple(_d.values())))

</pallas_src>

<mosaic_0001>
#map = affine_map<(d0, d1) -> (0, 0)>
module attributes {stable_mosaic.version = 14 : i64} {
  func.func @_sc_entry(%arg0: i32, %arg1: i32, %arg2: memref<1024x128xi32, #tpu.memory_space<hbm>>, %arg3: memref<1024x128xi32, #tpu.memory_space<hbm>>, %arg4: memref<100000x128xf32, #tpu.memory_space<hbm>>, %arg5: memref<131072x128xf32, #tpu.memory_space<hbm>>, %arg6: memref<32x128xi32, #tpu.memory_space<vmem>>, %arg7: memref<32x128xi32, #tpu.memory_space<vmem>>, %arg8: memref<4096xf32, #tpu.memory_space<vmem>>, %arg9: memref<128x128xf32, #tpu.memory_space<vmem>>, %arg10: memref<128x128xf32, #tpu.memory_space<vmem>>, %arg11: memref<128x128xf32, #tpu.memory_space<vmem>>, %arg12: memref<128x128xf32, #tpu.memory_space<vmem>>, %arg13: memref<128x128xf32, #tpu.memory_space<vmem>>, %arg14: memref<128x128xf32, #tpu.memory_space<vmem>>, %arg15: memref<128x128xf32, #tpu.memory_space<vmem>>, %arg16: memref<!tpu.dma_semaphore, #tpu.memory_space<semaphore_mem>>, %arg17: memref<!tpu.dma_semaphore, #tpu.memory_space<semaphore_mem>>, %arg18: memref<!tpu.dma_semaphore, #tpu.memory_space<semaphore_mem>>, %arg19: memref<!tpu.dma_semaphore, #tpu.memory_space<semaphore_mem>>, %arg20: memref<!tpu.dma_semaphore, #tpu.memory_space<semaphore_mem>>, %arg21: memref<!tpu.dma_semaphore, #tpu.memory_space<semaphore_mem>>, %arg22: memref<!tpu.dma_semaphore, #tpu.memory_space<semaphore_mem>>, %arg23: memref<!tpu.dma_semaphore, #tpu.memory_space<semaphore_mem>>, %arg24: memref<!tpu.dma_semaphore, #tpu.memory_space<semaphore_mem>>, %arg25: memref<!tpu.dma_semaphore, #tpu.memory_space<semaphore_mem>>, %arg26: memref<!tpu.dma_semaphore, #tpu.memory_space<semaphore_mem>>, %arg27: memref<!tpu.dma_semaphore, #tpu.memory_space<semaphore_mem>>, %arg28: memref<!tpu.dma_semaphore, #tpu.memory_space<semaphore_mem>>, %arg29: memref<!tpu.dma_semaphore, #tpu.memory_space<semaphore_mem>>) attributes {dimension_semantics = [#tpu.dimension_semantics<core_parallel>, #tpu.dimension_semantics<subcore_parallel>], iteration_bounds = array<i64: 2, 16>, scalar_prefetch = 0 : i64, scratch_operands = 24 : i64, tpu.core_type = #tpu.core_type<sc_vector_subcore>, window_params = [{transform_indices = #map}, {transform_indices = #map}, {transform_indices = #map}, {transform_indices = #map}]} {
    %mul3A = arith.constant 2 : i32
    %mul3A_0 = arith.muli %arg1, %mul3A : i32
    %add3A = arith.addi %mul3A_0, %arg0 : i32
    %mul3A_1 = arith.constant 4096 : i32
    %mul3A_2 = arith.muli %add3A, %mul3A_1 : i32
    %mul3A_3 = arith.constant 32 : i32
    %mul3A_4 = arith.muli %add3A, %mul3A_3 : i32
    "tpu.region"() ({
      %run_scoped3A = tpu.sem_alloc : memref<!tpu.dma_semaphore, #tpu.memory_space<semaphore_mem>>
      %dma_start3A_970 = arith.constant 0 : i32
      %dma_start3A_971 = tpu.memref_slice %arg2[%mul3A_4, %dma_start3A_970] : memref<1024x128xi32, #tpu.memory_space<hbm>> -> memref<32x128xi32, #tpu.memory_space<hbm>>
      %dma_start3A_972 = arith.constant 0 : i32
      %dma_start3A_973 = tpu.memref_slice %arg2[%mul3A_4, %dma_start3A_972] : memref<1024x128xi32, #tpu.memory_space<hbm>> -> memref<32x128xi32, #tpu.memory_space<hbm>>
      tpu.enqueue_dma source(%dma_start3A_973 : memref<32x128xi32, #tpu.memory_space<hbm>>) target(%arg6 : memref<32x128xi32, #tpu.memory_space<vmem>>) target_semaphore(%run_scoped3A : memref<!tpu.dma_semaphore, #tpu.memory_space<semaphore_mem>>)
      %dma_wait3A_974 = arith.constant 0 : i32
      %dma_wait3A_975 = tpu.memref_slice %arg2[%mul3A_4, %dma_wait3A_974] : memref<1024x128xi32, #tpu.memory_space<hbm>> -> memref<32x128xi32, #tpu.memory_space<hbm>>
      %dma_wait3A_976 = arith.constant 0 : i32
      %dma_wait3A_977 = tpu.memref_slice %arg2[%mul3A_4, %dma_wait3A_976] : memref<1024x128xi32, #tpu.memory_space<hbm>> -> memref<32x128xi32, #tpu.memory_space<hbm>>
      tpu.wait_dma2 semaphore(%run_scoped3A : memref<!tpu.dma_semaphore, #tpu.memory_space<semaphore_mem>>) src(%dma_wait3A_977 : memref<32x128xi32, #tpu.memory_space<hbm>>) dst(%arg6 : memref<32x128xi32, #tpu.memory_space<vmem>>)
      tpu.yield
    }) : () -> ()
    %mul3A_5 = arith.constant 32 : i32
    %mul3A_6 = arith.muli %add3A, %mul3A_5 : i32
    "tpu.region"() ({
      %run_scoped3A = tpu.sem_alloc : memref<!tpu.dma_semaphore, #tpu.memory_space<semaphore_mem>>
      %dma_start3A_970 = arith.constant 0 : i32
      %dma_start3A_971 = tpu.memref_slice %arg3[%mul3A_6, %dma_start3A_970] : memref<1024x128xi32, #tpu.memory_space<hbm>> -> memref<32x128xi32, #tpu.memory_space<hbm>>
      %dma_start3A_972 = arith.constant 0 : i32
      %dma_start3A_973 = tpu.memref_slice %arg3[%mul3A_6, %dma_start3A_972] : memref<1024x128xi32, #tpu.memory_space<hbm>> -> memref<32x128xi32, #tpu.memory_space<hbm>>
      tpu.enqueue_dma source(%dma_start3A_973 : memref<32x128xi32, #tpu.memory_space<hbm>>) target(%arg7 : memref<32x128xi32, #tpu.memory_space<vmem>>) target_semaphore(%run_scoped3A : memref<!tpu.dma_semaphore, #tpu.memory_space<semaphore_mem>>)
      %dma_wait3A_974 = arith.constant 0 : i32
      %dma_wait3A_975 = tpu.memref_slice %arg3[%mul3A_6, %dma_wait3A_974] : memref<1024x128xi32, #tpu.memory_space<hbm>> -> memref<32x128xi32, #tpu.memory_space<hbm>>
      %dma_wait3A_976 = arith.constant 0 : i32
      %dma_wait3A_977 = tpu.memref_slice %arg3[%mul3A_6, %dma_wait3A_976] : memref<1024x128xi32, #tpu.memory_space<hbm>> -> memref<32x128xi32, #tpu.memory_space<hbm>>
      tpu.wait_dma2 semaphore(%run_scoped3A : memref<!tpu.dma_semaphore, #tpu.memory_space<semaphore_mem>>) src(%dma_wait3A_977 : memref<32x128xi32, #tpu.memory_space<hbm>>) dst(%arg7 : memref<32x128xi32, #tpu.memory_space<vmem>>)
      tpu.yield
    }) : () -> ()
    %scan3A = arith.constant 0 : i32
    %scan3A_7 = arith.constant 0 : i32
    %scan3A_8 = arith.constant 32 : i32
    %scan3A_9 = arith.addi %scan3A_7, %scan3A_8 : i32
    %scan3A_10 = arith.constant 1 : i32
    scf.for %scan3A_970 = %scan3A_7 to %scan3A_9 step %scan3A_10  : i32 {
      %get3A = arith.index_cast %scan3A_970 : i32 to index
      %get3A_971 = arith.constant 0 : index
      %get3A_972 = tpu.vector_load %arg7[%get3A, %get3A_971] {strides = array<i32>} : memref<32x128xi32, #tpu.memory_space<vmem>>, vector<16xi32>,
      %convert_element_type3A = arith.sitofp %get3A_972 : vector<16xi32> to vector<16xf32>
      %mul3A_973 = arith.constant 128 : i32
      %mul3A_974 = arith.muli %scan3A_970, %mul3A_973 : i32
      %add3A_975 = arith.constant 0 : i32
      %add3A_976 = arith.addi %mul3A_974, %add3A_975 : i32
      %swap3A = arith.index_cast %add3A_976 : i32 to index
      %swap3A_977 = tpu.vector_load %arg8[%swap3A] {strides = array<i32>} : memref<4096xf32, #tpu.memory_space<vmem>>, vector<16xf32>,
      tpu.vector_store %arg8[%swap3A], %convert_element_type3A {strides = array<i32>} : memref<4096xf32, #tpu.memory_space<vmem>>, vector<16xf32>,
      %get3A_978 = arith.index_cast %scan3A_970 : i32 to index
      %get3A_979 = arith.constant 16 : index
      %get3A_980 = tpu.vector_load %arg7[%get3A_978, %get3A_979] {strides = array<i32>} : memref<32x128xi32, #tpu.memory_space<vmem>>, vector<16xi32>,
      %convert_element_type3A_981 = arith.sitofp %get3A_980 : vector<16xi32> to vector<16xf32>
      %mul3A_982 = arith.constant 128 : i32
      %mul3A_983 = arith.muli %scan3A_970, %mul3A_982 : i32
      %add3A_984 = arith.constant 16 : i32
      %add3A_985 = arith.addi %mul3A_983, %add3A_984 : i32
      %swap3A_986 = arith.index_cast %add3A_985 : i32 to index
      %swap3A_987 = tpu.vector_load %arg8[%swap3A_986] {strides = array<i32>} : memref<4096xf32, #tpu.memory_space<vmem>>, vector<16xf32>,
      tpu.vector_store %arg8[%swap3A_986], %convert_element_type3A_981 {strides = array<i32>} : memref<4096xf32, #tpu.memory_space<vmem>>, vector<16xf32>,
      %get3A_988 = arith.index_cast %scan3A_970 : i32 to index
      %get3A_989 = arith.constant 32 : index
      %get3A_990 = tpu.vector_load %arg7[%get3A_988, %get3A_989] {strides = array<i32>} : memref<32x128xi32, #tpu.memory_space<vmem>>, vector<16xi32>,
      %convert_element_type3A_991 = arith.sitofp %get3A_990 : vector<16xi32> to vector<16xf32>
      %mul3A_992 = arith.constant 128 : i32
      %mul3A_993 = arith.muli %scan3A_970, %mul3A_992 : i32
      %add3A_994 = arith.constant 32 : i32
      %add3A_995 = arith.addi %mul3A_993, %add3A_994 : i32
      %swap3A_996 = arith.index_cast %add3A_995 : i32 to index
      %swap3A_997 = tpu.vector_load %arg8[%swap3A_996] {strides = array<i32>} : memref<4096xf32, #tpu.memory_space<vmem>>, vector<16xf32>,
      tpu.vector_store %arg8[%swap3A_996], %convert_element_type3A_991 {strides = array<i32>} : memref<4096xf32, #tpu.memory_space<vmem>>, vector<16xf32>,
      %get3A_998 = arith.index_cast %scan3A_970 : i32 to index
      %get3A_999 = arith.constant 48 : index
      %get3A_1000 = tpu.vector_load %arg7[%get3A_998, %get3A_999] {strides = array<i32>} : memref<32x128xi32, #tpu.memory_space<vmem>>, vector<16xi32>,
      %convert_element_type3A_1001 = arith.sitofp %get3A_1000 : vector<16xi32> to vector<16xf32>
      %mul3A_1002 = arith.constant 128 : i32
      %mul3A_1003 = arith.muli %scan3A_970, %mul3A_1002 : i32
      %add3A_1004 = arith.constant 48 : i32
      %add3A_1005 = arith.addi %mul3A_1003, %add3A_1004 : i32
      %swap3A_1006 = arith.index_cast %add3A_1005 : i32 to index
      %swap3A_1007 = tpu.vector_load %arg8[%swap3A_1006] {strides = array<i32>} : memref<4096xf32, #tpu.memory_space<vmem>>, vector<16xf32>,
      tpu.vector_store %arg8[%swap3A_1006], %convert_element_type3A_1001 {strides = array<i32>} : memref<4096xf32, #tpu.memory_space<vmem>>, vector<16xf32>,
      %get3A_1008 = arith.index_cast %scan3A_970 : i32 to index
      %get3A_1009 = arith.constant 64 : index
      %get3A_1010 = tpu.vector_load %arg7[%get3A_1008, %get3A_1009] {strides = array<i32>} : memref<32x128xi32, #tpu.memory_space<vmem>>, vector<16xi32>,
      %convert_element_type3A_1011 = arith.sitofp %get3A_1010 : vector<16xi32> to vector<16xf32>
      %mul3A_1012 = arith.constant 128 : i32
      %mul3A_1013 = arith.muli %scan3A_970, %mul3A_1012 : i32
      %add3A_1014 = arith.constant 64 : i32
      %add3A_1015 = arith.addi %mul3A_1013, %add3A_1014 : i32
      %swap3A_1016 = arith.index_cast %add3A_1015 : i32 to index
      %swap3A_1017 = tpu.vector_load %arg8[%swap3A_1016] {strides = array<i32>} : memref<4096xf32, #tpu.memory_space<vmem>>, vector<16xf32>,
      tpu.vector_store %arg8[%swap3A_1016], %convert_element_type3A_1011 {strides = array<i32>} : memref<4096xf32, #tpu.memory_space<vmem>>, vector<16xf32>,
      %get3A_1018 = arith.index_cast %scan3A_970 : i32 to index
      %get3A_1019 = arith.constant 80 : index
      %get3A_1020 = tpu.vector_load %arg7[%get3A_1018, %get3A_1019] {strides = array<i32>} : memref<32x128xi32, #tpu.memory_space<vmem>>, vector<16xi32>,
      %convert_element_type3A_1021 = arith.sitofp %get3A_1020 : vector<16xi32> to vector<16xf32>
      %mul3A_1022 = arith.constant 128 : i32
      %mul3A_1023 = arith.muli %scan3A_970, %mul3A_1022 : i32
      %add3A_1024 = arith.constant 80 : i32
      %add3A_1025 = arith.addi %mul3A_1023, %add3A_1024 : i32
      %swap3A_1026 = arith.index_cast %add3A_1025 : i32 to index
      %swap3A_1027 = tpu.vector_load %arg8[%swap3A_1026] {strides = array<i32>} : memref<4096xf32, #tpu.memory_space<vmem>>, vector<16xf32>,
      tpu.vector_store %arg8[%swap3A_1026], %convert_element_type3A_1021 {strides = array<i32>} : memref<4096xf32, #tpu.memory_space<vmem>>, vector<16xf32>,
      %get3A_1028 = arith.index_cast %scan3A_970 : i32 to index
      %get3A_1029 = arith.constant 96 : index
      %get3A_1030 = tpu.vector_load %arg7[%get3A_1028, %get3A_1029] {strides = array<i32>} : memref<32x128xi32, #tpu.memory_space<vmem>>, vector<16xi32>,
      %convert_element_type3A_1031 = arith.sitofp %get3A_1030 : vector<16xi32> to vector<16xf32>
      %mul3A_1032 = arith.constant 128 : i32
      %mul3A_1033 = arith.muli %scan3A_970, %mul3A_1032 : i32
      %add3A_1034 = arith.constant 96 : i32
      %add3A_1035 = arith.addi %mul3A_1033, %add3A_1034 : i32
      %swap3A_1036 = arith.index_cast %add3A_1035 : i32 to index
      %swap3A_1037 = tpu.vector_load %arg8[%swap3A_1036] {strides = array<i32>} : memref<4096xf32, #tpu.memory_space<vmem>>, vector<16xf32>,
      tpu.vector_store %arg8[%swap3A_1036], %convert_element_type3A_1031 {strides = array<i32>} : memref<4096xf32, #tpu.memory_space<vmem>>, vector<16xf32>,
      %get3A_1038 = arith.index_cast %scan3A_970 : i32 to index
      %get3A_1039 = arith.constant 112 : index
      %get3A_1040 = tpu.vector_load %arg7[%get3A_1038, %get3A_1039] {strides = array<i32>} : memref<32x128xi32, #tpu.memory_space<vmem>>, vector<16xi32>,
      %convert_element_type3A_1041 = arith.sitofp %get3A_1040 : vector<16xi32> to vector<16xf32>
      %mul3A_1042 = arith.constant 128 : i32
      %mul3A_1043 = arith.muli %scan3A_970, %mul3A_1042 : i32
      %add3A_1044 = arith.constant 112 : i32
      %add3A_1045 = arith.addi %mul3A_1043, %add3A_1044 : i32
      %swap3A_1046 = arith.index_cast %add3A_1045 : i32 to index
      %swap3A_1047 = tpu.vector_load %arg8[%swap3A_1046] {strides = array<i32>} : memref<4096xf32, #tpu.memory_space<vmem>>, vector<16xf32>,
      tpu.vector_store %arg8[%swap3A_1046], %convert_element_type3A_1041 {strides = array<i32>} : memref<4096xf32, #tpu.memory_space<vmem>>, vector<16xf32>,
    }
    %scan3A_11 = arith.constant 32 : i32
    %dma_start3A = arith.constant 0 : i32
    %dma_start3A_12 = arith.constant 0 : i32
    %dma_start3A_13 = tpu.memref_slice %arg6[%dma_start3A, %dma_start3A_12] : memref<32x128xi32, #tpu.memory_space<vmem>> -> memref<1x128xi32, #tpu.memory_space<vmem>>
    %dma_start3A_14 = tpu.memref_squeeze %dma_start3A_13 : memref<1x128xi32, #tpu.memory_space<vmem>> -> memref<128xi32, #tpu.memory_space<vmem>>
    %dma_start3A_15 = arith.constant 0 : i32
    %dma_start3A_16 = arith.constant 0 : i32
    %dma_start3A_17 = tpu.memref_slice %arg4[%dma_start3A_15, %dma_start3A_16] : memref<100000x128xf32, #tpu.memory_space<hbm>> -> memref<100000x128xf32, #tpu.memory_space<hbm>>
    tpu.enqueue_indirect_dma source(%dma_start3A_17 : memref<100000x128xf32, #tpu.memory_space<hbm>>) target(%arg9 : memref<128x128xf32, #tpu.memory_space<vmem>>) offsets(%dma_start3A_14 : memref<128xi32, #tpu.memory_space<vmem>>) semaphore(%arg16 : memref<!tpu.dma_semaphore, #tpu.memory_space<semaphore_mem>>)
    %dma_start3A_18 = arith.constant 1 : i32
    %dma_start3A_19 = arith.constant 0 : i32
    %dma_start3A_20 = tpu.memref_slice %arg6[%dma_start3A_18, %dma_start3A_19] : memref<32x128xi32, #tpu.memory_space<vmem>> -> memref<1x128xi32, #tpu.memory_space<vmem>>
    %dma_start3A_21 = tpu.memref_squeeze %dma_start3A_20 : memref<1x128xi32, #tpu.memory_space<vmem>> -> memref<128xi32, #tpu.memory_space<vmem>>
    %dma_start3A_22 = arith.constant 0 : i32
    %dma_start3A_23 = arith.constant 0 : i32
    %dma_start3A_24 = tpu.memref_slice %arg4[%dma_start3A_22, %dma_start3A_23] : memref<100000x128xf32, #tpu.memory_space<hbm>> -> memref<100000x128xf32, #tpu.memory_space<hbm>>
    tpu.enqueue_indirect_dma source(%dma_start3A_24 : memref<100000x128xf32, #tpu.memory_space<hbm>>) target(%arg10 : memref<128x128xf32, #tpu.memory_space<vmem>>) offsets(%dma_start3A_21 : memref<128xi32, #tpu.memory_space<vmem>>) semaphore(%arg17 : memref<!tpu.dma_semaphore, #tpu.memory_space<semaphore_mem>>)
    %dma_start3A_25 = arith.constant 2 : i32
    %dma_start3A_26 = arith.constant 0 : i32
    %dma_start3A_27 = tpu.memref_slice %arg6[%dma_start3A_25, %dma_start3A_26] : memref<32x128xi32, #tpu.memory_space<vmem>> -> memref<1x128xi32, #tpu.memory_space<vmem>>
    %dma_start3A_28 = tpu.memref_squeeze %dma_start3A_27 : memref<1x128xi32, #tpu.memory_space<vmem>> -> memref<128xi32, #tpu.memory_space<vmem>>
    %dma_start3A_29 = arith.constant 0 : i32
    %dma_start3A_30 = arith.constant 0 : i32
    %dma_start3A_31 = tpu.memref_slice %arg4[%dma_start3A_29, %dma_start3A_30] : memref<100000x128xf32, #tpu.memory_space<hbm>> -> memref<100000x128xf32, #tpu.memory_space<hbm>>
    tpu.enqueue_indirect_dma source(%dma_start3A_31 : memref<100000x128xf32, #tpu.memory_space<hbm>>) target(%arg11 : memref<128x128xf32, #tpu.memory_space<vmem>>) offsets(%dma_start3A_28 : memref<128xi32, #tpu.memory_space<vmem>>) semaphore(%arg18 : memref<!tpu.dma_semaphore, #tpu.memory_space<semaphore_mem>>)
    %dma_start3A_32 = arith.constant 3 : i32
    %dma_start3A_33 = arith.constant 0 : i32
    %dma_start3A_34 = tpu.memref_slice %arg6[%dma_start3A_32, %dma_start3A_33] : memref<32x128xi32, #tpu.memory_space<vmem>> -> memref<1x128xi32, #tpu.memory_space<vmem>>
    %dma_start3A_35 = tpu.memref_squeeze %dma_start3A_34 : memref<1x128xi32, #tpu.memory_space<vmem>> -> memref<128xi32, #tpu.memory_space<vmem>>
    %dma_start3A_36 = arith.constant 0 : i32
    %dma_start3A_37 = arith.constant 0 : i32
    %dma_start3A_38 = tpu.memref_slice %arg4[%dma_start3A_36, %dma_start3A_37] : memref<100000x128xf32, #tpu.memory_space<hbm>> -> memref<100000x128xf32, #tpu.memory_space<hbm>>
    tpu.enqueue_indirect_dma source(%dma_start3A_38 : memref<100000x128xf32, #tpu.memory_space<hbm>>) target(%arg12 : memref<128x128xf32, #tpu.memory_space<vmem>>) offsets(%dma_start3A_35 : memref<128xi32, #tpu.memory_space<vmem>>) semaphore(%arg19 : memref<!tpu.dma_semaphore, #tpu.memory_space<semaphore_mem>>)
    %dma_start3A_39 = arith.constant 4 : i32
    %dma_start3A_40 = arith.constant 0 : i32
    %dma_start3A_41 = tpu.memref_slice %arg6[%dma_start3A_39, %dma_start3A_40] : memref<32x128xi32, #tpu.memory_space<vmem>> -> memref<1x128xi32, #tpu.memory_space<vmem>>
    %dma_start3A_42 = tpu.memref_squeeze %dma_start3A_41 : memref<1x128xi32, #tpu.memory_space<vmem>> -> memref<128xi32, #tpu.memory_space<vmem>>
    %dma_start3A_43 = arith.constant 0 : i32
    %dma_start3A_44 = arith.constant 0 : i32
    %dma_start3A_45 = tpu.memref_slice %arg4[%dma_start3A_43, %dma_start3A_44] : memref<100000x128xf32, #tpu.memory_space<hbm>> -> memref<100000x128xf32, #tpu.memory_space<hbm>>
    tpu.enqueue_indirect_dma source(%dma_start3A_45 : memref<100000x128xf32, #tpu.memory_space<hbm>>) target(%arg13 : memref<128x128xf32, #tpu.memory_space<vmem>>) offsets(%dma_start3A_42 : memref<128xi32, #tpu.memory_space<vmem>>) semaphore(%arg20 : memref<!tpu.dma_semaphore, #tpu.memory_space<semaphore_mem>>)
    %dma_wait3A = arith.constant 0 : i32
    %dma_wait3A_46 = arith.constant 0 : i32
    %dma_wait3A_47 = tpu.memref_slice %arg6[%dma_wait3A, %dma_wait3A_46] : memref<32x128xi32, #tpu.memory_space<vmem>> -> memref<1x128xi32, #tpu.memory_space<vmem>>
    %dma_wait3A_48 = tpu.memref_squeeze %dma_wait3A_47 : memref<1x128xi32, #tpu.memory_space<vmem>> -> memref<128xi32, #tpu.memory_space<vmem>>
    %dma_wait3A_49 = arith.constant 0 : i32
    %dma_wait3A_50 = arith.constant 0 : i32
    %dma_wait3A_51 = tpu.memref_slice %arg4[%dma_wait3A_49, %dma_wait3A_50] : memref<100000x128xf32, #tpu.memory_space<hbm>> -> memref<100000x128xf32, #tpu.memory_space<hbm>>
    tpu.wait_indirect_dma semaphore(%arg16 : memref<!tpu.dma_semaphore, #tpu.memory_space<semaphore_mem>>) src(%dma_wait3A_51 : memref<100000x128xf32, #tpu.memory_space<hbm>>) dst(%arg9 : memref<128x128xf32, #tpu.memory_space<vmem>>)
    %scan3A_52 = arith.constant 0 : i32
    %scan3A_53 = arith.constant 0 : i32
    %scan3A_54 = arith.constant 128 : i32
    %scan3A_55 = arith.addi %scan3A_53, %scan3A_54 : i32
    %scan3A_56 = arith.constant 1 : i32
    scf.for %scan3A_970 = %scan3A_53 to %scan3A_55 step %scan3A_56  : i32 {
      %broadcast_in_dim3A = arith.constant 0 : i32
      %broadcast_in_dim3A_971 = vector.broadcast %broadcast_in_dim3A : i32 to vector<16xi32>
      %add3A_972 = arith.constant 0 : i32
      %add3A_973 = arith.addi %add3A_972, %scan3A_970 : i32
      %add3A_974 = vector.broadcast %add3A_973 : i32 to vector<16xi32>
      %add3A_975 = arith.addi %broadcast_in_dim3A_971, %add3A_974 : vector<16xi32>
      %gather3A = tpu.vector_load_idx %arg8[%add3A_975] : memref<4096xf32, #tpu.memory_space<vmem>>[vector<16xi32>], vector<16xf32>,
      %get3A = arith.index_cast %scan3A_970 : i32 to index
      %get3A_976 = arith.constant 0 : index
      %get3A_977 = tpu.vector_load %arg9[%get3A, %get3A_976] {strides = array<i32>} : memref<128x128xf32, #tpu.memory_space<vmem>>, vector<16xf32>,
      %mul3A_978 = arith.mulf %get3A_977, %gather3A : vector<16xf32>
      %swap3A = arith.index_cast %scan3A_970 : i32 to index
      %swap3A_979 = arith.constant 0 : index
      %swap3A_980 = tpu.vector_load %arg9[%swap3A, %swap3A_979] {strides = array<i32>} : memref<128x128xf32, #tpu.memory_space<vmem>>, vector<16xf32>,
      tpu.vector_store %arg9[%swap3A, %swap3A_979], %mul3A_978 {strides = array<i32>} : memref<128x128xf32, #tpu.memory_space<vmem>>, vector<16xf32>,
      %get3A_981 = arith.index_cast %scan3A_970 : i32 to index
      %get3A_982 = arith.constant 16 : index
      %get3A_983 = tpu.vector_load %arg9[%get3A_981, %get3A_982] {strides = array<i32>} : memref<128x128xf32, #tpu.memory_space<vmem>>, vector<16xf32>,
      %mul3A_984 = arith.mulf %get3A_983, %gather3A : vector<16xf32>
      %swap3A_985 = arith.index_cast %scan3A_970 : i32 to index
      %swap3A_986 = arith.constant 16 : index
      %swap3A_987 = tpu.vector_load %arg9[%swap3A_985, %swap3A_986] {strides = array<i32>} : memref<128x128xf32, #tpu.memory_space<vmem>>, vector<16xf32>,
      tpu.vector_store %arg9[%swap3A_985, %swap3A_986], %mul3A_984 {strides = array<i32>} : memref<128x128xf32, #tpu.memory_space<vmem>>, vector<16xf32>,
      %get3A_988 = arith.index_cast %scan3A_970 : i32 to index
      %get3A_989 = arith.constant 32 : index
      %get3A_990 = tpu.vector_load %arg9[%get3A_988, %get3A_989] {strides = array<i32>} : memref<128x128xf32, #tpu.memory_space<vmem>>, vector<16xf32>,
      %mul3A_991 = arith.mulf %get3A_990, %gather3A : vector<16xf32>
      %swap3A_992 = arith.index_cast %scan3A_970 : i32 to index
      %swap3A_993 = arith.constant 32 : index
      %swap3A_994 = tpu.vector_load %arg9[%swap3A_992, %swap3A_993] {strides = array<i32>} : memref<128x128xf32, #tpu.memory_space<vmem>>, vector<16xf32>,
      tpu.vector_store %arg9[%swap3A_992, %swap3A_993], %mul3A_991 {strides = array<i32>} : memref<128x128xf32, #tpu.memory_space<vmem>>, vector<16xf32>,
      %get3A_995 = arith.index_cast %scan3A_970 : i32 to index
      %get3A_996 = arith.constant 48 : index
      %get3A_997 = tpu.vector_load %arg9[%get3A_995, %get3A_996] {strides = array<i32>} : memref<128x128xf32, #tpu.memory_space<vmem>>, vector<16xf32>,
      %mul3A_998 = arith.mulf %get3A_997, %gather3A : vector<16xf32>
      %swap3A_999 = arith.index_cast %scan3A_970 : i32 to index
      %swap3A_1000 = arith.constant 48 : index
      %swap3A_1001 = tpu.vector_load %arg9[%swap3A_999, %swap3A_1000] {strides = array<i32>} : memref<128x128xf32, #tpu.memory_space<vmem>>, vector<16xf32>,
      tpu.vector_store %arg9[%swap3A_999, %swap3A_1000], %mul3A_998 {strides = array<i32>} : memref<128x128xf32, #tpu.memory_space<vmem>>, vector<16xf32>,
      %get3A_1002 = arith.index_cast %scan3A_970 : i32 to index
      %get3A_1003 = arith.constant 64 : index
      %get3A_1004 = tpu.vector_load %arg9[%get3A_1002, %get3A_1003] {strides = array<i32>} : memref<128x128xf32, #tpu.memory_space<vmem>>, vector<16xf32>,
      %mul3A_1005 = arith.mulf %get3A_1004, %gather3A : vector<16xf32>
      %swap3A_1006 = arith.index_cast %scan3A_970 : i32 to index
      %swap3A_1007 = arith.constant 64 : index
      %swap3A_1008 = tpu.vector_load %arg9[%swap3A_1006, %swap3A_1007] {strides = array<i32>} : memref<128x128xf32, #tpu.memory_space<vmem>>, vector<16xf32>,
      tpu.vector_store %arg9[%swap3A_1006, %swap3A_1007], %mul3A_1005 {strides = array<i32>} : memref<128x128xf32, #tpu.memory_space<vmem>>, vector<16xf32>,
      %get3A_1009 = arith.index_cast %scan3A_970 : i32 to index
      %get3A_1010 = arith.constant 80 : index
      %get3A_1011 = tpu.vector_load %arg9[%get3A_1009, %get3A_1010] {strides = array<i32>} : memref<128x128xf32, #tpu.memory_space<vmem>>, vector<16xf32>,
      %mul3A_1012 = arith.mulf %get3A_1011, %gather3A : vector<16xf32>
      %swap3A_1013 = arith.index_cast %scan3A_970 : i32 to index
      %swap3A_1014 = arith.constant 80 : index
      %swap3A_1015 = tpu.vector_load %arg9[%swap3A_1013, %swap3A_1014] {strides = array<i32>} : memref<128x128xf32, #tpu.memory_space<vmem>>, vector<16xf32>,
      tpu.vector_store %arg9[%swap3A_1013, %swap3A_1014], %mul3A_1012 {strides = array<i32>} : memref<128x128xf32, #tpu.memory_space<vmem>>, vector<16xf32>,
      %get3A_1016 = arith.index_cast %scan3A_970 : i32 to index
      %get3A_1017 = arith.constant 96 : index
      %get3A_1018 = tpu.vector_load %arg9[%get3A_1016, %get3A_1017] {strides = array<i32>} : memref<128x128xf32, #tpu.memory_space<vmem>>, vector<16xf32>,
      %mul3A_1019 = arith.mulf %get3A_1018, %gather3A : vector<16xf32>
      %swap3A_1020 = arith.index_cast %scan3A_970 : i32 to index
      %swap3A_1021 = arith.constant 96 : index
      %swap3A_1022 = tpu.vector_load %arg9[%swap3A_1020, %swap3A_1021] {strides = array<i32>} : memref<128x128xf32, #tpu.memory_space<vmem>>, vector<16xf32>,
      tpu.vector_store %arg9[%swap3A_1020, %swap3A_1021], %mul3A_1019 {strides = array<i32>} : memref<128x128xf32, #tpu.memory_space<vmem>>, vector<16xf32>,
      %get3A_1023 = arith.index_cast %scan3A_970 : i32 to index
      %get3A_1024 = arith.constant 112 : index
      %get3A_1025 = tpu.vector_load %arg9[%get3A_1023, %get3A_1024] {strides = array<i32>} : memref<128x128xf32, #tpu.memory_space<vmem>>, vector<16xf32>,
      %mul3A_1026 = arith.mulf %get3A_1025, %gather3A : vector<16xf32>
      %swap3A_1027 = arith.index_cast %scan3A_970 : i32 to index
      %swap3A_1028 = arith.constant 112 : index
      %swap3A_1029 = tpu.vector_load %arg9[%swap3A_1027, %swap3A_1028] {strides = array<i32>} : memref<128x128xf32, #tpu.memory_space<vmem>>, vector<16xf32>,
      tpu.vector_store %arg9[%swap3A_1027, %swap3A_1028], %mul3A_1026 {strides = array<i32>} : memref<128x128xf32, #tpu.memory_space<vmem>>, vector<16xf32>,
    }
    %scan3A_57 = arith.constant 128 : i32
    %add3A_58 = arith.constant 0 : i32
    %add3A_59 = arith.addi %mul3A_2, %add3A_58 : i32
    %dma_start3A_60 = arith.constant 0 : i32
    %dma_start3A_61 = tpu.memref_slice %arg5[%add3A_59, %dma_start3A_60] : memref<131072x128xf32, #tpu.memory_space<hbm>> -> memref<128x128xf32, #tpu.memory_space<hbm>>
    %dma_start3A_62 = arith.constant 0 : i32
    %dma_start3A_63 = tpu.memref_slice %arg5[%add3A_59, %dma_start3A_62] : memref<131072x128xf32, #tpu.memory_space<hbm>> -> memref<128x128xf32, #tpu.memory_space<hbm>>
    tpu.enqueue_dma source(%arg9 : memref<128x128xf32, #tpu.memory_space<vmem>>) target(%dma_start3A_63 : memref<128x128xf32, #tpu.memory_space<hbm>>) target_semaphore(%arg23 : memref<!tpu.dma_semaphore, #tpu.memory_space<semaphore_mem>>)
    %dma_start3A_64 = arith.constant 5 : i32
    %dma_start3A_65 = arith.constant 0 : i32
    %dma_start3A_66 = tpu.memref_slice %arg6[%dma_start3A_64, %dma_start3A_65] : memref<32x128xi32, #tpu.memory_space<vmem>> -> memref<1x128xi32, #tpu.memory_space<vmem>>
    %dma_start3A_67 = tpu.memref_squeeze %dma_start3A_66 : memref<1x128xi32, #tpu.memory_space<vmem>> -> memref<128xi32, #tpu.memory_space<vmem>>
    %dma_start3A_68 = arith.constant 0 : i32
    %dma_start3A_69 = arith.constant 0 : i32
    %dma_start3A_70 = tpu.memref_slice %arg4[%dma_start3A_68, %dma_start3A_69] : memref<100000x128xf32, #tpu.memory_space<hbm>> -> memref<100000x128xf32, #tpu.memory_space<hbm>>
    tpu.enqueue_indirect_dma source(%dma_start3A_70 : memref<100000x128xf32, #tpu.memory_space<hbm>>) target(%arg14 : memref<128x128xf32, #tpu.memory_space<vmem>>) offsets(%dma_start3A_67 : memref<128xi32, #tpu.memory_space<vmem>>) semaphore(%arg21 : memref<!tpu.dma_semaphore, #tpu.memory_space<semaphore_mem>>)
    %dma_wait3A_71 = arith.constant 1 : i32
    %dma_wait3A_72 = arith.constant 0 : i32
    %dma_wait3A_73 = tpu.memref_slice %arg6[%dma_wait3A_71, %dma_wait3A_72] : memref<32x128xi32, #tpu.memory_space<vmem>> -> memref<1x128xi32, #tpu.memory_space<vmem>>
    %dma_wait3A_74 = tpu.memref_squeeze %dma_wait3A_73 : memref<1x128xi32, #tpu.memory_space<vmem>> -> memref<128xi32, #tpu.memory_space<vmem>>
    %dma_wait3A_75 = arith.constant 0 : i32
    %dma_wait3A_76 = arith.constant 0 : i32
    %dma_wait3A_77 = tpu.memref_slice %arg4[%dma_wait3A_75, %dma_wait3A_76] : memref<100000x128xf32, #tpu.memory_space<hbm>> -> memref<100000x128xf32, #tpu.memory_space<hbm>>
    tpu.wait_indirect_dma semaphore(%arg17 : memref<!tpu.dma_semaphore, #tpu.memory_space<semaphore_mem>>) src(%dma_wait3A_77 : memref<100000x128xf32, #tpu.memory_space<hbm>>) dst(%arg10 : memref<128x128xf32, #tpu.memory_space<vmem>>)
    %scan3A_78 = arith.constant 0 : i32
    %scan3A_79 = arith.constant 0 : i32
    %scan3A_80 = arith.constant 128 : i32
    %scan3A_81 = arith.addi %scan3A_79, %scan3A_80 : i32
    %scan3A_82 = arith.constant 1 : i32
    scf.for %scan3A_970 = %scan3A_79 to %scan3A_81 step %scan3A_82  : i32 {
      %broadcast_in_dim3A = arith.constant 0 : i32
      %broadcast_in_dim3A_971 = vector.broadcast %broadcast_in_dim3A : i32 to vector<16xi32>
      %add3A_972 = arith.constant 128 : i32
      %add3A_973 = arith.addi %add3A_972, %scan3A_970 : i32
      %add3A_974 = vector.broadcast %add3A_973 : i32 to vector<16xi32>
      %add3A_975 = arith.addi %broadcast_in_dim3A_971, %add3A_974 : vector<16xi32>
      %gather3A = tpu.vector_load_idx %arg8[%add3A_975] : memref<4096xf32, #tpu.memory_space<vmem>>[vector<16xi32>], vector<16xf32>,
      %get3A = arith.index_cast %scan3A_970 : i32 to index
      %get3A_976 = arith.constant 0 : index
      %get3A_977 = tpu.vector_load %arg10[%get3A, %get3A_976] {strides = array<i32>} : memref<128x128xf32, #tpu.memory_space<vmem>>, vector<16xf32>,
      %mul3A_978 = arith.mulf %get3A_977, %gather3A : vector<16xf32>
      %swap3A = arith.index_cast %scan3A_970 : i32 to index
      %swap3A_979 = arith.constant 0 : index
      %swap3A_980 = tpu.vector_load %arg10[%swap3A, %swap3A_979] {strides = array<i32>} : memref<128x128xf32, #tpu.memory_space<vmem>>, vector<16xf32>,
      tpu.vector_store %arg10[%swap3A, %swap3A_979], %mul3A_978 {strides = array<i32>} : memref<128x128xf32, #tpu.memory_space<vmem>>, vector<16xf32>,
      %get3A_981 = arith.index_cast %scan3A_970 : i32 to index
      %get3A_982 = arith.constant 16 : index
      %get3A_983 = tpu.vector_load %arg10[%get3A_981, %get3A_982] {strides = array<i32>} : memref<128x128xf32, #tpu.memory_space<vmem>>, vector<16xf32>,
      %mul3A_984 = arith.mulf %get3A_983, %gather3A : vector<16xf32>
      %swap3A_985 = arith.index_cast %scan3A_970 : i32 to index
      %swap3A_986 = arith.constant 16 : index
      %swap3A_987 = tpu.vector_load %arg10[%swap3A_985, %swap3A_986] {strides = array<i32>} : memref<128x128xf32, #tpu.memory_space<vmem>>, vector<16xf32>,
      tpu.vector_store %arg10[%swap3A_985, %swap3A_986], %mul3A_984 {strides = array<i32>} : memref<128x128xf32, #tpu.memory_space<vmem>>, vector<16xf32>,
      %get3A_988 = arith.index_cast %scan3A_970 : i32 to index
      %get3A_989 = arith.constant 32 : index
      %get3A_990 = tpu.vector_load %arg10[%get3A_988, %get3A_989] {strides = array<i32>} : memref<128x128xf32, #tpu.memory_space<vmem>>, vector<16xf32>,
      %mul3A_991 = arith.mulf %get3A_990, %gather3A : vector<16xf32>
      %swap3A_992 = arith.index_cast %scan3A_970 : i32 to index
      %swap3A_993 = arith.constant 32 : index
      %swap3A_994 = tpu.vector_load %arg10[%swap3A_992, %swap3A_993] {strides = array<i32>} : memref<128x128xf32, #tpu.memory_space<vmem>>, vector<16xf32>,
      tpu.vector_store %arg10[%swap3A_992, %swap3A_993], %mul3A_991 {strides = array<i32>} : memref<128x128xf32, #tpu.memory_space<vmem>>, vector<16xf32>,
      %get3A_995 = arith.index_cast %scan3A_970 : i32 to index
      %get3A_996 = arith.constant 48 : index
      %get3A_997 = tpu.vector_load %arg10[%get3A_995, %get3A_996] {strides = array<i32>} : memref<128x128xf32, #tpu.memory_space<vmem>>, vector<16xf32>,
      %mul3A_998 = arith.mulf %get3A_997, %gather3A : vector<16xf32>
      %swap3A_999 = arith.index_cast %scan3A_970 : i32 to index
      %swap3A_1000 = arith.constant 48 : index
      %swap3A_1001 = tpu.vector_load %arg10[%swap3A_999, %swap3A_1000] {strides = array<i32>} : memref<128x128xf32, #tpu.memory_space<vmem>>, vector<16xf32>,
      tpu.vector_store %arg10[%swap3A_999, %swap3A_1000], %mul3A_998 {strides = array<i32>} : memref<128x128xf32, #tpu.memory_space<vmem>>, vector<16xf32>,
      %get3A_1002 = arith.index_cast %scan3A_970 : i32 to index
      %get3A_1003 = arith.constant 64 : index
      %get3A_1004 = tpu.vector_load %arg10[%get3A_1002, %get3A_1003] {strides = array<i32>} : memref<128x128xf32, #tpu.memory_space<vmem>>, vector<16xf32>,
      %mul3A_1005 = arith.mulf %get3A_1004, %gather3A : vector<16xf32>
      %swap3A_1006 = arith.index_cast %scan3A_970 : i32 to index
      %swap3A_1007 = arith.constant 64 : index
      %swap3A_1008 = tpu.vector_load %arg10[%swap3A_1006, %swap3A_1007] {strides = array<i32>} : memref<128x128xf32, #tpu.memory_space<vmem>>, vector<16xf32>,
      tpu.vector_store %arg10[%swap3A_1006, %swap3A_1007], %mul3A_1005 {strides = array<i32>} : memref<128x128xf32, #tpu.memory_space<vmem>>, vector<16xf32>,
      %get3A_1009 = arith.index_cast %scan3A_970 : i32 to index
      %get3A_1010 = arith.constant 80 : index
      %get3A_1011 = tpu.vector_load %arg10[%get3A_1009, %get3A_1010] {strides = array<i32>} : memref<128x128xf32, #tpu.memory_space<vmem>>, vector<16xf32>,
      %mul3A_1012 = arith.mulf %get3A_1011, %gather3A : vector<16xf32>
      %swap3A_1013 = arith.index_cast %scan3A_970 : i32 to index
      %swap3A_1014 = arith.constant 80 : index
      %swap3A_1015 = tpu.vector_load %arg10[%swap3A_1013, %swap3A_1014] {strides = array<i32>} : memref<128x128xf32, #tpu.memory_space<vmem>>, vector<16xf32>,
      tpu.vector_store %arg10[%swap3A_1013, %swap3A_1014], %mul3A_1012 {strides = array<i32>} : memref<128x128xf32, #tpu.memory_space<vmem>>, vector<16xf32>,
      %get3A_1016 = arith.index_cast %scan3A_970 : i32 to index
      %get3A_1017 = arith.constant 96 : index
      %get3A_1018 = tpu.vector_load %arg10[%get3A_1016, %get3A_1017] {strides = array<i32>} : memref<128x128xf32, #tpu.memory_space<vmem>>, vector<16xf32>,
      %mul3A_1019 = arith.mulf %get3A_1018, %gather3A : vector<16xf32>
      %swap3A_1020 = arith.index_cast %scan3A_970 : i32 to index
      %swap3A_1021 = arith.constant 96 : index
      %swap3A_1022 = tpu.vector_load %arg10[%swap3A_1020, %swap3A_1021] {strides = array<i32>} : memref<128x128xf32, #tpu.memory_space<vmem>>, vector<16xf32>,
      tpu.vector_store %arg10[%swap3A_1020, %swap3A_1021], %mul3A_1019 {strides = array<i32>} : memref<128x128xf32, #tpu.memory_space<vmem>>, vector<16xf32>,
      %get3A_1023 = arith.index_cast %scan3A_970 : i32 to index
      %get3A_1024 = arith.constant 112 : index
      %get3A_1025 = tpu.vector_load %arg10[%get3A_1023, %get3A_1024] {strides = array<i32>} : memref<128x128xf32, #tpu.memory_space<vmem>>, vector<16xf32>,
      %mul3A_1026 = arith.mulf %get3A_1025, %gather3A : vector<16xf32>
      %swap3A_1027 = arith.index_cast %scan3A_970 : i32 to index
      %swap3A_1028 = arith.constant 112 : index
      %swap3A_1029 = tpu.vector_load %arg10[%swap3A_1027, %swap3A_1028] {strides = array<i32>} : memref<128x128xf32, #tpu.memory_space<vmem>>, vector<16xf32>,
      tpu.vector_store %arg10[%swap3A_1027, %swap3A_1028], %mul3A_1026 {strides = array<i32>} : memref<128x128xf32, #tpu.memory_space<vmem>>, vector<16xf32>,
    }
    %scan3A_83 = arith.constant 128 : i32
    %add3A_84 = arith.constant 128 : i32
    %add3A_85 = arith.addi %mul3A_2, %add3A_84 : i32
    %dma_start3A_86 = arith.constant 0 : i32
    %dma_start3A_87 = tpu.memref_slice %arg5[%add3A_85, %dma_start3A_86] : memref<131072x128xf32, #tpu.memory_space<hbm>> -> memref<128x128xf32, #tpu.memory_space<hbm>>
    %dma_start3A_88 = arith.constant 0 : i32
    %dma_start3A_89 = tpu.memref_slice %arg5[%add3A_85, %dma_start3A_88] : memref<131072x128xf32, #tpu.memory_space<hbm>> -> memref<128x128xf32, #tpu.memory_space<hbm>>
    tpu.enqueue_dma source(%arg10 : memref<128x128xf32, #tpu.memory_space<vmem>>) target(%dma_start3A_89 : memref<128x128xf32, #tpu.memory_space<hbm>>) target_semaphore(%arg24 : memref<!tpu.dma_semaphore, #tpu.memory_space<semaphore_mem>>)
    %dma_start3A_90 = arith.constant 6 : i32
    %dma_start3A_91 = arith.constant 0 : i32
    %dma_start3A_92 = tpu.memref_slice %arg6[%dma_start3A_90, %dma_start3A_91] : memref<32x128xi32, #tpu.memory_space<vmem>> -> memref<1x128xi32, #tpu.memory_space<vmem>>
    %dma_start3A_93 = tpu.memref_squeeze %dma_start3A_92 : memref<1x128xi32, #tpu.memory_space<vmem>> -> memref<128xi32, #tpu.memory_space<vmem>>
    %dma_start3A_94 = arith.constant 0 : i32
    %dma_start3A_95 = arith.constant 0 : i32
    %dma_start3A_96 = tpu.memref_slice %arg4[%dma_start3A_94, %dma_start3A_95] : memref<100000x128xf32, #tpu.memory_space<hbm>> -> memref<100000x128xf32, #tpu.memory_space<hbm>>
    tpu.enqueue_indirect_dma source(%dma_start3A_96 : memref<100000x128xf32, #tpu.memory_space<hbm>>) target(%arg15 : memref<128x128xf32, #tpu.memory_space<vmem>>) offsets(%dma_start3A_93 : memref<128xi32, #tpu.memory_space<vmem>>) semaphore(%arg22 : memref<!tpu.dma_semaphore, #tpu.memory_space<semaphore_mem>>)
    %dma_wait3A_97 = arith.constant 2 : i32
    %dma_wait3A_98 = arith.constant 0 : i32
    %dma_wait3A_99 = tpu.memref_slice %arg6[%dma_wait3A_97, %dma_wait3A_98] : memref<32x128xi32, #tpu.memory_space<vmem>> -> memref<1x128xi32, #tpu.memory_space<vmem>>
    %dma_wait3A_100 = tpu.memref_squeeze %dma_wait3A_99 : memref<1x128xi32, #tpu.memory_space<vmem>> -> memref<128xi32, #tpu.memory_space<vmem>>
    %dma_wait3A_101 = arith.constant 0 : i32
    %dma_wait3A_102 = arith.constant 0 : i32
    %dma_wait3A_103 = tpu.memref_slice %arg4[%dma_wait3A_101, %dma_wait3A_102] : memref<100000x128xf32, #tpu.memory_space<hbm>> -> memref<100000x128xf32, #tpu.memory_space<hbm>>
    tpu.wait_indirect_dma semaphore(%arg18 : memref<!tpu.dma_semaphore, #tpu.memory_space<semaphore_mem>>) src(%dma_wait3A_103 : memref<100000x128xf32, #tpu.memory_space<hbm>>) dst(%arg11 : memref<128x128xf32, #tpu.memory_space<vmem>>)
    %scan3A_104 = arith.constant 0 : i32
    %scan3A_105 = arith.constant 0 : i32
    %scan3A_106 = arith.constant 128 : i32
    %scan3A_107 = arith.addi %scan3A_105, %scan3A_106 : i32
    %scan3A_108 = arith.constant 1 : i32
    scf.for %scan3A_970 = %scan3A_105 to %scan3A_107 step %scan3A_108  : i32 {
      %broadcast_in_dim3A = arith.constant 0 : i32
      %broadcast_in_dim3A_971 = vector.broadcast %broadcast_in_dim3A : i32 to vector<16xi32>
      %add3A_972 = arith.constant 256 : i32
      %add3A_973 = arith.addi %add3A_972, %scan3A_970 : i32
      %add3A_974 = vector.broadcast %add3A_973 : i32 to vector<16xi32>
      %add3A_975 = arith.addi %broadcast_in_dim3A_971, %add3A_974 : vector<16xi32>
      %gather3A = tpu.vector_load_idx %arg8[%add3A_975] : memref<4096xf32, #tpu.memory_space<vmem>>[vector<16xi32>], vector<16xf32>,
      %get3A = arith.index_cast %scan3A_970 : i32 to index
      %get3A_976 = arith.constant 0 : index
      %get3A_977 = tpu.vector_load %arg11[%get3A, %get3A_976] {strides = array<i32>} : memref<128x128xf32, #tpu.memory_space<vmem>>, vector<16xf32>,
      %mul3A_978 = arith.mulf %get3A_977, %gather3A : vector<16xf32>
      %swap3A = arith.index_cast %scan3A_970 : i32 to index
      %swap3A_979 = arith.constant 0 : index
      %swap3A_980 = tpu.vector_load %arg11[%swap3A, %swap3A_979] {strides = array<i32>} : memref<128x128xf32, #tpu.memory_space<vmem>>, vector<16xf32>,
      tpu.vector_store %arg11[%swap3A, %swap3A_979], %mul3A_978 {strides = array<i32>} : memref<128x128xf32, #tpu.memory_space<vmem>>, vector<16xf32>,
      %get3A_981 = arith.index_cast %scan3A_970 : i32 to index
      %get3A_982 = arith.constant 16 : index
      %get3A_983 = tpu.vector_load %arg11[%get3A_981, %get3A_982] {strides = array<i32>} : memref<128x128xf32, #tpu.memory_space<vmem>>, vector<16xf32>,
      %mul3A_984 = arith.mulf %get3A_983, %gather3A : vector<16xf32>
      %swap3A_985 = arith.index_cast %scan3A_970 : i32 to index
      %swap3A_986 = arith.constant 16 : index
      %swap3A_987 = tpu.vector_load %arg11[%swap3A_985, %swap3A_986] {strides = array<i32>} : memref<128x128xf32, #tpu.memory_space<vmem>>, vector<16xf32>,
      tpu.vector_store %arg11[%swap3A_985, %swap3A_986], %mul3A_984 {strides = array<i32>} : memref<128x128xf32, #tpu.memory_space<vmem>>, vector<16xf32>,
      %get3A_988 = arith.index_cast %scan3A_970 : i32 to index
      %get3A_989 = arith.constant 32 : index
      %get3A_990 = tpu.vector_load %arg11[%get3A_988, %get3A_989] {strides = array<i32>} : memref<128x128xf32, #tpu.memory_space<vmem>>, vector<16xf32>,
      %mul3A_991 = arith.mulf %get3A_990, %gather3A : vector<16xf32>
      %swap3A_992 = arith.index_cast %scan3A_970 : i32 to index
      %swap3A_993 = arith.constant 32 : index
      %swap3A_994 = tpu.vector_load %arg11[%swap3A_992, %swap3A_993] {strides = array<i32>} : memref<128x128xf32, #tpu.memory_space<vmem>>, vector<16xf32>,
      tpu.vector_store %arg11[%swap3A_992, %swap3A_993], %mul3A_991 {strides = array<i32>} : memref<128x128xf32, #tpu.memory_space<vmem>>, vector<16xf32>,
      %get3A_995 = arith.index_cast %scan3A_970 : i32 to index
      %get3A_996 = arith.constant 48 : index
      %get3A_997 = tpu.vector_load %arg11[%get3A_995, %get3A_996] {strides = array<i32>} : memref<128x128xf32, #tpu.memory_space<vmem>>, vector<16xf32>,
      %mul3A_998 = arith.mulf %get3A_997, %gather3A : vector<16xf32>
      %swap3A_999 = arith.index_cast %scan3A_970 : i32 to index
      %swap3A_1000 = arith.constant 48 : index
      %swap3A_1001 = tpu.vector_load %arg11[%swap3A_999, %swap3A_1000] {strides = array<i32>} : memref<128x128xf32, #tpu.memory_space<vmem>>, vector<16xf32>,
      tpu.vector_store %arg11[%swap3A_999, %swap3A_1000], %mul3A_998 {strides = array<i32>} : memref<128x128xf32, #tpu.memory_space<vmem>>, vector<16xf32>,
      %get3A_1002 = arith.index_cast %scan3A_970 : i32 to index
      %get3A_1003 = arith.constant 64 : index
      %get3A_1004 = tpu.vector_load %arg11[%get3A_1002, %get3A_1003] {strides = array<i32>} : memref<128x128xf32, #tpu.memory_space<vmem>>, vector<16xf32>,
      %mul3A_1005 = arith.mulf %get3A_1004, %gather3A : vector<16xf32>
      %swap3A_1006 = arith.index_cast %scan3A_970 : i32 to index
      %swap3A_1007 = arith.constant 64 : index
      %swap3A_1008 = tpu.vector_load %arg11[%swap3A_1006, %swap3A_1007] {strides = array<i32>} : memref<128x128xf32, #tpu.memory_space<vmem>>, vector<16xf32>,
      tpu.vector_store %arg11[%swap3A_1006, %swap3A_1007], %mul3A_1005 {strides = array<i32>} : memref<128x128xf32, #tpu.memory_space<vmem>>, vector<16xf32>,
      %get3A_1009 = arith.index_cast %scan3A_970 : i32 to index
      %get3A_1010 = arith.constant 80 : index
      %get3A_1011 = tpu.vector_load %arg11[%get3A_1009, %get3A_1010] {strides = array<i32>} : memref<128x128xf32, #tpu.memory_space<vmem>>, vector<16xf32>,
      %mul3A_1012 = arith.mulf %get3A_1011, %gather3A : vector<16xf32>
      %swap3A_1013 = arith.index_cast %scan3A_970 : i32 to index
      %swap3A_1014 = arith.constant 80 : index
      %swap3A_1015 = tpu.vector_load %arg11[%swap3A_1013, %swap3A_1014] {strides = array<i32>} : memref<128x128xf32, #tpu.memory_space<vmem>>, vector<16xf32>,
      tpu.vector_store %arg11[%swap3A_1013, %swap3A_1014], %mul3A_1012 {strides = array<i32>} : memref<128x128xf32, #tpu.memory_space<vmem>>, vector<16xf32>,
      %get3A_1016 = arith.index_cast %scan3A_970 : i32 to index
      %get3A_1017 = arith.constant 96 : index
      %get3A_1018 = tpu.vector_load %arg11[%get3A_1016, %get3A_1017] {strides = array<i32>} : memref<128x128xf32, #tpu.memory_space<vmem>>, vector<16xf32>,
      %mul3A_1019 = arith.mulf %get3A_1018, %gather3A : vector<16xf32>
      %swap3A_1020 = arith.index_cast %scan3A_970 : i32 to index
      %swap3A_1021 = arith.constant 96 : index
      %swap3A_1022 = tpu.vector_load %arg11[%swap3A_1020, %swap3A_1021] {strides = array<i32>} : memref<128x128xf32, #tpu.memory_space<vmem>>, vector<16xf32>,
      tpu.vector_store %arg11[%swap3A_1020, %swap3A_1021], %mul3A_1019 {strides = array<i32>} : memref<128x128xf32, #tpu.memory_space<vmem>>, vector<16xf32>,
      %get3A_1023 = arith.index_cast %scan3A_970 : i32 to index
      %get3A_1024 = arith.constant 112 : index
      %get3A_1025 = tpu.vector_load %arg11[%get3A_1023, %get3A_1024] {strides = array<i32>} : memref<128x128xf32, #tpu.memory_space<vmem>>, vector<16xf32>,
      %mul3A_1026 = arith.mulf %get3A_1025, %gather3A : vector<16xf32>
      %swap3A_1027 = arith.index_cast %scan3A_970 : i32 to index
      %swap3A_1028 = arith.constant 112 : index
      %swap3A_1029 = tpu.vector_load %arg11[%swap3A_1027, %swap3A_1028] {strides = array<i32>} : memref<128x128xf32, #tpu.memory_space<vmem>>, vector<16xf32>,
      tpu.vector_store %arg11[%swap3A_1027, %swap3A_1028], %mul3A_1026 {strides = array<i32>} : memref<128x128xf32, #tpu.memory_space<vmem>>, vector<16xf32>,
    }
    %scan3A_109 = arith.constant 128 : i32
    %add3A_110 = arith.constant 256 : i32
    %add3A_111 = arith.addi %mul3A_2, %add3A_110 : i32
    %dma_start3A_112 = arith.constant 0 : i32
    %dma_start3A_113 = tpu.memref_slice %arg5[%add3A_111, %dma_start3A_112] : memref<131072x128xf32, #tpu.memory_space<hbm>> -> memref<128x128xf32, #tpu.memory_space<hbm>>
    %dma_start3A_114 = arith.constant 0 : i32
    %dma_start3A_115 = tpu.memref_slice %arg5[%add3A_111, %dma_start3A_114] : memref<131072x128xf32, #tpu.memory_space<hbm>> -> memref<128x128xf32, #tpu.memory_space<hbm>>
    tpu.enqueue_dma source(%arg11 : memref<128x128xf32, #tpu.memory_space<vmem>>) target(%dma_start3A_115 : memref<128x128xf32, #tpu.memory_space<hbm>>) target_semaphore(%arg25 : memref<!tpu.dma_semaphore, #tpu.memory_space<semaphore_mem>>)
    %dma_wait3A_116 = arith.constant 0 : i32
    %dma_wait3A_117 = tpu.memref_slice %arg5[%add3A_59, %dma_wait3A_116] : memref<131072x128xf32, #tpu.memory_space<hbm>> -> memref<128x128xf32, #tpu.memory_space<hbm>>
    %dma_wait3A_118 = arith.constant 0 : i32
    %dma_wait3A_119 = tpu.memref_slice %arg5[%add3A_59, %dma_wait3A_118] : memref<131072x128xf32, #tpu.memory_space<hbm>> -> memref<128x128xf32, #tpu.memory_space<hbm>>
    tpu.wait_dma2 semaphore(%arg23 : memref<!tpu.dma_semaphore, #tpu.memory_space<semaphore_mem>>) src(%arg9 : memref<128x128xf32, #tpu.memory_space<vmem>>) dst(%dma_wait3A_119 : memref<128x128xf32, #tpu.memory_space<hbm>>)
    %dma_start3A_120 = arith.constant 7 : i32
    %dma_start3A_121 = arith.constant 0 : i32
    %dma_start3A_122 = tpu.memref_slice %arg6[%dma_start3A_120, %dma_start3A_121] : memref<32x128xi32, #tpu.memory_space<vmem>> -> memref<1x128xi32, #tpu.memory_space<vmem>>
    %dma_start3A_123 = tpu.memref_squeeze %dma_start3A_122 : memref<1x128xi32, #tpu.memory_space<vmem>> -> memref<128xi32, #tpu.memory_space<vmem>>
    %dma_start3A_124 = arith.constant 0 : i32
    %dma_start3A_125 = arith.constant 0 : i32
    %dma_start3A_126 = tpu.memref_slice %arg4[%dma_start3A_124, %dma_start3A_125] : memref<100000x128xf32, #tpu.memory_space<hbm>> -> memref<100000x128xf32, #tpu.memory_space<hbm>>
    tpu.enqueue_indirect_dma source(%dma_start3A_126 : memref<100000x128xf32, #tpu.memory_space<hbm>>) target(%arg9 : memref<128x128xf32, #tpu.memory_space<vmem>>) offsets(%dma_start3A_123 : memref<128xi32, #tpu.memory_space<vmem>>) semaphore(%arg16 : memref<!tpu.dma_semaphore, #tpu.memory_space<semaphore_mem>>)
    %dma_wait3A_127 = arith.constant 3 : i32
    %dma_wait3A_128 = arith.constant 0 : i32
    %dma_wait3A_129 = tpu.memref_slice %arg6[%dma_wait3A_127, %dma_wait3A_128] : memref<32x128xi32, #tpu.memory_space<vmem>> -> memref<1x128xi32, #tpu.memory_space<vmem>>
    %dma_wait3A_130 = tpu.memref_squeeze %dma_wait3A_129 : memref<1x128xi32, #tpu.memory_space<vmem>> -> memref<128xi32, #tpu.memory_space<vmem>>
    %dma_wait3A_131 = arith.constant 0 : i32
    %dma_wait3A_132 = arith.constant 0 : i32
    %dma_wait3A_133 = tpu.memref_slice %arg4[%dma_wait3A_131, %dma_wait3A_132] : memref<100000x128xf32, #tpu.memory_space<hbm>> -> memref<100000x128xf32, #tpu.memory_space<hbm>>
    tpu.wait_indirect_dma semaphore(%arg19 : memref<!tpu.dma_semaphore, #tpu.memory_space<semaphore_mem>>) src(%dma_wait3A_133 : memref<100000x128xf32, #tpu.memory_space<hbm>>) dst(%arg12 : memref<128x128xf32, #tpu.memory_space<vmem>>)
    %scan3A_134 = arith.constant 0 : i32
    %scan3A_135 = arith.constant 0 : i32
    %scan3A_136 = arith.constant 128 : i32
    %scan3A_137 = arith.addi %scan3A_135, %scan3A_136 : i32
    %scan3A_138 = arith.constant 1 : i32
    scf.for %scan3A_970 = %scan3A_135 to %scan3A_137 step %scan3A_138  : i32 {
      %broadcast_in_dim3A = arith.constant 0 : i32
      %broadcast_in_dim3A_971 = vector.broadcast %broadcast_in_dim3A : i32 to vector<16xi32>
      %add3A_972 = arith.constant 384 : i32
      %add3A_973 = arith.addi %add3A_972, %scan3A_970 : i32
      %add3A_974 = vector.broadcast %add3A_973 : i32 to vector<16xi32>
      %add3A_975 = arith.addi %broadcast_in_dim3A_971, %add3A_974 : vector<16xi32>
      %gather3A = tpu.vector_load_idx %arg8[%add3A_975] : memref<4096xf32, #tpu.memory_space<vmem>>[vector<16xi32>], vector<16xf32>,
      %get3A = arith.index_cast %scan3A_970 : i32 to index
      %get3A_976 = arith.constant 0 : index
      %get3A_977 = tpu.vector_load %arg12[%get3A, %get3A_976] {strides = array<i32>} : memref<128x128xf32, #tpu.memory_space<vmem>>, vector<16xf32>,
      %mul3A_978 = arith.mulf %get3A_977, %gather3A : vector<16xf32>
      %swap3A = arith.index_cast %scan3A_970 : i32 to index
      %swap3A_979 = arith.constant 0 : index
      %swap3A_980 = tpu.vector_load %arg12[%swap3A, %swap3A_979] {strides = array<i32>} : memref<128x128xf32, #tpu.memory_space<vmem>>, vector<16xf32>,
      tpu.vector_store %arg12[%swap3A, %swap3A_979], %mul3A_978 {strides = array<i32>} : memref<128x128xf32, #tpu.memory_space<vmem>>, vector<16xf32>,
      %get3A_981 = arith.index_cast %scan3A_970 : i32 to index
      %get3A_982 = arith.constant 16 : index
      %get3A_983 = tpu.vector_load %arg12[%get3A_981, %get3A_982] {strides = array<i32>} : memref<128x128xf32, #tpu.memory_space<vmem>>, vector<16xf32>,
      %mul3A_984 = arith.mulf %get3A_983, %gather3A : vector<16xf32>
      %swap3A_985 = arith.index_cast %scan3A_970 : i32 to index
      %swap3A_986 = arith.constant 16 : index
      %swap3A_987 = tpu.vector_load %arg12[%swap3A_985, %swap3A_986] {strides = array<i32>} : memref<128x128xf32, #tpu.memory_space<vmem>>, vector<16xf32>,
      tpu.vector_store %arg12[%swap3A_985, %swap3A_986], %mul3A_984 {strides = array<i32>} : memref<128x128xf32, #tpu.memory_space<vmem>>, vector<16xf32>,
      %get3A_988 = arith.index_cast %scan3A_970 : i32 to index
      %get3A_989 = arith.constant 32 : index
      %get3A_990 = tpu.vector_load %arg12[%get3A_988, %get3A_989] {strides = array<i32>} : memref<128x128xf32, #tpu.memory_space<vmem>>, vector<16xf32>,
      %mul3A_991 = arith.mulf %get3A_990, %gather3A : vector<16xf32>
      %swap3A_992 = arith.index_cast %scan3A_970 : i32 to index
      %swap3A_993 = arith.constant 32 : index
      %swap3A_994 = tpu.vector_load %arg12[%swap3A_992, %swap3A_993] {strides = array<i32>} : memref<128x128xf32, #tpu.memory_space<vmem>>, vector<16xf32>,
      tpu.vector_store %arg12[%swap3A_992, %swap3A_993], %mul3A_991 {strides = array<i32>} : memref<128x128xf32, #tpu.memory_space<vmem>>, vector<16xf32>,
      %get3A_995 = arith.index_cast %scan3A_970 : i32 to index
      %get3A_996 = arith.constant 48 : index
      %get3A_997 = tpu.vector_load %arg12[%get3A_995, %get3A_996] {strides = array<i32>} : memref<128x128xf32, #tpu.memory_space<vmem>>, vector<16xf32>,
      %mul3A_998 = arith.mulf %get3A_997, %gather3A : vector<16xf32>
      %swap3A_999 = arith.index_cast %scan3A_970 : i32 to index
      %swap3A_1000 = arith.constant 48 : index
      %swap3A_1001 = tpu.vector_load %arg12[%swap3A_999, %swap3A_1000] {strides = array<i32>} : memref<128x128xf32, #tpu.memory_space<vmem>>, vector<16xf32>,
      tpu.vector_store %arg12[%swap3A_999, %swap3A_1000], %mul3A_998 {strides = array<i32>} : memref<128x128xf32, #tpu.memory_space<vmem>>, vector<16xf32>,
      %get3A_1002 = arith.index_cast %scan3A_970 : i32 to index
      %get3A_1003 = arith.constant 64 : index
      %get3A_1004 = tpu.vector_load %arg12[%get3A_1002, %get3A_1003] {strides = array<i32>} : memref<128x128xf32, #tpu.memory_space<vmem>>, vector<16xf32>,
      %mul3A_1005 = arith.mulf %get3A_1004, %gather3A : vector<16xf32>
      %swap3A_1006 = arith.index_cast %scan3A_970 : i32 to index
      %swap3A_1007 = arith.constant 64 : index
      %swap3A_1008 = tpu.vector_load %arg12[%swap3A_1006, %swap3A_1007] {strides = array<i32>} : memref<128x128xf32, #tpu.memory_space<vmem>>, vector<16xf32>,
      tpu.vector_store %arg12[%swap3A_1006, %swap3A_1007], %mul3A_1005 {strides = array<i32>} : memref<128x128xf32, #tpu.memory_space<vmem>>, vector<16xf32>,
      %get3A_1009 = arith.index_cast %scan3A_970 : i32 to index
      %get3A_1010 = arith.constant 80 : index
      %get3A_1011 = tpu.vector_load %arg12[%get3A_1009, %get3A_1010] {strides = array<i32>} : memref<128x128xf32, #tpu.memory_space<vmem>>, vector<16xf32>,
      %mul3A_1012 = arith.mulf %get3A_1011, %gather3A : vector<16xf32>
      %swap3A_1013 = arith.index_cast %scan3A_970 : i32 to index
      %swap3A_1014 = arith.constant 80 : index
      %swap3A_1015 = tpu.vector_load %arg12[%swap3A_1013, %swap3A_1014] {strides = array<i32>} : memref<128x128xf32, #tpu.memory_space<vmem>>, vector<16xf32>,
      tpu.vector_store %arg12[%swap3A_1013, %swap3A_1014], %mul3A_1012 {strides = array<i32>} : memref<128x128xf32, #tpu.memory_space<vmem>>, vector<16xf32>,
      %get3A_1016 = arith.index_cast %scan3A_970 : i32 to index
      %get3A_1017 = arith.constant 96 : index
      %get3A_1018 = tpu.vector_load %arg12[%get3A_1016, %get3A_1017] {strides = array<i32>} : memref<128x128xf32, #tpu.memory_space<vmem>>, vector<16xf32>,
      %mul3A_1019 = arith.mulf %get3A_1018, %gather3A : vector<16xf32>
      %swap3A_1020 = arith.index_cast %scan3A_970 : i32 to index
      %swap3A_1021 = arith.constant 96 : index
      %swap3A_1022 = tpu.vector_load %arg12[%swap3A_1020, %swap3A_1021] {strides = array<i32>} : memref<128x128xf32, #tpu.memory_space<vmem>>, vector<16xf32>,
      tpu.vector_store %arg12[%swap3A_1020, %swap3A_1021], %mul3A_1019 {strides = array<i32>} : memref<128x128xf32, #tpu.memory_space<vmem>>, vector<16xf32>,
      %get3A_1023 = arith.index_cast %scan3A_970 : i32 to index
      %get3A_1024 = arith.constant 112 : index
      %get3A_1025 = tpu.vector_load %arg12[%get3A_1023, %get3A_1024] {strides = array<i32>} : memref<128x128xf32, #tpu.memory_space<vmem>>, vector<16xf32>,
      %mul3A_1026 = arith.mulf %get3A_1025, %gather3A : vector<16xf32>
      %swap3A_1027 = arith.index_cast %scan3A_970 : i32 to index
      %swap3A_1028 = arith.constant 112 : index
      %swap3A_1029 = tpu.vector_load %arg12[%swap3A_1027, %swap3A_1028] {strides = array<i32>} : memref<128x128xf32, #tpu.memory_space<vmem>>, vector<16xf32>,
      tpu.vector_store %arg12[%swap3A_1027, %swap3A_1028], %mul3A_1026 {strides = array<i32>} : memref<128x128xf32, #tpu.memory_space<vmem>>, vector<16xf32>,
    }
    %scan3A_139 = arith.constant 128 : i32
    %add3A_140 = arith.constant 384 : i32
    %add3A_141 = arith.addi %mul3A_2, %add3A_140 : i32
    %dma_start3A_142 = arith.constant 0 : i32
    %dma_start3A_143 = tpu.memref_slice %arg5[%add3A_141, %dma_start3A_142] : memref<131072x128xf32, #tpu.memory_space<hbm>> -> memref<128x128xf32, #tpu.memory_space<hbm>>
    %dma_start3A_144 = arith.constant 0 : i32
    %dma_start3A_145 = tpu.memref_slice %arg5[%add3A_141, %dma_start3A_144] : memref<131072x128xf32, #tpu.memory_space<hbm>> -> memref<128x128xf32, #tpu.memory_space<hbm>>
    tpu.enqueue_dma source(%arg12 : memref<128x128xf32, #tpu.memory_space<vmem>>) target(%dma_start3A_145 : memref<128x128xf32, #tpu.memory_space<hbm>>) target_semaphore(%arg26 : memref<!tpu.dma_semaphore, #tpu.memory_space<semaphore_mem>>)
    %dma_wait3A_146 = arith.constant 0 : i32
    %dma_wait3A_147 = tpu.memref_slice %arg5[%add3A_85, %dma_wait3A_146] : memref<131072x128xf32, #tpu.memory_space<hbm>> -> memref<128x128xf32, #tpu.memory_space<hbm>>
    %dma_wait3A_148 = arith.constant 0 : i32
    %dma_wait3A_149 = tpu.memref_slice %arg5[%add3A_85, %dma_wait3A_148] : memref<131072x128xf32, #tpu.memory_space<hbm>> -> memref<128x128xf32, #tpu.memory_space<hbm>>
    tpu.wait_dma2 semaphore(%arg24 : memref<!tpu.dma_semaphore, #tpu.memory_space<semaphore_mem>>) src(%arg10 : memref<128x128xf32, #tpu.memory_space<vmem>>) dst(%dma_wait3A_149 : memref<128x128xf32, #tpu.memory_space<hbm>>)
    %dma_start3A_150 = arith.constant 8 : i32
    %dma_start3A_151 = arith.constant 0 : i32
    %dma_start3A_152 = tpu.memref_slice %arg6[%dma_start3A_150, %dma_start3A_151] : memref<32x128xi32, #tpu.memory_space<vmem>> -> memref<1x128xi32, #tpu.memory_space<vmem>>
    %dma_start3A_153 = tpu.memref_squeeze %dma_start3A_152 : memref<1x128xi32, #tpu.memory_space<vmem>> -> memref<128xi32, #tpu.memory_space<vmem>>
    %dma_start3A_154 = arith.constant 0 : i32
    %dma_start3A_155 = arith.constant 0 : i32
    %dma_start3A_156 = tpu.memref_slice %arg4[%dma_start3A_154, %dma_start3A_155] : memref<100000x128xf32, #tpu.memory_space<hbm>> -> memref<100000x128xf32, #tpu.memory_space<hbm>>
    tpu.enqueue_indirect_dma source(%dma_start3A_156 : memref<100000x128xf32, #tpu.memory_space<hbm>>) target(%arg10 : memref<128x128xf32, #tpu.memory_space<vmem>>) offsets(%dma_start3A_153 : memref<128xi32, #tpu.memory_space<vmem>>) semaphore(%arg17 : memref<!tpu.dma_semaphore, #tpu.memory_space<semaphore_mem>>)
    %dma_wait3A_157 = arith.constant 4 : i32
    %dma_wait3A_158 = arith.constant 0 : i32
    %dma_wait3A_159 = tpu.memref_slice %arg6[%dma_wait3A_157, %dma_wait3A_158] : memref<32x128xi32, #tpu.memory_space<vmem>> -> memref<1x128xi32, #tpu.memory_space<vmem>>
    %dma_wait3A_160 = tpu.memref_squeeze %dma_wait3A_159 : memref<1x128xi32, #tpu.memory_space<vmem>> -> memref<128xi32, #tpu.memory_space<vmem>>
    %dma_wait3A_161 = arith.constant 0 : i32
    %dma_wait3A_162 = arith.constant 0 : i32
    %dma_wait3A_163 = tpu.memref_slice %arg4[%dma_wait3A_161, %dma_wait3A_162] : memref<100000x128xf32, #tpu.memory_space<hbm>> -> memref<100000x128xf32, #tpu.memory_space<hbm>>
    tpu.wait_indirect_dma semaphore(%arg20 : memref<!tpu.dma_semaphore, #tpu.memory_space<semaphore_mem>>) src(%dma_wait3A_163 : memref<100000x128xf32, #tpu.memory_space<hbm>>) dst(%arg13 : memref<128x128xf32, #tpu.memory_space<vmem>>)
    %scan3A_164 = arith.constant 0 : i32
    %scan3A_165 = arith.constant 0 : i32
    %scan3A_166 = arith.constant 128 : i32
    %scan3A_167 = arith.addi %scan3A_165, %scan3A_166 : i32
    %scan3A_168 = arith.constant 1 : i32
    scf.for %scan3A_970 = %scan3A_165 to %scan3A_167 step %scan3A_168  : i32 {
      %broadcast_in_dim3A = arith.constant 0 : i32
      %broadcast_in_dim3A_971 = vector.broadcast %broadcast_in_dim3A : i32 to vector<16xi32>
      %add3A_972 = arith.constant 512 : i32
      %add3A_973 = arith.addi %add3A_972, %scan3A_970 : i32
      %add3A_974 = vector.broadcast %add3A_973 : i32 to vector<16xi32>
      %add3A_975 = arith.addi %broadcast_in_dim3A_971, %add3A_974 : vector<16xi32>
      %gather3A = tpu.vector_load_idx %arg8[%add3A_975] : memref<4096xf32, #tpu.memory_space<vmem>>[vector<16xi32>], vector<16xf32>,
      %get3A = arith.index_cast %scan3A_970 : i32 to index
      %get3A_976 = arith.constant 0 : index
      %get3A_977 = tpu.vector_load %arg13[%get3A, %get3A_976] {strides = array<i32>} : memref<128x128xf32, #tpu.memory_space<vmem>>, vector<16xf32>,
      %mul3A_978 = arith.mulf %get3A_977, %gather3A : vector<16xf32>
      %swap3A = arith.index_cast %scan3A_970 : i32 to index
      %swap3A_979 = arith.constant 0 : index
      %swap3A_980 = tpu.vector_load %arg13[%swap3A, %swap3A_979] {strides = array<i32>} : memref<128x128xf32, #tpu.memory_space<vmem>>, vector<16xf32>,
      tpu.vector_store %arg13[%swap3A, %swap3A_979], %mul3A_978 {strides = array<i32>} : memref<128x128xf32, #tpu.memory_space<vmem>>, vector<16xf32>,
      %get3A_981 = arith.index_cast %scan3A_970 : i32 to index
      %get3A_982 = arith.constant 16 : index
      %get3A_983 = tpu.vector_load %arg13[%get3A_981, %get3A_982] {strides = array<i32>} : memref<128x128xf32, #tpu.memory_space<vmem>>, vector<16xf32>,
      %mul3A_984 = arith.mulf %get3A_983, %gather3A : vector<16xf32>
      %swap3A_985 = arith.index_cast %scan3A_970 : i32 to index
      %swap3A_986 = arith.constant 16 : index
      %swap3A_987 = tpu.vector_load %arg13[%swap3A_985, %swap3A_986] {strides = array<i32>} : memref<128x128xf32, #tpu.memory_space<vmem>>, vector<16xf32>,
      tpu.vector_store %arg13[%swap3A_985, %swap3A_986], %mul3A_984 {strides = array<i32>} : memref<128x128xf32, #tpu.memory_space<vmem>>, vector<16xf32>,
      %get3A_988 = arith.index_cast %scan3A_970 : i32 to index
      %get3A_989 = arith.constant 32 : index
      %get3A_990 = tpu.vector_load %arg13[%get3A_988, %get3A_989] {strides = array<i32>} : memref<128x128xf32, #tpu.memory_space<vmem>>, vector<16xf32>,
      %mul3A_991 = arith.mulf %get3A_990, %gather3A : vector<16xf32>
      %swap3A_992 = arith.index_cast %scan3A_970 : i32 to index
      %swap3A_993 = arith.constant 32 : index
      %swap3A_994 = tpu.vector_load %arg13[%swap3A_992, %swap3A_993] {strides = array<i32>} : memref<128x128xf32, #tpu.memory_space<vmem>>, vector<16xf32>,
      tpu.vector_store %arg13[%swap3A_992, %swap3A_993], %mul3A_991 {strides = array<i32>} : memref<128x128xf32, #tpu.memory_space<vmem>>, vector<16xf32>,
      %get3A_995 = arith.index_cast %scan3A_970 : i32 to index
      %get3A_996 = arith.constant 48 : index
      %get3A_997 = tpu.vector_load %arg13[%get3A_995, %get3A_996] {strides = array<i32>} : memref<128x128xf32, #tpu.memory_space<vmem>>, vector<16xf32>,
      %mul3A_998 = arith.mulf %get3A_997, %gather3A : vector<16xf32>
      %swap3A_999 = arith.index_cast %scan3A_970 : i32 to index
      %swap3A_1000 = arith.constant 48 : index
      %swap3A_1001 = tpu.vector_load %arg13[%swap3A_999, %swap3A_1000] {strides = array<i32>} : memref<128x128xf32, #tpu.memory_space<vmem>>, vector<16xf32>,
      tpu.vector_store %arg13[%swap3A_999, %swap3A_1000], %mul3A_998 {strides = array<i32>} : memref<128x128xf32, #tpu.memory_space<vmem>>, vector<16xf32>,
      %get3A_1002 = arith.index_cast %scan3A_970 : i32 to index
      %get3A_1003 = arith.constant 64 : index
      %get3A_1004 = tpu.vector_load %arg13[%get3A_1002, %get3A_1003] {strides = array<i32>} : memref<128x128xf32, #tpu.memory_space<vmem>>, vector<16xf32>,
      %mul3A_1005 = arith.mulf %get3A_1004, %gather3A : vector<16xf32>
      %swap3A_1006 = arith.index_cast %scan3A_970 : i32 to index
      %swap3A_1007 = arith.constant 64 : index
      %swap3A_1008 = tpu.vector_load %arg13[%swap3A_1006, %swap3A_1007] {strides = array<i32>} : memref<128x128xf32, #tpu.memory_space<vmem>>, vector<16xf32>,
      tpu.vector_store %arg13[%swap3A_1006, %swap3A_1007], %mul3A_1005 {strides = array<i32>} : memref<128x128xf32, #tpu.memory_space<vmem>>, vector<16xf32>,
      %get3A_1009 = arith.index_cast %scan3A_970 : i32 to index
      %get3A_1010 = arith.constant 80 : index
      %get3A_1011 = tpu.vector_load %arg13[%get3A_1009, %get3A_1010] {strides = array<i32>} : memref<128x128xf32, #tpu.memory_space<vmem>>, vector<16xf32>,
      %mul3A_1012 = arith.mulf %get3A_1011, %gather3A : vector<16xf32>
      %swap3A_1013 = arith.index_cast %scan3A_970 : i32 to index
      %swap3A_1014 = arith.constant 80 : index
      %swap3A_1015 = tpu.vector_load %arg13[%swap3A_1013, %swap3A_1014] {strides = array<i32>} : memref<128x128xf32, #tpu.memory_space<vmem>>, vector<16xf32>,
      tpu.vector_store %arg13[%swap3A_1013, %swap3A_1014], %mul3A_1012 {strides = array<i32>} : memref<128x128xf32, #tpu.memory_space<vmem>>, vector<16xf32>,
      %get3A_1016 = arith.index_cast %scan3A_970 : i32 to index
      %get3A_1017 = arith.constant 96 : index
      %get3A_1018 = tpu.vector_load %arg13[%get3A_1016, %get3A_1017] {strides = array<i32>} : memref<128x128xf32, #tpu.memory_space<vmem>>, vector<16xf32>,
      %mul3A_1019 = arith.mulf %get3A_1018, %gather3A : vector<16xf32>
      %swap3A_1020 = arith.index_cast %scan3A_970 : i32 to index
      %swap3A_1021 = arith.constant 96 : index
      %swap3A_1022 = tpu.vector_load %arg13[%swap3A_1020, %swap3A_1021] {strides = array<i32>} : memref<128x128xf32, #tpu.memory_space<vmem>>, vector<16xf32>,
      tpu.vector_store %arg13[%swap3A_1020, %swap3A_1021], %mul3A_1019 {strides = array<i32>} : memref<128x128xf32, #tpu.memory_space<vmem>>, vector<16xf32>,
      %get3A_1023 = arith.index_cast %scan3A_970 : i32 to index
      %get3A_1024 = arith.constant 112 : index
      %get3A_1025 = tpu.vector_load %arg13[%get3A_1023, %get3A_1024] {strides = array<i32>} : memref<128x128xf32, #tpu.memory_space<vmem>>, vector<16xf32>,
      %mul3A_1026 = arith.mulf %get3A_1025, %gather3A : vector<16xf32>
      %swap3A_1027 = arith.index_cast %scan3A_970 : i32 to index
      %swap3A_1028 = arith.constant 112 : index
      %swap3A_1029 = tpu.vector_load %arg13[%swap3A_1027, %swap3A_1028] {strides = array<i32>} : memref<128x128xf32, #tpu.memory_space<vmem>>, vector<16xf32>,
      tpu.vector_store %arg13[%swap3A_1027, %swap3A_1028], %mul3A_1026 {strides = array<i32>} : memref<128x128xf32, #tpu.memory_space<vmem>>, vector<16xf32>,
    }
    %scan3A_169 = arith.constant 128 : i32
    %add3A_170 = arith.constant 512 : i32
    %add3A_171 = arith.addi %mul3A_2, %add3A_170 : i32
    %dma_start3A_172 = arith.constant 0 : i32
    %dma_start3A_173 = tpu.memref_slice %arg5[%add3A_171, %dma_start3A_172] : memref<131072x128xf32, #tpu.memory_space<hbm>> -> memref<128x128xf32, #tpu.memory_space<hbm>>
    %dma_start3A_174 = arith.constant 0 : i32
    %dma_start3A_175 = tpu.memref_slice %arg5[%add3A_171, %dma_start3A_174] : memref<131072x128xf32, #tpu.memory_space<hbm>> -> memref<128x128xf32, #tpu.memory_space<hbm>>
    tpu.enqueue_dma source(%arg13 : memref<128x128xf32, #tpu.memory_space<vmem>>) target(%dma_start3A_175 : memref<128x128xf32, #tpu.memory_space<hbm>>) target_semaphore(%arg27 : memref<!tpu.dma_semaphore, #tpu.memory_space<semaphore_mem>>)
    %dma_wait3A_176 = arith.constant 0 : i32
    %dma_wait3A_177 = tpu.memref_slice %arg5[%add3A_111, %dma_wait3A_176] : memref<131072x128xf32, #tpu.memory_space<hbm>> -> memref<128x128xf32, #tpu.memory_space<hbm>>
    %dma_wait3A_178 = arith.constant 0 : i32
    %dma_wait3A_179 = tpu.memref_slice %arg5[%add3A_111, %dma_wait3A_178] : memref<131072x128xf32, #tpu.memory_space<hbm>> -> memref<128x128xf32, #tpu.memory_space<hbm>>
    tpu.wait_dma2 semaphore(%arg25 : memref<!tpu.dma_semaphore, #tpu.memory_space<semaphore_mem>>) src(%arg11 : memref<128x128xf32, #tpu.memory_space<vmem>>) dst(%dma_wait3A_179 : memref<128x128xf32, #tpu.memory_space<hbm>>)
    %dma_start3A_180 = arith.constant 9 : i32
    %dma_start3A_181 = arith.constant 0 : i32
    %dma_start3A_182 = tpu.memref_slice %arg6[%dma_start3A_180, %dma_start3A_181] : memref<32x128xi32, #tpu.memory_space<vmem>> -> memref<1x128xi32, #tpu.memory_space<vmem>>
    %dma_start3A_183 = tpu.memref_squeeze %dma_start3A_182 : memref<1x128xi32, #tpu.memory_space<vmem>> -> memref<128xi32, #tpu.memory_space<vmem>>
    %dma_start3A_184 = arith.constant 0 : i32
    %dma_start3A_185 = arith.constant 0 : i32
    %dma_start3A_186 = tpu.memref_slice %arg4[%dma_start3A_184, %dma_start3A_185] : memref<100000x128xf32, #tpu.memory_space<hbm>> -> memref<100000x128xf32, #tpu.memory_space<hbm>>
    tpu.enqueue_indirect_dma source(%dma_start3A_186 : memref<100000x128xf32, #tpu.memory_space<hbm>>) target(%arg11 : memref<128x128xf32, #tpu.memory_space<vmem>>) offsets(%dma_start3A_183 : memref<128xi32, #tpu.memory_space<vmem>>) semaphore(%arg18 : memref<!tpu.dma_semaphore, #tpu.memory_space<semaphore_mem>>)
    %dma_wait3A_187 = arith.constant 5 : i32
    %dma_wait3A_188 = arith.constant 0 : i32
    %dma_wait3A_189 = tpu.memref_slice %arg6[%dma_wait3A_187, %dma_wait3A_188] : memref<32x128xi32, #tpu.memory_space<vmem>> -> memref<1x128xi32, #tpu.memory_space<vmem>>
    %dma_wait3A_190 = tpu.memref_squeeze %dma_wait3A_189 : memref<1x128xi32, #tpu.memory_space<vmem>> -> memref<128xi32, #tpu.memory_space<vmem>>
    %dma_wait3A_191 = arith.constant 0 : i32
    %dma_wait3A_192 = arith.constant 0 : i32
    %dma_wait3A_193 = tpu.memref_slice %arg4[%dma_wait3A_191, %dma_wait3A_192] : memref<100000x128xf32, #tpu.memory_space<hbm>> -> memref<100000x128xf32, #tpu.memory_space<hbm>>
    tpu.wait_indirect_dma semaphore(%arg21 : memref<!tpu.dma_semaphore, #tpu.memory_space<semaphore_mem>>) src(%dma_wait3A_193 : memref<100000x128xf32, #tpu.memory_space<hbm>>) dst(%arg14 : memref<128x128xf32, #tpu.memory_space<vmem>>)
    %scan3A_194 = arith.constant 0 : i32
    %scan3A_195 = arith.constant 0 : i32
    %scan3A_196 = arith.constant 128 : i32
    %scan3A_197 = arith.addi %scan3A_195, %scan3A_196 : i32
    %scan3A_198 = arith.constant 1 : i32
    scf.for %scan3A_970 = %scan3A_195 to %scan3A_197 step %scan3A_198  : i32 {
      %broadcast_in_dim3A = arith.constant 0 : i32
      %broadcast_in_dim3A_971 = vector.broadcast %broadcast_in_dim3A : i32 to vector<16xi32>
      %add3A_972 = arith.constant 640 : i32
      %add3A_973 = arith.addi %add3A_972, %scan3A_970 : i32
      %add3A_974 = vector.broadcast %add3A_973 : i32 to vector<16xi32>
      %add3A_975 = arith.addi %broadcast_in_dim3A_971, %add3A_974 : vector<16xi32>
      %gather3A = tpu.vector_load_idx %arg8[%add3A_975] : memref<4096xf32, #tpu.memory_space<vmem>>[vector<16xi32>], vector<16xf32>,
      %get3A = arith.index_cast %scan3A_970 : i32 to index
      %get3A_976 = arith.constant 0 : index
      %get3A_977 = tpu.vector_load %arg14[%get3A, %get3A_976] {strides = array<i32>} : memref<128x128xf32, #tpu.memory_space<vmem>>, vector<16xf32>,
      %mul3A_978 = arith.mulf %get3A_977, %gather3A : vector<16xf32>
      %swap3A = arith.index_cast %scan3A_970 : i32 to index
      %swap3A_979 = arith.constant 0 : index
      %swap3A_980 = tpu.vector_load %arg14[%swap3A, %swap3A_979] {strides = array<i32>} : memref<128x128xf32, #tpu.memory_space<vmem>>, vector<16xf32>,
      tpu.vector_store %arg14[%swap3A, %swap3A_979], %mul3A_978 {strides = array<i32>} : memref<128x128xf32, #tpu.memory_space<vmem>>, vector<16xf32>,
      %get3A_981 = arith.index_cast %scan3A_970 : i32 to index
      %get3A_982 = arith.constant 16 : index
      %get3A_983 = tpu.vector_load %arg14[%get3A_981, %get3A_982] {strides = array<i32>} : memref<128x128xf32, #tpu.memory_space<vmem>>, vector<16xf32>,
      %mul3A_984 = arith.mulf %get3A_983, %gather3A : vector<16xf32>
      %swap3A_985 = arith.index_cast %scan3A_970 : i32 to index
      %swap3A_986 = arith.constant 16 : index
      %swap3A_987 = tpu.vector_load %arg14[%swap3A_985, %swap3A_986] {strides = array<i32>} : memref<128x128xf32, #tpu.memory_space<vmem>>, vector<16xf32>,
      tpu.vector_store %arg14[%swap3A_985, %swap3A_986], %mul3A_984 {strides = array<i32>} : memref<128x128xf32, #tpu.memory_space<vmem>>, vector<16xf32>,
      %get3A_988 = arith.index_cast %scan3A_970 : i32 to index
      %get3A_989 = arith.constant 32 : index
      %get3A_990 = tpu.vector_load %arg14[%get3A_988, %get3A_989] {strides = array<i32>} : memref<128x128xf32, #tpu.memory_space<vmem>>, vector<16xf32>,
      %mul3A_991 = arith.mulf %get3A_990, %gather3A : vector<16xf32>
      %swap3A_992 = arith.index_cast %scan3A_970 : i32 to index
      %swap3A_993 = arith.constant 32 : index
      %swap3A_994 = tpu.vector_load %arg14[%swap3A_992, %swap3A_993] {strides = array<i32>} : memref<128x128xf32, #tpu.memory_space<vmem>>, vector<16xf32>,
      tpu.vector_store %arg14[%swap3A_992, %swap3A_993], %mul3A_991 {strides = array<i32>} : memref<128x128xf32, #tpu.memory_space<vmem>>, vector<16xf32>,
      %get3A_995 = arith.index_cast %scan3A_970 : i32 to index
      %get3A_996 = arith.constant 48 : index
      %get3A_997 = tpu.vector_load %arg14[%get3A_995, %get3A_996] {strides = array<i32>} : memref<128x128xf32, #tpu.memory_space<vmem>>, vector<16xf32>,
      %mul3A_998 = arith.mulf %get3A_997, %gather3A : vector<16xf32>
      %swap3A_999 = arith.index_cast %scan3A_970 : i32 to index
      %swap3A_1000 = arith.constant 48 : index
      %swap3A_1001 = tpu.vector_load %arg14[%swap3A_999, %swap3A_1000] {strides = array<i32>} : memref<128x128xf32, #tpu.memory_space<vmem>>, vector<16xf32>,
      tpu.vector_store %arg14[%swap3A_999, %swap3A_1000], %mul3A_998 {strides = array<i32>} : memref<128x128xf32, #tpu.memory_space<vmem>>, vector<16xf32>,
      %get3A_1002 = arith.index_cast %scan3A_970 : i32 to index
      %get3A_1003 = arith.constant 64 : index
      %get3A_1004 = tpu.vector_load %arg14[%get3A_1002, %get3A_1003] {strides = array<i32>} : memref<128x128xf32, #tpu.memory_space<vmem>>, vector<16xf32>,
      %mul3A_1005 = arith.mulf %get3A_1004, %gather3A : vector<16xf32>
      %swap3A_1006 = arith.index_cast %scan3A_970 : i32 to index
      %swap3A_1007 = arith.constant 64 : index
      %swap3A_1008 = tpu.vector_load %arg14[%swap3A_1006, %swap3A_1007] {strides = array<i32>} : memref<128x128xf32, #tpu.memory_space<vmem>>, vector<16xf32>,
      tpu.vector_store %arg14[%swap3A_1006, %swap3A_1007], %mul3A_1005 {strides = array<i32>} : memref<128x128xf32, #tpu.memory_space<vmem>>, vector<16xf32>,
      %get3A_1009 = arith.index_cast %scan3A_970 : i32 to index
      %get3A_1010 = arith.constant 80 : index
      %get3A_1011 = tpu.vector_load %arg14[%get3A_1009, %get3A_1010] {strides = array<i32>} : memref<128x128xf32, #tpu.memory_space<vmem>>, vector<16xf32>,
      %mul3A_1012 = arith.mulf %get3A_1011, %gather3A : vector<16xf32>
      %swap3A_1013 = arith.index_cast %scan3A_970 : i32 to index
      %swap3A_1014 = arith.constant 80 : index
      %swap3A_1015 = tpu.vector_load %arg14[%swap3A_1013, %swap3A_1014] {strides = array<i32>} : memref<128x128xf32, #tpu.memory_space<vmem>>, vector<16xf32>,
      tpu.vector_store %arg14[%swap3A_1013, %swap3A_1014], %mul3A_1012 {strides = array<i32>} : memref<128x128xf32, #tpu.memory_space<vmem>>, vector<16xf32>,
      %get3A_1016 = arith.index_cast %scan3A_970 : i32 to index
      %get3A_1017 = arith.constant 96 : index
      %get3A_1018 = tpu.vector_load %arg14[%get3A_1016, %get3A_1017] {strides = array<i32>} : memref<128x128xf32, #tpu.memory_space<vmem>>, vector<16xf32>,
      %mul3A_1019 = arith.mulf %get3A_1018, %gather3A : vector<16xf32>
      %swap3A_1020 = arith.index_cast %scan3A_970 : i32 to index
      %swap3A_1021 = arith.constant 96 : index
      %swap3A_1022 = tpu.vector_load %arg14[%swap3A_1020, %swap3A_1021] {strides = array<i32>} : memref<128x128xf32, #tpu.memory_space<vmem>>, vector<16xf32>,
      tpu.vector_store %arg14[%swap3A_1020, %swap3A_1021], %mul3A_1019 {strides = array<i32>} : memref<128x128xf32, #tpu.memory_space<vmem>>, vector<16xf32>,
      %get3A_1023 = arith.index_cast %scan3A_970 : i32 to index
      %get3A_1024 = arith.constant 112 : index
      %get3A_1025 = tpu.vector_load %arg14[%get3A_1023, %get3A_1024] {strides = array<i32>} : memref<128x128xf32, #tpu.memory_space<vmem>>, vector<16xf32>,
      %mul3A_1026 = arith.mulf %get3A_1025, %gather3A : vector<16xf32>
      %swap3A_1027 = arith.index_cast %scan3A_970 : i32 to index
      %swap3A_1028 = arith.constant 112 : index
      %swap3A_1029 = tpu.vector_load %arg14[%swap3A_1027, %swap3A_1028] {strides = array<i32>} : memref<128x128xf32, #tpu.memory_space<vmem>>, vector<16xf32>,
      tpu.vector_store %arg14[%swap3A_1027, %swap3A_1028], %mul3A_1026 {strides = array<i32>} : memref<128x128xf32, #tpu.memory_space<vmem>>, vector<16xf32>,
    }
    %scan3A_199 = arith.constant 128 : i32
    %add3A_200 = arith.constant 640 : i32
    %add3A_201 = arith.addi %mul3A_2, %add3A_200 : i32
    %dma_start3A_202 = arith.constant 0 : i32
    %dma_start3A_203 = tpu.memref_slice %arg5[%add3A_201, %dma_start3A_202] : memref<131072x128xf32, #tpu.memory_space<hbm>> -> memref<128x128xf32, #tpu.memory_space<hbm>>
    %dma_start3A_204 = arith.constant 0 : i32
    %dma_start3A_205 = tpu.memref_slice %arg5[%add3A_201, %dma_start3A_204] : memref<131072x128xf32, #tpu.memory_space<hbm>> -> memref<128x128xf32, #tpu.memory_space<hbm>>
    tpu.enqueue_dma source(%arg14 : memref<128x128xf32, #tpu.memory_space<vmem>>) target(%dma_start3A_205 : memref<128x128xf32, #tpu.memory_space<hbm>>) target_semaphore(%arg28 : memref<!tpu.dma_semaphore, #tpu.memory_space<semaphore_mem>>)
    %dma_wait3A_206 = arith.constant 0 : i32
    %dma_wait3A_207 = tpu.memref_slice %arg5[%add3A_141, %dma_wait3A_206] : memref<131072x128xf32, #tpu.memory_space<hbm>> -> memref<128x128xf32, #tpu.memory_space<hbm>>
    %dma_wait3A_208 = arith.constant 0 : i32
    %dma_wait3A_209 = tpu.memref_slice %arg5[%add3A_141, %dma_wait3A_208] : memref<131072x128xf32, #tpu.memory_space<hbm>> -> memref<128x128xf32, #tpu.memory_space<hbm>>
    tpu.wait_dma2 semaphore(%arg26 : memref<!tpu.dma_semaphore, #tpu.memory_space<semaphore_mem>>) src(%arg12 : memref<128x128xf32, #tpu.memory_space<vmem>>) dst(%dma_wait3A_209 : memref<128x128xf32, #tpu.memory_space<hbm>>)
    %dma_start3A_210 = arith.constant 10 : i32
    %dma_start3A_211 = arith.constant 0 : i32
    %dma_start3A_212 = tpu.memref_slice %arg6[%dma_start3A_210, %dma_start3A_211] : memref<32x128xi32, #tpu.memory_space<vmem>> -> memref<1x128xi32, #tpu.memory_space<vmem>>
    %dma_start3A_213 = tpu.memref_squeeze %dma_start3A_212 : memref<1x128xi32, #tpu.memory_space<vmem>> -> memref<128xi32, #tpu.memory_space<vmem>>
    %dma_start3A_214 = arith.constant 0 : i32
    %dma_start3A_215 = arith.constant 0 : i32
    %dma_start3A_216 = tpu.memref_slice %arg4[%dma_start3A_214, %dma_start3A_215] : memref<100000x128xf32, #tpu.memory_space<hbm>> -> memref<100000x128xf32, #tpu.memory_space<hbm>>
    tpu.enqueue_indirect_dma source(%dma_start3A_216 : memref<100000x128xf32, #tpu.memory_space<hbm>>) target(%arg12 : memref<128x128xf32, #tpu.memory_space<vmem>>) offsets(%dma_start3A_213 : memref<128xi32, #tpu.memory_space<vmem>>) semaphore(%arg19 : memref<!tpu.dma_semaphore, #tpu.memory_space<semaphore_mem>>)
    %dma_wait3A_217 = arith.constant 6 : i32
    %dma_wait3A_218 = arith.constant 0 : i32
    %dma_wait3A_219 = tpu.memref_slice %arg6[%dma_wait3A_217, %dma_wait3A_218] : memref<32x128xi32, #tpu.memory_space<vmem>> -> memref<1x128xi32, #tpu.memory_space<vmem>>
    %dma_wait3A_220 = tpu.memref_squeeze %dma_wait3A_219 : memref<1x128xi32, #tpu.memory_space<vmem>> -> memref<128xi32, #tpu.memory_space<vmem>>
    %dma_wait3A_221 = arith.constant 0 : i32
    %dma_wait3A_222 = arith.constant 0 : i32
    %dma_wait3A_223 = tpu.memref_slice %arg4[%dma_wait3A_221, %dma_wait3A_222] : memref<100000x128xf32, #tpu.memory_space<hbm>> -> memref<100000x128xf32, #tpu.memory_space<hbm>>
    tpu.wait_indirect_dma semaphore(%arg22 : memref<!tpu.dma_semaphore, #tpu.memory_space<semaphore_mem>>) src(%dma_wait3A_223 : memref<100000x128xf32, #tpu.memory_space<hbm>>) dst(%arg15 : memref<128x128xf32, #tpu.memory_space<vmem>>)
    %scan3A_224 = arith.constant 0 : i32
    %scan3A_225 = arith.constant 0 : i32
    %scan3A_226 = arith.constant 128 : i32
    %scan3A_227 = arith.addi %scan3A_225, %scan3A_226 : i32
    %scan3A_228 = arith.constant 1 : i32
    scf.for %scan3A_970 = %scan3A_225 to %scan3A_227 step %scan3A_228  : i32 {
      %broadcast_in_dim3A = arith.constant 0 : i32
      %broadcast_in_dim3A_971 = vector.broadcast %broadcast_in_dim3A : i32 to vector<16xi32>
      %add3A_972 = arith.constant 768 : i32
      %add3A_973 = arith.addi %add3A_972, %scan3A_970 : i32
      %add3A_974 = vector.broadcast %add3A_973 : i32 to vector<16xi32>
      %add3A_975 = arith.addi %broadcast_in_dim3A_971, %add3A_974 : vector<16xi32>
      %gather3A = tpu.vector_load_idx %arg8[%add3A_975] : memref<4096xf32, #tpu.memory_space<vmem>>[vector<16xi32>], vector<16xf32>,
      %get3A = arith.index_cast %scan3A_970 : i32 to index
      %get3A_976 = arith.constant 0 : index
      %get3A_977 = tpu.vector_load %arg15[%get3A, %get3A_976] {strides = array<i32>} : memref<128x128xf32, #tpu.memory_space<vmem>>, vector<16xf32>,
      %mul3A_978 = arith.mulf %get3A_977, %gather3A : vector<16xf32>
      %swap3A = arith.index_cast %scan3A_970 : i32 to index
      %swap3A_979 = arith.constant 0 : index
      %swap3A_980 = tpu.vector_load %arg15[%swap3A, %swap3A_979] {strides = array<i32>} : memref<128x128xf32, #tpu.memory_space<vmem>>, vector<16xf32>,
      tpu.vector_store %arg15[%swap3A, %swap3A_979], %mul3A_978 {strides = array<i32>} : memref<128x128xf32, #tpu.memory_space<vmem>>, vector<16xf32>,
      %get3A_981 = arith.index_cast %scan3A_970 : i32 to index
      %get3A_982 = arith.constant 16 : index
      %get3A_983 = tpu.vector_load %arg15[%get3A_981, %get3A_982] {strides = array<i32>} : memref<128x128xf32, #tpu.memory_space<vmem>>, vector<16xf32>,
      %mul3A_984 = arith.mulf %get3A_983, %gather3A : vector<16xf32>
      %swap3A_985 = arith.index_cast %scan3A_970 : i32 to index
      %swap3A_986 = arith.constant 16 : index
      %swap3A_987 = tpu.vector_load %arg15[%swap3A_985, %swap3A_986] {strides = array<i32>} : memref<128x128xf32, #tpu.memory_space<vmem>>, vector<16xf32>,
      tpu.vector_store %arg15[%swap3A_985, %swap3A_986], %mul3A_984 {strides = array<i32>} : memref<128x128xf32, #tpu.memory_space<vmem>>, vector<16xf32>,
      %get3A_988 = arith.index_cast %scan3A_970 : i32 to index
      %get3A_989 = arith.constant 32 : index
      %get3A_990 = tpu.vector_load %arg15[%get3A_988, %get3A_989] {strides = array<i32>} : memref<128x128xf32, #tpu.memory_space<vmem>>, vector<16xf32>,
      %mul3A_991 = arith.mulf %get3A_990, %gather3A : vector<16xf32>
      %swap3A_992 = arith.index_cast %scan3A_970 : i32 to index
      %swap3A_993 = arith.constant 32 : index
      %swap3A_994 = tpu.vector_load %arg15[%swap3A_992, %swap3A_993] {strides = array<i32>} : memref<128x128xf32, #tpu.memory_space<vmem>>, vector<16xf32>,
      tpu.vector_store %arg15[%swap3A_992, %swap3A_993], %mul3A_991 {strides = array<i32>} : memref<128x128xf32, #tpu.memory_space<vmem>>, vector<16xf32>,
      %get3A_995 = arith.index_cast %scan3A_970 : i32 to index
      %get3A_996 = arith.constant 48 : index
      %get3A_997 = tpu.vector_load %arg15[%get3A_995, %get3A_996] {strides = array<i32>} : memref<128x128xf32, #tpu.memory_space<vmem>>, vector<16xf32>,
      %mul3A_998 = arith.mulf %get3A_997, %gather3A : vector<16xf32>
      %swap3A_999 = arith.index_cast %scan3A_970 : i32 to index
      %swap3A_1000 = arith.constant 48 : index
      %swap3A_1001 = tpu.vector_load %arg15[%swap3A_999, %swap3A_1000] {strides = array<i32>} : memref<128x128xf32, #tpu.memory_space<vmem>>, vector<16xf32>,
      tpu.vector_store %arg15[%swap3A_999, %swap3A_1000], %mul3A_998 {strides = array<i32>} : memref<128x128xf32, #tpu.memory_space<vmem>>, vector<16xf32>,
      %get3A_1002 = arith.index_cast %scan3A_970 : i32 to index
      %get3A_1003 = arith.constant 64 : index
      %get3A_1004 = tpu.vector_load %arg15[%get3A_1002, %get3A_1003] {strides = array<i32>} : memref<128x128xf32, #tpu.memory_space<vmem>>, vector<16xf32>,
      %mul3A_1005 = arith.mulf %get3A_1004, %gather3A : vector<16xf32>
      %swap3A_1006 = arith.index_cast %scan3A_970 : i32 to index
      %swap3A_1007 = arith.constant 64 : index
      %swap3A_1008 = tpu.vector_load %arg15[%swap3A_1006, %swap3A_1007] {strides = array<i32>} : memref<128x128xf32, #tpu.memory_space<vmem>>, vector<16xf32>,
      tpu.vector_store %arg15[%swap3A_1006, %swap3A_1007], %mul3A_1005 {strides = array<i32>} : memref<128x128xf32, #tpu.memory_space<vmem>>, vector<16xf32>,
      %get3A_1009 = arith.index_cast %scan3A_970 : i32 to index
      %get3A_1010 = arith.constant 80 : index
      %get3A_1011 = tpu.vector_load %arg15[%get3A_1009, %get3A_1010] {strides = array<i32>} : memref<128x128xf32, #tpu.memory_space<vmem>>, vector<16xf32>,
      %mul3A_1012 = arith.mulf %get3A_1011, %gather3A : vector<16xf32>
      %swap3A_1013 = arith.index_cast %scan3A_970 : i32 to index
      %swap3A_1014 = arith.constant 80 : index
      %swap3A_1015 = tpu.vector_load %arg15[%swap3A_1013, %swap3A_1014] {strides = array<i32>} : memref<128x128xf32, #tpu.memory_space<vmem>>, vector<16xf32>,
      tpu.vector_store %arg15[%swap3A_1013, %swap3A_1014], %mul3A_1012 {strides = array<i32>} : memref<128x128xf32, #tpu.memory_space<vmem>>, vector<16xf32>,
      %get3A_1016 = arith.index_cast %scan3A_970 : i32 to index
      %get3A_1017 = arith.constant 96 : index
      %get3A_1018 = tpu.vector_load %arg15[%get3A_1016, %get3A_1017] {strides = array<i32>} : memref<128x128xf32, #tpu.memory_space<vmem>>, vector<16xf32>,
      %mul3A_1019 = arith.mulf %get3A_1018, %gather3A : vector<16xf32>
      %swap3A_1020 = arith.index_cast %scan3A_970 : i32 to index
      %swap3A_1021 = arith.constant 96 : index
      %swap3A_1022 = tpu.vector_load %arg15[%swap3A_1020, %swap3A_1021] {strides = array<i32>} : memref<128x128xf32, #tpu.memory_space<vmem>>, vector<16xf32>,
      tpu.vector_store %arg15[%swap3A_1020, %swap3A_1021], %mul3A_1019 {strides = array<i32>} : memref<128x128xf32, #tpu.memory_space<vmem>>, vector<16xf32>,
      %get3A_1023 = arith.index_cast %scan3A_970 : i32 to index
      %get3A_1024 = arith.constant 112 : index
      %get3A_1025 = tpu.vector_load %arg15[%get3A_1023, %get3A_1024] {strides = array<i32>} : memref<128x128xf32, #tpu.memory_space<vmem>>, vector<16xf32>,
      %mul3A_1026 = arith.mulf %get3A_1025, %gather3A : vector<16xf32>
      %swap3A_1027 = arith.index_cast %scan3A_970 : i32 to index
      %swap3A_1028 = arith.constant 112 : index
      %swap3A_1029 = tpu.vector_load %arg15[%swap3A_1027, %swap3A_1028] {strides = array<i32>} : memref<128x128xf32, #tpu.memory_space<vmem>>, vector<16xf32>,
      tpu.vector_store %arg15[%swap3A_1027, %swap3A_1028], %mul3A_1026 {strides = array<i32>} : memref<128x128xf32, #tpu.memory_space<vmem>>, vector<16xf32>,
    }
    %scan3A_229 = arith.constant 128 : i32
    %add3A_230 = arith.constant 768 : i32
    %add3A_231 = arith.addi %mul3A_2, %add3A_230 : i32
    %dma_start3A_232 = arith.constant 0 : i32
    %dma_start3A_233 = tpu.memref_slice %arg5[%add3A_231, %dma_start3A_232] : memref<131072x128xf32, #tpu.memory_space<hbm>> -> memref<128x128xf32, #tpu.memory_space<hbm>>
    %dma_start3A_234 = arith.constant 0 : i32
    %dma_start3A_235 = tpu.memref_slice %arg5[%add3A_231, %dma_start3A_234] : memref<131072x128xf32, #tpu.memory_space<hbm>> -> memref<128x128xf32, #tpu.memory_space<hbm>>
    tpu.enqueue_dma source(%arg15 : memref<128x128xf32, #tpu.memory_space<vmem>>) target(%dma_start3A_235 : memref<128x128xf32, #tpu.memory_space<hbm>>) target_semaphore(%arg29 : memref<!tpu.dma_semaphore, #tpu.memory_space<semaphore_mem>>)
    %dma_wait3A_236 = arith.constant 0 : i32
    %dma_wait3A_237 = tpu.memref_slice %arg5[%add3A_171, %dma_wait3A_236] : memref<131072x128xf32, #tpu.memory_space<hbm>> -> memref<128x128xf32, #tpu.memory_space<hbm>>
    %dma_wait3A_238 = arith.constant 0 : i32
    %dma_wait3A_239 = tpu.memref_slice %arg5[%add3A_171, %dma_wait3A_238] : memref<131072x128xf32, #tpu.memory_space<hbm>> -> memref<128x128xf32, #tpu.memory_space<hbm>>
    tpu.wait_dma2 semaphore(%arg27 : memref<!tpu.dma_semaphore, #tpu.memory_space<semaphore_mem>>) src(%arg13 : memref<128x128xf32, #tpu.memory_space<vmem>>) dst(%dma_wait3A_239 : memref<128x128xf32, #tpu.memory_space<hbm>>)
    %dma_start3A_240 = arith.constant 11 : i32
    %dma_start3A_241 = arith.constant 0 : i32
    %dma_start3A_242 = tpu.memref_slice %arg6[%dma_start3A_240, %dma_start3A_241] : memref<32x128xi32, #tpu.memory_space<vmem>> -> memref<1x128xi32, #tpu.memory_space<vmem>>
    %dma_start3A_243 = tpu.memref_squeeze %dma_start3A_242 : memref<1x128xi32, #tpu.memory_space<vmem>> -> memref<128xi32, #tpu.memory_space<vmem>>
    %dma_start3A_244 = arith.constant 0 : i32
    %dma_start3A_245 = arith.constant 0 : i32
    %dma_start3A_246 = tpu.memref_slice %arg4[%dma_start3A_244, %dma_start3A_245] : memref<100000x128xf32, #tpu.memory_space<hbm>> -> memref<100000x128xf32, #tpu.memory_space<hbm>>
    tpu.enqueue_indirect_dma source(%dma_start3A_246 : memref<100000x128xf32, #tpu.memory_space<hbm>>) target(%arg13 : memref<128x128xf32, #tpu.memory_space<vmem>>) offsets(%dma_start3A_243 : memref<128xi32, #tpu.memory_space<vmem>>) semaphore(%arg20 : memref<!tpu.dma_semaphore, #tpu.memory_space<semaphore_mem>>)
    %dma_wait3A_247 = arith.constant 7 : i32
    %dma_wait3A_248 = arith.constant 0 : i32
    %dma_wait3A_249 = tpu.memref_slice %arg6[%dma_wait3A_247, %dma_wait3A_248] : memref<32x128xi32, #tpu.memory_space<vmem>> -> memref<1x128xi32, #tpu.memory_space<vmem>>
    %dma_wait3A_250 = tpu.memref_squeeze %dma_wait3A_249 : memref<1x128xi32, #tpu.memory_space<vmem>> -> memref<128xi32, #tpu.memory_space<vmem>>
    %dma_wait3A_251 = arith.constant 0 : i32
    %dma_wait3A_252 = arith.constant 0 : i32
    %dma_wait3A_253 = tpu.memref_slice %arg4[%dma_wait3A_251, %dma_wait3A_252] : memref<100000x128xf32, #tpu.memory_space<hbm>> -> memref<100000x128xf32, #tpu.memory_space<hbm>>
    tpu.wait_indirect_dma semaphore(%arg16 : memref<!tpu.dma_semaphore, #tpu.memory_space<semaphore_mem>>) src(%dma_wait3A_253 : memref<100000x128xf32, #tpu.memory_space<hbm>>) dst(%arg9 : memref<128x128xf32, #tpu.memory_space<vmem>>)
    %scan3A_254 = arith.constant 0 : i32
    %scan3A_255 = arith.constant 0 : i32
    %scan3A_256 = arith.constant 128 : i32
    %scan3A_257 = arith.addi %scan3A_255, %scan3A_256 : i32
    %scan3A_258 = arith.constant 1 : i32
    scf.for %scan3A_970 = %scan3A_255 to %scan3A_257 step %scan3A_258  : i32 {
      %broadcast_in_dim3A = arith.constant 0 : i32
      %broadcast_in_dim3A_971 = vector.broadcast %broadcast_in_dim3A : i32 to vector<16xi32>
      %add3A_972 = arith.constant 896 : i32
      %add3A_973 = arith.addi %add3A_972, %scan3A_970 : i32
      %add3A_974 = vector.broadcast %add3A_973 : i32 to vector<16xi32>
      %add3A_975 = arith.addi %broadcast_in_dim3A_971, %add3A_974 : vector<16xi32>
      %gather3A = tpu.vector_load_idx %arg8[%add3A_975] : memref<4096xf32, #tpu.memory_space<vmem>>[vector<16xi32>], vector<16xf32>,
      %get3A = arith.index_cast %scan3A_970 : i32 to index
      %get3A_976 = arith.constant 0 : index
      %get3A_977 = tpu.vector_load %arg9[%get3A, %get3A_976] {strides = array<i32>} : memref<128x128xf32, #tpu.memory_space<vmem>>, vector<16xf32>,
      %mul3A_978 = arith.mulf %get3A_977, %gather3A : vector<16xf32>
      %swap3A = arith.index_cast %scan3A_970 : i32 to index
      %swap3A_979 = arith.constant 0 : index
      %swap3A_980 = tpu.vector_load %arg9[%swap3A, %swap3A_979] {strides = array<i32>} : memref<128x128xf32, #tpu.memory_space<vmem>>, vector<16xf32>,
      tpu.vector_store %arg9[%swap3A, %swap3A_979], %mul3A_978 {strides = array<i32>} : memref<128x128xf32, #tpu.memory_space<vmem>>, vector<16xf32>,
      %get3A_981 = arith.index_cast %scan3A_970 : i32 to index
      %get3A_982 = arith.constant 16 : index
      %get3A_983 = tpu.vector_load %arg9[%get3A_981, %get3A_982] {strides = array<i32>} : memref<128x128xf32, #tpu.memory_space<vmem>>, vector<16xf32>,
      %mul3A_984 = arith.mulf %get3A_983, %gather3A : vector<16xf32>
      %swap3A_985 = arith.index_cast %scan3A_970 : i32 to index
      %swap3A_986 = arith.constant 16 : index
      %swap3A_987 = tpu.vector_load %arg9[%swap3A_985, %swap3A_986] {strides = array<i32>} : memref<128x128xf32, #tpu.memory_space<vmem>>, vector<16xf32>,
      tpu.vector_store %arg9[%swap3A_985, %swap3A_986], %mul3A_984 {strides = array<i32>} : memref<128x128xf32, #tpu.memory_space<vmem>>, vector<16xf32>,
      %get3A_988 = arith.index_cast %scan3A_970 : i32 to index
      %get3A_989 = arith.constant 32 : index
      %get3A_990 = tpu.vector_load %arg9[%get3A_988, %get3A_989] {strides = array<i32>} : memref<128x128xf32, #tpu.memory_space<vmem>>, vector<16xf32>,
      %mul3A_991 = arith.mulf %get3A_990, %gather3A : vector<16xf32>
      %swap3A_992 = arith.index_cast %scan3A_970 : i32 to index
      %swap3A_993 = arith.constant 32 : index
      %swap3A_994 = tpu.vector_load %arg9[%swap3A_992, %swap3A_993] {strides = array<i32>} : memref<128x128xf32, #tpu.memory_space<vmem>>, vector<16xf32>,
      tpu.vector_store %arg9[%swap3A_992, %swap3A_993], %mul3A_991 {strides = array<i32>} : memref<128x128xf32, #tpu.memory_space<vmem>>, vector<16xf32>,
      %get3A_995 = arith.index_cast %scan3A_970 : i32 to index
      %get3A_996 = arith.constant 48 : index
      %get3A_997 = tpu.vector_load %arg9[%get3A_995, %get3A_996] {strides = array<i32>} : memref<128x128xf32, #tpu.memory_space<vmem>>, vector<16xf32>,
      %mul3A_998 = arith.mulf %get3A_997, %gather3A : vector<16xf32>
      %swap3A_999 = arith.index_cast %scan3A_970 : i32 to index
      %swap3A_1000 = arith.constant 48 : index
      %swap3A_1001 = tpu.vector_load %arg9[%swap3A_999, %swap3A_1000] {strides = array<i32>} : memref<128x128xf32, #tpu.memory_space<vmem>>, vector<16xf32>,
      tpu.vector_store %arg9[%swap3A_999, %swap3A_1000], %mul3A_998 {strides = array<i32>} : memref<128x128xf32, #tpu.memory_space<vmem>>, vector<16xf32>,
      %get3A_1002 = arith.index_cast %scan3A_970 : i32 to index
      %get3A_1003 = arith.constant 64 : index
      %get3A_1004 = tpu.vector_load %arg9[%get3A_1002, %get3A_1003] {strides = array<i32>} : memref<128x128xf32, #tpu.memory_space<vmem>>, vector<16xf32>,
      %mul3A_1005 = arith.mulf %get3A_1004, %gather3A : vector<16xf32>
      %swap3A_1006 = arith.index_cast %scan3A_970 : i32 to index
      %swap3A_1007 = arith.constant 64 : index
      %swap3A_1008 = tpu.vector_load %arg9[%swap3A_1006, %swap3A_1007] {strides = array<i32>} : memref<128x128xf32, #tpu.memory_space<vmem>>, vector<16xf32>,
      tpu.vector_store %arg9[%swap3A_1006, %swap3A_1007], %mul3A_1005 {strides = array<i32>} : memref<128x128xf32, #tpu.memory_space<vmem>>, vector<16xf32>,
      %get3A_1009 = arith.index_cast %scan3A_970 : i32 to index
      %get3A_1010 = arith.constant 80 : index
      %get3A_1011 = tpu.vector_load %arg9[%get3A_1009, %get3A_1010] {strides = array<i32>} : memref<128x128xf32, #tpu.memory_space<vmem>>, vector<16xf32>,
      %mul3A_1012 = arith.mulf %get3A_1011, %gather3A : vector<16xf32>
      %swap3A_1013 = arith.index_cast %scan3A_970 : i32 to index
      %swap3A_1014 = arith.constant 80 : index
      %swap3A_1015 = tpu.vector_load %arg9[%swap3A_1013, %swap3A_1014] {strides = array<i32>} : memref<128x128xf32, #tpu.memory_space<vmem>>, vector<16xf32>,
      tpu.vector_store %arg9[%swap3A_1013, %swap3A_1014], %mul3A_1012 {strides = array<i32>} : memref<128x128xf32, #tpu.memory_space<vmem>>, vector<16xf32>,
      %get3A_1016 = arith.index_cast %scan3A_970 : i32 to index
      %get3A_1017 = arith.constant 96 : index
      %get3A_1018 = tpu.vector_load %arg9[%get3A_1016, %get3A_1017] {strides = array<i32>} : memref<128x128xf32, #tpu.memory_space<vmem>>, vector<16xf32>,
      %mul3A_1019 = arith.mulf %get3A_1018, %gather3A : vector<16xf32>
      %swap3A_1020 = arith.index_cast %scan3A_970 : i32 to index
      %swap3A_1021 = arith.constant 96 : index
      %swap3A_1022 = tpu.vector_load %arg9[%swap3A_1020, %swap3A_1021] {strides = array<i32>} : memref<128x128xf32, #tpu.memory_space<vmem>>, vector<16xf32>,
      tpu.vector_store %arg9[%swap3A_1020, %swap3A_1021], %mul3A_1019 {strides = array<i32>} : memref<128x128xf32, #tpu.memory_space<vmem>>, vector<16xf32>,
      %get3A_1023 = arith.index_cast %scan3A_970 : i32 to index
      %get3A_1024 = arith.constant 112 : index
      %get3A_1025 = tpu.vector_load %arg9[%get3A_1023, %get3A_1024] {strides = array<i32>} : memref<128x128xf32, #tpu.memory_space<vmem>>, vector<16xf32>,
      %mul3A_1026 = arith.mulf %get3A_1025, %gather3A : vector<16xf32>
      %swap3A_1027 = arith.index_cast %scan3A_970 : i32 to index
      %swap3A_1028 = arith.constant 112 : index
      %swap3A_1029 = tpu.vector_load %arg9[%swap3A_1027, %swap3A_1028] {strides = array<i32>} : memref<128x128xf32, #tpu.memory_space<vmem>>, vector<16xf32>,
      tpu.vector_store %arg9[%swap3A_1027, %swap3A_1028], %mul3A_1026 {strides = array<i32>} : memref<128x128xf32, #tpu.memory_space<vmem>>, vector<16xf32>,
    }
    %scan3A_259 = arith.constant 128 : i32
    %add3A_260 = arith.constant 896 : i32
    %add3A_261 = arith.addi %mul3A_2, %add3A_260 : i32
    %dma_start3A_262 = arith.constant 0 : i32
    %dma_start3A_263 = tpu.memref_slice %arg5[%add3A_261, %dma_start3A_262] : memref<131072x128xf32, #tpu.memory_space<hbm>> -> memref<128x128xf32, #tpu.memory_space<hbm>>
    %dma_start3A_264 = arith.constant 0 : i32
    %dma_start3A_265 = tpu.memref_slice %arg5[%add3A_261, %dma_start3A_264] : memref<131072x128xf32, #tpu.memory_space<hbm>> -> memref<128x128xf32, #tpu.memory_space<hbm>>
    tpu.enqueue_dma source(%arg9 : memref<128x128xf32, #tpu.memory_space<vmem>>) target(%dma_start3A_265 : memref<128x128xf32, #tpu.memory_space<hbm>>) target_semaphore(%arg23 : memref<!tpu.dma_semaphore, #tpu.memory_space<semaphore_mem>>)
    %dma_wait3A_266 = arith.constant 0 : i32
    %dma_wait3A_267 = tpu.memref_slice %arg5[%add3A_201, %dma_wait3A_266] : memref<131072x128xf32, #tpu.memory_space<hbm>> -> memref<128x128xf32, #tpu.memory_space<hbm>>
    %dma_wait3A_268 = arith.constant 0 : i32
    %dma_wait3A_269 = tpu.memref_slice %arg5[%add3A_201, %dma_wait3A_268] : memref<131072x128xf32, #tpu.memory_space<hbm>> -> memref<128x128xf32, #tpu.memory_space<hbm>>
    tpu.wait_dma2 semaphore(%arg28 : memref<!tpu.dma_semaphore, #tpu.memory_space<semaphore_mem>>) src(%arg14 : memref<128x128xf32, #tpu.memory_space<vmem>>) dst(%dma_wait3A_269 : memref<128x128xf32, #tpu.memory_space<hbm>>)
    %dma_start3A_270 = arith.constant 12 : i32
    %dma_start3A_271 = arith.constant 0 : i32
    %dma_start3A_272 = tpu.memref_slice %arg6[%dma_start3A_270, %dma_start3A_271] : memref<32x128xi32, #tpu.memory_space<vmem>> -> memref<1x128xi32, #tpu.memory_space<vmem>>
    %dma_start3A_273 = tpu.memref_squeeze %dma_start3A_272 : memref<1x128xi32, #tpu.memory_space<vmem>> -> memref<128xi32, #tpu.memory_space<vmem>>
    %dma_start3A_274 = arith.constant 0 : i32
    %dma_start3A_275 = arith.constant 0 : i32
    %dma_start3A_276 = tpu.memref_slice %arg4[%dma_start3A_274, %dma_start3A_275] : memref<100000x128xf32, #tpu.memory_space<hbm>> -> memref<100000x128xf32, #tpu.memory_space<hbm>>
    tpu.enqueue_indirect_dma source(%dma_start3A_276 : memref<100000x128xf32, #tpu.memory_space<hbm>>) target(%arg14 : memref<128x128xf32, #tpu.memory_space<vmem>>) offsets(%dma_start3A_273 : memref<128xi32, #tpu.memory_space<vmem>>) semaphore(%arg21 : memref<!tpu.dma_semaphore, #tpu.memory_space<semaphore_mem>>)
    %dma_wait3A_277 = arith.constant 8 : i32
    %dma_wait3A_278 = arith.constant 0 : i32
    %dma_wait3A_279 = tpu.memref_slice %arg6[%dma_wait3A_277, %dma_wait3A_278] : memref<32x128xi32, #tpu.memory_space<vmem>> -> memref<1x128xi32, #tpu.memory_space<vmem>>
    %dma_wait3A_280 = tpu.memref_squeeze %dma_wait3A_279 : memref<1x128xi32, #tpu.memory_space<vmem>> -> memref<128xi32, #tpu.memory_space<vmem>>
    %dma_wait3A_281 = arith.constant 0 : i32
    %dma_wait3A_282 = arith.constant 0 : i32
    %dma_wait3A_283 = tpu.memref_slice %arg4[%dma_wait3A_281, %dma_wait3A_282] : memref<100000x128xf32, #tpu.memory_space<hbm>> -> memref<100000x128xf32, #tpu.memory_space<hbm>>
    tpu.wait_indirect_dma semaphore(%arg17 : memref<!tpu.dma_semaphore, #tpu.memory_space<semaphore_mem>>) src(%dma_wait3A_283 : memref<100000x128xf32, #tpu.memory_space<hbm>>) dst(%arg10 : memref<128x128xf32, #tpu.memory_space<vmem>>)
    %scan3A_284 = arith.constant 0 : i32
    %scan3A_285 = arith.constant 0 : i32
    %scan3A_286 = arith.constant 128 : i32
    %scan3A_287 = arith.addi %scan3A_285, %scan3A_286 : i32
    %scan3A_288 = arith.constant 1 : i32
    scf.for %scan3A_970 = %scan3A_285 to %scan3A_287 step %scan3A_288  : i32 {
      %broadcast_in_dim3A = arith.constant 0 : i32
      %broadcast_in_dim3A_971 = vector.broadcast %broadcast_in_dim3A : i32 to vector<16xi32>
      %add3A_972 = arith.constant 1024 : i32
      %add3A_973 = arith.addi %add3A_972, %scan3A_970 : i32
      %add3A_974 = vector.broadcast %add3A_973 : i32 to vector<16xi32>
      %add3A_975 = arith.addi %broadcast_in_dim3A_971, %add3A_974 : vector<16xi32>
      %gather3A = tpu.vector_load_idx %arg8[%add3A_975] : memref<4096xf32, #tpu.memory_space<vmem>>[vector<16xi32>], vector<16xf32>,
      %get3A = arith.index_cast %scan3A_970 : i32 to index
      %get3A_976 = arith.constant 0 : index
      %get3A_977 = tpu.vector_load %arg10[%get3A, %get3A_976] {strides = array<i32>} : memref<128x128xf32, #tpu.memory_space<vmem>>, vector<16xf32>,
      %mul3A_978 = arith.mulf %get3A_977, %gather3A : vector<16xf32>
      %swap3A = arith.index_cast %scan3A_970 : i32 to index
      %swap3A_979 = arith.constant 0 : index
      %swap3A_980 = tpu.vector_load %arg10[%swap3A, %swap3A_979] {strides = array<i32>} : memref<128x128xf32, #tpu.memory_space<vmem>>, vector<16xf32>,
      tpu.vector_store %arg10[%swap3A, %swap3A_979], %mul3A_978 {strides = array<i32>} : memref<128x128xf32, #tpu.memory_space<vmem>>, vector<16xf32>,
      %get3A_981 = arith.index_cast %scan3A_970 : i32 to index
      %get3A_982 = arith.constant 16 : index
      %get3A_983 = tpu.vector_load %arg10[%get3A_981, %get3A_982] {strides = array<i32>} : memref<128x128xf32, #tpu.memory_space<vmem>>, vector<16xf32>,
      %mul3A_984 = arith.mulf %get3A_983, %gather3A : vector<16xf32>
      %swap3A_985 = arith.index_cast %scan3A_970 : i32 to index
      %swap3A_986 = arith.constant 16 : index
      %swap3A_987 = tpu.vector_load %arg10[%swap3A_985, %swap3A_986] {strides = array<i32>} : memref<128x128xf32, #tpu.memory_space<vmem>>, vector<16xf32>,
      tpu.vector_store %arg10[%swap3A_985, %swap3A_986], %mul3A_984 {strides = array<i32>} : memref<128x128xf32, #tpu.memory_space<vmem>>, vector<16xf32>,
      %get3A_988 = arith.index_cast %scan3A_970 : i32 to index
      %get3A_989 = arith.constant 32 : index
      %get3A_990 = tpu.vector_load %arg10[%get3A_988, %get3A_989] {strides = array<i32>} : memref<128x128xf32, #tpu.memory_space<vmem>>, vector<16xf32>,
      %mul3A_991 = arith.mulf %get3A_990, %gather3A : vector<16xf32>
      %swap3A_992 = arith.index_cast %scan3A_970 : i32 to index
      %swap3A_993 = arith.constant 32 : index
      %swap3A_994 = tpu.vector_load %arg10[%swap3A_992, %swap3A_993] {strides = array<i32>} : memref<128x128xf32, #tpu.memory_space<vmem>>, vector<16xf32>,
      tpu.vector_store %arg10[%swap3A_992, %swap3A_993], %mul3A_991 {strides = array<i32>} : memref<128x128xf32, #tpu.memory_space<vmem>>, vector<16xf32>,
      %get3A_995 = arith.index_cast %scan3A_970 : i32 to index
      %get3A_996 = arith.constant 48 : index
      %get3A_997 = tpu.vector_load %arg10[%get3A_995, %get3A_996] {strides = array<i32>} : memref<128x128xf32, #tpu.memory_space<vmem>>, vector<16xf32>,
      %mul3A_998 = arith.mulf %get3A_997, %gather3A : vector<16xf32>
      %swap3A_999 = arith.index_cast %scan3A_970 : i32 to index
      %swap3A_1000 = arith.constant 48 : index
      %swap3A_1001 = tpu.vector_load %arg10[%swap3A_999, %swap3A_1000] {strides = array<i32>} : memref<128x128xf32, #tpu.memory_space<vmem>>, vector<16xf32>,
      tpu.vector_store %arg10[%swap3A_999, %swap3A_1000], %mul3A_998 {strides = array<i32>} : memref<128x128xf32, #tpu.memory_space<vmem>>, vector<16xf32>,
      %get3A_1002 = arith.index_cast %scan3A_970 : i32 to index
      %get3A_1003 = arith.constant 64 : index
      %get3A_1004 = tpu.vector_load %arg10[%get3A_1002, %get3A_1003] {strides = array<i32>} : memref<128x128xf32, #tpu.memory_space<vmem>>, vector<16xf32>,
      %mul3A_1005 = arith.mulf %get3A_1004, %gather3A : vector<16xf32>
      %swap3A_1006 = arith.index_cast %scan3A_970 : i32 to index
      %swap3A_1007 = arith.constant 64 : index
      %swap3A_1008 = tpu.vector_load %arg10[%swap3A_1006, %swap3A_1007] {strides = array<i32>} : memref<128x128xf32, #tpu.memory_space<vmem>>, vector<16xf32>,
      tpu.vector_store %arg10[%swap3A_1006, %swap3A_1007], %mul3A_1005 {strides = array<i32>} : memref<128x128xf32, #tpu.memory_space<vmem>>, vector<16xf32>,
      %get3A_1009 = arith.index_cast %scan3A_970 : i32 to index
      %get3A_1010 = arith.constant 80 : index
      %get3A_1011 = tpu.vector_load %arg10[%get3A_1009, %get3A_1010] {strides = array<i32>} : memref<128x128xf32, #tpu.memory_space<vmem>>, vector<16xf32>,
      %mul3A_1012 = arith.mulf %get3A_1011, %gather3A : vector<16xf32>
      %swap3A_1013 = arith.index_cast %scan3A_970 : i32 to index
      %swap3A_1014 = arith.constant 80 : index
      %swap3A_1015 = tpu.vector_load %arg10[%swap3A_1013, %swap3A_1014] {strides = array<i32>} : memref<128x128xf32, #tpu.memory_space<vmem>>, vector<16xf32>,
      tpu.vector_store %arg10[%swap3A_1013, %swap3A_1014], %mul3A_1012 {strides = array<i32>} : memref<128x128xf32, #tpu.memory_space<vmem>>, vector<16xf32>,
      %get3A_1016 = arith.index_cast %scan3A_970 : i32 to index
      %get3A_1017 = arith.constant 96 : index
      %get3A_1018 = tpu.vector_load %arg10[%get3A_1016, %get3A_1017] {strides = array<i32>} : memref<128x128xf32, #tpu.memory_space<vmem>>, vector<16xf32>,
      %mul3A_1019 = arith.mulf %get3A_1018, %gather3A : vector<16xf32>
      %swap3A_1020 = arith.index_cast %scan3A_970 : i32 to index
      %swap3A_1021 = arith.constant 96 : index
      %swap3A_1022 = tpu.vector_load %arg10[%swap3A_1020, %swap3A_1021] {strides = array<i32>} : memref<128x128xf32, #tpu.memory_space<vmem>>, vector<16xf32>,
      tpu.vector_store %arg10[%swap3A_1020, %swap3A_1021], %mul3A_1019 {strides = array<i32>} : memref<128x128xf32, #tpu.memory_space<vmem>>, vector<16xf32>,
      %get3A_1023 = arith.index_cast %scan3A_970 : i32 to index
      %get3A_1024 = arith.constant 112 : index
      %get3A_1025 = tpu.vector_load %arg10[%get3A_1023, %get3A_1024] {strides = array<i32>} : memref<128x128xf32, #tpu.memory_space<vmem>>, vector<16xf32>,
      %mul3A_1026 = arith.mulf %get3A_1025, %gather3A : vector<16xf32>
      %swap3A_1027 = arith.index_cast %scan3A_970 : i32 to index
      %swap3A_1028 = arith.constant 112 : index
      %swap3A_1029 = tpu.vector_load %arg10[%swap3A_1027, %swap3A_1028] {strides = array<i32>} : memref<128x128xf32, #tpu.memory_space<vmem>>, vector<16xf32>,
      tpu.vector_store %arg10[%swap3A_1027, %swap3A_1028], %mul3A_1026 {strides = array<i32>} : memref<128x128xf32, #tpu.memory_space<vmem>>, vector<16xf32>,
    }
    %scan3A_289 = arith.constant 128 : i32
    %add3A_290 = arith.constant 1024 : i32
    %add3A_291 = arith.addi %mul3A_2, %add3A_290 : i32
    %dma_start3A_292 = arith.constant 0 : i32
    %dma_start3A_293 = tpu.memref_slice %arg5[%add3A_291, %dma_start3A_292] : memref<131072x128xf32, #tpu.memory_space<hbm>> -> memref<128x128xf32, #tpu.memory_space<hbm>>
    %dma_start3A_294 = arith.constant 0 : i32
    %dma_start3A_295 = tpu.memref_slice %arg5[%add3A_291, %dma_start3A_294] : memref<131072x128xf32, #tpu.memory_space<hbm>> -> memref<128x128xf32, #tpu.memory_space<hbm>>
    tpu.enqueue_dma source(%arg10 : memref<128x128xf32, #tpu.memory_space<vmem>>) target(%dma_start3A_295 : memref<128x128xf32, #tpu.memory_space<hbm>>) target_semaphore(%arg24 : memref<!tpu.dma_semaphore, #tpu.memory_space<semaphore_mem>>)
    %dma_wait3A_296 = arith.constant 0 : i32
    %dma_wait3A_297 = tpu.memref_slice %arg5[%add3A_231, %dma_wait3A_296] : memref<131072x128xf32, #tpu.memory_space<hbm>> -> memref<128x128xf32, #tpu.memory_space<hbm>>
    %dma_wait3A_298 = arith.constant 0 : i32
    %dma_wait3A_299 = tpu.memref_slice %arg5[%add3A_231, %dma_wait3A_298] : memref<131072x128xf32, #tpu.memory_space<hbm>> -> memref<128x128xf32, #tpu.memory_space<hbm>>
    tpu.wait_dma2 semaphore(%arg29 : memref<!tpu.dma_semaphore, #tpu.memory_space<semaphore_mem>>) src(%arg15 : memref<128x128xf32, #tpu.memory_space<vmem>>) dst(%dma_wait3A_299 : memref<128x128xf32, #tpu.memory_space<hbm>>)
    %dma_start3A_300 = arith.constant 13 : i32
    %dma_start3A_301 = arith.constant 0 : i32
    %dma_start3A_302 = tpu.memref_slice %arg6[%dma_start3A_300, %dma_start3A_301] : memref<32x128xi32, #tpu.memory_space<vmem>> -> memref<1x128xi32, #tpu.memory_space<vmem>>
    %dma_start3A_303 = tpu.memref_squeeze %dma_start3A_302 : memref<1x128xi32, #tpu.memory_space<vmem>> -> memref<128xi32, #tpu.memory_space<vmem>>
    %dma_start3A_304 = arith.constant 0 : i32
    %dma_start3A_305 = arith.constant 0 : i32
    %dma_start3A_306 = tpu.memref_slice %arg4[%dma_start3A_304, %dma_start3A_305] : memref<100000x128xf32, #tpu.memory_space<hbm>> -> memref<100000x128xf32, #tpu.memory_space<hbm>>
    tpu.enqueue_indirect_dma source(%dma_start3A_306 : memref<100000x128xf32, #tpu.memory_space<hbm>>) target(%arg15 : memref<128x128xf32, #tpu.memory_space<vmem>>) offsets(%dma_start3A_303 : memref<128xi32, #tpu.memory_space<vmem>>) semaphore(%arg22 : memref<!tpu.dma_semaphore, #tpu.memory_space<semaphore_mem>>)
    %dma_wait3A_307 = arith.constant 9 : i32
    %dma_wait3A_308 = arith.constant 0 : i32
    %dma_wait3A_309 = tpu.memref_slice %arg6[%dma_wait3A_307, %dma_wait3A_308] : memref<32x128xi32, #tpu.memory_space<vmem>> -> memref<1x128xi32, #tpu.memory_space<vmem>>
    %dma_wait3A_310 = tpu.memref_squeeze %dma_wait3A_309 : memref<1x128xi32, #tpu.memory_space<vmem>> -> memref<128xi32, #tpu.memory_space<vmem>>
    %dma_wait3A_311 = arith.constant 0 : i32
    %dma_wait3A_312 = arith.constant 0 : i32
    %dma_wait3A_313 = tpu.memref_slice %arg4[%dma_wait3A_311, %dma_wait3A_312] : memref<100000x128xf32, #tpu.memory_space<hbm>> -> memref<100000x128xf32, #tpu.memory_space<hbm>>
    tpu.wait_indirect_dma semaphore(%arg18 : memref<!tpu.dma_semaphore, #tpu.memory_space<semaphore_mem>>) src(%dma_wait3A_313 : memref<100000x128xf32, #tpu.memory_space<hbm>>) dst(%arg11 : memref<128x128xf32, #tpu.memory_space<vmem>>)
    %scan3A_314 = arith.constant 0 : i32
    %scan3A_315 = arith.constant 0 : i32
    %scan3A_316 = arith.constant 128 : i32
    %scan3A_317 = arith.addi %scan3A_315, %scan3A_316 : i32
    %scan3A_318 = arith.constant 1 : i32
    scf.for %scan3A_970 = %scan3A_315 to %scan3A_317 step %scan3A_318  : i32 {
      %broadcast_in_dim3A = arith.constant 0 : i32
      %broadcast_in_dim3A_971 = vector.broadcast %broadcast_in_dim3A : i32 to vector<16xi32>
      %add3A_972 = arith.constant 1152 : i32
      %add3A_973 = arith.addi %add3A_972, %scan3A_970 : i32
      %add3A_974 = vector.broadcast %add3A_973 : i32 to vector<16xi32>
      %add3A_975 = arith.addi %broadcast_in_dim3A_971, %add3A_974 : vector<16xi32>
      %gather3A = tpu.vector_load_idx %arg8[%add3A_975] : memref<4096xf32, #tpu.memory_space<vmem>>[vector<16xi32>], vector<16xf32>,
      %get3A = arith.index_cast %scan3A_970 : i32 to index
      %get3A_976 = arith.constant 0 : index
      %get3A_977 = tpu.vector_load %arg11[%get3A, %get3A_976] {strides = array<i32>} : memref<128x128xf32, #tpu.memory_space<vmem>>, vector<16xf32>,
      %mul3A_978 = arith.mulf %get3A_977, %gather3A : vector<16xf32>
      %swap3A = arith.index_cast %scan3A_970 : i32 to index
      %swap3A_979 = arith.constant 0 : index
      %swap3A_980 = tpu.vector_load %arg11[%swap3A, %swap3A_979] {strides = array<i32>} : memref<128x128xf32, #tpu.memory_space<vmem>>, vector<16xf32>,
      tpu.vector_store %arg11[%swap3A, %swap3A_979], %mul3A_978 {strides = array<i32>} : memref<128x128xf32, #tpu.memory_space<vmem>>, vector<16xf32>,
      %get3A_981 = arith.index_cast %scan3A_970 : i32 to index
      %get3A_982 = arith.constant 16 : index
      %get3A_983 = tpu.vector_load %arg11[%get3A_981, %get3A_982] {strides = array<i32>} : memref<128x128xf32, #tpu.memory_space<vmem>>, vector<16xf32>,
      %mul3A_984 = arith.mulf %get3A_983, %gather3A : vector<16xf32>
      %swap3A_985 = arith.index_cast %scan3A_970 : i32 to index
      %swap3A_986 = arith.constant 16 : index
      %swap3A_987 = tpu.vector_load %arg11[%swap3A_985, %swap3A_986] {strides = array<i32>} : memref<128x128xf32, #tpu.memory_space<vmem>>, vector<16xf32>,
      tpu.vector_store %arg11[%swap3A_985, %swap3A_986], %mul3A_984 {strides = array<i32>} : memref<128x128xf32, #tpu.memory_space<vmem>>, vector<16xf32>,
      %get3A_988 = arith.index_cast %scan3A_970 : i32 to index
      %get3A_989 = arith.constant 32 : index
      %get3A_990 = tpu.vector_load %arg11[%get3A_988, %get3A_989] {strides = array<i32>} : memref<128x128xf32, #tpu.memory_space<vmem>>, vector<16xf32>,
      %mul3A_991 = arith.mulf %get3A_990, %gather3A : vector<16xf32>
      %swap3A_992 = arith.index_cast %scan3A_970 : i32 to index
      %swap3A_993 = arith.constant 32 : index
      %swap3A_994 = tpu.vector_load %arg11[%swap3A_992, %swap3A_993] {strides = array<i32>} : memref<128x128xf32, #tpu.memory_space<vmem>>, vector<16xf32>,
      tpu.vector_store %arg11[%swap3A_992, %swap3A_993], %mul3A_991 {strides = array<i32>} : memref<128x128xf32, #tpu.memory_space<vmem>>, vector<16xf32>,
      %get3A_995 = arith.index_cast %scan3A_970 : i32 to index
      %get3A_996 = arith.constant 48 : index
      %get3A_997 = tpu.vector_load %arg11[%get3A_995, %get3A_996] {strides = array<i32>} : memref<128x128xf32, #tpu.memory_space<vmem>>, vector<16xf32>,
      %mul3A_998 = arith.mulf %get3A_997, %gather3A : vector<16xf32>
      %swap3A_999 = arith.index_cast %scan3A_970 : i32 to index
      %swap3A_1000 = arith.constant 48 : index
      %swap3A_1001 = tpu.vector_load %arg11[%swap3A_999, %swap3A_1000] {strides = array<i32>} : memref<128x128xf32, #tpu.memory_space<vmem>>, vector<16xf32>,
      tpu.vector_store %arg11[%swap3A_999, %swap3A_1000], %mul3A_998 {strides = array<i32>} : memref<128x128xf32, #tpu.memory_space<vmem>>, vector<16xf32>,
      %get3A_1002 = arith.index_cast %scan3A_970 : i32 to index
      %get3A_1003 = arith.constant 64 : index
      %get3A_1004 = tpu.vector_load %arg11[%get3A_1002, %get3A_1003] {strides = array<i32>} : memref<128x128xf32, #tpu.memory_space<vmem>>, vector<16xf32>,
      %mul3A_1005 = arith.mulf %get3A_1004, %gather3A : vector<16xf32>
      %swap3A_1006 = arith.index_cast %scan3A_970 : i32 to index
      %swap3A_1007 = arith.constant 64 : index
      %swap3A_1008 = tpu.vector_load %arg11[%swap3A_1006, %swap3A_1007] {strides = array<i32>} : memref<128x128xf32, #tpu.memory_space<vmem>>, vector<16xf32>,
      tpu.vector_store %arg11[%swap3A_1006, %swap3A_1007], %mul3A_1005 {strides = array<i32>} : memref<128x128xf32, #tpu.memory_space<vmem>>, vector<16xf32>,
      %get3A_1009 = arith.index_cast %scan3A_970 : i32 to index
      %get3A_1010 = arith.constant 80 : index
      %get3A_1011 = tpu.vector_load %arg11[%get3A_1009, %get3A_1010] {strides = array<i32>} : memref<128x128xf32, #tpu.memory_space<vmem>>, vector<16xf32>,
      %mul3A_1012 = arith.mulf %get3A_1011, %gather3A : vector<16xf32>
      %swap3A_1013 = arith.index_cast %scan3A_970 : i32 to index
      %swap3A_1014 = arith.constant 80 : index
      %swap3A_1015 = tpu.vector_load %arg11[%swap3A_1013, %swap3A_1014] {strides = array<i32>} : memref<128x128xf32, #tpu.memory_space<vmem>>, vector<16xf32>,
      tpu.vector_store %arg11[%swap3A_1013, %swap3A_1014], %mul3A_1012 {strides = array<i32>} : memref<128x128xf32, #tpu.memory_space<vmem>>, vector<16xf32>,
      %get3A_1016 = arith.index_cast %scan3A_970 : i32 to index
      %get3A_1017 = arith.constant 96 : index
      %get3A_1018 = tpu.vector_load %arg11[%get3A_1016, %get3A_1017] {strides = array<i32>} : memref<128x128xf32, #tpu.memory_space<vmem>>, vector<16xf32>,
      %mul3A_1019 = arith.mulf %get3A_1018, %gather3A : vector<16xf32>
      %swap3A_1020 = arith.index_cast %scan3A_970 : i32 to index
      %swap3A_1021 = arith.constant 96 : index
      %swap3A_1022 = tpu.vector_load %arg11[%swap3A_1020, %swap3A_1021] {strides = array<i32>} : memref<128x128xf32, #tpu.memory_space<vmem>>, vector<16xf32>,
      tpu.vector_store %arg11[%swap3A_1020, %swap3A_1021], %mul3A_1019 {strides = array<i32>} : memref<128x128xf32, #tpu.memory_space<vmem>>, vector<16xf32>,
      %get3A_1023 = arith.index_cast %scan3A_970 : i32 to index
      %get3A_1024 = arith.constant 112 : index
      %get3A_1025 = tpu.vector_load %arg11[%get3A_1023, %get3A_1024] {strides = array<i32>} : memref<128x128xf32, #tpu.memory_space<vmem>>, vector<16xf32>,
      %mul3A_1026 = arith.mulf %get3A_1025, %gather3A : vector<16xf32>
      %swap3A_1027 = arith.index_cast %scan3A_970 : i32 to index
      %swap3A_1028 = arith.constant 112 : index
      %swap3A_1029 = tpu.vector_load %arg11[%swap3A_1027, %swap3A_1028] {strides = array<i32>} : memref<128x128xf32, #tpu.memory_space<vmem>>, vector<16xf32>,
      tpu.vector_store %arg11[%swap3A_1027, %swap3A_1028], %mul3A_1026 {strides = array<i32>} : memref<128x128xf32, #tpu.memory_space<vmem>>, vector<16xf32>,
    }
    %scan3A_319 = arith.constant 128 : i32
    %add3A_320 = arith.constant 1152 : i32
    %add3A_321 = arith.addi %mul3A_2, %add3A_320 : i32
    %dma_start3A_322 = arith.constant 0 : i32
    %dma_start3A_323 = tpu.memref_slice %arg5[%add3A_321, %dma_start3A_322] : memref<131072x128xf32, #tpu.memory_space<hbm>> -> memref<128x128xf32, #tpu.memory_space<hbm>>
    %dma_start3A_324 = arith.constant 0 : i32
    %dma_start3A_325 = tpu.memref_slice %arg5[%add3A_321, %dma_start3A_324] : memref<131072x128xf32, #tpu.memory_space<hbm>> -> memref<128x128xf32, #tpu.memory_space<hbm>>
    tpu.enqueue_dma source(%arg11 : memref<128x128xf32, #tpu.memory_space<vmem>>) target(%dma_start3A_325 : memref<128x128xf32, #tpu.memory_space<hbm>>) target_semaphore(%arg25 : memref<!tpu.dma_semaphore, #tpu.memory_space<semaphore_mem>>)
    %dma_wait3A_326 = arith.constant 0 : i32
    %dma_wait3A_327 = tpu.memref_slice %arg5[%add3A_261, %dma_wait3A_326] : memref<131072x128xf32, #tpu.memory_space<hbm>> -> memref<128x128xf32, #tpu.memory_space<hbm>>
    %dma_wait3A_328 = arith.constant 0 : i32
    %dma_wait3A_329 = tpu.memref_slice %arg5[%add3A_261, %dma_wait3A_328] : memref<131072x128xf32, #tpu.memory_space<hbm>> -> memref<128x128xf32, #tpu.memory_space<hbm>>
    tpu.wait_dma2 semaphore(%arg23 : memref<!tpu.dma_semaphore, #tpu.memory_space<semaphore_mem>>) src(%arg9 : memref<128x128xf32, #tpu.memory_space<vmem>>) dst(%dma_wait3A_329 : memref<128x128xf32, #tpu.memory_space<hbm>>)
    %dma_start3A_330 = arith.constant 14 : i32
    %dma_start3A_331 = arith.constant 0 : i32
    %dma_start3A_332 = tpu.memref_slice %arg6[%dma_start3A_330, %dma_start3A_331] : memref<32x128xi32, #tpu.memory_space<vmem>> -> memref<1x128xi32, #tpu.memory_space<vmem>>
    %dma_start3A_333 = tpu.memref_squeeze %dma_start3A_332 : memref<1x128xi32, #tpu.memory_space<vmem>> -> memref<128xi32, #tpu.memory_space<vmem>>
    %dma_start3A_334 = arith.constant 0 : i32
    %dma_start3A_335 = arith.constant 0 : i32
    %dma_start3A_336 = tpu.memref_slice %arg4[%dma_start3A_334, %dma_start3A_335] : memref<100000x128xf32, #tpu.memory_space<hbm>> -> memref<100000x128xf32, #tpu.memory_space<hbm>>
    tpu.enqueue_indirect_dma source(%dma_start3A_336 : memref<100000x128xf32, #tpu.memory_space<hbm>>) target(%arg9 : memref<128x128xf32, #tpu.memory_space<vmem>>) offsets(%dma_start3A_333 : memref<128xi32, #tpu.memory_space<vmem>>) semaphore(%arg16 : memref<!tpu.dma_semaphore, #tpu.memory_space<semaphore_mem>>)
    %dma_wait3A_337 = arith.constant 10 : i32
    %dma_wait3A_338 = arith.constant 0 : i32
    %dma_wait3A_339 = tpu.memref_slice %arg6[%dma_wait3A_337, %dma_wait3A_338] : memref<32x128xi32, #tpu.memory_space<vmem>> -> memref<1x128xi32, #tpu.memory_space<vmem>>
    %dma_wait3A_340 = tpu.memref_squeeze %dma_wait3A_339 : memref<1x128xi32, #tpu.memory_space<vmem>> -> memref<128xi32, #tpu.memory_space<vmem>>
    %dma_wait3A_341 = arith.constant 0 : i32
    %dma_wait3A_342 = arith.constant 0 : i32
    %dma_wait3A_343 = tpu.memref_slice %arg4[%dma_wait3A_341, %dma_wait3A_342] : memref<100000x128xf32, #tpu.memory_space<hbm>> -> memref<100000x128xf32, #tpu.memory_space<hbm>>
    tpu.wait_indirect_dma semaphore(%arg19 : memref<!tpu.dma_semaphore, #tpu.memory_space<semaphore_mem>>) src(%dma_wait3A_343 : memref<100000x128xf32, #tpu.memory_space<hbm>>) dst(%arg12 : memref<128x128xf32, #tpu.memory_space<vmem>>)
    %scan3A_344 = arith.constant 0 : i32
    %scan3A_345 = arith.constant 0 : i32
    %scan3A_346 = arith.constant 128 : i32
    %scan3A_347 = arith.addi %scan3A_345, %scan3A_346 : i32
    %scan3A_348 = arith.constant 1 : i32
    scf.for %scan3A_970 = %scan3A_345 to %scan3A_347 step %scan3A_348  : i32 {
      %broadcast_in_dim3A = arith.constant 0 : i32
      %broadcast_in_dim3A_971 = vector.broadcast %broadcast_in_dim3A : i32 to vector<16xi32>
      %add3A_972 = arith.constant 1280 : i32
      %add3A_973 = arith.addi %add3A_972, %scan3A_970 : i32
      %add3A_974 = vector.broadcast %add3A_973 : i32 to vector<16xi32>
      %add3A_975 = arith.addi %broadcast_in_dim3A_971, %add3A_974 : vector<16xi32>
      %gather3A = tpu.vector_load_idx %arg8[%add3A_975] : memref<4096xf32, #tpu.memory_space<vmem>>[vector<16xi32>], vector<16xf32>,
      %get3A = arith.index_cast %scan3A_970 : i32 to index
      %get3A_976 = arith.constant 0 : index
      %get3A_977 = tpu.vector_load %arg12[%get3A, %get3A_976] {strides = array<i32>} : memref<128x128xf32, #tpu.memory_space<vmem>>, vector<16xf32>,
      %mul3A_978 = arith.mulf %get3A_977, %gather3A : vector<16xf32>
      %swap3A = arith.index_cast %scan3A_970 : i32 to index
      %swap3A_979 = arith.constant 0 : index
      %swap3A_980 = tpu.vector_load %arg12[%swap3A, %swap3A_979] {strides = array<i32>} : memref<128x128xf32, #tpu.memory_space<vmem>>, vector<16xf32>,
      tpu.vector_store %arg12[%swap3A, %swap3A_979], %mul3A_978 {strides = array<i32>} : memref<128x128xf32, #tpu.memory_space<vmem>>, vector<16xf32>,
      %get3A_981 = arith.index_cast %scan3A_970 : i32 to index
      %get3A_982 = arith.constant 16 : index
      %get3A_983 = tpu.vector_load %arg12[%get3A_981, %get3A_982] {strides = array<i32>} : memref<128x128xf32, #tpu.memory_space<vmem>>, vector<16xf32>,
      %mul3A_984 = arith.mulf %get3A_983, %gather3A : vector<16xf32>
      %swap3A_985 = arith.index_cast %scan3A_970 : i32 to index
      %swap3A_986 = arith.constant 16 : index
      %swap3A_987 = tpu.vector_load %arg12[%swap3A_985, %swap3A_986] {strides = array<i32>} : memref<128x128xf32, #tpu.memory_space<vmem>>, vector<16xf32>,
      tpu.vector_store %arg12[%swap3A_985, %swap3A_986], %mul3A_984 {strides = array<i32>} : memref<128x128xf32, #tpu.memory_space<vmem>>, vector<16xf32>,
      %get3A_988 = arith.index_cast %scan3A_970 : i32 to index
      %get3A_989 = arith.constant 32 : index
      %get3A_990 = tpu.vector_load %arg12[%get3A_988, %get3A_989] {strides = array<i32>} : memref<128x128xf32, #tpu.memory_space<vmem>>, vector<16xf32>,
      %mul3A_991 = arith.mulf %get3A_990, %gather3A : vector<16xf32>
      %swap3A_992 = arith.index_cast %scan3A_970 : i32 to index
      %swap3A_993 = arith.constant 32 : index
      %swap3A_994 = tpu.vector_load %arg12[%swap3A_992, %swap3A_993] {strides = array<i32>} : memref<128x128xf32, #tpu.memory_space<vmem>>, vector<16xf32>,
      tpu.vector_store %arg12[%swap3A_992, %swap3A_993], %mul3A_991 {strides = array<i32>} : memref<128x128xf32, #tpu.memory_space<vmem>>, vector<16xf32>,
      %get3A_995 = arith.index_cast %scan3A_970 : i32 to index
      %get3A_996 = arith.constant 48 : index
      %get3A_997 = tpu.vector_load %arg12[%get3A_995, %get3A_996] {strides = array<i32>} : memref<128x128xf32, #tpu.memory_space<vmem>>, vector<16xf32>,
      %mul3A_998 = arith.mulf %get3A_997, %gather3A : vector<16xf32>
      %swap3A_999 = arith.index_cast %scan3A_970 : i32 to index
      %swap3A_1000 = arith.constant 48 : index
      %swap3A_1001 = tpu.vector_load %arg12[%swap3A_999, %swap3A_1000] {strides = array<i32>} : memref<128x128xf32, #tpu.memory_space<vmem>>, vector<16xf32>,
      tpu.vector_store %arg12[%swap3A_999, %swap3A_1000], %mul3A_998 {strides = array<i32>} : memref<128x128xf32, #tpu.memory_space<vmem>>, vector<16xf32>,
      %get3A_1002 = arith.index_cast %scan3A_970 : i32 to index
      %get3A_1003 = arith.constant 64 : index
      %get3A_1004 = tpu.vector_load %arg12[%get3A_1002, %get3A_1003] {strides = array<i32>} : memref<128x128xf32, #tpu.memory_space<vmem>>, vector<16xf32>,
      %mul3A_1005 = arith.mulf %get3A_1004, %gather3A : vector<16xf32>
      %swap3A_1006 = arith.index_cast %scan3A_970 : i32 to index
      %swap3A_1007 = arith.constant 64 : index
      %swap3A_1008 = tpu.vector_load %arg12[%swap3A_1006, %swap3A_1007] {strides = array<i32>} : memref<128x128xf32, #tpu.memory_space<vmem>>, vector<16xf32>,
      tpu.vector_store %arg12[%swap3A_1006, %swap3A_1007], %mul3A_1005 {strides = array<i32>} : memref<128x128xf32, #tpu.memory_space<vmem>>, vector<16xf32>,
      %get3A_1009 = arith.index_cast %scan3A_970 : i32 to index
      %get3A_1010 = arith.constant 80 : index
      %get3A_1011 = tpu.vector_load %arg12[%get3A_1009, %get3A_1010] {strides = array<i32>} : memref<128x128xf32, #tpu.memory_space<vmem>>, vector<16xf32>,
      %mul3A_1012 = arith.mulf %get3A_1011, %gather3A : vector<16xf32>
      %swap3A_1013 = arith.index_cast %scan3A_970 : i32 to index
      %swap3A_1014 = arith.constant 80 : index
      %swap3A_1015 = tpu.vector_load %arg12[%swap3A_1013, %swap3A_1014] {strides = array<i32>} : memref<128x128xf32, #tpu.memory_space<vmem>>, vector<16xf32>,
      tpu.vector_store %arg12[%swap3A_1013, %swap3A_1014], %mul3A_1012 {strides = array<i32>} : memref<128x128xf32, #tpu.memory_space<vmem>>, vector<16xf32>,
      %get3A_1016 = arith.index_cast %scan3A_970 : i32 to index
      %get3A_1017 = arith.constant 96 : index
      %get3A_1018 = tpu.vector_load %arg12[%get3A_1016, %get3A_1017] {strides = array<i32>} : memref<128x128xf32, #tpu.memory_space<vmem>>, vector<16xf32>,
      %mul3A_1019 = arith.mulf %get3A_1018, %gather3A : vector<16xf32>
      %swap3A_1020 = arith.index_cast %scan3A_970 : i32 to index
      %swap3A_1021 = arith.constant 96 : index
      %swap3A_1022 = tpu.vector_load %arg12[%swap3A_1020, %swap3A_1021] {strides = array<i32>} : memref<128x128xf32, #tpu.memory_space<vmem>>, vector<16xf32>,
      tpu.vector_store %arg12[%swap3A_1020, %swap3A_1021], %mul3A_1019 {strides = array<i32>} : memref<128x128xf32, #tpu.memory_space<vmem>>, vector<16xf32>,
      %get3A_1023 = arith.index_cast %scan3A_970 : i32 to index
      %get3A_1024 = arith.constant 112 : index
      %get3A_1025 = tpu.vector_load %arg12[%get3A_1023, %get3A_1024] {strides = array<i32>} : memref<128x128xf32, #tpu.memory_space<vmem>>, vector<16xf32>,
      %mul3A_1026 = arith.mulf %get3A_1025, %gather3A : vector<16xf32>
      %swap3A_1027 = arith.index_cast %scan3A_970 : i32 to index
      %swap3A_1028 = arith.constant 112 : index
      %swap3A_1029 = tpu.vector_load %arg12[%swap3A_1027, %swap3A_1028] {strides = array<i32>} : memref<128x128xf32, #tpu.memory_space<vmem>>, vector<16xf32>,
      tpu.vector_store %arg12[%swap3A_1027, %swap3A_1028], %mul3A_1026 {strides = array<i32>} : memref<128x128xf32, #tpu.memory_space<vmem>>, vector<16xf32>,
    }
    %scan3A_349 = arith.constant 128 : i32
    %add3A_350 = arith.constant 1280 : i32
    %add3A_351 = arith.addi %mul3A_2, %add3A_350 : i32
    %dma_start3A_352 = arith.constant 0 : i32
    %dma_start3A_353 = tpu.memref_slice %arg5[%add3A_351, %dma_start3A_352] : memref<131072x128xf32, #tpu.memory_space<hbm>> -> memref<128x128xf32, #tpu.memory_space<hbm>>
    %dma_start3A_354 = arith.constant 0 : i32
    %dma_start3A_355 = tpu.memref_slice %arg5[%add3A_351, %dma_start3A_354] : memref<131072x128xf32, #tpu.memory_space<hbm>> -> memref<128x128xf32, #tpu.memory_space<hbm>>
    tpu.enqueue_dma source(%arg12 : memref<128x128xf32, #tpu.memory_space<vmem>>) target(%dma_start3A_355 : memref<128x128xf32, #tpu.memory_space<hbm>>) target_semaphore(%arg26 : memref<!tpu.dma_semaphore, #tpu.memory_space<semaphore_mem>>)
    %dma_wait3A_356 = arith.constant 0 : i32
    %dma_wait3A_357 = tpu.memref_slice %arg5[%add3A_291, %dma_wait3A_356] : memref<131072x128xf32, #tpu.memory_space<hbm>> -> memref<128x128xf32, #tpu.memory_space<hbm>>
    %dma_wait3A_358 = arith.constant 0 : i32
    %dma_wait3A_359 = tpu.memref_slice %arg5[%add3A_291, %dma_wait3A_358] : memref<131072x128xf32, #tpu.memory_space<hbm>> -> memref<128x128xf32, #tpu.memory_space<hbm>>
    tpu.wait_dma2 semaphore(%arg24 : memref<!tpu.dma_semaphore, #tpu.memory_space<semaphore_mem>>) src(%arg10 : memref<128x128xf32, #tpu.memory_space<vmem>>) dst(%dma_wait3A_359 : memref<128x128xf32, #tpu.memory_space<hbm>>)
    %dma_start3A_360 = arith.constant 15 : i32
    %dma_start3A_361 = arith.constant 0 : i32
    %dma_start3A_362 = tpu.memref_slice %arg6[%dma_start3A_360, %dma_start3A_361] : memref<32x128xi32, #tpu.memory_space<vmem>> -> memref<1x128xi32, #tpu.memory_space<vmem>>
    %dma_start3A_363 = tpu.memref_squeeze %dma_start3A_362 : memref<1x128xi32, #tpu.memory_space<vmem>> -> memref<128xi32, #tpu.memory_space<vmem>>
    %dma_start3A_364 = arith.constant 0 : i32
    %dma_start3A_365 = arith.constant 0 : i32
    %dma_start3A_366 = tpu.memref_slice %arg4[%dma_start3A_364, %dma_start3A_365] : memref<100000x128xf32, #tpu.memory_space<hbm>> -> memref<100000x128xf32, #tpu.memory_space<hbm>>
    tpu.enqueue_indirect_dma source(%dma_start3A_366 : memref<100000x128xf32, #tpu.memory_space<hbm>>) target(%arg10 : memref<128x128xf32, #tpu.memory_space<vmem>>) offsets(%dma_start3A_363 : memref<128xi32, #tpu.memory_space<vmem>>) semaphore(%arg17 : memref<!tpu.dma_semaphore, #tpu.memory_space<semaphore_mem>>)
    %dma_wait3A_367 = arith.constant 11 : i32
    %dma_wait3A_368 = arith.constant 0 : i32
    %dma_wait3A_369 = tpu.memref_slice %arg6[%dma_wait3A_367, %dma_wait3A_368] : memref<32x128xi32, #tpu.memory_space<vmem>> -> memref<1x128xi32, #tpu.memory_space<vmem>>
    %dma_wait3A_370 = tpu.memref_squeeze %dma_wait3A_369 : memref<1x128xi32, #tpu.memory_space<vmem>> -> memref<128xi32, #tpu.memory_space<vmem>>
    %dma_wait3A_371 = arith.constant 0 : i32
    %dma_wait3A_372 = arith.constant 0 : i32
    %dma_wait3A_373 = tpu.memref_slice %arg4[%dma_wait3A_371, %dma_wait3A_372] : memref<100000x128xf32, #tpu.memory_space<hbm>> -> memref<100000x128xf32, #tpu.memory_space<hbm>>
    tpu.wait_indirect_dma semaphore(%arg20 : memref<!tpu.dma_semaphore, #tpu.memory_space<semaphore_mem>>) src(%dma_wait3A_373 : memref<100000x128xf32, #tpu.memory_space<hbm>>) dst(%arg13 : memref<128x128xf32, #tpu.memory_space<vmem>>)
    %scan3A_374 = arith.constant 0 : i32
    %scan3A_375 = arith.constant 0 : i32
    %scan3A_376 = arith.constant 128 : i32
    %scan3A_377 = arith.addi %scan3A_375, %scan3A_376 : i32
    %scan3A_378 = arith.constant 1 : i32
    scf.for %scan3A_970 = %scan3A_375 to %scan3A_377 step %scan3A_378  : i32 {
      %broadcast_in_dim3A = arith.constant 0 : i32
      %broadcast_in_dim3A_971 = vector.broadcast %broadcast_in_dim3A : i32 to vector<16xi32>
      %add3A_972 = arith.constant 1408 : i32
      %add3A_973 = arith.addi %add3A_972, %scan3A_970 : i32
      %add3A_974 = vector.broadcast %add3A_973 : i32 to vector<16xi32>
      %add3A_975 = arith.addi %broadcast_in_dim3A_971, %add3A_974 : vector<16xi32>
      %gather3A = tpu.vector_load_idx %arg8[%add3A_975] : memref<4096xf32, #tpu.memory_space<vmem>>[vector<16xi32>], vector<16xf32>,
      %get3A = arith.index_cast %scan3A_970 : i32 to index
      %get3A_976 = arith.constant 0 : index
      %get3A_977 = tpu.vector_load %arg13[%get3A, %get3A_976] {strides = array<i32>} : memref<128x128xf32, #tpu.memory_space<vmem>>, vector<16xf32>,
      %mul3A_978 = arith.mulf %get3A_977, %gather3A : vector<16xf32>
      %swap3A = arith.index_cast %scan3A_970 : i32 to index
      %swap3A_979 = arith.constant 0 : index
      %swap3A_980 = tpu.vector_load %arg13[%swap3A, %swap3A_979] {strides = array<i32>} : memref<128x128xf32, #tpu.memory_space<vmem>>, vector<16xf32>,
      tpu.vector_store %arg13[%swap3A, %swap3A_979], %mul3A_978 {strides = array<i32>} : memref<128x128xf32, #tpu.memory_space<vmem>>, vector<16xf32>,
      %get3A_981 = arith.index_cast %scan3A_970 : i32 to index
      %get3A_982 = arith.constant 16 : index
      %get3A_983 = tpu.vector_load %arg13[%get3A_981, %get3A_982] {strides = array<i32>} : memref<128x128xf32, #tpu.memory_space<vmem>>, vector<16xf32>,
      %mul3A_984 = arith.mulf %get3A_983, %gather3A : vector<16xf32>
      %swap3A_985 = arith.index_cast %scan3A_970 : i32 to index
      %swap3A_986 = arith.constant 16 : index
      %swap3A_987 = tpu.vector_load %arg13[%swap3A_985, %swap3A_986] {strides = array<i32>} : memref<128x128xf32, #tpu.memory_space<vmem>>, vector<16xf32>,
      tpu.vector_store %arg13[%swap3A_985, %swap3A_986], %mul3A_984 {strides = array<i32>} : memref<128x128xf32, #tpu.memory_space<vmem>>, vector<16xf32>,
      %get3A_988 = arith.index_cast %scan3A_970 : i32 to index
      %get3A_989 = arith.constant 32 : index
      %get3A_990 = tpu.vector_load %arg13[%get3A_988, %get3A_989] {strides = array<i32>} : memref<128x128xf32, #tpu.memory_space<vmem>>, vector<16xf32>,
      %mul3A_991 = arith.mulf %get3A_990, %gather3A : vector<16xf32>
      %swap3A_992 = arith.index_cast %scan3A_970 : i32 to index
      %swap3A_993 = arith.constant 32 : index
      %swap3A_994 = tpu.vector_load %arg13[%swap3A_992, %swap3A_993] {strides = array<i32>} : memref<128x128xf32, #tpu.memory_space<vmem>>, vector<16xf32>,
      tpu.vector_store %arg13[%swap3A_992, %swap3A_993], %mul3A_991 {strides = array<i32>} : memref<128x128xf32, #tpu.memory_space<vmem>>, vector<16xf32>,
      %get3A_995 = arith.index_cast %scan3A_970 : i32 to index
      %get3A_996 = arith.constant 48 : index
      %get3A_997 = tpu.vector_load %arg13[%get3A_995, %get3A_996] {strides = array<i32>} : memref<128x128xf32, #tpu.memory_space<vmem>>, vector<16xf32>,
      %mul3A_998 = arith.mulf %get3A_997, %gather3A : vector<16xf32>
      %swap3A_999 = arith.index_cast %scan3A_970 : i32 to index
      %swap3A_1000 = arith.constant 48 : index
      %swap3A_1001 = tpu.vector_load %arg13[%swap3A_999, %swap3A_1000] {strides = array<i32>} : memref<128x128xf32, #tpu.memory_space<vmem>>, vector<16xf32>,
      tpu.vector_store %arg13[%swap3A_999, %swap3A_1000], %mul3A_998 {strides = array<i32>} : memref<128x128xf32, #tpu.memory_space<vmem>>, vector<16xf32>,
      %get3A_1002 = arith.index_cast %scan3A_970 : i32 to index
      %get3A_1003 = arith.constant 64 : index
      %get3A_1004 = tpu.vector_load %arg13[%get3A_1002, %get3A_1003] {strides = array<i32>} : memref<128x128xf32, #tpu.memory_space<vmem>>, vector<16xf32>,
      %mul3A_1005 = arith.mulf %get3A_1004, %gather3A : vector<16xf32>
      %swap3A_1006 = arith.index_cast %scan3A_970 : i32 to index
      %swap3A_1007 = arith.constant 64 : index
      %swap3A_1008 = tpu.vector_load %arg13[%swap3A_1006, %swap3A_1007] {strides = array<i32>} : memref<128x128xf32, #tpu.memory_space<vmem>>, vector<16xf32>,
      tpu.vector_store %arg13[%swap3A_1006, %swap3A_1007], %mul3A_1005 {strides = array<i32>} : memref<128x128xf32, #tpu.memory_space<vmem>>, vector<16xf32>,
      %get3A_1009 = arith.index_cast %scan3A_970 : i32 to index
      %get3A_1010 = arith.constant 80 : index
      %get3A_1011 = tpu.vector_load %arg13[%get3A_1009, %get3A_1010] {strides = array<i32>} : memref<128x128xf32, #tpu.memory_space<vmem>>, vector<16xf32>,
      %mul3A_1012 = arith.mulf %get3A_1011, %gather3A : vector<16xf32>
      %swap3A_1013 = arith.index_cast %scan3A_970 : i32 to index
      %swap3A_1014 = arith.constant 80 : index
      %swap3A_1015 = tpu.vector_load %arg13[%swap3A_1013, %swap3A_1014] {strides = array<i32>} : memref<128x128xf32, #tpu.memory_space<vmem>>, vector<16xf32>,
      tpu.vector_store %arg13[%swap3A_1013, %swap3A_1014], %mul3A_1012 {strides = array<i32>} : memref<128x128xf32, #tpu.memory_space<vmem>>, vector<16xf32>,
      %get3A_1016 = arith.index_cast %scan3A_970 : i32 to index
      %get3A_1017 = arith.constant 96 : index
      %get3A_1018 = tpu.vector_load %arg13[%get3A_1016, %get3A_1017] {strides = array<i32>} : memref<128x128xf32, #tpu.memory_space<vmem>>, vector<16xf32>,
      %mul3A_1019 = arith.mulf %get3A_1018, %gather3A : vector<16xf32>
      %swap3A_1020 = arith.index_cast %scan3A_970 : i32 to index
      %swap3A_1021 = arith.constant 96 : index
      %swap3A_1022 = tpu.vector_load %arg13[%swap3A_1020, %swap3A_1021] {strides = array<i32>} : memref<128x128xf32, #tpu.memory_space<vmem>>, vector<16xf32>,
      tpu.vector_store %arg13[%swap3A_1020, %swap3A_1021], %mul3A_1019 {strides = array<i32>} : memref<128x128xf32, #tpu.memory_space<vmem>>, vector<16xf32>,
      %get3A_1023 = arith.index_cast %scan3A_970 : i32 to index
      %get3A_1024 = arith.constant 112 : index
      %get3A_1025 = tpu.vector_load %arg13[%get3A_1023, %get3A_1024] {strides = array<i32>} : memref<128x128xf32, #tpu.memory_space<vmem>>, vector<16xf32>,
      %mul3A_1026 = arith.mulf %get3A_1025, %gather3A : vector<16xf32>
      %swap3A_1027 = arith.index_cast %scan3A_970 : i32 to index
      %swap3A_1028 = arith.constant 112 : index
      %swap3A_1029 = tpu.vector_load %arg13[%swap3A_1027, %swap3A_1028] {strides = array<i32>} : memref<128x128xf32, #tpu.memory_space<vmem>>, vector<16xf32>,
      tpu.vector_store %arg13[%swap3A_1027, %swap3A_1028], %mul3A_1026 {strides = array<i32>} : memref<128x128xf32, #tpu.memory_space<vmem>>, vector<16xf32>,
    }
    %scan3A_379 = arith.constant 128 : i32
    %add3A_380 = arith.constant 1408 : i32
    %add3A_381 = arith.addi %mul3A_2, %add3A_380 : i32
    %dma_start3A_382 = arith.constant 0 : i32
    %dma_start3A_383 = tpu.memref_slice %arg5[%add3A_381, %dma_start3A_382] : memref<131072x128xf32, #tpu.memory_space<hbm>> -> memref<128x128xf32, #tpu.memory_space<hbm>>
    %dma_start3A_384 = arith.constant 0 : i32
    %dma_start3A_385 = tpu.memref_slice %arg5[%add3A_381, %dma_start3A_384] : memref<131072x128xf32, #tpu.memory_space<hbm>> -> memref<128x128xf32, #tpu.memory_space<hbm>>
    tpu.enqueue_dma source(%arg13 : memref<128x128xf32, #tpu.memory_space<vmem>>) target(%dma_start3A_385 : memref<128x128xf32, #tpu.memory_space<hbm>>) target_semaphore(%arg27 : memref<!tpu.dma_semaphore, #tpu.memory_space<semaphore_mem>>)
    %dma_wait3A_386 = arith.constant 0 : i32
    %dma_wait3A_387 = tpu.memref_slice %arg5[%add3A_321, %dma_wait3A_386] : memref<131072x128xf32, #tpu.memory_space<hbm>> -> memref<128x128xf32, #tpu.memory_space<hbm>>
    %dma_wait3A_388 = arith.constant 0 : i32
    %dma_wait3A_389 = tpu.memref_slice %arg5[%add3A_321, %dma_wait3A_388] : memref<131072x128xf32, #tpu.memory_space<hbm>> -> memref<128x128xf32, #tpu.memory_space<hbm>>
    tpu.wait_dma2 semaphore(%arg25 : memref<!tpu.dma_semaphore, #tpu.memory_space<semaphore_mem>>) src(%arg11 : memref<128x128xf32, #tpu.memory_space<vmem>>) dst(%dma_wait3A_389 : memref<128x128xf32, #tpu.memory_space<hbm>>)
    %dma_start3A_390 = arith.constant 16 : i32
    %dma_start3A_391 = arith.constant 0 : i32
    %dma_start3A_392 = tpu.memref_slice %arg6[%dma_start3A_390, %dma_start3A_391] : memref<32x128xi32, #tpu.memory_space<vmem>> -> memref<1x128xi32, #tpu.memory_space<vmem>>
    %dma_start3A_393 = tpu.memref_squeeze %dma_start3A_392 : memref<1x128xi32, #tpu.memory_space<vmem>> -> memref<128xi32, #tpu.memory_space<vmem>>
    %dma_start3A_394 = arith.constant 0 : i32
    %dma_start3A_395 = arith.constant 0 : i32
    %dma_start3A_396 = tpu.memref_slice %arg4[%dma_start3A_394, %dma_start3A_395] : memref<100000x128xf32, #tpu.memory_space<hbm>> -> memref<100000x128xf32, #tpu.memory_space<hbm>>
    tpu.enqueue_indirect_dma source(%dma_start3A_396 : memref<100000x128xf32, #tpu.memory_space<hbm>>) target(%arg11 : memref<128x128xf32, #tpu.memory_space<vmem>>) offsets(%dma_start3A_393 : memref<128xi32, #tpu.memory_space<vmem>>) semaphore(%arg18 : memref<!tpu.dma_semaphore, #tpu.memory_space<semaphore_mem>>)
    %dma_wait3A_397 = arith.constant 12 : i32
    %dma_wait3A_398 = arith.constant 0 : i32
    %dma_wait3A_399 = tpu.memref_slice %arg6[%dma_wait3A_397, %dma_wait3A_398] : memref<32x128xi32, #tpu.memory_space<vmem>> -> memref<1x128xi32, #tpu.memory_space<vmem>>
    %dma_wait3A_400 = tpu.memref_squeeze %dma_wait3A_399 : memref<1x128xi32, #tpu.memory_space<vmem>> -> memref<128xi32, #tpu.memory_space<vmem>>
    %dma_wait3A_401 = arith.constant 0 : i32
    %dma_wait3A_402 = arith.constant 0 : i32
    %dma_wait3A_403 = tpu.memref_slice %arg4[%dma_wait3A_401, %dma_wait3A_402] : memref<100000x128xf32, #tpu.memory_space<hbm>> -> memref<100000x128xf32, #tpu.memory_space<hbm>>
    tpu.wait_indirect_dma semaphore(%arg21 : memref<!tpu.dma_semaphore, #tpu.memory_space<semaphore_mem>>) src(%dma_wait3A_403 : memref<100000x128xf32, #tpu.memory_space<hbm>>) dst(%arg14 : memref<128x128xf32, #tpu.memory_space<vmem>>)
    %scan3A_404 = arith.constant 0 : i32
    %scan3A_405 = arith.constant 0 : i32
    %scan3A_406 = arith.constant 128 : i32
    %scan3A_407 = arith.addi %scan3A_405, %scan3A_406 : i32
    %scan3A_408 = arith.constant 1 : i32
    scf.for %scan3A_970 = %scan3A_405 to %scan3A_407 step %scan3A_408  : i32 {
      %broadcast_in_dim3A = arith.constant 0 : i32
      %broadcast_in_dim3A_971 = vector.broadcast %broadcast_in_dim3A : i32 to vector<16xi32>
      %add3A_972 = arith.constant 1536 : i32
      %add3A_973 = arith.addi %add3A_972, %scan3A_970 : i32
      %add3A_974 = vector.broadcast %add3A_973 : i32 to vector<16xi32>
      %add3A_975 = arith.addi %broadcast_in_dim3A_971, %add3A_974 : vector<16xi32>
      %gather3A = tpu.vector_load_idx %arg8[%add3A_975] : memref<4096xf32, #tpu.memory_space<vmem>>[vector<16xi32>], vector<16xf32>,
      %get3A = arith.index_cast %scan3A_970 : i32 to index
      %get3A_976 = arith.constant 0 : index
      %get3A_977 = tpu.vector_load %arg14[%get3A, %get3A_976] {strides = array<i32>} : memref<128x128xf32, #tpu.memory_space<vmem>>, vector<16xf32>,
      %mul3A_978 = arith.mulf %get3A_977, %gather3A : vector<16xf32>
      %swap3A = arith.index_cast %scan3A_970 : i32 to index
      %swap3A_979 = arith.constant 0 : index
      %swap3A_980 = tpu.vector_load %arg14[%swap3A, %swap3A_979] {strides = array<i32>} : memref<128x128xf32, #tpu.memory_space<vmem>>, vector<16xf32>,
      tpu.vector_store %arg14[%swap3A, %swap3A_979], %mul3A_978 {strides = array<i32>} : memref<128x128xf32, #tpu.memory_space<vmem>>, vector<16xf32>,
      %get3A_981 = arith.index_cast %scan3A_970 : i32 to index
      %get3A_982 = arith.constant 16 : index
      %get3A_983 = tpu.vector_load %arg14[%get3A_981, %get3A_982] {strides = array<i32>} : memref<128x128xf32, #tpu.memory_space<vmem>>, vector<16xf32>,
      %mul3A_984 = arith.mulf %get3A_983, %gather3A : vector<16xf32>
      %swap3A_985 = arith.index_cast %scan3A_970 : i32 to index
      %swap3A_986 = arith.constant 16 : index
      %swap3A_987 = tpu.vector_load %arg14[%swap3A_985, %swap3A_986] {strides = array<i32>} : memref<128x128xf32, #tpu.memory_space<vmem>>, vector<16xf32>,
      tpu.vector_store %arg14[%swap3A_985, %swap3A_986], %mul3A_984 {strides = array<i32>} : memref<128x128xf32, #tpu.memory_space<vmem>>, vector<16xf32>,
      %get3A_988 = arith.index_cast %scan3A_970 : i32 to index
      %get3A_989 = arith.constant 32 : index
      %get3A_990 = tpu.vector_load %arg14[%get3A_988, %get3A_989] {strides = array<i32>} : memref<128x128xf32, #tpu.memory_space<vmem>>, vector<16xf32>,
      %mul3A_991 = arith.mulf %get3A_990, %gather3A : vector<16xf32>
      %swap3A_992 = arith.index_cast %scan3A_970 : i32 to index
      %swap3A_993 = arith.constant 32 : index
      %swap3A_994 = tpu.vector_load %arg14[%swap3A_992, %swap3A_993] {strides = array<i32>} : memref<128x128xf32, #tpu.memory_space<vmem>>, vector<16xf32>,
      tpu.vector_store %arg14[%swap3A_992, %swap3A_993], %mul3A_991 {strides = array<i32>} : memref<128x128xf32, #tpu.memory_space<vmem>>, vector<16xf32>,
      %get3A_995 = arith.index_cast %scan3A_970 : i32 to index
      %get3A_996 = arith.constant 48 : index
      %get3A_997 = tpu.vector_load %arg14[%get3A_995, %get3A_996] {strides = array<i32>} : memref<128x128xf32, #tpu.memory_space<vmem>>, vector<16xf32>,
      %mul3A_998 = arith.mulf %get3A_997, %gather3A : vector<16xf32>
      %swap3A_999 = arith.index_cast %scan3A_970 : i32 to index
      %swap3A_1000 = arith.constant 48 : index
      %swap3A_1001 = tpu.vector_load %arg14[%swap3A_999, %swap3A_1000] {strides = array<i32>} : memref<128x128xf32, #tpu.memory_space<vmem>>, vector<16xf32>,
      tpu.vector_store %arg14[%swap3A_999, %swap3A_1000], %mul3A_998 {strides = array<i32>} : memref<128x128xf32, #tpu.memory_space<vmem>>, vector<16xf32>,
      %get3A_1002 = arith.index_cast %scan3A_970 : i32 to index
      %get3A_1003 = arith.constant 64 : index
      %get3A_1004 = tpu.vector_load %arg14[%get3A_1002, %get3A_1003] {strides = array<i32>} : memref<128x128xf32, #tpu.memory_space<vmem>>, vector<16xf32>,
      %mul3A_1005 = arith.mulf %get3A_1004, %gather3A : vector<16xf32>
      %swap3A_1006 = arith.index_cast %scan3A_970 : i32 to index
      %swap3A_1007 = arith.constant 64 : index
      %swap3A_1008 = tpu.vector_load %arg14[%swap3A_1006, %swap3A_1007] {strides = array<i32>} : memref<128x128xf32, #tpu.memory_space<vmem>>, vector<16xf32>,
      tpu.vector_store %arg14[%swap3A_1006, %swap3A_1007], %mul3A_1005 {strides = array<i32>} : memref<128x128xf32, #tpu.memory_space<vmem>>, vector<16xf32>,
      %get3A_1009 = arith.index_cast %scan3A_970 : i32 to index
      %get3A_1010 = arith.constant 80 : index
      %get3A_1011 = tpu.vector_load %arg14[%get3A_1009, %get3A_1010] {strides = array<i32>} : memref<128x128xf32, #tpu.memory_space<vmem>>, vector<16xf32>,
      %mul3A_1012 = arith.mulf %get3A_1011, %gather3A : vector<16xf32>
      %swap3A_1013 = arith.index_cast %scan3A_970 : i32 to index
      %swap3A_1014 = arith.constant 80 : index
      %swap3A_1015 = tpu.vector_load %arg14[%swap3A_1013, %swap3A_1014] {strides = array<i32>} : memref<128x128xf32, #tpu.memory_space<vmem>>, vector<16xf32>,
      tpu.vector_store %arg14[%swap3A_1013, %swap3A_1014], %mul3A_1012 {strides = array<i32>} : memref<128x128xf32, #tpu.memory_space<vmem>>, vector<16xf32>,
      %get3A_1016 = arith.index_cast %scan3A_970 : i32 to index
      %get3A_1017 = arith.constant 96 : index
      %get3A_1018 = tpu.vector_load %arg14[%get3A_1016, %get3A_1017] {strides = array<i32>} : memref<128x128xf32, #tpu.memory_space<vmem>>, vector<16xf32>,
      %mul3A_1019 = arith.mulf %get3A_1018, %gather3A : vector<16xf32>
      %swap3A_1020 = arith.index_cast %scan3A_970 : i32 to index
      %swap3A_1021 = arith.constant 96 : index
      %swap3A_1022 = tpu.vector_load %arg14[%swap3A_1020, %swap3A_1021] {strides = array<i32>} : memref<128x128xf32, #tpu.memory_space<vmem>>, vector<16xf32>,
      tpu.vector_store %arg14[%swap3A_1020, %swap3A_1021], %mul3A_1019 {strides = array<i32>} : memref<128x128xf32, #tpu.memory_space<vmem>>, vector<16xf32>,
      %get3A_1023 = arith.index_cast %scan3A_970 : i32 to index
      %get3A_1024 = arith.constant 112 : index
      %get3A_1025 = tpu.vector_load %arg14[%get3A_1023, %get3A_1024] {strides = array<i32>} : memref<128x128xf32, #tpu.memory_space<vmem>>, vector<16xf32>,
      %mul3A_1026 = arith.mulf %get3A_1025, %gather3A : vector<16xf32>
      %swap3A_1027 = arith.index_cast %scan3A_970 : i32 to index
      %swap3A_1028 = arith.constant 112 : index
      %swap3A_1029 = tpu.vector_load %arg14[%swap3A_1027, %swap3A_1028] {strides = array<i32>} : memref<128x128xf32, #tpu.memory_space<vmem>>, vector<16xf32>,
      tpu.vector_store %arg14[%swap3A_1027, %swap3A_1028], %mul3A_1026 {strides = array<i32>} : memref<128x128xf32, #tpu.memory_space<vmem>>, vector<16xf32>,
    }
    %scan3A_409 = arith.constant 128 : i32
    %add3A_410 = arith.constant 1536 : i32
    %add3A_411 = arith.addi %mul3A_2, %add3A_410 : i32
    %dma_start3A_412 = arith.constant 0 : i32
    %dma_start3A_413 = tpu.memref_slice %arg5[%add3A_411, %dma_start3A_412] : memref<131072x128xf32, #tpu.memory_space<hbm>> -> memref<128x128xf32, #tpu.memory_space<hbm>>
    %dma_start3A_414 = arith.constant 0 : i32
    %dma_start3A_415 = tpu.memref_slice %arg5[%add3A_411, %dma_start3A_414] : memref<131072x128xf32, #tpu.memory_space<hbm>> -> memref<128x128xf32, #tpu.memory_space<hbm>>
    tpu.enqueue_dma source(%arg14 : memref<128x128xf32, #tpu.memory_space<vmem>>) target(%dma_start3A_415 : memref<128x128xf32, #tpu.memory_space<hbm>>) target_semaphore(%arg28 : memref<!tpu.dma_semaphore, #tpu.memory_space<semaphore_mem>>)
    %dma_wait3A_416 = arith.constant 0 : i32
    %dma_wait3A_417 = tpu.memref_slice %arg5[%add3A_351, %dma_wait3A_416] : memref<131072x128xf32, #tpu.memory_space<hbm>> -> memref<128x128xf32, #tpu.memory_space<hbm>>
    %dma_wait3A_418 = arith.constant 0 : i32
    %dma_wait3A_419 = tpu.memref_slice %arg5[%add3A_351, %dma_wait3A_418] : memref<131072x128xf32, #tpu.memory_space<hbm>> -> memref<128x128xf32, #tpu.memory_space<hbm>>
    tpu.wait_dma2 semaphore(%arg26 : memref<!tpu.dma_semaphore, #tpu.memory_space<semaphore_mem>>) src(%arg12 : memref<128x128xf32, #tpu.memory_space<vmem>>) dst(%dma_wait3A_419 : memref<128x128xf32, #tpu.memory_space<hbm>>)
    %dma_start3A_420 = arith.constant 17 : i32
    %dma_start3A_421 = arith.constant 0 : i32
    %dma_start3A_422 = tpu.memref_slice %arg6[%dma_start3A_420, %dma_start3A_421] : memref<32x128xi32, #tpu.memory_space<vmem>> -> memref<1x128xi32, #tpu.memory_space<vmem>>
    %dma_start3A_423 = tpu.memref_squeeze %dma_start3A_422 : memref<1x128xi32, #tpu.memory_space<vmem>> -> memref<128xi32, #tpu.memory_space<vmem>>
    %dma_start3A_424 = arith.constant 0 : i32
    %dma_start3A_425 = arith.constant 0 : i32
    %dma_start3A_426 = tpu.memref_slice %arg4[%dma_start3A_424, %dma_start3A_425] : memref<100000x128xf32, #tpu.memory_space<hbm>> -> memref<100000x128xf32, #tpu.memory_space<hbm>>
    tpu.enqueue_indirect_dma source(%dma_start3A_426 : memref<100000x128xf32, #tpu.memory_space<hbm>>) target(%arg12 : memref<128x128xf32, #tpu.memory_space<vmem>>) offsets(%dma_start3A_423 : memref<128xi32, #tpu.memory_space<vmem>>) semaphore(%arg19 : memref<!tpu.dma_semaphore, #tpu.memory_space<semaphore_mem>>)
    %dma_wait3A_427 = arith.constant 13 : i32
    %dma_wait3A_428 = arith.constant 0 : i32
    %dma_wait3A_429 = tpu.memref_slice %arg6[%dma_wait3A_427, %dma_wait3A_428] : memref<32x128xi32, #tpu.memory_space<vmem>> -> memref<1x128xi32, #tpu.memory_space<vmem>>
    %dma_wait3A_430 = tpu.memref_squeeze %dma_wait3A_429 : memref<1x128xi32, #tpu.memory_space<vmem>> -> memref<128xi32, #tpu.memory_space<vmem>>
    %dma_wait3A_431 = arith.constant 0 : i32
    %dma_wait3A_432 = arith.constant 0 : i32
    %dma_wait3A_433 = tpu.memref_slice %arg4[%dma_wait3A_431, %dma_wait3A_432] : memref<100000x128xf32, #tpu.memory_space<hbm>> -> memref<100000x128xf32, #tpu.memory_space<hbm>>
    tpu.wait_indirect_dma semaphore(%arg22 : memref<!tpu.dma_semaphore, #tpu.memory_space<semaphore_mem>>) src(%dma_wait3A_433 : memref<100000x128xf32, #tpu.memory_space<hbm>>) dst(%arg15 : memref<128x128xf32, #tpu.memory_space<vmem>>)
    %scan3A_434 = arith.constant 0 : i32
    %scan3A_435 = arith.constant 0 : i32
    %scan3A_436 = arith.constant 128 : i32
    %scan3A_437 = arith.addi %scan3A_435, %scan3A_436 : i32
    %scan3A_438 = arith.constant 1 : i32
    scf.for %scan3A_970 = %scan3A_435 to %scan3A_437 step %scan3A_438  : i32 {
      %broadcast_in_dim3A = arith.constant 0 : i32
      %broadcast_in_dim3A_971 = vector.broadcast %broadcast_in_dim3A : i32 to vector<16xi32>
      %add3A_972 = arith.constant 1664 : i32
      %add3A_973 = arith.addi %add3A_972, %scan3A_970 : i32
      %add3A_974 = vector.broadcast %add3A_973 : i32 to vector<16xi32>
      %add3A_975 = arith.addi %broadcast_in_dim3A_971, %add3A_974 : vector<16xi32>
      %gather3A = tpu.vector_load_idx %arg8[%add3A_975] : memref<4096xf32, #tpu.memory_space<vmem>>[vector<16xi32>], vector<16xf32>,
      %get3A = arith.index_cast %scan3A_970 : i32 to index
      %get3A_976 = arith.constant 0 : index
      %get3A_977 = tpu.vector_load %arg15[%get3A, %get3A_976] {strides = array<i32>} : memref<128x128xf32, #tpu.memory_space<vmem>>, vector<16xf32>,
      %mul3A_978 = arith.mulf %get3A_977, %gather3A : vector<16xf32>
      %swap3A = arith.index_cast %scan3A_970 : i32 to index
      %swap3A_979 = arith.constant 0 : index
      %swap3A_980 = tpu.vector_load %arg15[%swap3A, %swap3A_979] {strides = array<i32>} : memref<128x128xf32, #tpu.memory_space<vmem>>, vector<16xf32>,
      tpu.vector_store %arg15[%swap3A, %swap3A_979], %mul3A_978 {strides = array<i32>} : memref<128x128xf32, #tpu.memory_space<vmem>>, vector<16xf32>,
      %get3A_981 = arith.index_cast %scan3A_970 : i32 to index
      %get3A_982 = arith.constant 16 : index
      %get3A_983 = tpu.vector_load %arg15[%get3A_981, %get3A_982] {strides = array<i32>} : memref<128x128xf32, #tpu.memory_space<vmem>>, vector<16xf32>,
      %mul3A_984 = arith.mulf %get3A_983, %gather3A : vector<16xf32>
      %swap3A_985 = arith.index_cast %scan3A_970 : i32 to index
      %swap3A_986 = arith.constant 16 : index
      %swap3A_987 = tpu.vector_load %arg15[%swap3A_985, %swap3A_986] {strides = array<i32>} : memref<128x128xf32, #tpu.memory_space<vmem>>, vector<16xf32>,
      tpu.vector_store %arg15[%swap3A_985, %swap3A_986], %mul3A_984 {strides = array<i32>} : memref<128x128xf32, #tpu.memory_space<vmem>>, vector<16xf32>,
      %get3A_988 = arith.index_cast %scan3A_970 : i32 to index
      %get3A_989 = arith.constant 32 : index
      %get3A_990 = tpu.vector_load %arg15[%get3A_988, %get3A_989] {strides = array<i32>} : memref<128x128xf32, #tpu.memory_space<vmem>>, vector<16xf32>,
      %mul3A_991 = arith.mulf %get3A_990, %gather3A : vector<16xf32>
      %swap3A_992 = arith.index_cast %scan3A_970 : i32 to index
      %swap3A_993 = arith.constant 32 : index
      %swap3A_994 = tpu.vector_load %arg15[%swap3A_992, %swap3A_993] {strides = array<i32>} : memref<128x128xf32, #tpu.memory_space<vmem>>, vector<16xf32>,
      tpu.vector_store %arg15[%swap3A_992, %swap3A_993], %mul3A_991 {strides = array<i32>} : memref<128x128xf32, #tpu.memory_space<vmem>>, vector<16xf32>,
      %get3A_995 = arith.index_cast %scan3A_970 : i32 to index
      %get3A_996 = arith.constant 48 : index
      %get3A_997 = tpu.vector_load %arg15[%get3A_995, %get3A_996] {strides = array<i32>} : memref<128x128xf32, #tpu.memory_space<vmem>>, vector<16xf32>,
      %mul3A_998 = arith.mulf %get3A_997, %gather3A : vector<16xf32>
      %swap3A_999 = arith.index_cast %scan3A_970 : i32 to index
      %swap3A_1000 = arith.constant 48 : index
      %swap3A_1001 = tpu.vector_load %arg15[%swap3A_999, %swap3A_1000] {strides = array<i32>} : memref<128x128xf32, #tpu.memory_space<vmem>>, vector<16xf32>,
      tpu.vector_store %arg15[%swap3A_999, %swap3A_1000], %mul3A_998 {strides = array<i32>} : memref<128x128xf32, #tpu.memory_space<vmem>>, vector<16xf32>,
      %get3A_1002 = arith.index_cast %scan3A_970 : i32 to index
      %get3A_1003 = arith.constant 64 : index
      %get3A_1004 = tpu.vector_load %arg15[%get3A_1002, %get3A_1003] {strides = array<i32>} : memref<128x128xf32, #tpu.memory_space<vmem>>, vector<16xf32>,
      %mul3A_1005 = arith.mulf %get3A_1004, %gather3A : vector<16xf32>
      %swap3A_1006 = arith.index_cast %scan3A_970 : i32 to index
      %swap3A_1007 = arith.constant 64 : index
      %swap3A_1008 = tpu.vector_load %arg15[%swap3A_1006, %swap3A_1007] {strides = array<i32>} : memref<128x128xf32, #tpu.memory_space<vmem>>, vector<16xf32>,
      tpu.vector_store %arg15[%swap3A_1006, %swap3A_1007], %mul3A_1005 {strides = array<i32>} : memref<128x128xf32, #tpu.memory_space<vmem>>, vector<16xf32>,
      %get3A_1009 = arith.index_cast %scan3A_970 : i32 to index
      %get3A_1010 = arith.constant 80 : index
      %get3A_1011 = tpu.vector_load %arg15[%get3A_1009, %get3A_1010] {strides = array<i32>} : memref<128x128xf32, #tpu.memory_space<vmem>>, vector<16xf32>,
      %mul3A_1012 = arith.mulf %get3A_1011, %gather3A : vector<16xf32>
      %swap3A_1013 = arith.index_cast %scan3A_970 : i32 to index
      %swap3A_1014 = arith.constant 80 : index
      %swap3A_1015 = tpu.vector_load %arg15[%swap3A_1013, %swap3A_1014] {strides = array<i32>} : memref<128x128xf32, #tpu.memory_space<vmem>>, vector<16xf32>,
      tpu.vector_store %arg15[%swap3A_1013, %swap3A_1014], %mul3A_1012 {strides = array<i32>} : memref<128x128xf32, #tpu.memory_space<vmem>>, vector<16xf32>,
      %get3A_1016 = arith.index_cast %scan3A_970 : i32 to index
      %get3A_1017 = arith.constant 96 : index
      %get3A_1018 = tpu.vector_load %arg15[%get3A_1016, %get3A_1017] {strides = array<i32>} : memref<128x128xf32, #tpu.memory_space<vmem>>, vector<16xf32>,
      %mul3A_1019 = arith.mulf %get3A_1018, %gather3A : vector<16xf32>
      %swap3A_1020 = arith.index_cast %scan3A_970 : i32 to index
      %swap3A_1021 = arith.constant 96 : index
      %swap3A_1022 = tpu.vector_load %arg15[%swap3A_1020, %swap3A_1021] {strides = array<i32>} : memref<128x128xf32, #tpu.memory_space<vmem>>, vector<16xf32>,
      tpu.vector_store %arg15[%swap3A_1020, %swap3A_1021], %mul3A_1019 {strides = array<i32>} : memref<128x128xf32, #tpu.memory_space<vmem>>, vector<16xf32>,
      %get3A_1023 = arith.index_cast %scan3A_970 : i32 to index
      %get3A_1024 = arith.constant 112 : index
      %get3A_1025 = tpu.vector_load %arg15[%get3A_1023, %get3A_1024] {strides = array<i32>} : memref<128x128xf32, #tpu.memory_space<vmem>>, vector<16xf32>,
      %mul3A_1026 = arith.mulf %get3A_1025, %gather3A : vector<16xf32>
      %swap3A_1027 = arith.index_cast %scan3A_970 : i32 to index
      %swap3A_1028 = arith.constant 112 : index
      %swap3A_1029 = tpu.vector_load %arg15[%swap3A_1027, %swap3A_1028] {strides = array<i32>} : memref<128x128xf32, #tpu.memory_space<vmem>>, vector<16xf32>,
      tpu.vector_store %arg15[%swap3A_1027, %swap3A_1028], %mul3A_1026 {strides = array<i32>} : memref<128x128xf32, #tpu.memory_space<vmem>>, vector<16xf32>,
    }
    %scan3A_439 = arith.constant 128 : i32
    %add3A_440 = arith.constant 1664 : i32
    %add3A_441 = arith.addi %mul3A_2, %add3A_440 : i32
    %dma_start3A_442 = arith.constant 0 : i32
    %dma_start3A_443 = tpu.memref_slice %arg5[%add3A_441, %dma_start3A_442] : memref<131072x128xf32, #tpu.memory_space<hbm>> -> memref<128x128xf32, #tpu.memory_space<hbm>>
    %dma_start3A_444 = arith.constant 0 : i32
    %dma_start3A_445 = tpu.memref_slice %arg5[%add3A_441, %dma_start3A_444] : memref<131072x128xf32, #tpu.memory_space<hbm>> -> memref<128x128xf32, #tpu.memory_space<hbm>>
    tpu.enqueue_dma source(%arg15 : memref<128x128xf32, #tpu.memory_space<vmem>>) target(%dma_start3A_445 : memref<128x128xf32, #tpu.memory_space<hbm>>) target_semaphore(%arg29 : memref<!tpu.dma_semaphore, #tpu.memory_space<semaphore_mem>>)
    %dma_wait3A_446 = arith.constant 0 : i32
    %dma_wait3A_447 = tpu.memref_slice %arg5[%add3A_381, %dma_wait3A_446] : memref<131072x128xf32, #tpu.memory_space<hbm>> -> memref<128x128xf32, #tpu.memory_space<hbm>>
    %dma_wait3A_448 = arith.constant 0 : i32
    %dma_wait3A_449 = tpu.memref_slice %arg5[%add3A_381, %dma_wait3A_448] : memref<131072x128xf32, #tpu.memory_space<hbm>> -> memref<128x128xf32, #tpu.memory_space<hbm>>
    tpu.wait_dma2 semaphore(%arg27 : memref<!tpu.dma_semaphore, #tpu.memory_space<semaphore_mem>>) src(%arg13 : memref<128x128xf32, #tpu.memory_space<vmem>>) dst(%dma_wait3A_449 : memref<128x128xf32, #tpu.memory_space<hbm>>)
    %dma_start3A_450 = arith.constant 18 : i32
    %dma_start3A_451 = arith.constant 0 : i32
    %dma_start3A_452 = tpu.memref_slice %arg6[%dma_start3A_450, %dma_start3A_451] : memref<32x128xi32, #tpu.memory_space<vmem>> -> memref<1x128xi32, #tpu.memory_space<vmem>>
    %dma_start3A_453 = tpu.memref_squeeze %dma_start3A_452 : memref<1x128xi32, #tpu.memory_space<vmem>> -> memref<128xi32, #tpu.memory_space<vmem>>
    %dma_start3A_454 = arith.constant 0 : i32
    %dma_start3A_455 = arith.constant 0 : i32
    %dma_start3A_456 = tpu.memref_slice %arg4[%dma_start3A_454, %dma_start3A_455] : memref<100000x128xf32, #tpu.memory_space<hbm>> -> memref<100000x128xf32, #tpu.memory_space<hbm>>
    tpu.enqueue_indirect_dma source(%dma_start3A_456 : memref<100000x128xf32, #tpu.memory_space<hbm>>) target(%arg13 : memref<128x128xf32, #tpu.memory_space<vmem>>) offsets(%dma_start3A_453 : memref<128xi32, #tpu.memory_space<vmem>>) semaphore(%arg20 : memref<!tpu.dma_semaphore, #tpu.memory_space<semaphore_mem>>)
    %dma_wait3A_457 = arith.constant 14 : i32
    %dma_wait3A_458 = arith.constant 0 : i32
    %dma_wait3A_459 = tpu.memref_slice %arg6[%dma_wait3A_457, %dma_wait3A_458] : memref<32x128xi32, #tpu.memory_space<vmem>> -> memref<1x128xi32, #tpu.memory_space<vmem>>
    %dma_wait3A_460 = tpu.memref_squeeze %dma_wait3A_459 : memref<1x128xi32, #tpu.memory_space<vmem>> -> memref<128xi32, #tpu.memory_space<vmem>>
    %dma_wait3A_461 = arith.constant 0 : i32
    %dma_wait3A_462 = arith.constant 0 : i32
    %dma_wait3A_463 = tpu.memref_slice %arg4[%dma_wait3A_461, %dma_wait3A_462] : memref<100000x128xf32, #tpu.memory_space<hbm>> -> memref<100000x128xf32, #tpu.memory_space<hbm>>
    tpu.wait_indirect_dma semaphore(%arg16 : memref<!tpu.dma_semaphore, #tpu.memory_space<semaphore_mem>>) src(%dma_wait3A_463 : memref<100000x128xf32, #tpu.memory_space<hbm>>) dst(%arg9 : memref<128x128xf32, #tpu.memory_space<vmem>>)
    %scan3A_464 = arith.constant 0 : i32
    %scan3A_465 = arith.constant 0 : i32
    %scan3A_466 = arith.constant 128 : i32
    %scan3A_467 = arith.addi %scan3A_465, %scan3A_466 : i32
    %scan3A_468 = arith.constant 1 : i32
    scf.for %scan3A_970 = %scan3A_465 to %scan3A_467 step %scan3A_468  : i32 {
      %broadcast_in_dim3A = arith.constant 0 : i32
      %broadcast_in_dim3A_971 = vector.broadcast %broadcast_in_dim3A : i32 to vector<16xi32>
      %add3A_972 = arith.constant 1792 : i32
      %add3A_973 = arith.addi %add3A_972, %scan3A_970 : i32
      %add3A_974 = vector.broadcast %add3A_973 : i32 to vector<16xi32>
      %add3A_975 = arith.addi %broadcast_in_dim3A_971, %add3A_974 : vector<16xi32>
      %gather3A = tpu.vector_load_idx %arg8[%add3A_975] : memref<4096xf32, #tpu.memory_space<vmem>>[vector<16xi32>], vector<16xf32>,
      %get3A = arith.index_cast %scan3A_970 : i32 to index
      %get3A_976 = arith.constant 0 : index
      %get3A_977 = tpu.vector_load %arg9[%get3A, %get3A_976] {strides = array<i32>} : memref<128x128xf32, #tpu.memory_space<vmem>>, vector<16xf32>,
      %mul3A_978 = arith.mulf %get3A_977, %gather3A : vector<16xf32>
      %swap3A = arith.index_cast %scan3A_970 : i32 to index
      %swap3A_979 = arith.constant 0 : index
      %swap3A_980 = tpu.vector_load %arg9[%swap3A, %swap3A_979] {strides = array<i32>} : memref<128x128xf32, #tpu.memory_space<vmem>>, vector<16xf32>,
      tpu.vector_store %arg9[%swap3A, %swap3A_979], %mul3A_978 {strides = array<i32>} : memref<128x128xf32, #tpu.memory_space<vmem>>, vector<16xf32>,
      %get3A_981 = arith.index_cast %scan3A_970 : i32 to index
      %get3A_982 = arith.constant 16 : index
      %get3A_983 = tpu.vector_load %arg9[%get3A_981, %get3A_982] {strides = array<i32>} : memref<128x128xf32, #tpu.memory_space<vmem>>, vector<16xf32>,
      %mul3A_984 = arith.mulf %get3A_983, %gather3A : vector<16xf32>
      %swap3A_985 = arith.index_cast %scan3A_970 : i32 to index
      %swap3A_986 = arith.constant 16 : index
      %swap3A_987 = tpu.vector_load %arg9[%swap3A_985, %swap3A_986] {strides = array<i32>} : memref<128x128xf32, #tpu.memory_space<vmem>>, vector<16xf32>,
      tpu.vector_store %arg9[%swap3A_985, %swap3A_986], %mul3A_984 {strides = array<i32>} : memref<128x128xf32, #tpu.memory_space<vmem>>, vector<16xf32>,
      %get3A_988 = arith.index_cast %scan3A_970 : i32 to index
      %get3A_989 = arith.constant 32 : index
      %get3A_990 = tpu.vector_load %arg9[%get3A_988, %get3A_989] {strides = array<i32>} : memref<128x128xf32, #tpu.memory_space<vmem>>, vector<16xf32>,
      %mul3A_991 = arith.mulf %get3A_990, %gather3A : vector<16xf32>
      %swap3A_992 = arith.index_cast %scan3A_970 : i32 to index
      %swap3A_993 = arith.constant 32 : index
      %swap3A_994 = tpu.vector_load %arg9[%swap3A_992, %swap3A_993] {strides = array<i32>} : memref<128x128xf32, #tpu.memory_space<vmem>>, vector<16xf32>,
      tpu.vector_store %arg9[%swap3A_992, %swap3A_993], %mul3A_991 {strides = array<i32>} : memref<128x128xf32, #tpu.memory_space<vmem>>, vector<16xf32>,
      %get3A_995 = arith.index_cast %scan3A_970 : i32 to index
      %get3A_996 = arith.constant 48 : index
      %get3A_997 = tpu.vector_load %arg9[%get3A_995, %get3A_996] {strides = array<i32>} : memref<128x128xf32, #tpu.memory_space<vmem>>, vector<16xf32>,
      %mul3A_998 = arith.mulf %get3A_997, %gather3A : vector<16xf32>
      %swap3A_999 = arith.index_cast %scan3A_970 : i32 to index
      %swap3A_1000 = arith.constant 48 : index
      %swap3A_1001 = tpu.vector_load %arg9[%swap3A_999, %swap3A_1000] {strides = array<i32>} : memref<128x128xf32, #tpu.memory_space<vmem>>, vector<16xf32>,
      tpu.vector_store %arg9[%swap3A_999, %swap3A_1000], %mul3A_998 {strides = array<i32>} : memref<128x128xf32, #tpu.memory_space<vmem>>, vector<16xf32>,
      %get3A_1002 = arith.index_cast %scan3A_970 : i32 to index
      %get3A_1003 = arith.constant 64 : index
      %get3A_1004 = tpu.vector_load %arg9[%get3A_1002, %get3A_1003] {strides = array<i32>} : memref<128x128xf32, #tpu.memory_space<vmem>>, vector<16xf32>,
      %mul3A_1005 = arith.mulf %get3A_1004, %gather3A : vector<16xf32>
      %swap3A_1006 = arith.index_cast %scan3A_970 : i32 to index
      %swap3A_1007 = arith.constant 64 : index
      %swap3A_1008 = tpu.vector_load %arg9[%swap3A_1006, %swap3A_1007] {strides = array<i32>} : memref<128x128xf32, #tpu.memory_space<vmem>>, vector<16xf32>,
      tpu.vector_store %arg9[%swap3A_1006, %swap3A_1007], %mul3A_1005 {strides = array<i32>} : memref<128x128xf32, #tpu.memory_space<vmem>>, vector<16xf32>,
      %get3A_1009 = arith.index_cast %scan3A_970 : i32 to index
      %get3A_1010 = arith.constant 80 : index
      %get3A_1011 = tpu.vector_load %arg9[%get3A_1009, %get3A_1010] {strides = array<i32>} : memref<128x128xf32, #tpu.memory_space<vmem>>, vector<16xf32>,
      %mul3A_1012 = arith.mulf %get3A_1011, %gather3A : vector<16xf32>
      %swap3A_1013 = arith.index_cast %scan3A_970 : i32 to index
      %swap3A_1014 = arith.constant 80 : index
      %swap3A_1015 = tpu.vector_load %arg9[%swap3A_1013, %swap3A_1014] {strides = array<i32>} : memref<128x128xf32, #tpu.memory_space<vmem>>, vector<16xf32>,
      tpu.vector_store %arg9[%swap3A_1013, %swap3A_1014], %mul3A_1012 {strides = array<i32>} : memref<128x128xf32, #tpu.memory_space<vmem>>, vector<16xf32>,
      %get3A_1016 = arith.index_cast %scan3A_970 : i32 to index
      %get3A_1017 = arith.constant 96 : index
      %get3A_1018 = tpu.vector_load %arg9[%get3A_1016, %get3A_1017] {strides = array<i32>} : memref<128x128xf32, #tpu.memory_space<vmem>>, vector<16xf32>,
      %mul3A_1019 = arith.mulf %get3A_1018, %gather3A : vector<16xf32>
      %swap3A_1020 = arith.index_cast %scan3A_970 : i32 to index
      %swap3A_1021 = arith.constant 96 : index
      %swap3A_1022 = tpu.vector_load %arg9[%swap3A_1020, %swap3A_1021] {strides = array<i32>} : memref<128x128xf32, #tpu.memory_space<vmem>>, vector<16xf32>,
      tpu.vector_store %arg9[%swap3A_1020, %swap3A_1021], %mul3A_1019 {strides = array<i32>} : memref<128x128xf32, #tpu.memory_space<vmem>>, vector<16xf32>,
      %get3A_1023 = arith.index_cast %scan3A_970 : i32 to index
      %get3A_1024 = arith.constant 112 : index
      %get3A_1025 = tpu.vector_load %arg9[%get3A_1023, %get3A_1024] {strides = array<i32>} : memref<128x128xf32, #tpu.memory_space<vmem>>, vector<16xf32>,
      %mul3A_1026 = arith.mulf %get3A_1025, %gather3A : vector<16xf32>
      %swap3A_1027 = arith.index_cast %scan3A_970 : i32 to index
      %swap3A_1028 = arith.constant 112 : index
      %swap3A_1029 = tpu.vector_load %arg9[%swap3A_1027, %swap3A_1028] {strides = array<i32>} : memref<128x128xf32, #tpu.memory_space<vmem>>, vector<16xf32>,
      tpu.vector_store %arg9[%swap3A_1027, %swap3A_1028], %mul3A_1026 {strides = array<i32>} : memref<128x128xf32, #tpu.memory_space<vmem>>, vector<16xf32>,
    }
    %scan3A_469 = arith.constant 128 : i32
    %add3A_470 = arith.constant 1792 : i32
    %add3A_471 = arith.addi %mul3A_2, %add3A_470 : i32
    %dma_start3A_472 = arith.constant 0 : i32
    %dma_start3A_473 = tpu.memref_slice %arg5[%add3A_471, %dma_start3A_472] : memref<131072x128xf32, #tpu.memory_space<hbm>> -> memref<128x128xf32, #tpu.memory_space<hbm>>
    %dma_start3A_474 = arith.constant 0 : i32
    %dma_start3A_475 = tpu.memref_slice %arg5[%add3A_471, %dma_start3A_474] : memref<131072x128xf32, #tpu.memory_space<hbm>> -> memref<128x128xf32, #tpu.memory_space<hbm>>
    tpu.enqueue_dma source(%arg9 : memref<128x128xf32, #tpu.memory_space<vmem>>) target(%dma_start3A_475 : memref<128x128xf32, #tpu.memory_space<hbm>>) target_semaphore(%arg23 : memref<!tpu.dma_semaphore, #tpu.memory_space<semaphore_mem>>)
    %dma_wait3A_476 = arith.constant 0 : i32
    %dma_wait3A_477 = tpu.memref_slice %arg5[%add3A_411, %dma_wait3A_476] : memref<131072x128xf32, #tpu.memory_space<hbm>> -> memref<128x128xf32, #tpu.memory_space<hbm>>
    %dma_wait3A_478 = arith.constant 0 : i32
    %dma_wait3A_479 = tpu.memref_slice %arg5[%add3A_411, %dma_wait3A_478] : memref<131072x128xf32, #tpu.memory_space<hbm>> -> memref<128x128xf32, #tpu.memory_space<hbm>>
    tpu.wait_dma2 semaphore(%arg28 : memref<!tpu.dma_semaphore, #tpu.memory_space<semaphore_mem>>) src(%arg14 : memref<128x128xf32, #tpu.memory_space<vmem>>) dst(%dma_wait3A_479 : memref<128x128xf32, #tpu.memory_space<hbm>>)
    %dma_start3A_480 = arith.constant 19 : i32
    %dma_start3A_481 = arith.constant 0 : i32
    %dma_start3A_482 = tpu.memref_slice %arg6[%dma_start3A_480, %dma_start3A_481] : memref<32x128xi32, #tpu.memory_space<vmem>> -> memref<1x128xi32, #tpu.memory_space<vmem>>
    %dma_start3A_483 = tpu.memref_squeeze %dma_start3A_482 : memref<1x128xi32, #tpu.memory_space<vmem>> -> memref<128xi32, #tpu.memory_space<vmem>>
    %dma_start3A_484 = arith.constant 0 : i32
    %dma_start3A_485 = arith.constant 0 : i32
    %dma_start3A_486 = tpu.memref_slice %arg4[%dma_start3A_484, %dma_start3A_485] : memref<100000x128xf32, #tpu.memory_space<hbm>> -> memref<100000x128xf32, #tpu.memory_space<hbm>>
    tpu.enqueue_indirect_dma source(%dma_start3A_486 : memref<100000x128xf32, #tpu.memory_space<hbm>>) target(%arg14 : memref<128x128xf32, #tpu.memory_space<vmem>>) offsets(%dma_start3A_483 : memref<128xi32, #tpu.memory_space<vmem>>) semaphore(%arg21 : memref<!tpu.dma_semaphore, #tpu.memory_space<semaphore_mem>>)
    %dma_wait3A_487 = arith.constant 15 : i32
    %dma_wait3A_488 = arith.constant 0 : i32
    %dma_wait3A_489 = tpu.memref_slice %arg6[%dma_wait3A_487, %dma_wait3A_488] : memref<32x128xi32, #tpu.memory_space<vmem>> -> memref<1x128xi32, #tpu.memory_space<vmem>>
    %dma_wait3A_490 = tpu.memref_squeeze %dma_wait3A_489 : memref<1x128xi32, #tpu.memory_space<vmem>> -> memref<128xi32, #tpu.memory_space<vmem>>
    %dma_wait3A_491 = arith.constant 0 : i32
    %dma_wait3A_492 = arith.constant 0 : i32
    %dma_wait3A_493 = tpu.memref_slice %arg4[%dma_wait3A_491, %dma_wait3A_492] : memref<100000x128xf32, #tpu.memory_space<hbm>> -> memref<100000x128xf32, #tpu.memory_space<hbm>>
    tpu.wait_indirect_dma semaphore(%arg17 : memref<!tpu.dma_semaphore, #tpu.memory_space<semaphore_mem>>) src(%dma_wait3A_493 : memref<100000x128xf32, #tpu.memory_space<hbm>>) dst(%arg10 : memref<128x128xf32, #tpu.memory_space<vmem>>)
    %scan3A_494 = arith.constant 0 : i32
    %scan3A_495 = arith.constant 0 : i32
    %scan3A_496 = arith.constant 128 : i32
    %scan3A_497 = arith.addi %scan3A_495, %scan3A_496 : i32
    %scan3A_498 = arith.constant 1 : i32
    scf.for %scan3A_970 = %scan3A_495 to %scan3A_497 step %scan3A_498  : i32 {
      %broadcast_in_dim3A = arith.constant 0 : i32
      %broadcast_in_dim3A_971 = vector.broadcast %broadcast_in_dim3A : i32 to vector<16xi32>
      %add3A_972 = arith.constant 1920 : i32
      %add3A_973 = arith.addi %add3A_972, %scan3A_970 : i32
      %add3A_974 = vector.broadcast %add3A_973 : i32 to vector<16xi32>
      %add3A_975 = arith.addi %broadcast_in_dim3A_971, %add3A_974 : vector<16xi32>
      %gather3A = tpu.vector_load_idx %arg8[%add3A_975] : memref<4096xf32, #tpu.memory_space<vmem>>[vector<16xi32>], vector<16xf32>,
      %get3A = arith.index_cast %scan3A_970 : i32 to index
      %get3A_976 = arith.constant 0 : index
      %get3A_977 = tpu.vector_load %arg10[%get3A, %get3A_976] {strides = array<i32>} : memref<128x128xf32, #tpu.memory_space<vmem>>, vector<16xf32>,
      %mul3A_978 = arith.mulf %get3A_977, %gather3A : vector<16xf32>
      %swap3A = arith.index_cast %scan3A_970 : i32 to index
      %swap3A_979 = arith.constant 0 : index
      %swap3A_980 = tpu.vector_load %arg10[%swap3A, %swap3A_979] {strides = array<i32>} : memref<128x128xf32, #tpu.memory_space<vmem>>, vector<16xf32>,
      tpu.vector_store %arg10[%swap3A, %swap3A_979], %mul3A_978 {strides = array<i32>} : memref<128x128xf32, #tpu.memory_space<vmem>>, vector<16xf32>,
      %get3A_981 = arith.index_cast %scan3A_970 : i32 to index
      %get3A_982 = arith.constant 16 : index
      %get3A_983 = tpu.vector_load %arg10[%get3A_981, %get3A_982] {strides = array<i32>} : memref<128x128xf32, #tpu.memory_space<vmem>>, vector<16xf32>,
      %mul3A_984 = arith.mulf %get3A_983, %gather3A : vector<16xf32>
      %swap3A_985 = arith.index_cast %scan3A_970 : i32 to index
      %swap3A_986 = arith.constant 16 : index
      %swap3A_987 = tpu.vector_load %arg10[%swap3A_985, %swap3A_986] {strides = array<i32>} : memref<128x128xf32, #tpu.memory_space<vmem>>, vector<16xf32>,
      tpu.vector_store %arg10[%swap3A_985, %swap3A_986], %mul3A_984 {strides = array<i32>} : memref<128x128xf32, #tpu.memory_space<vmem>>, vector<16xf32>,
      %get3A_988 = arith.index_cast %scan3A_970 : i32 to index
      %get3A_989 = arith.constant 32 : index
      %get3A_990 = tpu.vector_load %arg10[%get3A_988, %get3A_989] {strides = array<i32>} : memref<128x128xf32, #tpu.memory_space<vmem>>, vector<16xf32>,
      %mul3A_991 = arith.mulf %get3A_990, %gather3A : vector<16xf32>
      %swap3A_992 = arith.index_cast %scan3A_970 : i32 to index
      %swap3A_993 = arith.constant 32 : index
      %swap3A_994 = tpu.vector_load %arg10[%swap3A_992, %swap3A_993] {strides = array<i32>} : memref<128x128xf32, #tpu.memory_space<vmem>>, vector<16xf32>,
      tpu.vector_store %arg10[%swap3A_992, %swap3A_993], %mul3A_991 {strides = array<i32>} : memref<128x128xf32, #tpu.memory_space<vmem>>, vector<16xf32>,
      %get3A_995 = arith.index_cast %scan3A_970 : i32 to index
      %get3A_996 = arith.constant 48 : index
      %get3A_997 = tpu.vector_load %arg10[%get3A_995, %get3A_996] {strides = array<i32>} : memref<128x128xf32, #tpu.memory_space<vmem>>, vector<16xf32>,
      %mul3A_998 = arith.mulf %get3A_997, %gather3A : vector<16xf32>
      %swap3A_999 = arith.index_cast %scan3A_970 : i32 to index
      %swap3A_1000 = arith.constant 48 : index
      %swap3A_1001 = tpu.vector_load %arg10[%swap3A_999, %swap3A_1000] {strides = array<i32>} : memref<128x128xf32, #tpu.memory_space<vmem>>, vector<16xf32>,
      tpu.vector_store %arg10[%swap3A_999, %swap3A_1000], %mul3A_998 {strides = array<i32>} : memref<128x128xf32, #tpu.memory_space<vmem>>, vector<16xf32>,
      %get3A_1002 = arith.index_cast %scan3A_970 : i32 to index
      %get3A_1003 = arith.constant 64 : index
      %get3A_1004 = tpu.vector_load %arg10[%get3A_1002, %get3A_1003] {strides = array<i32>} : memref<128x128xf32, #tpu.memory_space<vmem>>, vector<16xf32>,
      %mul3A_1005 = arith.mulf %get3A_1004, %gather3A : vector<16xf32>
      %swap3A_1006 = arith.index_cast %scan3A_970 : i32 to index
      %swap3A_1007 = arith.constant 64 : index
      %swap3A_1008 = tpu.vector_load %arg10[%swap3A_1006, %swap3A_1007] {strides = array<i32>} : memref<128x128xf32, #tpu.memory_space<vmem>>, vector<16xf32>,
      tpu.vector_store %arg10[%swap3A_1006, %swap3A_1007], %mul3A_1005 {strides = array<i32>} : memref<128x128xf32, #tpu.memory_space<vmem>>, vector<16xf32>,
      %get3A_1009 = arith.index_cast %scan3A_970 : i32 to index
      %get3A_1010 = arith.constant 80 : index
      %get3A_1011 = tpu.vector_load %arg10[%get3A_1009, %get3A_1010] {strides = array<i32>} : memref<128x128xf32, #tpu.memory_space<vmem>>, vector<16xf32>,
      %mul3A_1012 = arith.mulf %get3A_1011, %gather3A : vector<16xf32>
      %swap3A_1013 = arith.index_cast %scan3A_970 : i32 to index
      %swap3A_1014 = arith.constant 80 : index
      %swap3A_1015 = tpu.vector_load %arg10[%swap3A_1013, %swap3A_1014] {strides = array<i32>} : memref<128x128xf32, #tpu.memory_space<vmem>>, vector<16xf32>,
      tpu.vector_store %arg10[%swap3A_1013, %swap3A_1014], %mul3A_1012 {strides = array<i32>} : memref<128x128xf32, #tpu.memory_space<vmem>>, vector<16xf32>,
      %get3A_1016 = arith.index_cast %scan3A_970 : i32 to index
      %get3A_1017 = arith.constant 96 : index
      %get3A_1018 = tpu.vector_load %arg10[%get3A_1016, %get3A_1017] {strides = array<i32>} : memref<128x128xf32, #tpu.memory_space<vmem>>, vector<16xf32>,
      %mul3A_1019 = arith.mulf %get3A_1018, %gather3A : vector<16xf32>
      %swap3A_1020 = arith.index_cast %scan3A_970 : i32 to index
      %swap3A_1021 = arith.constant 96 : index
      %swap3A_1022 = tpu.vector_load %arg10[%swap3A_1020, %swap3A_1021] {strides = array<i32>} : memref<128x128xf32, #tpu.memory_space<vmem>>, vector<16xf32>,
      tpu.vector_store %arg10[%swap3A_1020, %swap3A_1021], %mul3A_1019 {strides = array<i32>} : memref<128x128xf32, #tpu.memory_space<vmem>>, vector<16xf32>,
      %get3A_1023 = arith.index_cast %scan3A_970 : i32 to index
      %get3A_1024 = arith.constant 112 : index
      %get3A_1025 = tpu.vector_load %arg10[%get3A_1023, %get3A_1024] {strides = array<i32>} : memref<128x128xf32, #tpu.memory_space<vmem>>, vector<16xf32>,
      %mul3A_1026 = arith.mulf %get3A_1025, %gather3A : vector<16xf32>
      %swap3A_1027 = arith.index_cast %scan3A_970 : i32 to index
      %swap3A_1028 = arith.constant 112 : index
      %swap3A_1029 = tpu.vector_load %arg10[%swap3A_1027, %swap3A_1028] {strides = array<i32>} : memref<128x128xf32, #tpu.memory_space<vmem>>, vector<16xf32>,
      tpu.vector_store %arg10[%swap3A_1027, %swap3A_1028], %mul3A_1026 {strides = array<i32>} : memref<128x128xf32, #tpu.memory_space<vmem>>, vector<16xf32>,
    }
    %scan3A_499 = arith.constant 128 : i32
    %add3A_500 = arith.constant 1920 : i32
    %add3A_501 = arith.addi %mul3A_2, %add3A_500 : i32
    %dma_start3A_502 = arith.constant 0 : i32
    %dma_start3A_503 = tpu.memref_slice %arg5[%add3A_501, %dma_start3A_502] : memref<131072x128xf32, #tpu.memory_space<hbm>> -> memref<128x128xf32, #tpu.memory_space<hbm>>
    %dma_start3A_504 = arith.constant 0 : i32
    %dma_start3A_505 = tpu.memref_slice %arg5[%add3A_501, %dma_start3A_504] : memref<131072x128xf32, #tpu.memory_space<hbm>> -> memref<128x128xf32, #tpu.memory_space<hbm>>
    tpu.enqueue_dma source(%arg10 : memref<128x128xf32, #tpu.memory_space<vmem>>) target(%dma_start3A_505 : memref<128x128xf32, #tpu.memory_space<hbm>>) target_semaphore(%arg24 : memref<!tpu.dma_semaphore, #tpu.memory_space<semaphore_mem>>)
    %dma_wait3A_506 = arith.constant 0 : i32
    %dma_wait3A_507 = tpu.memref_slice %arg5[%add3A_441, %dma_wait3A_506] : memref<131072x128xf32, #tpu.memory_space<hbm>> -> memref<128x128xf32, #tpu.memory_space<hbm>>
    %dma_wait3A_508 = arith.constant 0 : i32
    %dma_wait3A_509 = tpu.memref_slice %arg5[%add3A_441, %dma_wait3A_508] : memref<131072x128xf32, #tpu.memory_space<hbm>> -> memref<128x128xf32, #tpu.memory_space<hbm>>
    tpu.wait_dma2 semaphore(%arg29 : memref<!tpu.dma_semaphore, #tpu.memory_space<semaphore_mem>>) src(%arg15 : memref<128x128xf32, #tpu.memory_space<vmem>>) dst(%dma_wait3A_509 : memref<128x128xf32, #tpu.memory_space<hbm>>)
    %dma_start3A_510 = arith.constant 20 : i32
    %dma_start3A_511 = arith.constant 0 : i32
    %dma_start3A_512 = tpu.memref_slice %arg6[%dma_start3A_510, %dma_start3A_511] : memref<32x128xi32, #tpu.memory_space<vmem>> -> memref<1x128xi32, #tpu.memory_space<vmem>>
    %dma_start3A_513 = tpu.memref_squeeze %dma_start3A_512 : memref<1x128xi32, #tpu.memory_space<vmem>> -> memref<128xi32, #tpu.memory_space<vmem>>
    %dma_start3A_514 = arith.constant 0 : i32
    %dma_start3A_515 = arith.constant 0 : i32
    %dma_start3A_516 = tpu.memref_slice %arg4[%dma_start3A_514, %dma_start3A_515] : memref<100000x128xf32, #tpu.memory_space<hbm>> -> memref<100000x128xf32, #tpu.memory_space<hbm>>
    tpu.enqueue_indirect_dma source(%dma_start3A_516 : memref<100000x128xf32, #tpu.memory_space<hbm>>) target(%arg15 : memref<128x128xf32, #tpu.memory_space<vmem>>) offsets(%dma_start3A_513 : memref<128xi32, #tpu.memory_space<vmem>>) semaphore(%arg22 : memref<!tpu.dma_semaphore, #tpu.memory_space<semaphore_mem>>)
    %dma_wait3A_517 = arith.constant 16 : i32
    %dma_wait3A_518 = arith.constant 0 : i32
    %dma_wait3A_519 = tpu.memref_slice %arg6[%dma_wait3A_517, %dma_wait3A_518] : memref<32x128xi32, #tpu.memory_space<vmem>> -> memref<1x128xi32, #tpu.memory_space<vmem>>
    %dma_wait3A_520 = tpu.memref_squeeze %dma_wait3A_519 : memref<1x128xi32, #tpu.memory_space<vmem>> -> memref<128xi32, #tpu.memory_space<vmem>>
    %dma_wait3A_521 = arith.constant 0 : i32
    %dma_wait3A_522 = arith.constant 0 : i32
    %dma_wait3A_523 = tpu.memref_slice %arg4[%dma_wait3A_521, %dma_wait3A_522] : memref<100000x128xf32, #tpu.memory_space<hbm>> -> memref<100000x128xf32, #tpu.memory_space<hbm>>
    tpu.wait_indirect_dma semaphore(%arg18 : memref<!tpu.dma_semaphore, #tpu.memory_space<semaphore_mem>>) src(%dma_wait3A_523 : memref<100000x128xf32, #tpu.memory_space<hbm>>) dst(%arg11 : memref<128x128xf32, #tpu.memory_space<vmem>>)
    %scan3A_524 = arith.constant 0 : i32
    %scan3A_525 = arith.constant 0 : i32
    %scan3A_526 = arith.constant 128 : i32
    %scan3A_527 = arith.addi %scan3A_525, %scan3A_526 : i32
    %scan3A_528 = arith.constant 1 : i32
    scf.for %scan3A_970 = %scan3A_525 to %scan3A_527 step %scan3A_528  : i32 {
      %broadcast_in_dim3A = arith.constant 0 : i32
      %broadcast_in_dim3A_971 = vector.broadcast %broadcast_in_dim3A : i32 to vector<16xi32>
      %add3A_972 = arith.constant 2048 : i32
      %add3A_973 = arith.addi %add3A_972, %scan3A_970 : i32
      %add3A_974 = vector.broadcast %add3A_973 : i32 to vector<16xi32>
      %add3A_975 = arith.addi %broadcast_in_dim3A_971, %add3A_974 : vector<16xi32>
      %gather3A = tpu.vector_load_idx %arg8[%add3A_975] : memref<4096xf32, #tpu.memory_space<vmem>>[vector<16xi32>], vector<16xf32>,
      %get3A = arith.index_cast %scan3A_970 : i32 to index
      %get3A_976 = arith.constant 0 : index
      %get3A_977 = tpu.vector_load %arg11[%get3A, %get3A_976] {strides = array<i32>} : memref<128x128xf32, #tpu.memory_space<vmem>>, vector<16xf32>,
      %mul3A_978 = arith.mulf %get3A_977, %gather3A : vector<16xf32>
      %swap3A = arith.index_cast %scan3A_970 : i32 to index
      %swap3A_979 = arith.constant 0 : index
      %swap3A_980 = tpu.vector_load %arg11[%swap3A, %swap3A_979] {strides = array<i32>} : memref<128x128xf32, #tpu.memory_space<vmem>>, vector<16xf32>,
      tpu.vector_store %arg11[%swap3A, %swap3A_979], %mul3A_978 {strides = array<i32>} : memref<128x128xf32, #tpu.memory_space<vmem>>, vector<16xf32>,
      %get3A_981 = arith.index_cast %scan3A_970 : i32 to index
      %get3A_982 = arith.constant 16 : index
      %get3A_983 = tpu.vector_load %arg11[%get3A_981, %get3A_982] {strides = array<i32>} : memref<128x128xf32, #tpu.memory_space<vmem>>, vector<16xf32>,
      %mul3A_984 = arith.mulf %get3A_983, %gather3A : vector<16xf32>
      %swap3A_985 = arith.index_cast %scan3A_970 : i32 to index
      %swap3A_986 = arith.constant 16 : index
      %swap3A_987 = tpu.vector_load %arg11[%swap3A_985, %swap3A_986] {strides = array<i32>} : memref<128x128xf32, #tpu.memory_space<vmem>>, vector<16xf32>,
      tpu.vector_store %arg11[%swap3A_985, %swap3A_986], %mul3A_984 {strides = array<i32>} : memref<128x128xf32, #tpu.memory_space<vmem>>, vector<16xf32>,
      %get3A_988 = arith.index_cast %scan3A_970 : i32 to index
      %get3A_989 = arith.constant 32 : index
      %get3A_990 = tpu.vector_load %arg11[%get3A_988, %get3A_989] {strides = array<i32>} : memref<128x128xf32, #tpu.memory_space<vmem>>, vector<16xf32>,
      %mul3A_991 = arith.mulf %get3A_990, %gather3A : vector<16xf32>
      %swap3A_992 = arith.index_cast %scan3A_970 : i32 to index
      %swap3A_993 = arith.constant 32 : index
      %swap3A_994 = tpu.vector_load %arg11[%swap3A_992, %swap3A_993] {strides = array<i32>} : memref<128x128xf32, #tpu.memory_space<vmem>>, vector<16xf32>,
      tpu.vector_store %arg11[%swap3A_992, %swap3A_993], %mul3A_991 {strides = array<i32>} : memref<128x128xf32, #tpu.memory_space<vmem>>, vector<16xf32>,
      %get3A_995 = arith.index_cast %scan3A_970 : i32 to index
      %get3A_996 = arith.constant 48 : index
      %get3A_997 = tpu.vector_load %arg11[%get3A_995, %get3A_996] {strides = array<i32>} : memref<128x128xf32, #tpu.memory_space<vmem>>, vector<16xf32>,
      %mul3A_998 = arith.mulf %get3A_997, %gather3A : vector<16xf32>
      %swap3A_999 = arith.index_cast %scan3A_970 : i32 to index
      %swap3A_1000 = arith.constant 48 : index
      %swap3A_1001 = tpu.vector_load %arg11[%swap3A_999, %swap3A_1000] {strides = array<i32>} : memref<128x128xf32, #tpu.memory_space<vmem>>, vector<16xf32>,
      tpu.vector_store %arg11[%swap3A_999, %swap3A_1000], %mul3A_998 {strides = array<i32>} : memref<128x128xf32, #tpu.memory_space<vmem>>, vector<16xf32>,
      %get3A_1002 = arith.index_cast %scan3A_970 : i32 to index
      %get3A_1003 = arith.constant 64 : index
      %get3A_1004 = tpu.vector_load %arg11[%get3A_1002, %get3A_1003] {strides = array<i32>} : memref<128x128xf32, #tpu.memory_space<vmem>>, vector<16xf32>,
      %mul3A_1005 = arith.mulf %get3A_1004, %gather3A : vector<16xf32>
      %swap3A_1006 = arith.index_cast %scan3A_970 : i32 to index
      %swap3A_1007 = arith.constant 64 : index
      %swap3A_1008 = tpu.vector_load %arg11[%swap3A_1006, %swap3A_1007] {strides = array<i32>} : memref<128x128xf32, #tpu.memory_space<vmem>>, vector<16xf32>,
      tpu.vector_store %arg11[%swap3A_1006, %swap3A_1007], %mul3A_1005 {strides = array<i32>} : memref<128x128xf32, #tpu.memory_space<vmem>>, vector<16xf32>,
      %get3A_1009 = arith.index_cast %scan3A_970 : i32 to index
      %get3A_1010 = arith.constant 80 : index
      %get3A_1011 = tpu.vector_load %arg11[%get3A_1009, %get3A_1010] {strides = array<i32>} : memref<128x128xf32, #tpu.memory_space<vmem>>, vector<16xf32>,
      %mul3A_1012 = arith.mulf %get3A_1011, %gather3A : vector<16xf32>
      %swap3A_1013 = arith.index_cast %scan3A_970 : i32 to index
      %swap3A_1014 = arith.constant 80 : index
      %swap3A_1015 = tpu.vector_load %arg11[%swap3A_1013, %swap3A_1014] {strides = array<i32>} : memref<128x128xf32, #tpu.memory_space<vmem>>, vector<16xf32>,
      tpu.vector_store %arg11[%swap3A_1013, %swap3A_1014], %mul3A_1012 {strides = array<i32>} : memref<128x128xf32, #tpu.memory_space<vmem>>, vector<16xf32>,
      %get3A_1016 = arith.index_cast %scan3A_970 : i32 to index
      %get3A_1017 = arith.constant 96 : index
      %get3A_1018 = tpu.vector_load %arg11[%get3A_1016, %get3A_1017] {strides = array<i32>} : memref<128x128xf32, #tpu.memory_space<vmem>>, vector<16xf32>,
      %mul3A_1019 = arith.mulf %get3A_1018, %gather3A : vector<16xf32>
      %swap3A_1020 = arith.index_cast %scan3A_970 : i32 to index
      %swap3A_1021 = arith.constant 96 : index
      %swap3A_1022 = tpu.vector_load %arg11[%swap3A_1020, %swap3A_1021] {strides = array<i32>} : memref<128x128xf32, #tpu.memory_space<vmem>>, vector<16xf32>,
      tpu.vector_store %arg11[%swap3A_1020, %swap3A_1021], %mul3A_1019 {strides = array<i32>} : memref<128x128xf32, #tpu.memory_space<vmem>>, vector<16xf32>,
      %get3A_1023 = arith.index_cast %scan3A_970 : i32 to index
      %get3A_1024 = arith.constant 112 : index
      %get3A_1025 = tpu.vector_load %arg11[%get3A_1023, %get3A_1024] {strides = array<i32>} : memref<128x128xf32, #tpu.memory_space<vmem>>, vector<16xf32>,
      %mul3A_1026 = arith.mulf %get3A_1025, %gather3A : vector<16xf32>
      %swap3A_1027 = arith.index_cast %scan3A_970 : i32 to index
      %swap3A_1028 = arith.constant 112 : index
      %swap3A_1029 = tpu.vector_load %arg11[%swap3A_1027, %swap3A_1028] {strides = array<i32>} : memref<128x128xf32, #tpu.memory_space<vmem>>, vector<16xf32>,
      tpu.vector_store %arg11[%swap3A_1027, %swap3A_1028], %mul3A_1026 {strides = array<i32>} : memref<128x128xf32, #tpu.memory_space<vmem>>, vector<16xf32>,
    }
    %scan3A_529 = arith.constant 128 : i32
    %add3A_530 = arith.constant 2048 : i32
    %add3A_531 = arith.addi %mul3A_2, %add3A_530 : i32
    %dma_start3A_532 = arith.constant 0 : i32
    %dma_start3A_533 = tpu.memref_slice %arg5[%add3A_531, %dma_start3A_532] : memref<131072x128xf32, #tpu.memory_space<hbm>> -> memref<128x128xf32, #tpu.memory_space<hbm>>
    %dma_start3A_534 = arith.constant 0 : i32
    %dma_start3A_535 = tpu.memref_slice %arg5[%add3A_531, %dma_start3A_534] : memref<131072x128xf32, #tpu.memory_space<hbm>> -> memref<128x128xf32, #tpu.memory_space<hbm>>
    tpu.enqueue_dma source(%arg11 : memref<128x128xf32, #tpu.memory_space<vmem>>) target(%dma_start3A_535 : memref<128x128xf32, #tpu.memory_space<hbm>>) target_semaphore(%arg25 : memref<!tpu.dma_semaphore, #tpu.memory_space<semaphore_mem>>)
    %dma_wait3A_536 = arith.constant 0 : i32
    %dma_wait3A_537 = tpu.memref_slice %arg5[%add3A_471, %dma_wait3A_536] : memref<131072x128xf32, #tpu.memory_space<hbm>> -> memref<128x128xf32, #tpu.memory_space<hbm>>
    %dma_wait3A_538 = arith.constant 0 : i32
    %dma_wait3A_539 = tpu.memref_slice %arg5[%add3A_471, %dma_wait3A_538] : memref<131072x128xf32, #tpu.memory_space<hbm>> -> memref<128x128xf32, #tpu.memory_space<hbm>>
    tpu.wait_dma2 semaphore(%arg23 : memref<!tpu.dma_semaphore, #tpu.memory_space<semaphore_mem>>) src(%arg9 : memref<128x128xf32, #tpu.memory_space<vmem>>) dst(%dma_wait3A_539 : memref<128x128xf32, #tpu.memory_space<hbm>>)
    %dma_start3A_540 = arith.constant 21 : i32
    %dma_start3A_541 = arith.constant 0 : i32
    %dma_start3A_542 = tpu.memref_slice %arg6[%dma_start3A_540, %dma_start3A_541] : memref<32x128xi32, #tpu.memory_space<vmem>> -> memref<1x128xi32, #tpu.memory_space<vmem>>
    %dma_start3A_543 = tpu.memref_squeeze %dma_start3A_542 : memref<1x128xi32, #tpu.memory_space<vmem>> -> memref<128xi32, #tpu.memory_space<vmem>>
    %dma_start3A_544 = arith.constant 0 : i32
    %dma_start3A_545 = arith.constant 0 : i32
    %dma_start3A_546 = tpu.memref_slice %arg4[%dma_start3A_544, %dma_start3A_545] : memref<100000x128xf32, #tpu.memory_space<hbm>> -> memref<100000x128xf32, #tpu.memory_space<hbm>>
    tpu.enqueue_indirect_dma source(%dma_start3A_546 : memref<100000x128xf32, #tpu.memory_space<hbm>>) target(%arg9 : memref<128x128xf32, #tpu.memory_space<vmem>>) offsets(%dma_start3A_543 : memref<128xi32, #tpu.memory_space<vmem>>) semaphore(%arg16 : memref<!tpu.dma_semaphore, #tpu.memory_space<semaphore_mem>>)
    %dma_wait3A_547 = arith.constant 17 : i32
    %dma_wait3A_548 = arith.constant 0 : i32
    %dma_wait3A_549 = tpu.memref_slice %arg6[%dma_wait3A_547, %dma_wait3A_548] : memref<32x128xi32, #tpu.memory_space<vmem>> -> memref<1x128xi32, #tpu.memory_space<vmem>>
    %dma_wait3A_550 = tpu.memref_squeeze %dma_wait3A_549 : memref<1x128xi32, #tpu.memory_space<vmem>> -> memref<128xi32, #tpu.memory_space<vmem>>
    %dma_wait3A_551 = arith.constant 0 : i32
    %dma_wait3A_552 = arith.constant 0 : i32
    %dma_wait3A_553 = tpu.memref_slice %arg4[%dma_wait3A_551, %dma_wait3A_552] : memref<100000x128xf32, #tpu.memory_space<hbm>> -> memref<100000x128xf32, #tpu.memory_space<hbm>>
    tpu.wait_indirect_dma semaphore(%arg19 : memref<!tpu.dma_semaphore, #tpu.memory_space<semaphore_mem>>) src(%dma_wait3A_553 : memref<100000x128xf32, #tpu.memory_space<hbm>>) dst(%arg12 : memref<128x128xf32, #tpu.memory_space<vmem>>)
    %scan3A_554 = arith.constant 0 : i32
    %scan3A_555 = arith.constant 0 : i32
    %scan3A_556 = arith.constant 128 : i32
    %scan3A_557 = arith.addi %scan3A_555, %scan3A_556 : i32
    %scan3A_558 = arith.constant 1 : i32
    scf.for %scan3A_970 = %scan3A_555 to %scan3A_557 step %scan3A_558  : i32 {
      %broadcast_in_dim3A = arith.constant 0 : i32
      %broadcast_in_dim3A_971 = vector.broadcast %broadcast_in_dim3A : i32 to vector<16xi32>
      %add3A_972 = arith.constant 2176 : i32
      %add3A_973 = arith.addi %add3A_972, %scan3A_970 : i32
      %add3A_974 = vector.broadcast %add3A_973 : i32 to vector<16xi32>
      %add3A_975 = arith.addi %broadcast_in_dim3A_971, %add3A_974 : vector<16xi32>
      %gather3A = tpu.vector_load_idx %arg8[%add3A_975] : memref<4096xf32, #tpu.memory_space<vmem>>[vector<16xi32>], vector<16xf32>,
      %get3A = arith.index_cast %scan3A_970 : i32 to index
      %get3A_976 = arith.constant 0 : index
      %get3A_977 = tpu.vector_load %arg12[%get3A, %get3A_976] {strides = array<i32>} : memref<128x128xf32, #tpu.memory_space<vmem>>, vector<16xf32>,
      %mul3A_978 = arith.mulf %get3A_977, %gather3A : vector<16xf32>
      %swap3A = arith.index_cast %scan3A_970 : i32 to index
      %swap3A_979 = arith.constant 0 : index
      %swap3A_980 = tpu.vector_load %arg12[%swap3A, %swap3A_979] {strides = array<i32>} : memref<128x128xf32, #tpu.memory_space<vmem>>, vector<16xf32>,
      tpu.vector_store %arg12[%swap3A, %swap3A_979], %mul3A_978 {strides = array<i32>} : memref<128x128xf32, #tpu.memory_space<vmem>>, vector<16xf32>,
      %get3A_981 = arith.index_cast %scan3A_970 : i32 to index
      %get3A_982 = arith.constant 16 : index
      %get3A_983 = tpu.vector_load %arg12[%get3A_981, %get3A_982] {strides = array<i32>} : memref<128x128xf32, #tpu.memory_space<vmem>>, vector<16xf32>,
      %mul3A_984 = arith.mulf %get3A_983, %gather3A : vector<16xf32>
      %swap3A_985 = arith.index_cast %scan3A_970 : i32 to index
      %swap3A_986 = arith.constant 16 : index
      %swap3A_987 = tpu.vector_load %arg12[%swap3A_985, %swap3A_986] {strides = array<i32>} : memref<128x128xf32, #tpu.memory_space<vmem>>, vector<16xf32>,
      tpu.vector_store %arg12[%swap3A_985, %swap3A_986], %mul3A_984 {strides = array<i32>} : memref<128x128xf32, #tpu.memory_space<vmem>>, vector<16xf32>,
      %get3A_988 = arith.index_cast %scan3A_970 : i32 to index
      %get3A_989 = arith.constant 32 : index
      %get3A_990 = tpu.vector_load %arg12[%get3A_988, %get3A_989] {strides = array<i32>} : memref<128x128xf32, #tpu.memory_space<vmem>>, vector<16xf32>,
      %mul3A_991 = arith.mulf %get3A_990, %gather3A : vector<16xf32>
      %swap3A_992 = arith.index_cast %scan3A_970 : i32 to index
      %swap3A_993 = arith.constant 32 : index
      %swap3A_994 = tpu.vector_load %arg12[%swap3A_992, %swap3A_993] {strides = array<i32>} : memref<128x128xf32, #tpu.memory_space<vmem>>, vector<16xf32>,
      tpu.vector_store %arg12[%swap3A_992, %swap3A_993], %mul3A_991 {strides = array<i32>} : memref<128x128xf32, #tpu.memory_space<vmem>>, vector<16xf32>,
      %get3A_995 = arith.index_cast %scan3A_970 : i32 to index
      %get3A_996 = arith.constant 48 : index
      %get3A_997 = tpu.vector_load %arg12[%get3A_995, %get3A_996] {strides = array<i32>} : memref<128x128xf32, #tpu.memory_space<vmem>>, vector<16xf32>,
      %mul3A_998 = arith.mulf %get3A_997, %gather3A : vector<16xf32>
      %swap3A_999 = arith.index_cast %scan3A_970 : i32 to index
      %swap3A_1000 = arith.constant 48 : index
      %swap3A_1001 = tpu.vector_load %arg12[%swap3A_999, %swap3A_1000] {strides = array<i32>} : memref<128x128xf32, #tpu.memory_space<vmem>>, vector<16xf32>,
      tpu.vector_store %arg12[%swap3A_999, %swap3A_1000], %mul3A_998 {strides = array<i32>} : memref<128x128xf32, #tpu.memory_space<vmem>>, vector<16xf32>,
      %get3A_1002 = arith.index_cast %scan3A_970 : i32 to index
      %get3A_1003 = arith.constant 64 : index
      %get3A_1004 = tpu.vector_load %arg12[%get3A_1002, %get3A_1003] {strides = array<i32>} : memref<128x128xf32, #tpu.memory_space<vmem>>, vector<16xf32>,
      %mul3A_1005 = arith.mulf %get3A_1004, %gather3A : vector<16xf32>
      %swap3A_1006 = arith.index_cast %scan3A_970 : i32 to index
      %swap3A_1007 = arith.constant 64 : index
      %swap3A_1008 = tpu.vector_load %arg12[%swap3A_1006, %swap3A_1007] {strides = array<i32>} : memref<128x128xf32, #tpu.memory_space<vmem>>, vector<16xf32>,
      tpu.vector_store %arg12[%swap3A_1006, %swap3A_1007], %mul3A_1005 {strides = array<i32>} : memref<128x128xf32, #tpu.memory_space<vmem>>, vector<16xf32>,
      %get3A_1009 = arith.index_cast %scan3A_970 : i32 to index
      %get3A_1010 = arith.constant 80 : index
      %get3A_1011 = tpu.vector_load %arg12[%get3A_1009, %get3A_1010] {strides = array<i32>} : memref<128x128xf32, #tpu.memory_space<vmem>>, vector<16xf32>,
      %mul3A_1012 = arith.mulf %get3A_1011, %gather3A : vector<16xf32>
      %swap3A_1013 = arith.index_cast %scan3A_970 : i32 to index
      %swap3A_1014 = arith.constant 80 : index
      %swap3A_1015 = tpu.vector_load %arg12[%swap3A_1013, %swap3A_1014] {strides = array<i32>} : memref<128x128xf32, #tpu.memory_space<vmem>>, vector<16xf32>,
      tpu.vector_store %arg12[%swap3A_1013, %swap3A_1014], %mul3A_1012 {strides = array<i32>} : memref<128x128xf32, #tpu.memory_space<vmem>>, vector<16xf32>,
      %get3A_1016 = arith.index_cast %scan3A_970 : i32 to index
      %get3A_1017 = arith.constant 96 : index
      %get3A_1018 = tpu.vector_load %arg12[%get3A_1016, %get3A_1017] {strides = array<i32>} : memref<128x128xf32, #tpu.memory_space<vmem>>, vector<16xf32>,
      %mul3A_1019 = arith.mulf %get3A_1018, %gather3A : vector<16xf32>
      %swap3A_1020 = arith.index_cast %scan3A_970 : i32 to index
      %swap3A_1021 = arith.constant 96 : index
      %swap3A_1022 = tpu.vector_load %arg12[%swap3A_1020, %swap3A_1021] {strides = array<i32>} : memref<128x128xf32, #tpu.memory_space<vmem>>, vector<16xf32>,
      tpu.vector_store %arg12[%swap3A_1020, %swap3A_1021], %mul3A_1019 {strides = array<i32>} : memref<128x128xf32, #tpu.memory_space<vmem>>, vector<16xf32>,
      %get3A_1023 = arith.index_cast %scan3A_970 : i32 to index
      %get3A_1024 = arith.constant 112 : index
      %get3A_1025 = tpu.vector_load %arg12[%get3A_1023, %get3A_1024] {strides = array<i32>} : memref<128x128xf32, #tpu.memory_space<vmem>>, vector<16xf32>,
      %mul3A_1026 = arith.mulf %get3A_1025, %gather3A : vector<16xf32>
      %swap3A_1027 = arith.index_cast %scan3A_970 : i32 to index
      %swap3A_1028 = arith.constant 112 : index
      %swap3A_1029 = tpu.vector_load %arg12[%swap3A_1027, %swap3A_1028] {strides = array<i32>} : memref<128x128xf32, #tpu.memory_space<vmem>>, vector<16xf32>,
      tpu.vector_store %arg12[%swap3A_1027, %swap3A_1028], %mul3A_1026 {strides = array<i32>} : memref<128x128xf32, #tpu.memory_space<vmem>>, vector<16xf32>,
    }
    %scan3A_559 = arith.constant 128 : i32
    %add3A_560 = arith.constant 2176 : i32
    %add3A_561 = arith.addi %mul3A_2, %add3A_560 : i32
    %dma_start3A_562 = arith.constant 0 : i32
    %dma_start3A_563 = tpu.memref_slice %arg5[%add3A_561, %dma_start3A_562] : memref<131072x128xf32, #tpu.memory_space<hbm>> -> memref<128x128xf32, #tpu.memory_space<hbm>>
    %dma_start3A_564 = arith.constant 0 : i32
    %dma_start3A_565 = tpu.memref_slice %arg5[%add3A_561, %dma_start3A_564] : memref<131072x128xf32, #tpu.memory_space<hbm>> -> memref<128x128xf32, #tpu.memory_space<hbm>>
    tpu.enqueue_dma source(%arg12 : memref<128x128xf32, #tpu.memory_space<vmem>>) target(%dma_start3A_565 : memref<128x128xf32, #tpu.memory_space<hbm>>) target_semaphore(%arg26 : memref<!tpu.dma_semaphore, #tpu.memory_space<semaphore_mem>>)
    %dma_wait3A_566 = arith.constant 0 : i32
    %dma_wait3A_567 = tpu.memref_slice %arg5[%add3A_501, %dma_wait3A_566] : memref<131072x128xf32, #tpu.memory_space<hbm>> -> memref<128x128xf32, #tpu.memory_space<hbm>>
    %dma_wait3A_568 = arith.constant 0 : i32
    %dma_wait3A_569 = tpu.memref_slice %arg5[%add3A_501, %dma_wait3A_568] : memref<131072x128xf32, #tpu.memory_space<hbm>> -> memref<128x128xf32, #tpu.memory_space<hbm>>
    tpu.wait_dma2 semaphore(%arg24 : memref<!tpu.dma_semaphore, #tpu.memory_space<semaphore_mem>>) src(%arg10 : memref<128x128xf32, #tpu.memory_space<vmem>>) dst(%dma_wait3A_569 : memref<128x128xf32, #tpu.memory_space<hbm>>)
    %dma_start3A_570 = arith.constant 22 : i32
    %dma_start3A_571 = arith.constant 0 : i32
    %dma_start3A_572 = tpu.memref_slice %arg6[%dma_start3A_570, %dma_start3A_571] : memref<32x128xi32, #tpu.memory_space<vmem>> -> memref<1x128xi32, #tpu.memory_space<vmem>>
    %dma_start3A_573 = tpu.memref_squeeze %dma_start3A_572 : memref<1x128xi32, #tpu.memory_space<vmem>> -> memref<128xi32, #tpu.memory_space<vmem>>
    %dma_start3A_574 = arith.constant 0 : i32
    %dma_start3A_575 = arith.constant 0 : i32
    %dma_start3A_576 = tpu.memref_slice %arg4[%dma_start3A_574, %dma_start3A_575] : memref<100000x128xf32, #tpu.memory_space<hbm>> -> memref<100000x128xf32, #tpu.memory_space<hbm>>
    tpu.enqueue_indirect_dma source(%dma_start3A_576 : memref<100000x128xf32, #tpu.memory_space<hbm>>) target(%arg10 : memref<128x128xf32, #tpu.memory_space<vmem>>) offsets(%dma_start3A_573 : memref<128xi32, #tpu.memory_space<vmem>>) semaphore(%arg17 : memref<!tpu.dma_semaphore, #tpu.memory_space<semaphore_mem>>)
    %dma_wait3A_577 = arith.constant 18 : i32
    %dma_wait3A_578 = arith.constant 0 : i32
    %dma_wait3A_579 = tpu.memref_slice %arg6[%dma_wait3A_577, %dma_wait3A_578] : memref<32x128xi32, #tpu.memory_space<vmem>> -> memref<1x128xi32, #tpu.memory_space<vmem>>
    %dma_wait3A_580 = tpu.memref_squeeze %dma_wait3A_579 : memref<1x128xi32, #tpu.memory_space<vmem>> -> memref<128xi32, #tpu.memory_space<vmem>>
    %dma_wait3A_581 = arith.constant 0 : i32
    %dma_wait3A_582 = arith.constant 0 : i32
    %dma_wait3A_583 = tpu.memref_slice %arg4[%dma_wait3A_581, %dma_wait3A_582] : memref<100000x128xf32, #tpu.memory_space<hbm>> -> memref<100000x128xf32, #tpu.memory_space<hbm>>
    tpu.wait_indirect_dma semaphore(%arg20 : memref<!tpu.dma_semaphore, #tpu.memory_space<semaphore_mem>>) src(%dma_wait3A_583 : memref<100000x128xf32, #tpu.memory_space<hbm>>) dst(%arg13 : memref<128x128xf32, #tpu.memory_space<vmem>>)
    %scan3A_584 = arith.constant 0 : i32
    %scan3A_585 = arith.constant 0 : i32
    %scan3A_586 = arith.constant 128 : i32
    %scan3A_587 = arith.addi %scan3A_585, %scan3A_586 : i32
    %scan3A_588 = arith.constant 1 : i32
    scf.for %scan3A_970 = %scan3A_585 to %scan3A_587 step %scan3A_588  : i32 {
      %broadcast_in_dim3A = arith.constant 0 : i32
      %broadcast_in_dim3A_971 = vector.broadcast %broadcast_in_dim3A : i32 to vector<16xi32>
      %add3A_972 = arith.constant 2304 : i32
      %add3A_973 = arith.addi %add3A_972, %scan3A_970 : i32
      %add3A_974 = vector.broadcast %add3A_973 : i32 to vector<16xi32>
      %add3A_975 = arith.addi %broadcast_in_dim3A_971, %add3A_974 : vector<16xi32>
      %gather3A = tpu.vector_load_idx %arg8[%add3A_975] : memref<4096xf32, #tpu.memory_space<vmem>>[vector<16xi32>], vector<16xf32>,
      %get3A = arith.index_cast %scan3A_970 : i32 to index
      %get3A_976 = arith.constant 0 : index
      %get3A_977 = tpu.vector_load %arg13[%get3A, %get3A_976] {strides = array<i32>} : memref<128x128xf32, #tpu.memory_space<vmem>>, vector<16xf32>,
      %mul3A_978 = arith.mulf %get3A_977, %gather3A : vector<16xf32>
      %swap3A = arith.index_cast %scan3A_970 : i32 to index
      %swap3A_979 = arith.constant 0 : index
      %swap3A_980 = tpu.vector_load %arg13[%swap3A, %swap3A_979] {strides = array<i32>} : memref<128x128xf32, #tpu.memory_space<vmem>>, vector<16xf32>,
      tpu.vector_store %arg13[%swap3A, %swap3A_979], %mul3A_978 {strides = array<i32>} : memref<128x128xf32, #tpu.memory_space<vmem>>, vector<16xf32>,
      %get3A_981 = arith.index_cast %scan3A_970 : i32 to index
      %get3A_982 = arith.constant 16 : index
      %get3A_983 = tpu.vector_load %arg13[%get3A_981, %get3A_982] {strides = array<i32>} : memref<128x128xf32, #tpu.memory_space<vmem>>, vector<16xf32>,
      %mul3A_984 = arith.mulf %get3A_983, %gather3A : vector<16xf32>
      %swap3A_985 = arith.index_cast %scan3A_970 : i32 to index
      %swap3A_986 = arith.constant 16 : index
      %swap3A_987 = tpu.vector_load %arg13[%swap3A_985, %swap3A_986] {strides = array<i32>} : memref<128x128xf32, #tpu.memory_space<vmem>>, vector<16xf32>,
      tpu.vector_store %arg13[%swap3A_985, %swap3A_986], %mul3A_984 {strides = array<i32>} : memref<128x128xf32, #tpu.memory_space<vmem>>, vector<16xf32>,
      %get3A_988 = arith.index_cast %scan3A_970 : i32 to index
      %get3A_989 = arith.constant 32 : index
      %get3A_990 = tpu.vector_load %arg13[%get3A_988, %get3A_989] {strides = array<i32>} : memref<128x128xf32, #tpu.memory_space<vmem>>, vector<16xf32>,
      %mul3A_991 = arith.mulf %get3A_990, %gather3A : vector<16xf32>
      %swap3A_992 = arith.index_cast %scan3A_970 : i32 to index
      %swap3A_993 = arith.constant 32 : index
      %swap3A_994 = tpu.vector_load %arg13[%swap3A_992, %swap3A_993] {strides = array<i32>} : memref<128x128xf32, #tpu.memory_space<vmem>>, vector<16xf32>,
      tpu.vector_store %arg13[%swap3A_992, %swap3A_993], %mul3A_991 {strides = array<i32>} : memref<128x128xf32, #tpu.memory_space<vmem>>, vector<16xf32>,
      %get3A_995 = arith.index_cast %scan3A_970 : i32 to index
      %get3A_996 = arith.constant 48 : index
      %get3A_997 = tpu.vector_load %arg13[%get3A_995, %get3A_996] {strides = array<i32>} : memref<128x128xf32, #tpu.memory_space<vmem>>, vector<16xf32>,
      %mul3A_998 = arith.mulf %get3A_997, %gather3A : vector<16xf32>
      %swap3A_999 = arith.index_cast %scan3A_970 : i32 to index
      %swap3A_1000 = arith.constant 48 : index
      %swap3A_1001 = tpu.vector_load %arg13[%swap3A_999, %swap3A_1000] {strides = array<i32>} : memref<128x128xf32, #tpu.memory_space<vmem>>, vector<16xf32>,
      tpu.vector_store %arg13[%swap3A_999, %swap3A_1000], %mul3A_998 {strides = array<i32>} : memref<128x128xf32, #tpu.memory_space<vmem>>, vector<16xf32>,
      %get3A_1002 = arith.index_cast %scan3A_970 : i32 to index
      %get3A_1003 = arith.constant 64 : index
      %get3A_1004 = tpu.vector_load %arg13[%get3A_1002, %get3A_1003] {strides = array<i32>} : memref<128x128xf32, #tpu.memory_space<vmem>>, vector<16xf32>,
      %mul3A_1005 = arith.mulf %get3A_1004, %gather3A : vector<16xf32>
      %swap3A_1006 = arith.index_cast %scan3A_970 : i32 to index
      %swap3A_1007 = arith.constant 64 : index
      %swap3A_1008 = tpu.vector_load %arg13[%swap3A_1006, %swap3A_1007] {strides = array<i32>} : memref<128x128xf32, #tpu.memory_space<vmem>>, vector<16xf32>,
      tpu.vector_store %arg13[%swap3A_1006, %swap3A_1007], %mul3A_1005 {strides = array<i32>} : memref<128x128xf32, #tpu.memory_space<vmem>>, vector<16xf32>,
      %get3A_1009 = arith.index_cast %scan3A_970 : i32 to index
      %get3A_1010 = arith.constant 80 : index
      %get3A_1011 = tpu.vector_load %arg13[%get3A_1009, %get3A_1010] {strides = array<i32>} : memref<128x128xf32, #tpu.memory_space<vmem>>, vector<16xf32>,
      %mul3A_1012 = arith.mulf %get3A_1011, %gather3A : vector<16xf32>
      %swap3A_1013 = arith.index_cast %scan3A_970 : i32 to index
      %swap3A_1014 = arith.constant 80 : index
      %swap3A_1015 = tpu.vector_load %arg13[%swap3A_1013, %swap3A_1014] {strides = array<i32>} : memref<128x128xf32, #tpu.memory_space<vmem>>, vector<16xf32>,
      tpu.vector_store %arg13[%swap3A_1013, %swap3A_1014], %mul3A_1012 {strides = array<i32>} : memref<128x128xf32, #tpu.memory_space<vmem>>, vector<16xf32>,
      %get3A_1016 = arith.index_cast %scan3A_970 : i32 to index
      %get3A_1017 = arith.constant 96 : index
      %get3A_1018 = tpu.vector_load %arg13[%get3A_1016, %get3A_1017] {strides = array<i32>} : memref<128x128xf32, #tpu.memory_space<vmem>>, vector<16xf32>,
      %mul3A_1019 = arith.mulf %get3A_1018, %gather3A : vector<16xf32>
      %swap3A_1020 = arith.index_cast %scan3A_970 : i32 to index
      %swap3A_1021 = arith.constant 96 : index
      %swap3A_1022 = tpu.vector_load %arg13[%swap3A_1020, %swap3A_1021] {strides = array<i32>} : memref<128x128xf32, #tpu.memory_space<vmem>>, vector<16xf32>,
      tpu.vector_store %arg13[%swap3A_1020, %swap3A_1021], %mul3A_1019 {strides = array<i32>} : memref<128x128xf32, #tpu.memory_space<vmem>>, vector<16xf32>,
      %get3A_1023 = arith.index_cast %scan3A_970 : i32 to index
      %get3A_1024 = arith.constant 112 : index
      %get3A_1025 = tpu.vector_load %arg13[%get3A_1023, %get3A_1024] {strides = array<i32>} : memref<128x128xf32, #tpu.memory_space<vmem>>, vector<16xf32>,
      %mul3A_1026 = arith.mulf %get3A_1025, %gather3A : vector<16xf32>
      %swap3A_1027 = arith.index_cast %scan3A_970 : i32 to index
      %swap3A_1028 = arith.constant 112 : index
      %swap3A_1029 = tpu.vector_load %arg13[%swap3A_1027, %swap3A_1028] {strides = array<i32>} : memref<128x128xf32, #tpu.memory_space<vmem>>, vector<16xf32>,
      tpu.vector_store %arg13[%swap3A_1027, %swap3A_1028], %mul3A_1026 {strides = array<i32>} : memref<128x128xf32, #tpu.memory_space<vmem>>, vector<16xf32>,
    }
    %scan3A_589 = arith.constant 128 : i32
    %add3A_590 = arith.constant 2304 : i32
    %add3A_591 = arith.addi %mul3A_2, %add3A_590 : i32
    %dma_start3A_592 = arith.constant 0 : i32
    %dma_start3A_593 = tpu.memref_slice %arg5[%add3A_591, %dma_start3A_592] : memref<131072x128xf32, #tpu.memory_space<hbm>> -> memref<128x128xf32, #tpu.memory_space<hbm>>
    %dma_start3A_594 = arith.constant 0 : i32
    %dma_start3A_595 = tpu.memref_slice %arg5[%add3A_591, %dma_start3A_594] : memref<131072x128xf32, #tpu.memory_space<hbm>> -> memref<128x128xf32, #tpu.memory_space<hbm>>
    tpu.enqueue_dma source(%arg13 : memref<128x128xf32, #tpu.memory_space<vmem>>) target(%dma_start3A_595 : memref<128x128xf32, #tpu.memory_space<hbm>>) target_semaphore(%arg27 : memref<!tpu.dma_semaphore, #tpu.memory_space<semaphore_mem>>)
    %dma_wait3A_596 = arith.constant 0 : i32
    %dma_wait3A_597 = tpu.memref_slice %arg5[%add3A_531, %dma_wait3A_596] : memref<131072x128xf32, #tpu.memory_space<hbm>> -> memref<128x128xf32, #tpu.memory_space<hbm>>
    %dma_wait3A_598 = arith.constant 0 : i32
    %dma_wait3A_599 = tpu.memref_slice %arg5[%add3A_531, %dma_wait3A_598] : memref<131072x128xf32, #tpu.memory_space<hbm>> -> memref<128x128xf32, #tpu.memory_space<hbm>>
    tpu.wait_dma2 semaphore(%arg25 : memref<!tpu.dma_semaphore, #tpu.memory_space<semaphore_mem>>) src(%arg11 : memref<128x128xf32, #tpu.memory_space<vmem>>) dst(%dma_wait3A_599 : memref<128x128xf32, #tpu.memory_space<hbm>>)
    %dma_start3A_600 = arith.constant 23 : i32
    %dma_start3A_601 = arith.constant 0 : i32
    %dma_start3A_602 = tpu.memref_slice %arg6[%dma_start3A_600, %dma_start3A_601] : memref<32x128xi32, #tpu.memory_space<vmem>> -> memref<1x128xi32, #tpu.memory_space<vmem>>
    %dma_start3A_603 = tpu.memref_squeeze %dma_start3A_602 : memref<1x128xi32, #tpu.memory_space<vmem>> -> memref<128xi32, #tpu.memory_space<vmem>>
    %dma_start3A_604 = arith.constant 0 : i32
    %dma_start3A_605 = arith.constant 0 : i32
    %dma_start3A_606 = tpu.memref_slice %arg4[%dma_start3A_604, %dma_start3A_605] : memref<100000x128xf32, #tpu.memory_space<hbm>> -> memref<100000x128xf32, #tpu.memory_space<hbm>>
    tpu.enqueue_indirect_dma source(%dma_start3A_606 : memref<100000x128xf32, #tpu.memory_space<hbm>>) target(%arg11 : memref<128x128xf32, #tpu.memory_space<vmem>>) offsets(%dma_start3A_603 : memref<128xi32, #tpu.memory_space<vmem>>) semaphore(%arg18 : memref<!tpu.dma_semaphore, #tpu.memory_space<semaphore_mem>>)
    %dma_wait3A_607 = arith.constant 19 : i32
    %dma_wait3A_608 = arith.constant 0 : i32
    %dma_wait3A_609 = tpu.memref_slice %arg6[%dma_wait3A_607, %dma_wait3A_608] : memref<32x128xi32, #tpu.memory_space<vmem>> -> memref<1x128xi32, #tpu.memory_space<vmem>>
    %dma_wait3A_610 = tpu.memref_squeeze %dma_wait3A_609 : memref<1x128xi32, #tpu.memory_space<vmem>> -> memref<128xi32, #tpu.memory_space<vmem>>
    %dma_wait3A_611 = arith.constant 0 : i32
    %dma_wait3A_612 = arith.constant 0 : i32
    %dma_wait3A_613 = tpu.memref_slice %arg4[%dma_wait3A_611, %dma_wait3A_612] : memref<100000x128xf32, #tpu.memory_space<hbm>> -> memref<100000x128xf32, #tpu.memory_space<hbm>>
    tpu.wait_indirect_dma semaphore(%arg21 : memref<!tpu.dma_semaphore, #tpu.memory_space<semaphore_mem>>) src(%dma_wait3A_613 : memref<100000x128xf32, #tpu.memory_space<hbm>>) dst(%arg14 : memref<128x128xf32, #tpu.memory_space<vmem>>)
    %scan3A_614 = arith.constant 0 : i32
    %scan3A_615 = arith.constant 0 : i32
    %scan3A_616 = arith.constant 128 : i32
    %scan3A_617 = arith.addi %scan3A_615, %scan3A_616 : i32
    %scan3A_618 = arith.constant 1 : i32
    scf.for %scan3A_970 = %scan3A_615 to %scan3A_617 step %scan3A_618  : i32 {
      %broadcast_in_dim3A = arith.constant 0 : i32
      %broadcast_in_dim3A_971 = vector.broadcast %broadcast_in_dim3A : i32 to vector<16xi32>
      %add3A_972 = arith.constant 2432 : i32
      %add3A_973 = arith.addi %add3A_972, %scan3A_970 : i32
      %add3A_974 = vector.broadcast %add3A_973 : i32 to vector<16xi32>
      %add3A_975 = arith.addi %broadcast_in_dim3A_971, %add3A_974 : vector<16xi32>
      %gather3A = tpu.vector_load_idx %arg8[%add3A_975] : memref<4096xf32, #tpu.memory_space<vmem>>[vector<16xi32>], vector<16xf32>,
      %get3A = arith.index_cast %scan3A_970 : i32 to index
      %get3A_976 = arith.constant 0 : index
      %get3A_977 = tpu.vector_load %arg14[%get3A, %get3A_976] {strides = array<i32>} : memref<128x128xf32, #tpu.memory_space<vmem>>, vector<16xf32>,
      %mul3A_978 = arith.mulf %get3A_977, %gather3A : vector<16xf32>
      %swap3A = arith.index_cast %scan3A_970 : i32 to index
      %swap3A_979 = arith.constant 0 : index
      %swap3A_980 = tpu.vector_load %arg14[%swap3A, %swap3A_979] {strides = array<i32>} : memref<128x128xf32, #tpu.memory_space<vmem>>, vector<16xf32>,
      tpu.vector_store %arg14[%swap3A, %swap3A_979], %mul3A_978 {strides = array<i32>} : memref<128x128xf32, #tpu.memory_space<vmem>>, vector<16xf32>,
      %get3A_981 = arith.index_cast %scan3A_970 : i32 to index
      %get3A_982 = arith.constant 16 : index
      %get3A_983 = tpu.vector_load %arg14[%get3A_981, %get3A_982] {strides = array<i32>} : memref<128x128xf32, #tpu.memory_space<vmem>>, vector<16xf32>,
      %mul3A_984 = arith.mulf %get3A_983, %gather3A : vector<16xf32>
      %swap3A_985 = arith.index_cast %scan3A_970 : i32 to index
      %swap3A_986 = arith.constant 16 : index
      %swap3A_987 = tpu.vector_load %arg14[%swap3A_985, %swap3A_986] {strides = array<i32>} : memref<128x128xf32, #tpu.memory_space<vmem>>, vector<16xf32>,
      tpu.vector_store %arg14[%swap3A_985, %swap3A_986], %mul3A_984 {strides = array<i32>} : memref<128x128xf32, #tpu.memory_space<vmem>>, vector<16xf32>,
      %get3A_988 = arith.index_cast %scan3A_970 : i32 to index
      %get3A_989 = arith.constant 32 : index
      %get3A_990 = tpu.vector_load %arg14[%get3A_988, %get3A_989] {strides = array<i32>} : memref<128x128xf32, #tpu.memory_space<vmem>>, vector<16xf32>,
      %mul3A_991 = arith.mulf %get3A_990, %gather3A : vector<16xf32>
      %swap3A_992 = arith.index_cast %scan3A_970 : i32 to index
      %swap3A_993 = arith.constant 32 : index
      %swap3A_994 = tpu.vector_load %arg14[%swap3A_992, %swap3A_993] {strides = array<i32>} : memref<128x128xf32, #tpu.memory_space<vmem>>, vector<16xf32>,
      tpu.vector_store %arg14[%swap3A_992, %swap3A_993], %mul3A_991 {strides = array<i32>} : memref<128x128xf32, #tpu.memory_space<vmem>>, vector<16xf32>,
      %get3A_995 = arith.index_cast %scan3A_970 : i32 to index
      %get3A_996 = arith.constant 48 : index
      %get3A_997 = tpu.vector_load %arg14[%get3A_995, %get3A_996] {strides = array<i32>} : memref<128x128xf32, #tpu.memory_space<vmem>>, vector<16xf32>,
      %mul3A_998 = arith.mulf %get3A_997, %gather3A : vector<16xf32>
      %swap3A_999 = arith.index_cast %scan3A_970 : i32 to index
      %swap3A_1000 = arith.constant 48 : index
      %swap3A_1001 = tpu.vector_load %arg14[%swap3A_999, %swap3A_1000] {strides = array<i32>} : memref<128x128xf32, #tpu.memory_space<vmem>>, vector<16xf32>,
      tpu.vector_store %arg14[%swap3A_999, %swap3A_1000], %mul3A_998 {strides = array<i32>} : memref<128x128xf32, #tpu.memory_space<vmem>>, vector<16xf32>,
      %get3A_1002 = arith.index_cast %scan3A_970 : i32 to index
      %get3A_1003 = arith.constant 64 : index
      %get3A_1004 = tpu.vector_load %arg14[%get3A_1002, %get3A_1003] {strides = array<i32>} : memref<128x128xf32, #tpu.memory_space<vmem>>, vector<16xf32>,
      %mul3A_1005 = arith.mulf %get3A_1004, %gather3A : vector<16xf32>
      %swap3A_1006 = arith.index_cast %scan3A_970 : i32 to index
      %swap3A_1007 = arith.constant 64 : index
      %swap3A_1008 = tpu.vector_load %arg14[%swap3A_1006, %swap3A_1007] {strides = array<i32>} : memref<128x128xf32, #tpu.memory_space<vmem>>, vector<16xf32>,
      tpu.vector_store %arg14[%swap3A_1006, %swap3A_1007], %mul3A_1005 {strides = array<i32>} : memref<128x128xf32, #tpu.memory_space<vmem>>, vector<16xf32>,
      %get3A_1009 = arith.index_cast %scan3A_970 : i32 to index
      %get3A_1010 = arith.constant 80 : index
      %get3A_1011 = tpu.vector_load %arg14[%get3A_1009, %get3A_1010] {strides = array<i32>} : memref<128x128xf32, #tpu.memory_space<vmem>>, vector<16xf32>,
      %mul3A_1012 = arith.mulf %get3A_1011, %gather3A : vector<16xf32>
      %swap3A_1013 = arith.index_cast %scan3A_970 : i32 to index
      %swap3A_1014 = arith.constant 80 : index
      %swap3A_1015 = tpu.vector_load %arg14[%swap3A_1013, %swap3A_1014] {strides = array<i32>} : memref<128x128xf32, #tpu.memory_space<vmem>>, vector<16xf32>,
      tpu.vector_store %arg14[%swap3A_1013, %swap3A_1014], %mul3A_1012 {strides = array<i32>} : memref<128x128xf32, #tpu.memory_space<vmem>>, vector<16xf32>,
      %get3A_1016 = arith.index_cast %scan3A_970 : i32 to index
      %get3A_1017 = arith.constant 96 : index
      %get3A_1018 = tpu.vector_load %arg14[%get3A_1016, %get3A_1017] {strides = array<i32>} : memref<128x128xf32, #tpu.memory_space<vmem>>, vector<16xf32>,
      %mul3A_1019 = arith.mulf %get3A_1018, %gather3A : vector<16xf32>
      %swap3A_1020 = arith.index_cast %scan3A_970 : i32 to index
      %swap3A_1021 = arith.constant 96 : index
      %swap3A_1022 = tpu.vector_load %arg14[%swap3A_1020, %swap3A_1021] {strides = array<i32>} : memref<128x128xf32, #tpu.memory_space<vmem>>, vector<16xf32>,
      tpu.vector_store %arg14[%swap3A_1020, %swap3A_1021], %mul3A_1019 {strides = array<i32>} : memref<128x128xf32, #tpu.memory_space<vmem>>, vector<16xf32>,
      %get3A_1023 = arith.index_cast %scan3A_970 : i32 to index
      %get3A_1024 = arith.constant 112 : index
      %get3A_1025 = tpu.vector_load %arg14[%get3A_1023, %get3A_1024] {strides = array<i32>} : memref<128x128xf32, #tpu.memory_space<vmem>>, vector<16xf32>,
      %mul3A_1026 = arith.mulf %get3A_1025, %gather3A : vector<16xf32>
      %swap3A_1027 = arith.index_cast %scan3A_970 : i32 to index
      %swap3A_1028 = arith.constant 112 : index
      %swap3A_1029 = tpu.vector_load %arg14[%swap3A_1027, %swap3A_1028] {strides = array<i32>} : memref<128x128xf32, #tpu.memory_space<vmem>>, vector<16xf32>,
      tpu.vector_store %arg14[%swap3A_1027, %swap3A_1028], %mul3A_1026 {strides = array<i32>} : memref<128x128xf32, #tpu.memory_space<vmem>>, vector<16xf32>,
    }
    %scan3A_619 = arith.constant 128 : i32
    %add3A_620 = arith.constant 2432 : i32
    %add3A_621 = arith.addi %mul3A_2, %add3A_620 : i32
    %dma_start3A_622 = arith.constant 0 : i32
    %dma_start3A_623 = tpu.memref_slice %arg5[%add3A_621, %dma_start3A_622] : memref<131072x128xf32, #tpu.memory_space<hbm>> -> memref<128x128xf32, #tpu.memory_space<hbm>>
    %dma_start3A_624 = arith.constant 0 : i32
    %dma_start3A_625 = tpu.memref_slice %arg5[%add3A_621, %dma_start3A_624] : memref<131072x128xf32, #tpu.memory_space<hbm>> -> memref<128x128xf32, #tpu.memory_space<hbm>>
    tpu.enqueue_dma source(%arg14 : memref<128x128xf32, #tpu.memory_space<vmem>>) target(%dma_start3A_625 : memref<128x128xf32, #tpu.memory_space<hbm>>) target_semaphore(%arg28 : memref<!tpu.dma_semaphore, #tpu.memory_space<semaphore_mem>>)
    %dma_wait3A_626 = arith.constant 0 : i32
    %dma_wait3A_627 = tpu.memref_slice %arg5[%add3A_561, %dma_wait3A_626] : memref<131072x128xf32, #tpu.memory_space<hbm>> -> memref<128x128xf32, #tpu.memory_space<hbm>>
    %dma_wait3A_628 = arith.constant 0 : i32
    %dma_wait3A_629 = tpu.memref_slice %arg5[%add3A_561, %dma_wait3A_628] : memref<131072x128xf32, #tpu.memory_space<hbm>> -> memref<128x128xf32, #tpu.memory_space<hbm>>
    tpu.wait_dma2 semaphore(%arg26 : memref<!tpu.dma_semaphore, #tpu.memory_space<semaphore_mem>>) src(%arg12 : memref<128x128xf32, #tpu.memory_space<vmem>>) dst(%dma_wait3A_629 : memref<128x128xf32, #tpu.memory_space<hbm>>)
    %dma_start3A_630 = arith.constant 24 : i32
    %dma_start3A_631 = arith.constant 0 : i32
    %dma_start3A_632 = tpu.memref_slice %arg6[%dma_start3A_630, %dma_start3A_631] : memref<32x128xi32, #tpu.memory_space<vmem>> -> memref<1x128xi32, #tpu.memory_space<vmem>>
    %dma_start3A_633 = tpu.memref_squeeze %dma_start3A_632 : memref<1x128xi32, #tpu.memory_space<vmem>> -> memref<128xi32, #tpu.memory_space<vmem>>
    %dma_start3A_634 = arith.constant 0 : i32
    %dma_start3A_635 = arith.constant 0 : i32
    %dma_start3A_636 = tpu.memref_slice %arg4[%dma_start3A_634, %dma_start3A_635] : memref<100000x128xf32, #tpu.memory_space<hbm>> -> memref<100000x128xf32, #tpu.memory_space<hbm>>
    tpu.enqueue_indirect_dma source(%dma_start3A_636 : memref<100000x128xf32, #tpu.memory_space<hbm>>) target(%arg12 : memref<128x128xf32, #tpu.memory_space<vmem>>) offsets(%dma_start3A_633 : memref<128xi32, #tpu.memory_space<vmem>>) semaphore(%arg19 : memref<!tpu.dma_semaphore, #tpu.memory_space<semaphore_mem>>)
    %dma_wait3A_637 = arith.constant 20 : i32
    %dma_wait3A_638 = arith.constant 0 : i32
    %dma_wait3A_639 = tpu.memref_slice %arg6[%dma_wait3A_637, %dma_wait3A_638] : memref<32x128xi32, #tpu.memory_space<vmem>> -> memref<1x128xi32, #tpu.memory_space<vmem>>
    %dma_wait3A_640 = tpu.memref_squeeze %dma_wait3A_639 : memref<1x128xi32, #tpu.memory_space<vmem>> -> memref<128xi32, #tpu.memory_space<vmem>>
    %dma_wait3A_641 = arith.constant 0 : i32
    %dma_wait3A_642 = arith.constant 0 : i32
    %dma_wait3A_643 = tpu.memref_slice %arg4[%dma_wait3A_641, %dma_wait3A_642] : memref<100000x128xf32, #tpu.memory_space<hbm>> -> memref<100000x128xf32, #tpu.memory_space<hbm>>
    tpu.wait_indirect_dma semaphore(%arg22 : memref<!tpu.dma_semaphore, #tpu.memory_space<semaphore_mem>>) src(%dma_wait3A_643 : memref<100000x128xf32, #tpu.memory_space<hbm>>) dst(%arg15 : memref<128x128xf32, #tpu.memory_space<vmem>>)
    %scan3A_644 = arith.constant 0 : i32
    %scan3A_645 = arith.constant 0 : i32
    %scan3A_646 = arith.constant 128 : i32
    %scan3A_647 = arith.addi %scan3A_645, %scan3A_646 : i32
    %scan3A_648 = arith.constant 1 : i32
    scf.for %scan3A_970 = %scan3A_645 to %scan3A_647 step %scan3A_648  : i32 {
      %broadcast_in_dim3A = arith.constant 0 : i32
      %broadcast_in_dim3A_971 = vector.broadcast %broadcast_in_dim3A : i32 to vector<16xi32>
      %add3A_972 = arith.constant 2560 : i32
      %add3A_973 = arith.addi %add3A_972, %scan3A_970 : i32
      %add3A_974 = vector.broadcast %add3A_973 : i32 to vector<16xi32>
      %add3A_975 = arith.addi %broadcast_in_dim3A_971, %add3A_974 : vector<16xi32>
      %gather3A = tpu.vector_load_idx %arg8[%add3A_975] : memref<4096xf32, #tpu.memory_space<vmem>>[vector<16xi32>], vector<16xf32>,
      %get3A = arith.index_cast %scan3A_970 : i32 to index
      %get3A_976 = arith.constant 0 : index
      %get3A_977 = tpu.vector_load %arg15[%get3A, %get3A_976] {strides = array<i32>} : memref<128x128xf32, #tpu.memory_space<vmem>>, vector<16xf32>,
      %mul3A_978 = arith.mulf %get3A_977, %gather3A : vector<16xf32>
      %swap3A = arith.index_cast %scan3A_970 : i32 to index
      %swap3A_979 = arith.constant 0 : index
      %swap3A_980 = tpu.vector_load %arg15[%swap3A, %swap3A_979] {strides = array<i32>} : memref<128x128xf32, #tpu.memory_space<vmem>>, vector<16xf32>,
      tpu.vector_store %arg15[%swap3A, %swap3A_979], %mul3A_978 {strides = array<i32>} : memref<128x128xf32, #tpu.memory_space<vmem>>, vector<16xf32>,
      %get3A_981 = arith.index_cast %scan3A_970 : i32 to index
      %get3A_982 = arith.constant 16 : index
      %get3A_983 = tpu.vector_load %arg15[%get3A_981, %get3A_982] {strides = array<i32>} : memref<128x128xf32, #tpu.memory_space<vmem>>, vector<16xf32>,
      %mul3A_984 = arith.mulf %get3A_983, %gather3A : vector<16xf32>
      %swap3A_985 = arith.index_cast %scan3A_970 : i32 to index
      %swap3A_986 = arith.constant 16 : index
      %swap3A_987 = tpu.vector_load %arg15[%swap3A_985, %swap3A_986] {strides = array<i32>} : memref<128x128xf32, #tpu.memory_space<vmem>>, vector<16xf32>,
      tpu.vector_store %arg15[%swap3A_985, %swap3A_986], %mul3A_984 {strides = array<i32>} : memref<128x128xf32, #tpu.memory_space<vmem>>, vector<16xf32>,
      %get3A_988 = arith.index_cast %scan3A_970 : i32 to index
      %get3A_989 = arith.constant 32 : index
      %get3A_990 = tpu.vector_load %arg15[%get3A_988, %get3A_989] {strides = array<i32>} : memref<128x128xf32, #tpu.memory_space<vmem>>, vector<16xf32>,
      %mul3A_991 = arith.mulf %get3A_990, %gather3A : vector<16xf32>
      %swap3A_992 = arith.index_cast %scan3A_970 : i32 to index
      %swap3A_993 = arith.constant 32 : index
      %swap3A_994 = tpu.vector_load %arg15[%swap3A_992, %swap3A_993] {strides = array<i32>} : memref<128x128xf32, #tpu.memory_space<vmem>>, vector<16xf32>,
      tpu.vector_store %arg15[%swap3A_992, %swap3A_993], %mul3A_991 {strides = array<i32>} : memref<128x128xf32, #tpu.memory_space<vmem>>, vector<16xf32>,
      %get3A_995 = arith.index_cast %scan3A_970 : i32 to index
      %get3A_996 = arith.constant 48 : index
      %get3A_997 = tpu.vector_load %arg15[%get3A_995, %get3A_996] {strides = array<i32>} : memref<128x128xf32, #tpu.memory_space<vmem>>, vector<16xf32>,
      %mul3A_998 = arith.mulf %get3A_997, %gather3A : vector<16xf32>
      %swap3A_999 = arith.index_cast %scan3A_970 : i32 to index
      %swap3A_1000 = arith.constant 48 : index
      %swap3A_1001 = tpu.vector_load %arg15[%swap3A_999, %swap3A_1000] {strides = array<i32>} : memref<128x128xf32, #tpu.memory_space<vmem>>, vector<16xf32>,
      tpu.vector_store %arg15[%swap3A_999, %swap3A_1000], %mul3A_998 {strides = array<i32>} : memref<128x128xf32, #tpu.memory_space<vmem>>, vector<16xf32>,
      %get3A_1002 = arith.index_cast %scan3A_970 : i32 to index
      %get3A_1003 = arith.constant 64 : index
      %get3A_1004 = tpu.vector_load %arg15[%get3A_1002, %get3A_1003] {strides = array<i32>} : memref<128x128xf32, #tpu.memory_space<vmem>>, vector<16xf32>,
      %mul3A_1005 = arith.mulf %get3A_1004, %gather3A : vector<16xf32>
      %swap3A_1006 = arith.index_cast %scan3A_970 : i32 to index
      %swap3A_1007 = arith.constant 64 : index
      %swap3A_1008 = tpu.vector_load %arg15[%swap3A_1006, %swap3A_1007] {strides = array<i32>} : memref<128x128xf32, #tpu.memory_space<vmem>>, vector<16xf32>,
      tpu.vector_store %arg15[%swap3A_1006, %swap3A_1007], %mul3A_1005 {strides = array<i32>} : memref<128x128xf32, #tpu.memory_space<vmem>>, vector<16xf32>,
      %get3A_1009 = arith.index_cast %scan3A_970 : i32 to index
      %get3A_1010 = arith.constant 80 : index
      %get3A_1011 = tpu.vector_load %arg15[%get3A_1009, %get3A_1010] {strides = array<i32>} : memref<128x128xf32, #tpu.memory_space<vmem>>, vector<16xf32>,
      %mul3A_1012 = arith.mulf %get3A_1011, %gather3A : vector<16xf32>
      %swap3A_1013 = arith.index_cast %scan3A_970 : i32 to index
      %swap3A_1014 = arith.constant 80 : index
      %swap3A_1015 = tpu.vector_load %arg15[%swap3A_1013, %swap3A_1014] {strides = array<i32>} : memref<128x128xf32, #tpu.memory_space<vmem>>, vector<16xf32>,
      tpu.vector_store %arg15[%swap3A_1013, %swap3A_1014], %mul3A_1012 {strides = array<i32>} : memref<128x128xf32, #tpu.memory_space<vmem>>, vector<16xf32>,
      %get3A_1016 = arith.index_cast %scan3A_970 : i32 to index
      %get3A_1017 = arith.constant 96 : index
      %get3A_1018 = tpu.vector_load %arg15[%get3A_1016, %get3A_1017] {strides = array<i32>} : memref<128x128xf32, #tpu.memory_space<vmem>>, vector<16xf32>,
      %mul3A_1019 = arith.mulf %get3A_1018, %gather3A : vector<16xf32>
      %swap3A_1020 = arith.index_cast %scan3A_970 : i32 to index
      %swap3A_1021 = arith.constant 96 : index
      %swap3A_1022 = tpu.vector_load %arg15[%swap3A_1020, %swap3A_1021] {strides = array<i32>} : memref<128x128xf32, #tpu.memory_space<vmem>>, vector<16xf32>,
      tpu.vector_store %arg15[%swap3A_1020, %swap3A_1021], %mul3A_1019 {strides = array<i32>} : memref<128x128xf32, #tpu.memory_space<vmem>>, vector<16xf32>,
      %get3A_1023 = arith.index_cast %scan3A_970 : i32 to index
      %get3A_1024 = arith.constant 112 : index
      %get3A_1025 = tpu.vector_load %arg15[%get3A_1023, %get3A_1024] {strides = array<i32>} : memref<128x128xf32, #tpu.memory_space<vmem>>, vector<16xf32>,
      %mul3A_1026 = arith.mulf %get3A_1025, %gather3A : vector<16xf32>
      %swap3A_1027 = arith.index_cast %scan3A_970 : i32 to index
      %swap3A_1028 = arith.constant 112 : index
      %swap3A_1029 = tpu.vector_load %arg15[%swap3A_1027, %swap3A_1028] {strides = array<i32>} : memref<128x128xf32, #tpu.memory_space<vmem>>, vector<16xf32>,
      tpu.vector_store %arg15[%swap3A_1027, %swap3A_1028], %mul3A_1026 {strides = array<i32>} : memref<128x128xf32, #tpu.memory_space<vmem>>, vector<16xf32>,
    }
    %scan3A_649 = arith.constant 128 : i32
    %add3A_650 = arith.constant 2560 : i32
    %add3A_651 = arith.addi %mul3A_2, %add3A_650 : i32
    %dma_start3A_652 = arith.constant 0 : i32
    %dma_start3A_653 = tpu.memref_slice %arg5[%add3A_651, %dma_start3A_652] : memref<131072x128xf32, #tpu.memory_space<hbm>> -> memref<128x128xf32, #tpu.memory_space<hbm>>
    %dma_start3A_654 = arith.constant 0 : i32
    %dma_start3A_655 = tpu.memref_slice %arg5[%add3A_651, %dma_start3A_654] : memref<131072x128xf32, #tpu.memory_space<hbm>> -> memref<128x128xf32, #tpu.memory_space<hbm>>
    tpu.enqueue_dma source(%arg15 : memref<128x128xf32, #tpu.memory_space<vmem>>) target(%dma_start3A_655 : memref<128x128xf32, #tpu.memory_space<hbm>>) target_semaphore(%arg29 : memref<!tpu.dma_semaphore, #tpu.memory_space<semaphore_mem>>)
    %dma_wait3A_656 = arith.constant 0 : i32
    %dma_wait3A_657 = tpu.memref_slice %arg5[%add3A_591, %dma_wait3A_656] : memref<131072x128xf32, #tpu.memory_space<hbm>> -> memref<128x128xf32, #tpu.memory_space<hbm>>
    %dma_wait3A_658 = arith.constant 0 : i32
    %dma_wait3A_659 = tpu.memref_slice %arg5[%add3A_591, %dma_wait3A_658] : memref<131072x128xf32, #tpu.memory_space<hbm>> -> memref<128x128xf32, #tpu.memory_space<hbm>>
    tpu.wait_dma2 semaphore(%arg27 : memref<!tpu.dma_semaphore, #tpu.memory_space<semaphore_mem>>) src(%arg13 : memref<128x128xf32, #tpu.memory_space<vmem>>) dst(%dma_wait3A_659 : memref<128x128xf32, #tpu.memory_space<hbm>>)
    %dma_start3A_660 = arith.constant 25 : i32
    %dma_start3A_661 = arith.constant 0 : i32
    %dma_start3A_662 = tpu.memref_slice %arg6[%dma_start3A_660, %dma_start3A_661] : memref<32x128xi32, #tpu.memory_space<vmem>> -> memref<1x128xi32, #tpu.memory_space<vmem>>
    %dma_start3A_663 = tpu.memref_squeeze %dma_start3A_662 : memref<1x128xi32, #tpu.memory_space<vmem>> -> memref<128xi32, #tpu.memory_space<vmem>>
    %dma_start3A_664 = arith.constant 0 : i32
    %dma_start3A_665 = arith.constant 0 : i32
    %dma_start3A_666 = tpu.memref_slice %arg4[%dma_start3A_664, %dma_start3A_665] : memref<100000x128xf32, #tpu.memory_space<hbm>> -> memref<100000x128xf32, #tpu.memory_space<hbm>>
    tpu.enqueue_indirect_dma source(%dma_start3A_666 : memref<100000x128xf32, #tpu.memory_space<hbm>>) target(%arg13 : memref<128x128xf32, #tpu.memory_space<vmem>>) offsets(%dma_start3A_663 : memref<128xi32, #tpu.memory_space<vmem>>) semaphore(%arg20 : memref<!tpu.dma_semaphore, #tpu.memory_space<semaphore_mem>>)
    %dma_wait3A_667 = arith.constant 21 : i32
    %dma_wait3A_668 = arith.constant 0 : i32
    %dma_wait3A_669 = tpu.memref_slice %arg6[%dma_wait3A_667, %dma_wait3A_668] : memref<32x128xi32, #tpu.memory_space<vmem>> -> memref<1x128xi32, #tpu.memory_space<vmem>>
    %dma_wait3A_670 = tpu.memref_squeeze %dma_wait3A_669 : memref<1x128xi32, #tpu.memory_space<vmem>> -> memref<128xi32, #tpu.memory_space<vmem>>
    %dma_wait3A_671 = arith.constant 0 : i32
    %dma_wait3A_672 = arith.constant 0 : i32
    %dma_wait3A_673 = tpu.memref_slice %arg4[%dma_wait3A_671, %dma_wait3A_672] : memref<100000x128xf32, #tpu.memory_space<hbm>> -> memref<100000x128xf32, #tpu.memory_space<hbm>>
    tpu.wait_indirect_dma semaphore(%arg16 : memref<!tpu.dma_semaphore, #tpu.memory_space<semaphore_mem>>) src(%dma_wait3A_673 : memref<100000x128xf32, #tpu.memory_space<hbm>>) dst(%arg9 : memref<128x128xf32, #tpu.memory_space<vmem>>)
    %scan3A_674 = arith.constant 0 : i32
    %scan3A_675 = arith.constant 0 : i32
    %scan3A_676 = arith.constant 128 : i32
    %scan3A_677 = arith.addi %scan3A_675, %scan3A_676 : i32
    %scan3A_678 = arith.constant 1 : i32
    scf.for %scan3A_970 = %scan3A_675 to %scan3A_677 step %scan3A_678  : i32 {
      %broadcast_in_dim3A = arith.constant 0 : i32
      %broadcast_in_dim3A_971 = vector.broadcast %broadcast_in_dim3A : i32 to vector<16xi32>
      %add3A_972 = arith.constant 2688 : i32
      %add3A_973 = arith.addi %add3A_972, %scan3A_970 : i32
      %add3A_974 = vector.broadcast %add3A_973 : i32 to vector<16xi32>
      %add3A_975 = arith.addi %broadcast_in_dim3A_971, %add3A_974 : vector<16xi32>
      %gather3A = tpu.vector_load_idx %arg8[%add3A_975] : memref<4096xf32, #tpu.memory_space<vmem>>[vector<16xi32>], vector<16xf32>,
      %get3A = arith.index_cast %scan3A_970 : i32 to index
      %get3A_976 = arith.constant 0 : index
      %get3A_977 = tpu.vector_load %arg9[%get3A, %get3A_976] {strides = array<i32>} : memref<128x128xf32, #tpu.memory_space<vmem>>, vector<16xf32>,
      %mul3A_978 = arith.mulf %get3A_977, %gather3A : vector<16xf32>
      %swap3A = arith.index_cast %scan3A_970 : i32 to index
      %swap3A_979 = arith.constant 0 : index
      %swap3A_980 = tpu.vector_load %arg9[%swap3A, %swap3A_979] {strides = array<i32>} : memref<128x128xf32, #tpu.memory_space<vmem>>, vector<16xf32>,
      tpu.vector_store %arg9[%swap3A, %swap3A_979], %mul3A_978 {strides = array<i32>} : memref<128x128xf32, #tpu.memory_space<vmem>>, vector<16xf32>,
      %get3A_981 = arith.index_cast %scan3A_970 : i32 to index
      %get3A_982 = arith.constant 16 : index
      %get3A_983 = tpu.vector_load %arg9[%get3A_981, %get3A_982] {strides = array<i32>} : memref<128x128xf32, #tpu.memory_space<vmem>>, vector<16xf32>,
      %mul3A_984 = arith.mulf %get3A_983, %gather3A : vector<16xf32>
      %swap3A_985 = arith.index_cast %scan3A_970 : i32 to index
      %swap3A_986 = arith.constant 16 : index
      %swap3A_987 = tpu.vector_load %arg9[%swap3A_985, %swap3A_986] {strides = array<i32>} : memref<128x128xf32, #tpu.memory_space<vmem>>, vector<16xf32>,
      tpu.vector_store %arg9[%swap3A_985, %swap3A_986], %mul3A_984 {strides = array<i32>} : memref<128x128xf32, #tpu.memory_space<vmem>>, vector<16xf32>,
      %get3A_988 = arith.index_cast %scan3A_970 : i32 to index
      %get3A_989 = arith.constant 32 : index
      %get3A_990 = tpu.vector_load %arg9[%get3A_988, %get3A_989] {strides = array<i32>} : memref<128x128xf32, #tpu.memory_space<vmem>>, vector<16xf32>,
      %mul3A_991 = arith.mulf %get3A_990, %gather3A : vector<16xf32>
      %swap3A_992 = arith.index_cast %scan3A_970 : i32 to index
      %swap3A_993 = arith.constant 32 : index
      %swap3A_994 = tpu.vector_load %arg9[%swap3A_992, %swap3A_993] {strides = array<i32>} : memref<128x128xf32, #tpu.memory_space<vmem>>, vector<16xf32>,
      tpu.vector_store %arg9[%swap3A_992, %swap3A_993], %mul3A_991 {strides = array<i32>} : memref<128x128xf32, #tpu.memory_space<vmem>>, vector<16xf32>,
      %get3A_995 = arith.index_cast %scan3A_970 : i32 to index
      %get3A_996 = arith.constant 48 : index
      %get3A_997 = tpu.vector_load %arg9[%get3A_995, %get3A_996] {strides = array<i32>} : memref<128x128xf32, #tpu.memory_space<vmem>>, vector<16xf32>,
      %mul3A_998 = arith.mulf %get3A_997, %gather3A : vector<16xf32>
      %swap3A_999 = arith.index_cast %scan3A_970 : i32 to index
      %swap3A_1000 = arith.constant 48 : index
      %swap3A_1001 = tpu.vector_load %arg9[%swap3A_999, %swap3A_1000] {strides = array<i32>} : memref<128x128xf32, #tpu.memory_space<vmem>>, vector<16xf32>,
      tpu.vector_store %arg9[%swap3A_999, %swap3A_1000], %mul3A_998 {strides = array<i32>} : memref<128x128xf32, #tpu.memory_space<vmem>>, vector<16xf32>,
      %get3A_1002 = arith.index_cast %scan3A_970 : i32 to index
      %get3A_1003 = arith.constant 64 : index
      %get3A_1004 = tpu.vector_load %arg9[%get3A_1002, %get3A_1003] {strides = array<i32>} : memref<128x128xf32, #tpu.memory_space<vmem>>, vector<16xf32>,
      %mul3A_1005 = arith.mulf %get3A_1004, %gather3A : vector<16xf32>
      %swap3A_1006 = arith.index_cast %scan3A_970 : i32 to index
      %swap3A_1007 = arith.constant 64 : index
      %swap3A_1008 = tpu.vector_load %arg9[%swap3A_1006, %swap3A_1007] {strides = array<i32>} : memref<128x128xf32, #tpu.memory_space<vmem>>, vector<16xf32>,
      tpu.vector_store %arg9[%swap3A_1006, %swap3A_1007], %mul3A_1005 {strides = array<i32>} : memref<128x128xf32, #tpu.memory_space<vmem>>, vector<16xf32>,
      %get3A_1009 = arith.index_cast %scan3A_970 : i32 to index
      %get3A_1010 = arith.constant 80 : index
      %get3A_1011 = tpu.vector_load %arg9[%get3A_1009, %get3A_1010] {strides = array<i32>} : memref<128x128xf32, #tpu.memory_space<vmem>>, vector<16xf32>,
      %mul3A_1012 = arith.mulf %get3A_1011, %gather3A : vector<16xf32>
      %swap3A_1013 = arith.index_cast %scan3A_970 : i32 to index
      %swap3A_1014 = arith.constant 80 : index
      %swap3A_1015 = tpu.vector_load %arg9[%swap3A_1013, %swap3A_1014] {strides = array<i32>} : memref<128x128xf32, #tpu.memory_space<vmem>>, vector<16xf32>,
      tpu.vector_store %arg9[%swap3A_1013, %swap3A_1014], %mul3A_1012 {strides = array<i32>} : memref<128x128xf32, #tpu.memory_space<vmem>>, vector<16xf32>,
      %get3A_1016 = arith.index_cast %scan3A_970 : i32 to index
      %get3A_1017 = arith.constant 96 : index
      %get3A_1018 = tpu.vector_load %arg9[%get3A_1016, %get3A_1017] {strides = array<i32>} : memref<128x128xf32, #tpu.memory_space<vmem>>, vector<16xf32>,
      %mul3A_1019 = arith.mulf %get3A_1018, %gather3A : vector<16xf32>
      %swap3A_1020 = arith.index_cast %scan3A_970 : i32 to index
      %swap3A_1021 = arith.constant 96 : index
      %swap3A_1022 = tpu.vector_load %arg9[%swap3A_1020, %swap3A_1021] {strides = array<i32>} : memref<128x128xf32, #tpu.memory_space<vmem>>, vector<16xf32>,
      tpu.vector_store %arg9[%swap3A_1020, %swap3A_1021], %mul3A_1019 {strides = array<i32>} : memref<128x128xf32, #tpu.memory_space<vmem>>, vector<16xf32>,
      %get3A_1023 = arith.index_cast %scan3A_970 : i32 to index
      %get3A_1024 = arith.constant 112 : index
      %get3A_1025 = tpu.vector_load %arg9[%get3A_1023, %get3A_1024] {strides = array<i32>} : memref<128x128xf32, #tpu.memory_space<vmem>>, vector<16xf32>,
      %mul3A_1026 = arith.mulf %get3A_1025, %gather3A : vector<16xf32>
      %swap3A_1027 = arith.index_cast %scan3A_970 : i32 to index
      %swap3A_1028 = arith.constant 112 : index
      %swap3A_1029 = tpu.vector_load %arg9[%swap3A_1027, %swap3A_1028] {strides = array<i32>} : memref<128x128xf32, #tpu.memory_space<vmem>>, vector<16xf32>,
      tpu.vector_store %arg9[%swap3A_1027, %swap3A_1028], %mul3A_1026 {strides = array<i32>} : memref<128x128xf32, #tpu.memory_space<vmem>>, vector<16xf32>,
    }
    %scan3A_679 = arith.constant 128 : i32
    %add3A_680 = arith.constant 2688 : i32
    %add3A_681 = arith.addi %mul3A_2, %add3A_680 : i32
    %dma_start3A_682 = arith.constant 0 : i32
    %dma_start3A_683 = tpu.memref_slice %arg5[%add3A_681, %dma_start3A_682] : memref<131072x128xf32, #tpu.memory_space<hbm>> -> memref<128x128xf32, #tpu.memory_space<hbm>>
    %dma_start3A_684 = arith.constant 0 : i32
    %dma_start3A_685 = tpu.memref_slice %arg5[%add3A_681, %dma_start3A_684] : memref<131072x128xf32, #tpu.memory_space<hbm>> -> memref<128x128xf32, #tpu.memory_space<hbm>>
    tpu.enqueue_dma source(%arg9 : memref<128x128xf32, #tpu.memory_space<vmem>>) target(%dma_start3A_685 : memref<128x128xf32, #tpu.memory_space<hbm>>) target_semaphore(%arg23 : memref<!tpu.dma_semaphore, #tpu.memory_space<semaphore_mem>>)
    %dma_wait3A_686 = arith.constant 0 : i32
    %dma_wait3A_687 = tpu.memref_slice %arg5[%add3A_621, %dma_wait3A_686] : memref<131072x128xf32, #tpu.memory_space<hbm>> -> memref<128x128xf32, #tpu.memory_space<hbm>>
    %dma_wait3A_688 = arith.constant 0 : i32
    %dma_wait3A_689 = tpu.memref_slice %arg5[%add3A_621, %dma_wait3A_688] : memref<131072x128xf32, #tpu.memory_space<hbm>> -> memref<128x128xf32, #tpu.memory_space<hbm>>
    tpu.wait_dma2 semaphore(%arg28 : memref<!tpu.dma_semaphore, #tpu.memory_space<semaphore_mem>>) src(%arg14 : memref<128x128xf32, #tpu.memory_space<vmem>>) dst(%dma_wait3A_689 : memref<128x128xf32, #tpu.memory_space<hbm>>)
    %dma_start3A_690 = arith.constant 26 : i32
    %dma_start3A_691 = arith.constant 0 : i32
    %dma_start3A_692 = tpu.memref_slice %arg6[%dma_start3A_690, %dma_start3A_691] : memref<32x128xi32, #tpu.memory_space<vmem>> -> memref<1x128xi32, #tpu.memory_space<vmem>>
    %dma_start3A_693 = tpu.memref_squeeze %dma_start3A_692 : memref<1x128xi32, #tpu.memory_space<vmem>> -> memref<128xi32, #tpu.memory_space<vmem>>
    %dma_start3A_694 = arith.constant 0 : i32
    %dma_start3A_695 = arith.constant 0 : i32
    %dma_start3A_696 = tpu.memref_slice %arg4[%dma_start3A_694, %dma_start3A_695] : memref<100000x128xf32, #tpu.memory_space<hbm>> -> memref<100000x128xf32, #tpu.memory_space<hbm>>
    tpu.enqueue_indirect_dma source(%dma_start3A_696 : memref<100000x128xf32, #tpu.memory_space<hbm>>) target(%arg14 : memref<128x128xf32, #tpu.memory_space<vmem>>) offsets(%dma_start3A_693 : memref<128xi32, #tpu.memory_space<vmem>>) semaphore(%arg21 : memref<!tpu.dma_semaphore, #tpu.memory_space<semaphore_mem>>)
    %dma_wait3A_697 = arith.constant 22 : i32
    %dma_wait3A_698 = arith.constant 0 : i32
    %dma_wait3A_699 = tpu.memref_slice %arg6[%dma_wait3A_697, %dma_wait3A_698] : memref<32x128xi32, #tpu.memory_space<vmem>> -> memref<1x128xi32, #tpu.memory_space<vmem>>
    %dma_wait3A_700 = tpu.memref_squeeze %dma_wait3A_699 : memref<1x128xi32, #tpu.memory_space<vmem>> -> memref<128xi32, #tpu.memory_space<vmem>>
    %dma_wait3A_701 = arith.constant 0 : i32
    %dma_wait3A_702 = arith.constant 0 : i32
    %dma_wait3A_703 = tpu.memref_slice %arg4[%dma_wait3A_701, %dma_wait3A_702] : memref<100000x128xf32, #tpu.memory_space<hbm>> -> memref<100000x128xf32, #tpu.memory_space<hbm>>
    tpu.wait_indirect_dma semaphore(%arg17 : memref<!tpu.dma_semaphore, #tpu.memory_space<semaphore_mem>>) src(%dma_wait3A_703 : memref<100000x128xf32, #tpu.memory_space<hbm>>) dst(%arg10 : memref<128x128xf32, #tpu.memory_space<vmem>>)
    %scan3A_704 = arith.constant 0 : i32
    %scan3A_705 = arith.constant 0 : i32
    %scan3A_706 = arith.constant 128 : i32
    %scan3A_707 = arith.addi %scan3A_705, %scan3A_706 : i32
    %scan3A_708 = arith.constant 1 : i32
    scf.for %scan3A_970 = %scan3A_705 to %scan3A_707 step %scan3A_708  : i32 {
      %broadcast_in_dim3A = arith.constant 0 : i32
      %broadcast_in_dim3A_971 = vector.broadcast %broadcast_in_dim3A : i32 to vector<16xi32>
      %add3A_972 = arith.constant 2816 : i32
      %add3A_973 = arith.addi %add3A_972, %scan3A_970 : i32
      %add3A_974 = vector.broadcast %add3A_973 : i32 to vector<16xi32>
      %add3A_975 = arith.addi %broadcast_in_dim3A_971, %add3A_974 : vector<16xi32>
      %gather3A = tpu.vector_load_idx %arg8[%add3A_975] : memref<4096xf32, #tpu.memory_space<vmem>>[vector<16xi32>], vector<16xf32>,
      %get3A = arith.index_cast %scan3A_970 : i32 to index
      %get3A_976 = arith.constant 0 : index
      %get3A_977 = tpu.vector_load %arg10[%get3A, %get3A_976] {strides = array<i32>} : memref<128x128xf32, #tpu.memory_space<vmem>>, vector<16xf32>,
      %mul3A_978 = arith.mulf %get3A_977, %gather3A : vector<16xf32>
      %swap3A = arith.index_cast %scan3A_970 : i32 to index
      %swap3A_979 = arith.constant 0 : index
      %swap3A_980 = tpu.vector_load %arg10[%swap3A, %swap3A_979] {strides = array<i32>} : memref<128x128xf32, #tpu.memory_space<vmem>>, vector<16xf32>,
      tpu.vector_store %arg10[%swap3A, %swap3A_979], %mul3A_978 {strides = array<i32>} : memref<128x128xf32, #tpu.memory_space<vmem>>, vector<16xf32>,
      %get3A_981 = arith.index_cast %scan3A_970 : i32 to index
      %get3A_982 = arith.constant 16 : index
      %get3A_983 = tpu.vector_load %arg10[%get3A_981, %get3A_982] {strides = array<i32>} : memref<128x128xf32, #tpu.memory_space<vmem>>, vector<16xf32>,
      %mul3A_984 = arith.mulf %get3A_983, %gather3A : vector<16xf32>
      %swap3A_985 = arith.index_cast %scan3A_970 : i32 to index
      %swap3A_986 = arith.constant 16 : index
      %swap3A_987 = tpu.vector_load %arg10[%swap3A_985, %swap3A_986] {strides = array<i32>} : memref<128x128xf32, #tpu.memory_space<vmem>>, vector<16xf32>,
      tpu.vector_store %arg10[%swap3A_985, %swap3A_986], %mul3A_984 {strides = array<i32>} : memref<128x128xf32, #tpu.memory_space<vmem>>, vector<16xf32>,
      %get3A_988 = arith.index_cast %scan3A_970 : i32 to index
      %get3A_989 = arith.constant 32 : index
      %get3A_990 = tpu.vector_load %arg10[%get3A_988, %get3A_989] {strides = array<i32>} : memref<128x128xf32, #tpu.memory_space<vmem>>, vector<16xf32>,
      %mul3A_991 = arith.mulf %get3A_990, %gather3A : vector<16xf32>
      %swap3A_992 = arith.index_cast %scan3A_970 : i32 to index
      %swap3A_993 = arith.constant 32 : index
      %swap3A_994 = tpu.vector_load %arg10[%swap3A_992, %swap3A_993] {strides = array<i32>} : memref<128x128xf32, #tpu.memory_space<vmem>>, vector<16xf32>,
      tpu.vector_store %arg10[%swap3A_992, %swap3A_993], %mul3A_991 {strides = array<i32>} : memref<128x128xf32, #tpu.memory_space<vmem>>, vector<16xf32>,
      %get3A_995 = arith.index_cast %scan3A_970 : i32 to index
      %get3A_996 = arith.constant 48 : index
      %get3A_997 = tpu.vector_load %arg10[%get3A_995, %get3A_996] {strides = array<i32>} : memref<128x128xf32, #tpu.memory_space<vmem>>, vector<16xf32>,
      %mul3A_998 = arith.mulf %get3A_997, %gather3A : vector<16xf32>
      %swap3A_999 = arith.index_cast %scan3A_970 : i32 to index
      %swap3A_1000 = arith.constant 48 : index
      %swap3A_1001 = tpu.vector_load %arg10[%swap3A_999, %swap3A_1000] {strides = array<i32>} : memref<128x128xf32, #tpu.memory_space<vmem>>, vector<16xf32>,
      tpu.vector_store %arg10[%swap3A_999, %swap3A_1000], %mul3A_998 {strides = array<i32>} : memref<128x128xf32, #tpu.memory_space<vmem>>, vector<16xf32>,
      %get3A_1002 = arith.index_cast %scan3A_970 : i32 to index
      %get3A_1003 = arith.constant 64 : index
      %get3A_1004 = tpu.vector_load %arg10[%get3A_1002, %get3A_1003] {strides = array<i32>} : memref<128x128xf32, #tpu.memory_space<vmem>>, vector<16xf32>,
      %mul3A_1005 = arith.mulf %get3A_1004, %gather3A : vector<16xf32>
      %swap3A_1006 = arith.index_cast %scan3A_970 : i32 to index
      %swap3A_1007 = arith.constant 64 : index
      %swap3A_1008 = tpu.vector_load %arg10[%swap3A_1006, %swap3A_1007] {strides = array<i32>} : memref<128x128xf32, #tpu.memory_space<vmem>>, vector<16xf32>,
      tpu.vector_store %arg10[%swap3A_1006, %swap3A_1007], %mul3A_1005 {strides = array<i32>} : memref<128x128xf32, #tpu.memory_space<vmem>>, vector<16xf32>,
      %get3A_1009 = arith.index_cast %scan3A_970 : i32 to index
      %get3A_1010 = arith.constant 80 : index
      %get3A_1011 = tpu.vector_load %arg10[%get3A_1009, %get3A_1010] {strides = array<i32>} : memref<128x128xf32, #tpu.memory_space<vmem>>, vector<16xf32>,
      %mul3A_1012 = arith.mulf %get3A_1011, %gather3A : vector<16xf32>
      %swap3A_1013 = arith.index_cast %scan3A_970 : i32 to index
      %swap3A_1014 = arith.constant 80 : index
      %swap3A_1015 = tpu.vector_load %arg10[%swap3A_1013, %swap3A_1014] {strides = array<i32>} : memref<128x128xf32, #tpu.memory_space<vmem>>, vector<16xf32>,
      tpu.vector_store %arg10[%swap3A_1013, %swap3A_1014], %mul3A_1012 {strides = array<i32>} : memref<128x128xf32, #tpu.memory_space<vmem>>, vector<16xf32>,
      %get3A_1016 = arith.index_cast %scan3A_970 : i32 to index
      %get3A_1017 = arith.constant 96 : index
      %get3A_1018 = tpu.vector_load %arg10[%get3A_1016, %get3A_1017] {strides = array<i32>} : memref<128x128xf32, #tpu.memory_space<vmem>>, vector<16xf32>,
      %mul3A_1019 = arith.mulf %get3A_1018, %gather3A : vector<16xf32>
      %swap3A_1020 = arith.index_cast %scan3A_970 : i32 to index
      %swap3A_1021 = arith.constant 96 : index
      %swap3A_1022 = tpu.vector_load %arg10[%swap3A_1020, %swap3A_1021] {strides = array<i32>} : memref<128x128xf32, #tpu.memory_space<vmem>>, vector<16xf32>,
      tpu.vector_store %arg10[%swap3A_1020, %swap3A_1021], %mul3A_1019 {strides = array<i32>} : memref<128x128xf32, #tpu.memory_space<vmem>>, vector<16xf32>,
      %get3A_1023 = arith.index_cast %scan3A_970 : i32 to index
      %get3A_1024 = arith.constant 112 : index
      %get3A_1025 = tpu.vector_load %arg10[%get3A_1023, %get3A_1024] {strides = array<i32>} : memref<128x128xf32, #tpu.memory_space<vmem>>, vector<16xf32>,
      %mul3A_1026 = arith.mulf %get3A_1025, %gather3A : vector<16xf32>
      %swap3A_1027 = arith.index_cast %scan3A_970 : i32 to index
      %swap3A_1028 = arith.constant 112 : index
      %swap3A_1029 = tpu.vector_load %arg10[%swap3A_1027, %swap3A_1028] {strides = array<i32>} : memref<128x128xf32, #tpu.memory_space<vmem>>, vector<16xf32>,
      tpu.vector_store %arg10[%swap3A_1027, %swap3A_1028], %mul3A_1026 {strides = array<i32>} : memref<128x128xf32, #tpu.memory_space<vmem>>, vector<16xf32>,
    }
    %scan3A_709 = arith.constant 128 : i32
    %add3A_710 = arith.constant 2816 : i32
    %add3A_711 = arith.addi %mul3A_2, %add3A_710 : i32
    %dma_start3A_712 = arith.constant 0 : i32
    %dma_start3A_713 = tpu.memref_slice %arg5[%add3A_711, %dma_start3A_712] : memref<131072x128xf32, #tpu.memory_space<hbm>> -> memref<128x128xf32, #tpu.memory_space<hbm>>
    %dma_start3A_714 = arith.constant 0 : i32
    %dma_start3A_715 = tpu.memref_slice %arg5[%add3A_711, %dma_start3A_714] : memref<131072x128xf32, #tpu.memory_space<hbm>> -> memref<128x128xf32, #tpu.memory_space<hbm>>
    tpu.enqueue_dma source(%arg10 : memref<128x128xf32, #tpu.memory_space<vmem>>) target(%dma_start3A_715 : memref<128x128xf32, #tpu.memory_space<hbm>>) target_semaphore(%arg24 : memref<!tpu.dma_semaphore, #tpu.memory_space<semaphore_mem>>)
    %dma_wait3A_716 = arith.constant 0 : i32
    %dma_wait3A_717 = tpu.memref_slice %arg5[%add3A_651, %dma_wait3A_716] : memref<131072x128xf32, #tpu.memory_space<hbm>> -> memref<128x128xf32, #tpu.memory_space<hbm>>
    %dma_wait3A_718 = arith.constant 0 : i32
    %dma_wait3A_719 = tpu.memref_slice %arg5[%add3A_651, %dma_wait3A_718] : memref<131072x128xf32, #tpu.memory_space<hbm>> -> memref<128x128xf32, #tpu.memory_space<hbm>>
    tpu.wait_dma2 semaphore(%arg29 : memref<!tpu.dma_semaphore, #tpu.memory_space<semaphore_mem>>) src(%arg15 : memref<128x128xf32, #tpu.memory_space<vmem>>) dst(%dma_wait3A_719 : memref<128x128xf32, #tpu.memory_space<hbm>>)
    %dma_start3A_720 = arith.constant 27 : i32
    %dma_start3A_721 = arith.constant 0 : i32
    %dma_start3A_722 = tpu.memref_slice %arg6[%dma_start3A_720, %dma_start3A_721] : memref<32x128xi32, #tpu.memory_space<vmem>> -> memref<1x128xi32, #tpu.memory_space<vmem>>
    %dma_start3A_723 = tpu.memref_squeeze %dma_start3A_722 : memref<1x128xi32, #tpu.memory_space<vmem>> -> memref<128xi32, #tpu.memory_space<vmem>>
    %dma_start3A_724 = arith.constant 0 : i32
    %dma_start3A_725 = arith.constant 0 : i32
    %dma_start3A_726 = tpu.memref_slice %arg4[%dma_start3A_724, %dma_start3A_725] : memref<100000x128xf32, #tpu.memory_space<hbm>> -> memref<100000x128xf32, #tpu.memory_space<hbm>>
    tpu.enqueue_indirect_dma source(%dma_start3A_726 : memref<100000x128xf32, #tpu.memory_space<hbm>>) target(%arg15 : memref<128x128xf32, #tpu.memory_space<vmem>>) offsets(%dma_start3A_723 : memref<128xi32, #tpu.memory_space<vmem>>) semaphore(%arg22 : memref<!tpu.dma_semaphore, #tpu.memory_space<semaphore_mem>>)
    %dma_wait3A_727 = arith.constant 23 : i32
    %dma_wait3A_728 = arith.constant 0 : i32
    %dma_wait3A_729 = tpu.memref_slice %arg6[%dma_wait3A_727, %dma_wait3A_728] : memref<32x128xi32, #tpu.memory_space<vmem>> -> memref<1x128xi32, #tpu.memory_space<vmem>>
    %dma_wait3A_730 = tpu.memref_squeeze %dma_wait3A_729 : memref<1x128xi32, #tpu.memory_space<vmem>> -> memref<128xi32, #tpu.memory_space<vmem>>
    %dma_wait3A_731 = arith.constant 0 : i32
    %dma_wait3A_732 = arith.constant 0 : i32
    %dma_wait3A_733 = tpu.memref_slice %arg4[%dma_wait3A_731, %dma_wait3A_732] : memref<100000x128xf32, #tpu.memory_space<hbm>> -> memref<100000x128xf32, #tpu.memory_space<hbm>>
    tpu.wait_indirect_dma semaphore(%arg18 : memref<!tpu.dma_semaphore, #tpu.memory_space<semaphore_mem>>) src(%dma_wait3A_733 : memref<100000x128xf32, #tpu.memory_space<hbm>>) dst(%arg11 : memref<128x128xf32, #tpu.memory_space<vmem>>)
    %scan3A_734 = arith.constant 0 : i32
    %scan3A_735 = arith.constant 0 : i32
    %scan3A_736 = arith.constant 128 : i32
    %scan3A_737 = arith.addi %scan3A_735, %scan3A_736 : i32
    %scan3A_738 = arith.constant 1 : i32
    scf.for %scan3A_970 = %scan3A_735 to %scan3A_737 step %scan3A_738  : i32 {
      %broadcast_in_dim3A = arith.constant 0 : i32
      %broadcast_in_dim3A_971 = vector.broadcast %broadcast_in_dim3A : i32 to vector<16xi32>
      %add3A_972 = arith.constant 2944 : i32
      %add3A_973 = arith.addi %add3A_972, %scan3A_970 : i32
      %add3A_974 = vector.broadcast %add3A_973 : i32 to vector<16xi32>
      %add3A_975 = arith.addi %broadcast_in_dim3A_971, %add3A_974 : vector<16xi32>
      %gather3A = tpu.vector_load_idx %arg8[%add3A_975] : memref<4096xf32, #tpu.memory_space<vmem>>[vector<16xi32>], vector<16xf32>,
      %get3A = arith.index_cast %scan3A_970 : i32 to index
      %get3A_976 = arith.constant 0 : index
      %get3A_977 = tpu.vector_load %arg11[%get3A, %get3A_976] {strides = array<i32>} : memref<128x128xf32, #tpu.memory_space<vmem>>, vector<16xf32>,
      %mul3A_978 = arith.mulf %get3A_977, %gather3A : vector<16xf32>
      %swap3A = arith.index_cast %scan3A_970 : i32 to index
      %swap3A_979 = arith.constant 0 : index
      %swap3A_980 = tpu.vector_load %arg11[%swap3A, %swap3A_979] {strides = array<i32>} : memref<128x128xf32, #tpu.memory_space<vmem>>, vector<16xf32>,
      tpu.vector_store %arg11[%swap3A, %swap3A_979], %mul3A_978 {strides = array<i32>} : memref<128x128xf32, #tpu.memory_space<vmem>>, vector<16xf32>,
      %get3A_981 = arith.index_cast %scan3A_970 : i32 to index
      %get3A_982 = arith.constant 16 : index
      %get3A_983 = tpu.vector_load %arg11[%get3A_981, %get3A_982] {strides = array<i32>} : memref<128x128xf32, #tpu.memory_space<vmem>>, vector<16xf32>,
      %mul3A_984 = arith.mulf %get3A_983, %gather3A : vector<16xf32>
      %swap3A_985 = arith.index_cast %scan3A_970 : i32 to index
      %swap3A_986 = arith.constant 16 : index
      %swap3A_987 = tpu.vector_load %arg11[%swap3A_985, %swap3A_986] {strides = array<i32>} : memref<128x128xf32, #tpu.memory_space<vmem>>, vector<16xf32>,
      tpu.vector_store %arg11[%swap3A_985, %swap3A_986], %mul3A_984 {strides = array<i32>} : memref<128x128xf32, #tpu.memory_space<vmem>>, vector<16xf32>,
      %get3A_988 = arith.index_cast %scan3A_970 : i32 to index
      %get3A_989 = arith.constant 32 : index
      %get3A_990 = tpu.vector_load %arg11[%get3A_988, %get3A_989] {strides = array<i32>} : memref<128x128xf32, #tpu.memory_space<vmem>>, vector<16xf32>,
      %mul3A_991 = arith.mulf %get3A_990, %gather3A : vector<16xf32>
      %swap3A_992 = arith.index_cast %scan3A_970 : i32 to index
      %swap3A_993 = arith.constant 32 : index
      %swap3A_994 = tpu.vector_load %arg11[%swap3A_992, %swap3A_993] {strides = array<i32>} : memref<128x128xf32, #tpu.memory_space<vmem>>, vector<16xf32>,
      tpu.vector_store %arg11[%swap3A_992, %swap3A_993], %mul3A_991 {strides = array<i32>} : memref<128x128xf32, #tpu.memory_space<vmem>>, vector<16xf32>,
      %get3A_995 = arith.index_cast %scan3A_970 : i32 to index
      %get3A_996 = arith.constant 48 : index
      %get3A_997 = tpu.vector_load %arg11[%get3A_995, %get3A_996] {strides = array<i32>} : memref<128x128xf32, #tpu.memory_space<vmem>>, vector<16xf32>,
      %mul3A_998 = arith.mulf %get3A_997, %gather3A : vector<16xf32>
      %swap3A_999 = arith.index_cast %scan3A_970 : i32 to index
      %swap3A_1000 = arith.constant 48 : index
      %swap3A_1001 = tpu.vector_load %arg11[%swap3A_999, %swap3A_1000] {strides = array<i32>} : memref<128x128xf32, #tpu.memory_space<vmem>>, vector<16xf32>,
      tpu.vector_store %arg11[%swap3A_999, %swap3A_1000], %mul3A_998 {strides = array<i32>} : memref<128x128xf32, #tpu.memory_space<vmem>>, vector<16xf32>,
      %get3A_1002 = arith.index_cast %scan3A_970 : i32 to index
      %get3A_1003 = arith.constant 64 : index
      %get3A_1004 = tpu.vector_load %arg11[%get3A_1002, %get3A_1003] {strides = array<i32>} : memref<128x128xf32, #tpu.memory_space<vmem>>, vector<16xf32>,
      %mul3A_1005 = arith.mulf %get3A_1004, %gather3A : vector<16xf32>
      %swap3A_1006 = arith.index_cast %scan3A_970 : i32 to index
      %swap3A_1007 = arith.constant 64 : index
      %swap3A_1008 = tpu.vector_load %arg11[%swap3A_1006, %swap3A_1007] {strides = array<i32>} : memref<128x128xf32, #tpu.memory_space<vmem>>, vector<16xf32>,
      tpu.vector_store %arg11[%swap3A_1006, %swap3A_1007], %mul3A_1005 {strides = array<i32>} : memref<128x128xf32, #tpu.memory_space<vmem>>, vector<16xf32>,
      %get3A_1009 = arith.index_cast %scan3A_970 : i32 to index
      %get3A_1010 = arith.constant 80 : index
      %get3A_1011 = tpu.vector_load %arg11[%get3A_1009, %get3A_1010] {strides = array<i32>} : memref<128x128xf32, #tpu.memory_space<vmem>>, vector<16xf32>,
      %mul3A_1012 = arith.mulf %get3A_1011, %gather3A : vector<16xf32>
      %swap3A_1013 = arith.index_cast %scan3A_970 : i32 to index
      %swap3A_1014 = arith.constant 80 : index
      %swap3A_1015 = tpu.vector_load %arg11[%swap3A_1013, %swap3A_1014] {strides = array<i32>} : memref<128x128xf32, #tpu.memory_space<vmem>>, vector<16xf32>,
      tpu.vector_store %arg11[%swap3A_1013, %swap3A_1014], %mul3A_1012 {strides = array<i32>} : memref<128x128xf32, #tpu.memory_space<vmem>>, vector<16xf32>,
      %get3A_1016 = arith.index_cast %scan3A_970 : i32 to index
      %get3A_1017 = arith.constant 96 : index
      %get3A_1018 = tpu.vector_load %arg11[%get3A_1016, %get3A_1017] {strides = array<i32>} : memref<128x128xf32, #tpu.memory_space<vmem>>, vector<16xf32>,
      %mul3A_1019 = arith.mulf %get3A_1018, %gather3A : vector<16xf32>
      %swap3A_1020 = arith.index_cast %scan3A_970 : i32 to index
      %swap3A_1021 = arith.constant 96 : index
      %swap3A_1022 = tpu.vector_load %arg11[%swap3A_1020, %swap3A_1021] {strides = array<i32>} : memref<128x128xf32, #tpu.memory_space<vmem>>, vector<16xf32>,
      tpu.vector_store %arg11[%swap3A_1020, %swap3A_1021], %mul3A_1019 {strides = array<i32>} : memref<128x128xf32, #tpu.memory_space<vmem>>, vector<16xf32>,
      %get3A_1023 = arith.index_cast %scan3A_970 : i32 to index
      %get3A_1024 = arith.constant 112 : index
      %get3A_1025 = tpu.vector_load %arg11[%get3A_1023, %get3A_1024] {strides = array<i32>} : memref<128x128xf32, #tpu.memory_space<vmem>>, vector<16xf32>,
      %mul3A_1026 = arith.mulf %get3A_1025, %gather3A : vector<16xf32>
      %swap3A_1027 = arith.index_cast %scan3A_970 : i32 to index
      %swap3A_1028 = arith.constant 112 : index
      %swap3A_1029 = tpu.vector_load %arg11[%swap3A_1027, %swap3A_1028] {strides = array<i32>} : memref<128x128xf32, #tpu.memory_space<vmem>>, vector<16xf32>,
      tpu.vector_store %arg11[%swap3A_1027, %swap3A_1028], %mul3A_1026 {strides = array<i32>} : memref<128x128xf32, #tpu.memory_space<vmem>>, vector<16xf32>,
    }
    %scan3A_739 = arith.constant 128 : i32
    %add3A_740 = arith.constant 2944 : i32
    %add3A_741 = arith.addi %mul3A_2, %add3A_740 : i32
    %dma_start3A_742 = arith.constant 0 : i32
    %dma_start3A_743 = tpu.memref_slice %arg5[%add3A_741, %dma_start3A_742] : memref<131072x128xf32, #tpu.memory_space<hbm>> -> memref<128x128xf32, #tpu.memory_space<hbm>>
    %dma_start3A_744 = arith.constant 0 : i32
    %dma_start3A_745 = tpu.memref_slice %arg5[%add3A_741, %dma_start3A_744] : memref<131072x128xf32, #tpu.memory_space<hbm>> -> memref<128x128xf32, #tpu.memory_space<hbm>>
    tpu.enqueue_dma source(%arg11 : memref<128x128xf32, #tpu.memory_space<vmem>>) target(%dma_start3A_745 : memref<128x128xf32, #tpu.memory_space<hbm>>) target_semaphore(%arg25 : memref<!tpu.dma_semaphore, #tpu.memory_space<semaphore_mem>>)
    %dma_wait3A_746 = arith.constant 0 : i32
    %dma_wait3A_747 = tpu.memref_slice %arg5[%add3A_681, %dma_wait3A_746] : memref<131072x128xf32, #tpu.memory_space<hbm>> -> memref<128x128xf32, #tpu.memory_space<hbm>>
    %dma_wait3A_748 = arith.constant 0 : i32
    %dma_wait3A_749 = tpu.memref_slice %arg5[%add3A_681, %dma_wait3A_748] : memref<131072x128xf32, #tpu.memory_space<hbm>> -> memref<128x128xf32, #tpu.memory_space<hbm>>
    tpu.wait_dma2 semaphore(%arg23 : memref<!tpu.dma_semaphore, #tpu.memory_space<semaphore_mem>>) src(%arg9 : memref<128x128xf32, #tpu.memory_space<vmem>>) dst(%dma_wait3A_749 : memref<128x128xf32, #tpu.memory_space<hbm>>)
    %dma_start3A_750 = arith.constant 28 : i32
    %dma_start3A_751 = arith.constant 0 : i32
    %dma_start3A_752 = tpu.memref_slice %arg6[%dma_start3A_750, %dma_start3A_751] : memref<32x128xi32, #tpu.memory_space<vmem>> -> memref<1x128xi32, #tpu.memory_space<vmem>>
    %dma_start3A_753 = tpu.memref_squeeze %dma_start3A_752 : memref<1x128xi32, #tpu.memory_space<vmem>> -> memref<128xi32, #tpu.memory_space<vmem>>
    %dma_start3A_754 = arith.constant 0 : i32
    %dma_start3A_755 = arith.constant 0 : i32
    %dma_start3A_756 = tpu.memref_slice %arg4[%dma_start3A_754, %dma_start3A_755] : memref<100000x128xf32, #tpu.memory_space<hbm>> -> memref<100000x128xf32, #tpu.memory_space<hbm>>
    tpu.enqueue_indirect_dma source(%dma_start3A_756 : memref<100000x128xf32, #tpu.memory_space<hbm>>) target(%arg9 : memref<128x128xf32, #tpu.memory_space<vmem>>) offsets(%dma_start3A_753 : memref<128xi32, #tpu.memory_space<vmem>>) semaphore(%arg16 : memref<!tpu.dma_semaphore, #tpu.memory_space<semaphore_mem>>)
    %dma_wait3A_757 = arith.constant 24 : i32
    %dma_wait3A_758 = arith.constant 0 : i32
    %dma_wait3A_759 = tpu.memref_slice %arg6[%dma_wait3A_757, %dma_wait3A_758] : memref<32x128xi32, #tpu.memory_space<vmem>> -> memref<1x128xi32, #tpu.memory_space<vmem>>
    %dma_wait3A_760 = tpu.memref_squeeze %dma_wait3A_759 : memref<1x128xi32, #tpu.memory_space<vmem>> -> memref<128xi32, #tpu.memory_space<vmem>>
    %dma_wait3A_761 = arith.constant 0 : i32
    %dma_wait3A_762 = arith.constant 0 : i32
    %dma_wait3A_763 = tpu.memref_slice %arg4[%dma_wait3A_761, %dma_wait3A_762] : memref<100000x128xf32, #tpu.memory_space<hbm>> -> memref<100000x128xf32, #tpu.memory_space<hbm>>
    tpu.wait_indirect_dma semaphore(%arg19 : memref<!tpu.dma_semaphore, #tpu.memory_space<semaphore_mem>>) src(%dma_wait3A_763 : memref<100000x128xf32, #tpu.memory_space<hbm>>) dst(%arg12 : memref<128x128xf32, #tpu.memory_space<vmem>>)
    %scan3A_764 = arith.constant 0 : i32
    %scan3A_765 = arith.constant 0 : i32
    %scan3A_766 = arith.constant 128 : i32
    %scan3A_767 = arith.addi %scan3A_765, %scan3A_766 : i32
    %scan3A_768 = arith.constant 1 : i32
    scf.for %scan3A_970 = %scan3A_765 to %scan3A_767 step %scan3A_768  : i32 {
      %broadcast_in_dim3A = arith.constant 0 : i32
      %broadcast_in_dim3A_971 = vector.broadcast %broadcast_in_dim3A : i32 to vector<16xi32>
      %add3A_972 = arith.constant 3072 : i32
      %add3A_973 = arith.addi %add3A_972, %scan3A_970 : i32
      %add3A_974 = vector.broadcast %add3A_973 : i32 to vector<16xi32>
      %add3A_975 = arith.addi %broadcast_in_dim3A_971, %add3A_974 : vector<16xi32>
      %gather3A = tpu.vector_load_idx %arg8[%add3A_975] : memref<4096xf32, #tpu.memory_space<vmem>>[vector<16xi32>], vector<16xf32>,
      %get3A = arith.index_cast %scan3A_970 : i32 to index
      %get3A_976 = arith.constant 0 : index
      %get3A_977 = tpu.vector_load %arg12[%get3A, %get3A_976] {strides = array<i32>} : memref<128x128xf32, #tpu.memory_space<vmem>>, vector<16xf32>,
      %mul3A_978 = arith.mulf %get3A_977, %gather3A : vector<16xf32>
      %swap3A = arith.index_cast %scan3A_970 : i32 to index
      %swap3A_979 = arith.constant 0 : index
      %swap3A_980 = tpu.vector_load %arg12[%swap3A, %swap3A_979] {strides = array<i32>} : memref<128x128xf32, #tpu.memory_space<vmem>>, vector<16xf32>,
      tpu.vector_store %arg12[%swap3A, %swap3A_979], %mul3A_978 {strides = array<i32>} : memref<128x128xf32, #tpu.memory_space<vmem>>, vector<16xf32>,
      %get3A_981 = arith.index_cast %scan3A_970 : i32 to index
      %get3A_982 = arith.constant 16 : index
      %get3A_983 = tpu.vector_load %arg12[%get3A_981, %get3A_982] {strides = array<i32>} : memref<128x128xf32, #tpu.memory_space<vmem>>, vector<16xf32>,
      %mul3A_984 = arith.mulf %get3A_983, %gather3A : vector<16xf32>
      %swap3A_985 = arith.index_cast %scan3A_970 : i32 to index
      %swap3A_986 = arith.constant 16 : index
      %swap3A_987 = tpu.vector_load %arg12[%swap3A_985, %swap3A_986] {strides = array<i32>} : memref<128x128xf32, #tpu.memory_space<vmem>>, vector<16xf32>,
      tpu.vector_store %arg12[%swap3A_985, %swap3A_986], %mul3A_984 {strides = array<i32>} : memref<128x128xf32, #tpu.memory_space<vmem>>, vector<16xf32>,
      %get3A_988 = arith.index_cast %scan3A_970 : i32 to index
      %get3A_989 = arith.constant 32 : index
      %get3A_990 = tpu.vector_load %arg12[%get3A_988, %get3A_989] {strides = array<i32>} : memref<128x128xf32, #tpu.memory_space<vmem>>, vector<16xf32>,
      %mul3A_991 = arith.mulf %get3A_990, %gather3A : vector<16xf32>
      %swap3A_992 = arith.index_cast %scan3A_970 : i32 to index
      %swap3A_993 = arith.constant 32 : index
      %swap3A_994 = tpu.vector_load %arg12[%swap3A_992, %swap3A_993] {strides = array<i32>} : memref<128x128xf32, #tpu.memory_space<vmem>>, vector<16xf32>,
      tpu.vector_store %arg12[%swap3A_992, %swap3A_993], %mul3A_991 {strides = array<i32>} : memref<128x128xf32, #tpu.memory_space<vmem>>, vector<16xf32>,
      %get3A_995 = arith.index_cast %scan3A_970 : i32 to index
      %get3A_996 = arith.constant 48 : index
      %get3A_997 = tpu.vector_load %arg12[%get3A_995, %get3A_996] {strides = array<i32>} : memref<128x128xf32, #tpu.memory_space<vmem>>, vector<16xf32>,
      %mul3A_998 = arith.mulf %get3A_997, %gather3A : vector<16xf32>
      %swap3A_999 = arith.index_cast %scan3A_970 : i32 to index
      %swap3A_1000 = arith.constant 48 : index
      %swap3A_1001 = tpu.vector_load %arg12[%swap3A_999, %swap3A_1000] {strides = array<i32>} : memref<128x128xf32, #tpu.memory_space<vmem>>, vector<16xf32>,
      tpu.vector_store %arg12[%swap3A_999, %swap3A_1000], %mul3A_998 {strides = array<i32>} : memref<128x128xf32, #tpu.memory_space<vmem>>, vector<16xf32>,
      %get3A_1002 = arith.index_cast %scan3A_970 : i32 to index
      %get3A_1003 = arith.constant 64 : index
      %get3A_1004 = tpu.vector_load %arg12[%get3A_1002, %get3A_1003] {strides = array<i32>} : memref<128x128xf32, #tpu.memory_space<vmem>>, vector<16xf32>,
      %mul3A_1005 = arith.mulf %get3A_1004, %gather3A : vector<16xf32>
      %swap3A_1006 = arith.index_cast %scan3A_970 : i32 to index
      %swap3A_1007 = arith.constant 64 : index
      %swap3A_1008 = tpu.vector_load %arg12[%swap3A_1006, %swap3A_1007] {strides = array<i32>} : memref<128x128xf32, #tpu.memory_space<vmem>>, vector<16xf32>,
      tpu.vector_store %arg12[%swap3A_1006, %swap3A_1007], %mul3A_1005 {strides = array<i32>} : memref<128x128xf32, #tpu.memory_space<vmem>>, vector<16xf32>,
      %get3A_1009 = arith.index_cast %scan3A_970 : i32 to index
      %get3A_1010 = arith.constant 80 : index
      %get3A_1011 = tpu.vector_load %arg12[%get3A_1009, %get3A_1010] {strides = array<i32>} : memref<128x128xf32, #tpu.memory_space<vmem>>, vector<16xf32>,
      %mul3A_1012 = arith.mulf %get3A_1011, %gather3A : vector<16xf32>
      %swap3A_1013 = arith.index_cast %scan3A_970 : i32 to index
      %swap3A_1014 = arith.constant 80 : index
      %swap3A_1015 = tpu.vector_load %arg12[%swap3A_1013, %swap3A_1014] {strides = array<i32>} : memref<128x128xf32, #tpu.memory_space<vmem>>, vector<16xf32>,
      tpu.vector_store %arg12[%swap3A_1013, %swap3A_1014], %mul3A_1012 {strides = array<i32>} : memref<128x128xf32, #tpu.memory_space<vmem>>, vector<16xf32>,
      %get3A_1016 = arith.index_cast %scan3A_970 : i32 to index
      %get3A_1017 = arith.constant 96 : index
      %get3A_1018 = tpu.vector_load %arg12[%get3A_1016, %get3A_1017] {strides = array<i32>} : memref<128x128xf32, #tpu.memory_space<vmem>>, vector<16xf32>,
      %mul3A_1019 = arith.mulf %get3A_1018, %gather3A : vector<16xf32>
      %swap3A_1020 = arith.index_cast %scan3A_970 : i32 to index
      %swap3A_1021 = arith.constant 96 : index
      %swap3A_1022 = tpu.vector_load %arg12[%swap3A_1020, %swap3A_1021] {strides = array<i32>} : memref<128x128xf32, #tpu.memory_space<vmem>>, vector<16xf32>,
      tpu.vector_store %arg12[%swap3A_1020, %swap3A_1021], %mul3A_1019 {strides = array<i32>} : memref<128x128xf32, #tpu.memory_space<vmem>>, vector<16xf32>,
      %get3A_1023 = arith.index_cast %scan3A_970 : i32 to index
      %get3A_1024 = arith.constant 112 : index
      %get3A_1025 = tpu.vector_load %arg12[%get3A_1023, %get3A_1024] {strides = array<i32>} : memref<128x128xf32, #tpu.memory_space<vmem>>, vector<16xf32>,
      %mul3A_1026 = arith.mulf %get3A_1025, %gather3A : vector<16xf32>
      %swap3A_1027 = arith.index_cast %scan3A_970 : i32 to index
      %swap3A_1028 = arith.constant 112 : index
      %swap3A_1029 = tpu.vector_load %arg12[%swap3A_1027, %swap3A_1028] {strides = array<i32>} : memref<128x128xf32, #tpu.memory_space<vmem>>, vector<16xf32>,
      tpu.vector_store %arg12[%swap3A_1027, %swap3A_1028], %mul3A_1026 {strides = array<i32>} : memref<128x128xf32, #tpu.memory_space<vmem>>, vector<16xf32>,
    }
    %scan3A_769 = arith.constant 128 : i32
    %add3A_770 = arith.constant 3072 : i32
    %add3A_771 = arith.addi %mul3A_2, %add3A_770 : i32
    %dma_start3A_772 = arith.constant 0 : i32
    %dma_start3A_773 = tpu.memref_slice %arg5[%add3A_771, %dma_start3A_772] : memref<131072x128xf32, #tpu.memory_space<hbm>> -> memref<128x128xf32, #tpu.memory_space<hbm>>
    %dma_start3A_774 = arith.constant 0 : i32
    %dma_start3A_775 = tpu.memref_slice %arg5[%add3A_771, %dma_start3A_774] : memref<131072x128xf32, #tpu.memory_space<hbm>> -> memref<128x128xf32, #tpu.memory_space<hbm>>
    tpu.enqueue_dma source(%arg12 : memref<128x128xf32, #tpu.memory_space<vmem>>) target(%dma_start3A_775 : memref<128x128xf32, #tpu.memory_space<hbm>>) target_semaphore(%arg26 : memref<!tpu.dma_semaphore, #tpu.memory_space<semaphore_mem>>)
    %dma_wait3A_776 = arith.constant 0 : i32
    %dma_wait3A_777 = tpu.memref_slice %arg5[%add3A_711, %dma_wait3A_776] : memref<131072x128xf32, #tpu.memory_space<hbm>> -> memref<128x128xf32, #tpu.memory_space<hbm>>
    %dma_wait3A_778 = arith.constant 0 : i32
    %dma_wait3A_779 = tpu.memref_slice %arg5[%add3A_711, %dma_wait3A_778] : memref<131072x128xf32, #tpu.memory_space<hbm>> -> memref<128x128xf32, #tpu.memory_space<hbm>>
    tpu.wait_dma2 semaphore(%arg24 : memref<!tpu.dma_semaphore, #tpu.memory_space<semaphore_mem>>) src(%arg10 : memref<128x128xf32, #tpu.memory_space<vmem>>) dst(%dma_wait3A_779 : memref<128x128xf32, #tpu.memory_space<hbm>>)
    %dma_start3A_780 = arith.constant 29 : i32
    %dma_start3A_781 = arith.constant 0 : i32
    %dma_start3A_782 = tpu.memref_slice %arg6[%dma_start3A_780, %dma_start3A_781] : memref<32x128xi32, #tpu.memory_space<vmem>> -> memref<1x128xi32, #tpu.memory_space<vmem>>
    %dma_start3A_783 = tpu.memref_squeeze %dma_start3A_782 : memref<1x128xi32, #tpu.memory_space<vmem>> -> memref<128xi32, #tpu.memory_space<vmem>>
    %dma_start3A_784 = arith.constant 0 : i32
    %dma_start3A_785 = arith.constant 0 : i32
    %dma_start3A_786 = tpu.memref_slice %arg4[%dma_start3A_784, %dma_start3A_785] : memref<100000x128xf32, #tpu.memory_space<hbm>> -> memref<100000x128xf32, #tpu.memory_space<hbm>>
    tpu.enqueue_indirect_dma source(%dma_start3A_786 : memref<100000x128xf32, #tpu.memory_space<hbm>>) target(%arg10 : memref<128x128xf32, #tpu.memory_space<vmem>>) offsets(%dma_start3A_783 : memref<128xi32, #tpu.memory_space<vmem>>) semaphore(%arg17 : memref<!tpu.dma_semaphore, #tpu.memory_space<semaphore_mem>>)
    %dma_wait3A_787 = arith.constant 25 : i32
    %dma_wait3A_788 = arith.constant 0 : i32
    %dma_wait3A_789 = tpu.memref_slice %arg6[%dma_wait3A_787, %dma_wait3A_788] : memref<32x128xi32, #tpu.memory_space<vmem>> -> memref<1x128xi32, #tpu.memory_space<vmem>>
    %dma_wait3A_790 = tpu.memref_squeeze %dma_wait3A_789 : memref<1x128xi32, #tpu.memory_space<vmem>> -> memref<128xi32, #tpu.memory_space<vmem>>
    %dma_wait3A_791 = arith.constant 0 : i32
    %dma_wait3A_792 = arith.constant 0 : i32
    %dma_wait3A_793 = tpu.memref_slice %arg4[%dma_wait3A_791, %dma_wait3A_792] : memref<100000x128xf32, #tpu.memory_space<hbm>> -> memref<100000x128xf32, #tpu.memory_space<hbm>>
    tpu.wait_indirect_dma semaphore(%arg20 : memref<!tpu.dma_semaphore, #tpu.memory_space<semaphore_mem>>) src(%dma_wait3A_793 : memref<100000x128xf32, #tpu.memory_space<hbm>>) dst(%arg13 : memref<128x128xf32, #tpu.memory_space<vmem>>)
    %scan3A_794 = arith.constant 0 : i32
    %scan3A_795 = arith.constant 0 : i32
    %scan3A_796 = arith.constant 128 : i32
    %scan3A_797 = arith.addi %scan3A_795, %scan3A_796 : i32
    %scan3A_798 = arith.constant 1 : i32
    scf.for %scan3A_970 = %scan3A_795 to %scan3A_797 step %scan3A_798  : i32 {
      %broadcast_in_dim3A = arith.constant 0 : i32
      %broadcast_in_dim3A_971 = vector.broadcast %broadcast_in_dim3A : i32 to vector<16xi32>
      %add3A_972 = arith.constant 3200 : i32
      %add3A_973 = arith.addi %add3A_972, %scan3A_970 : i32
      %add3A_974 = vector.broadcast %add3A_973 : i32 to vector<16xi32>
      %add3A_975 = arith.addi %broadcast_in_dim3A_971, %add3A_974 : vector<16xi32>
      %gather3A = tpu.vector_load_idx %arg8[%add3A_975] : memref<4096xf32, #tpu.memory_space<vmem>>[vector<16xi32>], vector<16xf32>,
      %get3A = arith.index_cast %scan3A_970 : i32 to index
      %get3A_976 = arith.constant 0 : index
      %get3A_977 = tpu.vector_load %arg13[%get3A, %get3A_976] {strides = array<i32>} : memref<128x128xf32, #tpu.memory_space<vmem>>, vector<16xf32>,
      %mul3A_978 = arith.mulf %get3A_977, %gather3A : vector<16xf32>
      %swap3A = arith.index_cast %scan3A_970 : i32 to index
      %swap3A_979 = arith.constant 0 : index
      %swap3A_980 = tpu.vector_load %arg13[%swap3A, %swap3A_979] {strides = array<i32>} : memref<128x128xf32, #tpu.memory_space<vmem>>, vector<16xf32>,
      tpu.vector_store %arg13[%swap3A, %swap3A_979], %mul3A_978 {strides = array<i32>} : memref<128x128xf32, #tpu.memory_space<vmem>>, vector<16xf32>,
      %get3A_981 = arith.index_cast %scan3A_970 : i32 to index
      %get3A_982 = arith.constant 16 : index
      %get3A_983 = tpu.vector_load %arg13[%get3A_981, %get3A_982] {strides = array<i32>} : memref<128x128xf32, #tpu.memory_space<vmem>>, vector<16xf32>,
      %mul3A_984 = arith.mulf %get3A_983, %gather3A : vector<16xf32>
      %swap3A_985 = arith.index_cast %scan3A_970 : i32 to index
      %swap3A_986 = arith.constant 16 : index
      %swap3A_987 = tpu.vector_load %arg13[%swap3A_985, %swap3A_986] {strides = array<i32>} : memref<128x128xf32, #tpu.memory_space<vmem>>, vector<16xf32>,
      tpu.vector_store %arg13[%swap3A_985, %swap3A_986], %mul3A_984 {strides = array<i32>} : memref<128x128xf32, #tpu.memory_space<vmem>>, vector<16xf32>,
      %get3A_988 = arith.index_cast %scan3A_970 : i32 to index
      %get3A_989 = arith.constant 32 : index
      %get3A_990 = tpu.vector_load %arg13[%get3A_988, %get3A_989] {strides = array<i32>} : memref<128x128xf32, #tpu.memory_space<vmem>>, vector<16xf32>,
      %mul3A_991 = arith.mulf %get3A_990, %gather3A : vector<16xf32>
      %swap3A_992 = arith.index_cast %scan3A_970 : i32 to index
      %swap3A_993 = arith.constant 32 : index
      %swap3A_994 = tpu.vector_load %arg13[%swap3A_992, %swap3A_993] {strides = array<i32>} : memref<128x128xf32, #tpu.memory_space<vmem>>, vector<16xf32>,
      tpu.vector_store %arg13[%swap3A_992, %swap3A_993], %mul3A_991 {strides = array<i32>} : memref<128x128xf32, #tpu.memory_space<vmem>>, vector<16xf32>,
      %get3A_995 = arith.index_cast %scan3A_970 : i32 to index
      %get3A_996 = arith.constant 48 : index
      %get3A_997 = tpu.vector_load %arg13[%get3A_995, %get3A_996] {strides = array<i32>} : memref<128x128xf32, #tpu.memory_space<vmem>>, vector<16xf32>,
      %mul3A_998 = arith.mulf %get3A_997, %gather3A : vector<16xf32>
      %swap3A_999 = arith.index_cast %scan3A_970 : i32 to index
      %swap3A_1000 = arith.constant 48 : index
      %swap3A_1001 = tpu.vector_load %arg13[%swap3A_999, %swap3A_1000] {strides = array<i32>} : memref<128x128xf32, #tpu.memory_space<vmem>>, vector<16xf32>,
      tpu.vector_store %arg13[%swap3A_999, %swap3A_1000], %mul3A_998 {strides = array<i32>} : memref<128x128xf32, #tpu.memory_space<vmem>>, vector<16xf32>,
      %get3A_1002 = arith.index_cast %scan3A_970 : i32 to index
      %get3A_1003 = arith.constant 64 : index
      %get3A_1004 = tpu.vector_load %arg13[%get3A_1002, %get3A_1003] {strides = array<i32>} : memref<128x128xf32, #tpu.memory_space<vmem>>, vector<16xf32>,
      %mul3A_1005 = arith.mulf %get3A_1004, %gather3A : vector<16xf32>
      %swap3A_1006 = arith.index_cast %scan3A_970 : i32 to index
      %swap3A_1007 = arith.constant 64 : index
      %swap3A_1008 = tpu.vector_load %arg13[%swap3A_1006, %swap3A_1007] {strides = array<i32>} : memref<128x128xf32, #tpu.memory_space<vmem>>, vector<16xf32>,
      tpu.vector_store %arg13[%swap3A_1006, %swap3A_1007], %mul3A_1005 {strides = array<i32>} : memref<128x128xf32, #tpu.memory_space<vmem>>, vector<16xf32>,
      %get3A_1009 = arith.index_cast %scan3A_970 : i32 to index
      %get3A_1010 = arith.constant 80 : index
      %get3A_1011 = tpu.vector_load %arg13[%get3A_1009, %get3A_1010] {strides = array<i32>} : memref<128x128xf32, #tpu.memory_space<vmem>>, vector<16xf32>,
      %mul3A_1012 = arith.mulf %get3A_1011, %gather3A : vector<16xf32>
      %swap3A_1013 = arith.index_cast %scan3A_970 : i32 to index
      %swap3A_1014 = arith.constant 80 : index
      %swap3A_1015 = tpu.vector_load %arg13[%swap3A_1013, %swap3A_1014] {strides = array<i32>} : memref<128x128xf32, #tpu.memory_space<vmem>>, vector<16xf32>,
      tpu.vector_store %arg13[%swap3A_1013, %swap3A_1014], %mul3A_1012 {strides = array<i32>} : memref<128x128xf32, #tpu.memory_space<vmem>>, vector<16xf32>,
      %get3A_1016 = arith.index_cast %scan3A_970 : i32 to index
      %get3A_1017 = arith.constant 96 : index
      %get3A_1018 = tpu.vector_load %arg13[%get3A_1016, %get3A_1017] {strides = array<i32>} : memref<128x128xf32, #tpu.memory_space<vmem>>, vector<16xf32>,
      %mul3A_1019 = arith.mulf %get3A_1018, %gather3A : vector<16xf32>
      %swap3A_1020 = arith.index_cast %scan3A_970 : i32 to index
      %swap3A_1021 = arith.constant 96 : index
      %swap3A_1022 = tpu.vector_load %arg13[%swap3A_1020, %swap3A_1021] {strides = array<i32>} : memref<128x128xf32, #tpu.memory_space<vmem>>, vector<16xf32>,
      tpu.vector_store %arg13[%swap3A_1020, %swap3A_1021], %mul3A_1019 {strides = array<i32>} : memref<128x128xf32, #tpu.memory_space<vmem>>, vector<16xf32>,
      %get3A_1023 = arith.index_cast %scan3A_970 : i32 to index
      %get3A_1024 = arith.constant 112 : index
      %get3A_1025 = tpu.vector_load %arg13[%get3A_1023, %get3A_1024] {strides = array<i32>} : memref<128x128xf32, #tpu.memory_space<vmem>>, vector<16xf32>,
      %mul3A_1026 = arith.mulf %get3A_1025, %gather3A : vector<16xf32>
      %swap3A_1027 = arith.index_cast %scan3A_970 : i32 to index
      %swap3A_1028 = arith.constant 112 : index
      %swap3A_1029 = tpu.vector_load %arg13[%swap3A_1027, %swap3A_1028] {strides = array<i32>} : memref<128x128xf32, #tpu.memory_space<vmem>>, vector<16xf32>,
      tpu.vector_store %arg13[%swap3A_1027, %swap3A_1028], %mul3A_1026 {strides = array<i32>} : memref<128x128xf32, #tpu.memory_space<vmem>>, vector<16xf32>,
    }
    %scan3A_799 = arith.constant 128 : i32
    %add3A_800 = arith.constant 3200 : i32
    %add3A_801 = arith.addi %mul3A_2, %add3A_800 : i32
    %dma_start3A_802 = arith.constant 0 : i32
    %dma_start3A_803 = tpu.memref_slice %arg5[%add3A_801, %dma_start3A_802] : memref<131072x128xf32, #tpu.memory_space<hbm>> -> memref<128x128xf32, #tpu.memory_space<hbm>>
    %dma_start3A_804 = arith.constant 0 : i32
    %dma_start3A_805 = tpu.memref_slice %arg5[%add3A_801, %dma_start3A_804] : memref<131072x128xf32, #tpu.memory_space<hbm>> -> memref<128x128xf32, #tpu.memory_space<hbm>>
    tpu.enqueue_dma source(%arg13 : memref<128x128xf32, #tpu.memory_space<vmem>>) target(%dma_start3A_805 : memref<128x128xf32, #tpu.memory_space<hbm>>) target_semaphore(%arg27 : memref<!tpu.dma_semaphore, #tpu.memory_space<semaphore_mem>>)
    %dma_wait3A_806 = arith.constant 0 : i32
    %dma_wait3A_807 = tpu.memref_slice %arg5[%add3A_741, %dma_wait3A_806] : memref<131072x128xf32, #tpu.memory_space<hbm>> -> memref<128x128xf32, #tpu.memory_space<hbm>>
    %dma_wait3A_808 = arith.constant 0 : i32
    %dma_wait3A_809 = tpu.memref_slice %arg5[%add3A_741, %dma_wait3A_808] : memref<131072x128xf32, #tpu.memory_space<hbm>> -> memref<128x128xf32, #tpu.memory_space<hbm>>
    tpu.wait_dma2 semaphore(%arg25 : memref<!tpu.dma_semaphore, #tpu.memory_space<semaphore_mem>>) src(%arg11 : memref<128x128xf32, #tpu.memory_space<vmem>>) dst(%dma_wait3A_809 : memref<128x128xf32, #tpu.memory_space<hbm>>)
    %dma_start3A_810 = arith.constant 30 : i32
    %dma_start3A_811 = arith.constant 0 : i32
    %dma_start3A_812 = tpu.memref_slice %arg6[%dma_start3A_810, %dma_start3A_811] : memref<32x128xi32, #tpu.memory_space<vmem>> -> memref<1x128xi32, #tpu.memory_space<vmem>>
    %dma_start3A_813 = tpu.memref_squeeze %dma_start3A_812 : memref<1x128xi32, #tpu.memory_space<vmem>> -> memref<128xi32, #tpu.memory_space<vmem>>
    %dma_start3A_814 = arith.constant 0 : i32
    %dma_start3A_815 = arith.constant 0 : i32
    %dma_start3A_816 = tpu.memref_slice %arg4[%dma_start3A_814, %dma_start3A_815] : memref<100000x128xf32, #tpu.memory_space<hbm>> -> memref<100000x128xf32, #tpu.memory_space<hbm>>
    tpu.enqueue_indirect_dma source(%dma_start3A_816 : memref<100000x128xf32, #tpu.memory_space<hbm>>) target(%arg11 : memref<128x128xf32, #tpu.memory_space<vmem>>) offsets(%dma_start3A_813 : memref<128xi32, #tpu.memory_space<vmem>>) semaphore(%arg18 : memref<!tpu.dma_semaphore, #tpu.memory_space<semaphore_mem>>)
    %dma_wait3A_817 = arith.constant 26 : i32
    %dma_wait3A_818 = arith.constant 0 : i32
    %dma_wait3A_819 = tpu.memref_slice %arg6[%dma_wait3A_817, %dma_wait3A_818] : memref<32x128xi32, #tpu.memory_space<vmem>> -> memref<1x128xi32, #tpu.memory_space<vmem>>
    %dma_wait3A_820 = tpu.memref_squeeze %dma_wait3A_819 : memref<1x128xi32, #tpu.memory_space<vmem>> -> memref<128xi32, #tpu.memory_space<vmem>>
    %dma_wait3A_821 = arith.constant 0 : i32
    %dma_wait3A_822 = arith.constant 0 : i32
    %dma_wait3A_823 = tpu.memref_slice %arg4[%dma_wait3A_821, %dma_wait3A_822] : memref<100000x128xf32, #tpu.memory_space<hbm>> -> memref<100000x128xf32, #tpu.memory_space<hbm>>
    tpu.wait_indirect_dma semaphore(%arg21 : memref<!tpu.dma_semaphore, #tpu.memory_space<semaphore_mem>>) src(%dma_wait3A_823 : memref<100000x128xf32, #tpu.memory_space<hbm>>) dst(%arg14 : memref<128x128xf32, #tpu.memory_space<vmem>>)
    %scan3A_824 = arith.constant 0 : i32
    %scan3A_825 = arith.constant 0 : i32
    %scan3A_826 = arith.constant 128 : i32
    %scan3A_827 = arith.addi %scan3A_825, %scan3A_826 : i32
    %scan3A_828 = arith.constant 1 : i32
    scf.for %scan3A_970 = %scan3A_825 to %scan3A_827 step %scan3A_828  : i32 {
      %broadcast_in_dim3A = arith.constant 0 : i32
      %broadcast_in_dim3A_971 = vector.broadcast %broadcast_in_dim3A : i32 to vector<16xi32>
      %add3A_972 = arith.constant 3328 : i32
      %add3A_973 = arith.addi %add3A_972, %scan3A_970 : i32
      %add3A_974 = vector.broadcast %add3A_973 : i32 to vector<16xi32>
      %add3A_975 = arith.addi %broadcast_in_dim3A_971, %add3A_974 : vector<16xi32>
      %gather3A = tpu.vector_load_idx %arg8[%add3A_975] : memref<4096xf32, #tpu.memory_space<vmem>>[vector<16xi32>], vector<16xf32>,
      %get3A = arith.index_cast %scan3A_970 : i32 to index
      %get3A_976 = arith.constant 0 : index
      %get3A_977 = tpu.vector_load %arg14[%get3A, %get3A_976] {strides = array<i32>} : memref<128x128xf32, #tpu.memory_space<vmem>>, vector<16xf32>,
      %mul3A_978 = arith.mulf %get3A_977, %gather3A : vector<16xf32>
      %swap3A = arith.index_cast %scan3A_970 : i32 to index
      %swap3A_979 = arith.constant 0 : index
      %swap3A_980 = tpu.vector_load %arg14[%swap3A, %swap3A_979] {strides = array<i32>} : memref<128x128xf32, #tpu.memory_space<vmem>>, vector<16xf32>,
      tpu.vector_store %arg14[%swap3A, %swap3A_979], %mul3A_978 {strides = array<i32>} : memref<128x128xf32, #tpu.memory_space<vmem>>, vector<16xf32>,
      %get3A_981 = arith.index_cast %scan3A_970 : i32 to index
      %get3A_982 = arith.constant 16 : index
      %get3A_983 = tpu.vector_load %arg14[%get3A_981, %get3A_982] {strides = array<i32>} : memref<128x128xf32, #tpu.memory_space<vmem>>, vector<16xf32>,
      %mul3A_984 = arith.mulf %get3A_983, %gather3A : vector<16xf32>
      %swap3A_985 = arith.index_cast %scan3A_970 : i32 to index
      %swap3A_986 = arith.constant 16 : index
      %swap3A_987 = tpu.vector_load %arg14[%swap3A_985, %swap3A_986] {strides = array<i32>} : memref<128x128xf32, #tpu.memory_space<vmem>>, vector<16xf32>,
      tpu.vector_store %arg14[%swap3A_985, %swap3A_986], %mul3A_984 {strides = array<i32>} : memref<128x128xf32, #tpu.memory_space<vmem>>, vector<16xf32>,
      %get3A_988 = arith.index_cast %scan3A_970 : i32 to index
      %get3A_989 = arith.constant 32 : index
      %get3A_990 = tpu.vector_load %arg14[%get3A_988, %get3A_989] {strides = array<i32>} : memref<128x128xf32, #tpu.memory_space<vmem>>, vector<16xf32>,
      %mul3A_991 = arith.mulf %get3A_990, %gather3A : vector<16xf32>
      %swap3A_992 = arith.index_cast %scan3A_970 : i32 to index
      %swap3A_993 = arith.constant 32 : index
      %swap3A_994 = tpu.vector_load %arg14[%swap3A_992, %swap3A_993] {strides = array<i32>} : memref<128x128xf32, #tpu.memory_space<vmem>>, vector<16xf32>,
      tpu.vector_store %arg14[%swap3A_992, %swap3A_993], %mul3A_991 {strides = array<i32>} : memref<128x128xf32, #tpu.memory_space<vmem>>, vector<16xf32>,
      %get3A_995 = arith.index_cast %scan3A_970 : i32 to index
      %get3A_996 = arith.constant 48 : index
      %get3A_997 = tpu.vector_load %arg14[%get3A_995, %get3A_996] {strides = array<i32>} : memref<128x128xf32, #tpu.memory_space<vmem>>, vector<16xf32>,
      %mul3A_998 = arith.mulf %get3A_997, %gather3A : vector<16xf32>
      %swap3A_999 = arith.index_cast %scan3A_970 : i32 to index
      %swap3A_1000 = arith.constant 48 : index
      %swap3A_1001 = tpu.vector_load %arg14[%swap3A_999, %swap3A_1000] {strides = array<i32>} : memref<128x128xf32, #tpu.memory_space<vmem>>, vector<16xf32>,
      tpu.vector_store %arg14[%swap3A_999, %swap3A_1000], %mul3A_998 {strides = array<i32>} : memref<128x128xf32, #tpu.memory_space<vmem>>, vector<16xf32>,
      %get3A_1002 = arith.index_cast %scan3A_970 : i32 to index
      %get3A_1003 = arith.constant 64 : index
      %get3A_1004 = tpu.vector_load %arg14[%get3A_1002, %get3A_1003] {strides = array<i32>} : memref<128x128xf32, #tpu.memory_space<vmem>>, vector<16xf32>,
      %mul3A_1005 = arith.mulf %get3A_1004, %gather3A : vector<16xf32>
      %swap3A_1006 = arith.index_cast %scan3A_970 : i32 to index
      %swap3A_1007 = arith.constant 64 : index
      %swap3A_1008 = tpu.vector_load %arg14[%swap3A_1006, %swap3A_1007] {strides = array<i32>} : memref<128x128xf32, #tpu.memory_space<vmem>>, vector<16xf32>,
      tpu.vector_store %arg14[%swap3A_1006, %swap3A_1007], %mul3A_1005 {strides = array<i32>} : memref<128x128xf32, #tpu.memory_space<vmem>>, vector<16xf32>,
      %get3A_1009 = arith.index_cast %scan3A_970 : i32 to index
      %get3A_1010 = arith.constant 80 : index
      %get3A_1011 = tpu.vector_load %arg14[%get3A_1009, %get3A_1010] {strides = array<i32>} : memref<128x128xf32, #tpu.memory_space<vmem>>, vector<16xf32>,
      %mul3A_1012 = arith.mulf %get3A_1011, %gather3A : vector<16xf32>
      %swap3A_1013 = arith.index_cast %scan3A_970 : i32 to index
      %swap3A_1014 = arith.constant 80 : index
      %swap3A_1015 = tpu.vector_load %arg14[%swap3A_1013, %swap3A_1014] {strides = array<i32>} : memref<128x128xf32, #tpu.memory_space<vmem>>, vector<16xf32>,
      tpu.vector_store %arg14[%swap3A_1013, %swap3A_1014], %mul3A_1012 {strides = array<i32>} : memref<128x128xf32, #tpu.memory_space<vmem>>, vector<16xf32>,
      %get3A_1016 = arith.index_cast %scan3A_970 : i32 to index
      %get3A_1017 = arith.constant 96 : index
      %get3A_1018 = tpu.vector_load %arg14[%get3A_1016, %get3A_1017] {strides = array<i32>} : memref<128x128xf32, #tpu.memory_space<vmem>>, vector<16xf32>,
      %mul3A_1019 = arith.mulf %get3A_1018, %gather3A : vector<16xf32>
      %swap3A_1020 = arith.index_cast %scan3A_970 : i32 to index
      %swap3A_1021 = arith.constant 96 : index
      %swap3A_1022 = tpu.vector_load %arg14[%swap3A_1020, %swap3A_1021] {strides = array<i32>} : memref<128x128xf32, #tpu.memory_space<vmem>>, vector<16xf32>,
      tpu.vector_store %arg14[%swap3A_1020, %swap3A_1021], %mul3A_1019 {strides = array<i32>} : memref<128x128xf32, #tpu.memory_space<vmem>>, vector<16xf32>,
      %get3A_1023 = arith.index_cast %scan3A_970 : i32 to index
      %get3A_1024 = arith.constant 112 : index
      %get3A_1025 = tpu.vector_load %arg14[%get3A_1023, %get3A_1024] {strides = array<i32>} : memref<128x128xf32, #tpu.memory_space<vmem>>, vector<16xf32>,
      %mul3A_1026 = arith.mulf %get3A_1025, %gather3A : vector<16xf32>
      %swap3A_1027 = arith.index_cast %scan3A_970 : i32 to index
      %swap3A_1028 = arith.constant 112 : index
      %swap3A_1029 = tpu.vector_load %arg14[%swap3A_1027, %swap3A_1028] {strides = array<i32>} : memref<128x128xf32, #tpu.memory_space<vmem>>, vector<16xf32>,
      tpu.vector_store %arg14[%swap3A_1027, %swap3A_1028], %mul3A_1026 {strides = array<i32>} : memref<128x128xf32, #tpu.memory_space<vmem>>, vector<16xf32>,
    }
    %scan3A_829 = arith.constant 128 : i32
    %add3A_830 = arith.constant 3328 : i32
    %add3A_831 = arith.addi %mul3A_2, %add3A_830 : i32
    %dma_start3A_832 = arith.constant 0 : i32
    %dma_start3A_833 = tpu.memref_slice %arg5[%add3A_831, %dma_start3A_832] : memref<131072x128xf32, #tpu.memory_space<hbm>> -> memref<128x128xf32, #tpu.memory_space<hbm>>
    %dma_start3A_834 = arith.constant 0 : i32
    %dma_start3A_835 = tpu.memref_slice %arg5[%add3A_831, %dma_start3A_834] : memref<131072x128xf32, #tpu.memory_space<hbm>> -> memref<128x128xf32, #tpu.memory_space<hbm>>
    tpu.enqueue_dma source(%arg14 : memref<128x128xf32, #tpu.memory_space<vmem>>) target(%dma_start3A_835 : memref<128x128xf32, #tpu.memory_space<hbm>>) target_semaphore(%arg28 : memref<!tpu.dma_semaphore, #tpu.memory_space<semaphore_mem>>)
    %dma_wait3A_836 = arith.constant 0 : i32
    %dma_wait3A_837 = tpu.memref_slice %arg5[%add3A_771, %dma_wait3A_836] : memref<131072x128xf32, #tpu.memory_space<hbm>> -> memref<128x128xf32, #tpu.memory_space<hbm>>
    %dma_wait3A_838 = arith.constant 0 : i32
    %dma_wait3A_839 = tpu.memref_slice %arg5[%add3A_771, %dma_wait3A_838] : memref<131072x128xf32, #tpu.memory_space<hbm>> -> memref<128x128xf32, #tpu.memory_space<hbm>>
    tpu.wait_dma2 semaphore(%arg26 : memref<!tpu.dma_semaphore, #tpu.memory_space<semaphore_mem>>) src(%arg12 : memref<128x128xf32, #tpu.memory_space<vmem>>) dst(%dma_wait3A_839 : memref<128x128xf32, #tpu.memory_space<hbm>>)
    %dma_start3A_840 = arith.constant 31 : i32
    %dma_start3A_841 = arith.constant 0 : i32
    %dma_start3A_842 = tpu.memref_slice %arg6[%dma_start3A_840, %dma_start3A_841] : memref<32x128xi32, #tpu.memory_space<vmem>> -> memref<1x128xi32, #tpu.memory_space<vmem>>
    %dma_start3A_843 = tpu.memref_squeeze %dma_start3A_842 : memref<1x128xi32, #tpu.memory_space<vmem>> -> memref<128xi32, #tpu.memory_space<vmem>>
    %dma_start3A_844 = arith.constant 0 : i32
    %dma_start3A_845 = arith.constant 0 : i32
    %dma_start3A_846 = tpu.memref_slice %arg4[%dma_start3A_844, %dma_start3A_845] : memref<100000x128xf32, #tpu.memory_space<hbm>> -> memref<100000x128xf32, #tpu.memory_space<hbm>>
    tpu.enqueue_indirect_dma source(%dma_start3A_846 : memref<100000x128xf32, #tpu.memory_space<hbm>>) target(%arg12 : memref<128x128xf32, #tpu.memory_space<vmem>>) offsets(%dma_start3A_843 : memref<128xi32, #tpu.memory_space<vmem>>) semaphore(%arg19 : memref<!tpu.dma_semaphore, #tpu.memory_space<semaphore_mem>>)
    %dma_wait3A_847 = arith.constant 27 : i32
    %dma_wait3A_848 = arith.constant 0 : i32
    %dma_wait3A_849 = tpu.memref_slice %arg6[%dma_wait3A_847, %dma_wait3A_848] : memref<32x128xi32, #tpu.memory_space<vmem>> -> memref<1x128xi32, #tpu.memory_space<vmem>>
    %dma_wait3A_850 = tpu.memref_squeeze %dma_wait3A_849 : memref<1x128xi32, #tpu.memory_space<vmem>> -> memref<128xi32, #tpu.memory_space<vmem>>
    %dma_wait3A_851 = arith.constant 0 : i32
    %dma_wait3A_852 = arith.constant 0 : i32
    %dma_wait3A_853 = tpu.memref_slice %arg4[%dma_wait3A_851, %dma_wait3A_852] : memref<100000x128xf32, #tpu.memory_space<hbm>> -> memref<100000x128xf32, #tpu.memory_space<hbm>>
    tpu.wait_indirect_dma semaphore(%arg22 : memref<!tpu.dma_semaphore, #tpu.memory_space<semaphore_mem>>) src(%dma_wait3A_853 : memref<100000x128xf32, #tpu.memory_space<hbm>>) dst(%arg15 : memref<128x128xf32, #tpu.memory_space<vmem>>)
    %scan3A_854 = arith.constant 0 : i32
    %scan3A_855 = arith.constant 0 : i32
    %scan3A_856 = arith.constant 128 : i32
    %scan3A_857 = arith.addi %scan3A_855, %scan3A_856 : i32
    %scan3A_858 = arith.constant 1 : i32
    scf.for %scan3A_970 = %scan3A_855 to %scan3A_857 step %scan3A_858  : i32 {
      %broadcast_in_dim3A = arith.constant 0 : i32
      %broadcast_in_dim3A_971 = vector.broadcast %broadcast_in_dim3A : i32 to vector<16xi32>
      %add3A_972 = arith.constant 3456 : i32
      %add3A_973 = arith.addi %add3A_972, %scan3A_970 : i32
      %add3A_974 = vector.broadcast %add3A_973 : i32 to vector<16xi32>
      %add3A_975 = arith.addi %broadcast_in_dim3A_971, %add3A_974 : vector<16xi32>
      %gather3A = tpu.vector_load_idx %arg8[%add3A_975] : memref<4096xf32, #tpu.memory_space<vmem>>[vector<16xi32>], vector<16xf32>,
      %get3A = arith.index_cast %scan3A_970 : i32 to index
      %get3A_976 = arith.constant 0 : index
      %get3A_977 = tpu.vector_load %arg15[%get3A, %get3A_976] {strides = array<i32>} : memref<128x128xf32, #tpu.memory_space<vmem>>, vector<16xf32>,
      %mul3A_978 = arith.mulf %get3A_977, %gather3A : vector<16xf32>
      %swap3A = arith.index_cast %scan3A_970 : i32 to index
      %swap3A_979 = arith.constant 0 : index
      %swap3A_980 = tpu.vector_load %arg15[%swap3A, %swap3A_979] {strides = array<i32>} : memref<128x128xf32, #tpu.memory_space<vmem>>, vector<16xf32>,
      tpu.vector_store %arg15[%swap3A, %swap3A_979], %mul3A_978 {strides = array<i32>} : memref<128x128xf32, #tpu.memory_space<vmem>>, vector<16xf32>,
      %get3A_981 = arith.index_cast %scan3A_970 : i32 to index
      %get3A_982 = arith.constant 16 : index
      %get3A_983 = tpu.vector_load %arg15[%get3A_981, %get3A_982] {strides = array<i32>} : memref<128x128xf32, #tpu.memory_space<vmem>>, vector<16xf32>,
      %mul3A_984 = arith.mulf %get3A_983, %gather3A : vector<16xf32>
      %swap3A_985 = arith.index_cast %scan3A_970 : i32 to index
      %swap3A_986 = arith.constant 16 : index
      %swap3A_987 = tpu.vector_load %arg15[%swap3A_985, %swap3A_986] {strides = array<i32>} : memref<128x128xf32, #tpu.memory_space<vmem>>, vector<16xf32>,
      tpu.vector_store %arg15[%swap3A_985, %swap3A_986], %mul3A_984 {strides = array<i32>} : memref<128x128xf32, #tpu.memory_space<vmem>>, vector<16xf32>,
      %get3A_988 = arith.index_cast %scan3A_970 : i32 to index
      %get3A_989 = arith.constant 32 : index
      %get3A_990 = tpu.vector_load %arg15[%get3A_988, %get3A_989] {strides = array<i32>} : memref<128x128xf32, #tpu.memory_space<vmem>>, vector<16xf32>,
      %mul3A_991 = arith.mulf %get3A_990, %gather3A : vector<16xf32>
      %swap3A_992 = arith.index_cast %scan3A_970 : i32 to index
      %swap3A_993 = arith.constant 32 : index
      %swap3A_994 = tpu.vector_load %arg15[%swap3A_992, %swap3A_993] {strides = array<i32>} : memref<128x128xf32, #tpu.memory_space<vmem>>, vector<16xf32>,
      tpu.vector_store %arg15[%swap3A_992, %swap3A_993], %mul3A_991 {strides = array<i32>} : memref<128x128xf32, #tpu.memory_space<vmem>>, vector<16xf32>,
      %get3A_995 = arith.index_cast %scan3A_970 : i32 to index
      %get3A_996 = arith.constant 48 : index
      %get3A_997 = tpu.vector_load %arg15[%get3A_995, %get3A_996] {strides = array<i32>} : memref<128x128xf32, #tpu.memory_space<vmem>>, vector<16xf32>,
      %mul3A_998 = arith.mulf %get3A_997, %gather3A : vector<16xf32>
      %swap3A_999 = arith.index_cast %scan3A_970 : i32 to index
      %swap3A_1000 = arith.constant 48 : index
      %swap3A_1001 = tpu.vector_load %arg15[%swap3A_999, %swap3A_1000] {strides = array<i32>} : memref<128x128xf32, #tpu.memory_space<vmem>>, vector<16xf32>,
      tpu.vector_store %arg15[%swap3A_999, %swap3A_1000], %mul3A_998 {strides = array<i32>} : memref<128x128xf32, #tpu.memory_space<vmem>>, vector<16xf32>,
      %get3A_1002 = arith.index_cast %scan3A_970 : i32 to index
      %get3A_1003 = arith.constant 64 : index
      %get3A_1004 = tpu.vector_load %arg15[%get3A_1002, %get3A_1003] {strides = array<i32>} : memref<128x128xf32, #tpu.memory_space<vmem>>, vector<16xf32>,
      %mul3A_1005 = arith.mulf %get3A_1004, %gather3A : vector<16xf32>
      %swap3A_1006 = arith.index_cast %scan3A_970 : i32 to index
      %swap3A_1007 = arith.constant 64 : index
      %swap3A_1008 = tpu.vector_load %arg15[%swap3A_1006, %swap3A_1007] {strides = array<i32>} : memref<128x128xf32, #tpu.memory_space<vmem>>, vector<16xf32>,
      tpu.vector_store %arg15[%swap3A_1006, %swap3A_1007], %mul3A_1005 {strides = array<i32>} : memref<128x128xf32, #tpu.memory_space<vmem>>, vector<16xf32>,
      %get3A_1009 = arith.index_cast %scan3A_970 : i32 to index
      %get3A_1010 = arith.constant 80 : index
      %get3A_1011 = tpu.vector_load %arg15[%get3A_1009, %get3A_1010] {strides = array<i32>} : memref<128x128xf32, #tpu.memory_space<vmem>>, vector<16xf32>,
      %mul3A_1012 = arith.mulf %get3A_1011, %gather3A : vector<16xf32>
      %swap3A_1013 = arith.index_cast %scan3A_970 : i32 to index
      %swap3A_1014 = arith.constant 80 : index
      %swap3A_1015 = tpu.vector_load %arg15[%swap3A_1013, %swap3A_1014] {strides = array<i32>} : memref<128x128xf32, #tpu.memory_space<vmem>>, vector<16xf32>,
      tpu.vector_store %arg15[%swap3A_1013, %swap3A_1014], %mul3A_1012 {strides = array<i32>} : memref<128x128xf32, #tpu.memory_space<vmem>>, vector<16xf32>,
      %get3A_1016 = arith.index_cast %scan3A_970 : i32 to index
      %get3A_1017 = arith.constant 96 : index
      %get3A_1018 = tpu.vector_load %arg15[%get3A_1016, %get3A_1017] {strides = array<i32>} : memref<128x128xf32, #tpu.memory_space<vmem>>, vector<16xf32>,
      %mul3A_1019 = arith.mulf %get3A_1018, %gather3A : vector<16xf32>
      %swap3A_1020 = arith.index_cast %scan3A_970 : i32 to index
      %swap3A_1021 = arith.constant 96 : index
      %swap3A_1022 = tpu.vector_load %arg15[%swap3A_1020, %swap3A_1021] {strides = array<i32>} : memref<128x128xf32, #tpu.memory_space<vmem>>, vector<16xf32>,
      tpu.vector_store %arg15[%swap3A_1020, %swap3A_1021], %mul3A_1019 {strides = array<i32>} : memref<128x128xf32, #tpu.memory_space<vmem>>, vector<16xf32>,
      %get3A_1023 = arith.index_cast %scan3A_970 : i32 to index
      %get3A_1024 = arith.constant 112 : index
      %get3A_1025 = tpu.vector_load %arg15[%get3A_1023, %get3A_1024] {strides = array<i32>} : memref<128x128xf32, #tpu.memory_space<vmem>>, vector<16xf32>,
      %mul3A_1026 = arith.mulf %get3A_1025, %gather3A : vector<16xf32>
      %swap3A_1027 = arith.index_cast %scan3A_970 : i32 to index
      %swap3A_1028 = arith.constant 112 : index
      %swap3A_1029 = tpu.vector_load %arg15[%swap3A_1027, %swap3A_1028] {strides = array<i32>} : memref<128x128xf32, #tpu.memory_space<vmem>>, vector<16xf32>,
      tpu.vector_store %arg15[%swap3A_1027, %swap3A_1028], %mul3A_1026 {strides = array<i32>} : memref<128x128xf32, #tpu.memory_space<vmem>>, vector<16xf32>,
    }
    %scan3A_859 = arith.constant 128 : i32
    %add3A_860 = arith.constant 3456 : i32
    %add3A_861 = arith.addi %mul3A_2, %add3A_860 : i32
    %dma_start3A_862 = arith.constant 0 : i32
    %dma_start3A_863 = tpu.memref_slice %arg5[%add3A_861, %dma_start3A_862] : memref<131072x128xf32, #tpu.memory_space<hbm>> -> memref<128x128xf32, #tpu.memory_space<hbm>>
    %dma_start3A_864 = arith.constant 0 : i32
    %dma_start3A_865 = tpu.memref_slice %arg5[%add3A_861, %dma_start3A_864] : memref<131072x128xf32, #tpu.memory_space<hbm>> -> memref<128x128xf32, #tpu.memory_space<hbm>>
    tpu.enqueue_dma source(%arg15 : memref<128x128xf32, #tpu.memory_space<vmem>>) target(%dma_start3A_865 : memref<128x128xf32, #tpu.memory_space<hbm>>) target_semaphore(%arg29 : memref<!tpu.dma_semaphore, #tpu.memory_space<semaphore_mem>>)
    %dma_wait3A_866 = arith.constant 28 : i32
    %dma_wait3A_867 = arith.constant 0 : i32
    %dma_wait3A_868 = tpu.memref_slice %arg6[%dma_wait3A_866, %dma_wait3A_867] : memref<32x128xi32, #tpu.memory_space<vmem>> -> memref<1x128xi32, #tpu.memory_space<vmem>>
    %dma_wait3A_869 = tpu.memref_squeeze %dma_wait3A_868 : memref<1x128xi32, #tpu.memory_space<vmem>> -> memref<128xi32, #tpu.memory_space<vmem>>
    %dma_wait3A_870 = arith.constant 0 : i32
    %dma_wait3A_871 = arith.constant 0 : i32
    %dma_wait3A_872 = tpu.memref_slice %arg4[%dma_wait3A_870, %dma_wait3A_871] : memref<100000x128xf32, #tpu.memory_space<hbm>> -> memref<100000x128xf32, #tpu.memory_space<hbm>>
    tpu.wait_indirect_dma semaphore(%arg16 : memref<!tpu.dma_semaphore, #tpu.memory_space<semaphore_mem>>) src(%dma_wait3A_872 : memref<100000x128xf32, #tpu.memory_space<hbm>>) dst(%arg9 : memref<128x128xf32, #tpu.memory_space<vmem>>)
    %scan3A_873 = arith.constant 0 : i32
    %scan3A_874 = arith.constant 0 : i32
    %scan3A_875 = arith.constant 128 : i32
    %scan3A_876 = arith.addi %scan3A_874, %scan3A_875 : i32
    %scan3A_877 = arith.constant 1 : i32
    scf.for %scan3A_970 = %scan3A_874 to %scan3A_876 step %scan3A_877  : i32 {
      %broadcast_in_dim3A = arith.constant 0 : i32
      %broadcast_in_dim3A_971 = vector.broadcast %broadcast_in_dim3A : i32 to vector<16xi32>
      %add3A_972 = arith.constant 3584 : i32
      %add3A_973 = arith.addi %add3A_972, %scan3A_970 : i32
      %add3A_974 = vector.broadcast %add3A_973 : i32 to vector<16xi32>
      %add3A_975 = arith.addi %broadcast_in_dim3A_971, %add3A_974 : vector<16xi32>
      %gather3A = tpu.vector_load_idx %arg8[%add3A_975] : memref<4096xf32, #tpu.memory_space<vmem>>[vector<16xi32>], vector<16xf32>,
      %get3A = arith.index_cast %scan3A_970 : i32 to index
      %get3A_976 = arith.constant 0 : index
      %get3A_977 = tpu.vector_load %arg9[%get3A, %get3A_976] {strides = array<i32>} : memref<128x128xf32, #tpu.memory_space<vmem>>, vector<16xf32>,
      %mul3A_978 = arith.mulf %get3A_977, %gather3A : vector<16xf32>
      %swap3A = arith.index_cast %scan3A_970 : i32 to index
      %swap3A_979 = arith.constant 0 : index
      %swap3A_980 = tpu.vector_load %arg9[%swap3A, %swap3A_979] {strides = array<i32>} : memref<128x128xf32, #tpu.memory_space<vmem>>, vector<16xf32>,
      tpu.vector_store %arg9[%swap3A, %swap3A_979], %mul3A_978 {strides = array<i32>} : memref<128x128xf32, #tpu.memory_space<vmem>>, vector<16xf32>,
      %get3A_981 = arith.index_cast %scan3A_970 : i32 to index
      %get3A_982 = arith.constant 16 : index
      %get3A_983 = tpu.vector_load %arg9[%get3A_981, %get3A_982] {strides = array<i32>} : memref<128x128xf32, #tpu.memory_space<vmem>>, vector<16xf32>,
      %mul3A_984 = arith.mulf %get3A_983, %gather3A : vector<16xf32>
      %swap3A_985 = arith.index_cast %scan3A_970 : i32 to index
      %swap3A_986 = arith.constant 16 : index
      %swap3A_987 = tpu.vector_load %arg9[%swap3A_985, %swap3A_986] {strides = array<i32>} : memref<128x128xf32, #tpu.memory_space<vmem>>, vector<16xf32>,
      tpu.vector_store %arg9[%swap3A_985, %swap3A_986], %mul3A_984 {strides = array<i32>} : memref<128x128xf32, #tpu.memory_space<vmem>>, vector<16xf32>,
      %get3A_988 = arith.index_cast %scan3A_970 : i32 to index
      %get3A_989 = arith.constant 32 : index
      %get3A_990 = tpu.vector_load %arg9[%get3A_988, %get3A_989] {strides = array<i32>} : memref<128x128xf32, #tpu.memory_space<vmem>>, vector<16xf32>,
      %mul3A_991 = arith.mulf %get3A_990, %gather3A : vector<16xf32>
      %swap3A_992 = arith.index_cast %scan3A_970 : i32 to index
      %swap3A_993 = arith.constant 32 : index
      %swap3A_994 = tpu.vector_load %arg9[%swap3A_992, %swap3A_993] {strides = array<i32>} : memref<128x128xf32, #tpu.memory_space<vmem>>, vector<16xf32>,
      tpu.vector_store %arg9[%swap3A_992, %swap3A_993], %mul3A_991 {strides = array<i32>} : memref<128x128xf32, #tpu.memory_space<vmem>>, vector<16xf32>,
      %get3A_995 = arith.index_cast %scan3A_970 : i32 to index
      %get3A_996 = arith.constant 48 : index
      %get3A_997 = tpu.vector_load %arg9[%get3A_995, %get3A_996] {strides = array<i32>} : memref<128x128xf32, #tpu.memory_space<vmem>>, vector<16xf32>,
      %mul3A_998 = arith.mulf %get3A_997, %gather3A : vector<16xf32>
      %swap3A_999 = arith.index_cast %scan3A_970 : i32 to index
      %swap3A_1000 = arith.constant 48 : index
      %swap3A_1001 = tpu.vector_load %arg9[%swap3A_999, %swap3A_1000] {strides = array<i32>} : memref<128x128xf32, #tpu.memory_space<vmem>>, vector<16xf32>,
      tpu.vector_store %arg9[%swap3A_999, %swap3A_1000], %mul3A_998 {strides = array<i32>} : memref<128x128xf32, #tpu.memory_space<vmem>>, vector<16xf32>,
      %get3A_1002 = arith.index_cast %scan3A_970 : i32 to index
      %get3A_1003 = arith.constant 64 : index
      %get3A_1004 = tpu.vector_load %arg9[%get3A_1002, %get3A_1003] {strides = array<i32>} : memref<128x128xf32, #tpu.memory_space<vmem>>, vector<16xf32>,
      %mul3A_1005 = arith.mulf %get3A_1004, %gather3A : vector<16xf32>
      %swap3A_1006 = arith.index_cast %scan3A_970 : i32 to index
      %swap3A_1007 = arith.constant 64 : index
      %swap3A_1008 = tpu.vector_load %arg9[%swap3A_1006, %swap3A_1007] {strides = array<i32>} : memref<128x128xf32, #tpu.memory_space<vmem>>, vector<16xf32>,
      tpu.vector_store %arg9[%swap3A_1006, %swap3A_1007], %mul3A_1005 {strides = array<i32>} : memref<128x128xf32, #tpu.memory_space<vmem>>, vector<16xf32>,
      %get3A_1009 = arith.index_cast %scan3A_970 : i32 to index
      %get3A_1010 = arith.constant 80 : index
      %get3A_1011 = tpu.vector_load %arg9[%get3A_1009, %get3A_1010] {strides = array<i32>} : memref<128x128xf32, #tpu.memory_space<vmem>>, vector<16xf32>,
      %mul3A_1012 = arith.mulf %get3A_1011, %gather3A : vector<16xf32>
      %swap3A_1013 = arith.index_cast %scan3A_970 : i32 to index
      %swap3A_1014 = arith.constant 80 : index
      %swap3A_1015 = tpu.vector_load %arg9[%swap3A_1013, %swap3A_1014] {strides = array<i32>} : memref<128x128xf32, #tpu.memory_space<vmem>>, vector<16xf32>,
      tpu.vector_store %arg9[%swap3A_1013, %swap3A_1014], %mul3A_1012 {strides = array<i32>} : memref<128x128xf32, #tpu.memory_space<vmem>>, vector<16xf32>,
      %get3A_1016 = arith.index_cast %scan3A_970 : i32 to index
      %get3A_1017 = arith.constant 96 : index
      %get3A_1018 = tpu.vector_load %arg9[%get3A_1016, %get3A_1017] {strides = array<i32>} : memref<128x128xf32, #tpu.memory_space<vmem>>, vector<16xf32>,
      %mul3A_1019 = arith.mulf %get3A_1018, %gather3A : vector<16xf32>
      %swap3A_1020 = arith.index_cast %scan3A_970 : i32 to index
      %swap3A_1021 = arith.constant 96 : index
      %swap3A_1022 = tpu.vector_load %arg9[%swap3A_1020, %swap3A_1021] {strides = array<i32>} : memref<128x128xf32, #tpu.memory_space<vmem>>, vector<16xf32>,
      tpu.vector_store %arg9[%swap3A_1020, %swap3A_1021], %mul3A_1019 {strides = array<i32>} : memref<128x128xf32, #tpu.memory_space<vmem>>, vector<16xf32>,
      %get3A_1023 = arith.index_cast %scan3A_970 : i32 to index
      %get3A_1024 = arith.constant 112 : index
      %get3A_1025 = tpu.vector_load %arg9[%get3A_1023, %get3A_1024] {strides = array<i32>} : memref<128x128xf32, #tpu.memory_space<vmem>>, vector<16xf32>,
      %mul3A_1026 = arith.mulf %get3A_1025, %gather3A : vector<16xf32>
      %swap3A_1027 = arith.index_cast %scan3A_970 : i32 to index
      %swap3A_1028 = arith.constant 112 : index
      %swap3A_1029 = tpu.vector_load %arg9[%swap3A_1027, %swap3A_1028] {strides = array<i32>} : memref<128x128xf32, #tpu.memory_space<vmem>>, vector<16xf32>,
      tpu.vector_store %arg9[%swap3A_1027, %swap3A_1028], %mul3A_1026 {strides = array<i32>} : memref<128x128xf32, #tpu.memory_space<vmem>>, vector<16xf32>,
    }
    %scan3A_878 = arith.constant 128 : i32
    %add3A_879 = arith.constant 3584 : i32
    %add3A_880 = arith.addi %mul3A_2, %add3A_879 : i32
    %dma_start3A_881 = arith.constant 0 : i32
    %dma_start3A_882 = tpu.memref_slice %arg5[%add3A_880, %dma_start3A_881] : memref<131072x128xf32, #tpu.memory_space<hbm>> -> memref<128x128xf32, #tpu.memory_space<hbm>>
    %dma_start3A_883 = arith.constant 0 : i32
    %dma_start3A_884 = tpu.memref_slice %arg5[%add3A_880, %dma_start3A_883] : memref<131072x128xf32, #tpu.memory_space<hbm>> -> memref<128x128xf32, #tpu.memory_space<hbm>>
    tpu.enqueue_dma source(%arg9 : memref<128x128xf32, #tpu.memory_space<vmem>>) target(%dma_start3A_884 : memref<128x128xf32, #tpu.memory_space<hbm>>) target_semaphore(%arg23 : memref<!tpu.dma_semaphore, #tpu.memory_space<semaphore_mem>>)
    %dma_wait3A_885 = arith.constant 29 : i32
    %dma_wait3A_886 = arith.constant 0 : i32
    %dma_wait3A_887 = tpu.memref_slice %arg6[%dma_wait3A_885, %dma_wait3A_886] : memref<32x128xi32, #tpu.memory_space<vmem>> -> memref<1x128xi32, #tpu.memory_space<vmem>>
    %dma_wait3A_888 = tpu.memref_squeeze %dma_wait3A_887 : memref<1x128xi32, #tpu.memory_space<vmem>> -> memref<128xi32, #tpu.memory_space<vmem>>
    %dma_wait3A_889 = arith.constant 0 : i32
    %dma_wait3A_890 = arith.constant 0 : i32
    %dma_wait3A_891 = tpu.memref_slice %arg4[%dma_wait3A_889, %dma_wait3A_890] : memref<100000x128xf32, #tpu.memory_space<hbm>> -> memref<100000x128xf32, #tpu.memory_space<hbm>>
    tpu.wait_indirect_dma semaphore(%arg17 : memref<!tpu.dma_semaphore, #tpu.memory_space<semaphore_mem>>) src(%dma_wait3A_891 : memref<100000x128xf32, #tpu.memory_space<hbm>>) dst(%arg10 : memref<128x128xf32, #tpu.memory_space<vmem>>)
    %scan3A_892 = arith.constant 0 : i32
    %scan3A_893 = arith.constant 0 : i32
    %scan3A_894 = arith.constant 128 : i32
    %scan3A_895 = arith.addi %scan3A_893, %scan3A_894 : i32
    %scan3A_896 = arith.constant 1 : i32
    scf.for %scan3A_970 = %scan3A_893 to %scan3A_895 step %scan3A_896  : i32 {
      %broadcast_in_dim3A = arith.constant 0 : i32
      %broadcast_in_dim3A_971 = vector.broadcast %broadcast_in_dim3A : i32 to vector<16xi32>
      %add3A_972 = arith.constant 3712 : i32
      %add3A_973 = arith.addi %add3A_972, %scan3A_970 : i32
      %add3A_974 = vector.broadcast %add3A_973 : i32 to vector<16xi32>
      %add3A_975 = arith.addi %broadcast_in_dim3A_971, %add3A_974 : vector<16xi32>
      %gather3A = tpu.vector_load_idx %arg8[%add3A_975] : memref<4096xf32, #tpu.memory_space<vmem>>[vector<16xi32>], vector<16xf32>,
      %get3A = arith.index_cast %scan3A_970 : i32 to index
      %get3A_976 = arith.constant 0 : index
      %get3A_977 = tpu.vector_load %arg10[%get3A, %get3A_976] {strides = array<i32>} : memref<128x128xf32, #tpu.memory_space<vmem>>, vector<16xf32>,
      %mul3A_978 = arith.mulf %get3A_977, %gather3A : vector<16xf32>
      %swap3A = arith.index_cast %scan3A_970 : i32 to index
      %swap3A_979 = arith.constant 0 : index
      %swap3A_980 = tpu.vector_load %arg10[%swap3A, %swap3A_979] {strides = array<i32>} : memref<128x128xf32, #tpu.memory_space<vmem>>, vector<16xf32>,
      tpu.vector_store %arg10[%swap3A, %swap3A_979], %mul3A_978 {strides = array<i32>} : memref<128x128xf32, #tpu.memory_space<vmem>>, vector<16xf32>,
      %get3A_981 = arith.index_cast %scan3A_970 : i32 to index
      %get3A_982 = arith.constant 16 : index
      %get3A_983 = tpu.vector_load %arg10[%get3A_981, %get3A_982] {strides = array<i32>} : memref<128x128xf32, #tpu.memory_space<vmem>>, vector<16xf32>,
      %mul3A_984 = arith.mulf %get3A_983, %gather3A : vector<16xf32>
      %swap3A_985 = arith.index_cast %scan3A_970 : i32 to index
      %swap3A_986 = arith.constant 16 : index
      %swap3A_987 = tpu.vector_load %arg10[%swap3A_985, %swap3A_986] {strides = array<i32>} : memref<128x128xf32, #tpu.memory_space<vmem>>, vector<16xf32>,
      tpu.vector_store %arg10[%swap3A_985, %swap3A_986], %mul3A_984 {strides = array<i32>} : memref<128x128xf32, #tpu.memory_space<vmem>>, vector<16xf32>,
      %get3A_988 = arith.index_cast %scan3A_970 : i32 to index
      %get3A_989 = arith.constant 32 : index
      %get3A_990 = tpu.vector_load %arg10[%get3A_988, %get3A_989] {strides = array<i32>} : memref<128x128xf32, #tpu.memory_space<vmem>>, vector<16xf32>,
      %mul3A_991 = arith.mulf %get3A_990, %gather3A : vector<16xf32>
      %swap3A_992 = arith.index_cast %scan3A_970 : i32 to index
      %swap3A_993 = arith.constant 32 : index
      %swap3A_994 = tpu.vector_load %arg10[%swap3A_992, %swap3A_993] {strides = array<i32>} : memref<128x128xf32, #tpu.memory_space<vmem>>, vector<16xf32>,
      tpu.vector_store %arg10[%swap3A_992, %swap3A_993], %mul3A_991 {strides = array<i32>} : memref<128x128xf32, #tpu.memory_space<vmem>>, vector<16xf32>,
      %get3A_995 = arith.index_cast %scan3A_970 : i32 to index
      %get3A_996 = arith.constant 48 : index
      %get3A_997 = tpu.vector_load %arg10[%get3A_995, %get3A_996] {strides = array<i32>} : memref<128x128xf32, #tpu.memory_space<vmem>>, vector<16xf32>,
      %mul3A_998 = arith.mulf %get3A_997, %gather3A : vector<16xf32>
      %swap3A_999 = arith.index_cast %scan3A_970 : i32 to index
      %swap3A_1000 = arith.constant 48 : index
      %swap3A_1001 = tpu.vector_load %arg10[%swap3A_999, %swap3A_1000] {strides = array<i32>} : memref<128x128xf32, #tpu.memory_space<vmem>>, vector<16xf32>,
      tpu.vector_store %arg10[%swap3A_999, %swap3A_1000], %mul3A_998 {strides = array<i32>} : memref<128x128xf32, #tpu.memory_space<vmem>>, vector<16xf32>,
      %get3A_1002 = arith.index_cast %scan3A_970 : i32 to index
      %get3A_1003 = arith.constant 64 : index
      %get3A_1004 = tpu.vector_load %arg10[%get3A_1002, %get3A_1003] {strides = array<i32>} : memref<128x128xf32, #tpu.memory_space<vmem>>, vector<16xf32>,
      %mul3A_1005 = arith.mulf %get3A_1004, %gather3A : vector<16xf32>
      %swap3A_1006 = arith.index_cast %scan3A_970 : i32 to index
      %swap3A_1007 = arith.constant 64 : index
      %swap3A_1008 = tpu.vector_load %arg10[%swap3A_1006, %swap3A_1007] {strides = array<i32>} : memref<128x128xf32, #tpu.memory_space<vmem>>, vector<16xf32>,
      tpu.vector_store %arg10[%swap3A_1006, %swap3A_1007], %mul3A_1005 {strides = array<i32>} : memref<128x128xf32, #tpu.memory_space<vmem>>, vector<16xf32>,
      %get3A_1009 = arith.index_cast %scan3A_970 : i32 to index
      %get3A_1010 = arith.constant 80 : index
      %get3A_1011 = tpu.vector_load %arg10[%get3A_1009, %get3A_1010] {strides = array<i32>} : memref<128x128xf32, #tpu.memory_space<vmem>>, vector<16xf32>,
      %mul3A_1012 = arith.mulf %get3A_1011, %gather3A : vector<16xf32>
      %swap3A_1013 = arith.index_cast %scan3A_970 : i32 to index
      %swap3A_1014 = arith.constant 80 : index
      %swap3A_1015 = tpu.vector_load %arg10[%swap3A_1013, %swap3A_1014] {strides = array<i32>} : memref<128x128xf32, #tpu.memory_space<vmem>>, vector<16xf32>,
      tpu.vector_store %arg10[%swap3A_1013, %swap3A_1014], %mul3A_1012 {strides = array<i32>} : memref<128x128xf32, #tpu.memory_space<vmem>>, vector<16xf32>,
      %get3A_1016 = arith.index_cast %scan3A_970 : i32 to index
      %get3A_1017 = arith.constant 96 : index
      %get3A_1018 = tpu.vector_load %arg10[%get3A_1016, %get3A_1017] {strides = array<i32>} : memref<128x128xf32, #tpu.memory_space<vmem>>, vector<16xf32>,
      %mul3A_1019 = arith.mulf %get3A_1018, %gather3A : vector<16xf32>
      %swap3A_1020 = arith.index_cast %scan3A_970 : i32 to index
      %swap3A_1021 = arith.constant 96 : index
      %swap3A_1022 = tpu.vector_load %arg10[%swap3A_1020, %swap3A_1021] {strides = array<i32>} : memref<128x128xf32, #tpu.memory_space<vmem>>, vector<16xf32>,
      tpu.vector_store %arg10[%swap3A_1020, %swap3A_1021], %mul3A_1019 {strides = array<i32>} : memref<128x128xf32, #tpu.memory_space<vmem>>, vector<16xf32>,
      %get3A_1023 = arith.index_cast %scan3A_970 : i32 to index
      %get3A_1024 = arith.constant 112 : index
      %get3A_1025 = tpu.vector_load %arg10[%get3A_1023, %get3A_1024] {strides = array<i32>} : memref<128x128xf32, #tpu.memory_space<vmem>>, vector<16xf32>,
      %mul3A_1026 = arith.mulf %get3A_1025, %gather3A : vector<16xf32>
      %swap3A_1027 = arith.index_cast %scan3A_970 : i32 to index
      %swap3A_1028 = arith.constant 112 : index
      %swap3A_1029 = tpu.vector_load %arg10[%swap3A_1027, %swap3A_1028] {strides = array<i32>} : memref<128x128xf32, #tpu.memory_space<vmem>>, vector<16xf32>,
      tpu.vector_store %arg10[%swap3A_1027, %swap3A_1028], %mul3A_1026 {strides = array<i32>} : memref<128x128xf32, #tpu.memory_space<vmem>>, vector<16xf32>,
    }
    %scan3A_897 = arith.constant 128 : i32
    %add3A_898 = arith.constant 3712 : i32
    %add3A_899 = arith.addi %mul3A_2, %add3A_898 : i32
    %dma_start3A_900 = arith.constant 0 : i32
    %dma_start3A_901 = tpu.memref_slice %arg5[%add3A_899, %dma_start3A_900] : memref<131072x128xf32, #tpu.memory_space<hbm>> -> memref<128x128xf32, #tpu.memory_space<hbm>>
    %dma_start3A_902 = arith.constant 0 : i32
    %dma_start3A_903 = tpu.memref_slice %arg5[%add3A_899, %dma_start3A_902] : memref<131072x128xf32, #tpu.memory_space<hbm>> -> memref<128x128xf32, #tpu.memory_space<hbm>>
    tpu.enqueue_dma source(%arg10 : memref<128x128xf32, #tpu.memory_space<vmem>>) target(%dma_start3A_903 : memref<128x128xf32, #tpu.memory_space<hbm>>) target_semaphore(%arg24 : memref<!tpu.dma_semaphore, #tpu.memory_space<semaphore_mem>>)
    %dma_wait3A_904 = arith.constant 30 : i32
    %dma_wait3A_905 = arith.constant 0 : i32
    %dma_wait3A_906 = tpu.memref_slice %arg6[%dma_wait3A_904, %dma_wait3A_905] : memref<32x128xi32, #tpu.memory_space<vmem>> -> memref<1x128xi32, #tpu.memory_space<vmem>>
    %dma_wait3A_907 = tpu.memref_squeeze %dma_wait3A_906 : memref<1x128xi32, #tpu.memory_space<vmem>> -> memref<128xi32, #tpu.memory_space<vmem>>
    %dma_wait3A_908 = arith.constant 0 : i32
    %dma_wait3A_909 = arith.constant 0 : i32
    %dma_wait3A_910 = tpu.memref_slice %arg4[%dma_wait3A_908, %dma_wait3A_909] : memref<100000x128xf32, #tpu.memory_space<hbm>> -> memref<100000x128xf32, #tpu.memory_space<hbm>>
    tpu.wait_indirect_dma semaphore(%arg18 : memref<!tpu.dma_semaphore, #tpu.memory_space<semaphore_mem>>) src(%dma_wait3A_910 : memref<100000x128xf32, #tpu.memory_space<hbm>>) dst(%arg11 : memref<128x128xf32, #tpu.memory_space<vmem>>)
    %scan3A_911 = arith.constant 0 : i32
    %scan3A_912 = arith.constant 0 : i32
    %scan3A_913 = arith.constant 128 : i32
    %scan3A_914 = arith.addi %scan3A_912, %scan3A_913 : i32
    %scan3A_915 = arith.constant 1 : i32
    scf.for %scan3A_970 = %scan3A_912 to %scan3A_914 step %scan3A_915  : i32 {
      %broadcast_in_dim3A = arith.constant 0 : i32
      %broadcast_in_dim3A_971 = vector.broadcast %broadcast_in_dim3A : i32 to vector<16xi32>
      %add3A_972 = arith.constant 3840 : i32
      %add3A_973 = arith.addi %add3A_972, %scan3A_970 : i32
      %add3A_974 = vector.broadcast %add3A_973 : i32 to vector<16xi32>
      %add3A_975 = arith.addi %broadcast_in_dim3A_971, %add3A_974 : vector<16xi32>
      %gather3A = tpu.vector_load_idx %arg8[%add3A_975] : memref<4096xf32, #tpu.memory_space<vmem>>[vector<16xi32>], vector<16xf32>,
      %get3A = arith.index_cast %scan3A_970 : i32 to index
      %get3A_976 = arith.constant 0 : index
      %get3A_977 = tpu.vector_load %arg11[%get3A, %get3A_976] {strides = array<i32>} : memref<128x128xf32, #tpu.memory_space<vmem>>, vector<16xf32>,
      %mul3A_978 = arith.mulf %get3A_977, %gather3A : vector<16xf32>
      %swap3A = arith.index_cast %scan3A_970 : i32 to index
      %swap3A_979 = arith.constant 0 : index
      %swap3A_980 = tpu.vector_load %arg11[%swap3A, %swap3A_979] {strides = array<i32>} : memref<128x128xf32, #tpu.memory_space<vmem>>, vector<16xf32>,
      tpu.vector_store %arg11[%swap3A, %swap3A_979], %mul3A_978 {strides = array<i32>} : memref<128x128xf32, #tpu.memory_space<vmem>>, vector<16xf32>,
      %get3A_981 = arith.index_cast %scan3A_970 : i32 to index
      %get3A_982 = arith.constant 16 : index
      %get3A_983 = tpu.vector_load %arg11[%get3A_981, %get3A_982] {strides = array<i32>} : memref<128x128xf32, #tpu.memory_space<vmem>>, vector<16xf32>,
      %mul3A_984 = arith.mulf %get3A_983, %gather3A : vector<16xf32>
      %swap3A_985 = arith.index_cast %scan3A_970 : i32 to index
      %swap3A_986 = arith.constant 16 : index
      %swap3A_987 = tpu.vector_load %arg11[%swap3A_985, %swap3A_986] {strides = array<i32>} : memref<128x128xf32, #tpu.memory_space<vmem>>, vector<16xf32>,
      tpu.vector_store %arg11[%swap3A_985, %swap3A_986], %mul3A_984 {strides = array<i32>} : memref<128x128xf32, #tpu.memory_space<vmem>>, vector<16xf32>,
      %get3A_988 = arith.index_cast %scan3A_970 : i32 to index
      %get3A_989 = arith.constant 32 : index
      %get3A_990 = tpu.vector_load %arg11[%get3A_988, %get3A_989] {strides = array<i32>} : memref<128x128xf32, #tpu.memory_space<vmem>>, vector<16xf32>,
      %mul3A_991 = arith.mulf %get3A_990, %gather3A : vector<16xf32>
      %swap3A_992 = arith.index_cast %scan3A_970 : i32 to index
      %swap3A_993 = arith.constant 32 : index
      %swap3A_994 = tpu.vector_load %arg11[%swap3A_992, %swap3A_993] {strides = array<i32>} : memref<128x128xf32, #tpu.memory_space<vmem>>, vector<16xf32>,
      tpu.vector_store %arg11[%swap3A_992, %swap3A_993], %mul3A_991 {strides = array<i32>} : memref<128x128xf32, #tpu.memory_space<vmem>>, vector<16xf32>,
      %get3A_995 = arith.index_cast %scan3A_970 : i32 to index
      %get3A_996 = arith.constant 48 : index
      %get3A_997 = tpu.vector_load %arg11[%get3A_995, %get3A_996] {strides = array<i32>} : memref<128x128xf32, #tpu.memory_space<vmem>>, vector<16xf32>,
      %mul3A_998 = arith.mulf %get3A_997, %gather3A : vector<16xf32>
      %swap3A_999 = arith.index_cast %scan3A_970 : i32 to index
      %swap3A_1000 = arith.constant 48 : index
      %swap3A_1001 = tpu.vector_load %arg11[%swap3A_999, %swap3A_1000] {strides = array<i32>} : memref<128x128xf32, #tpu.memory_space<vmem>>, vector<16xf32>,
      tpu.vector_store %arg11[%swap3A_999, %swap3A_1000], %mul3A_998 {strides = array<i32>} : memref<128x128xf32, #tpu.memory_space<vmem>>, vector<16xf32>,
      %get3A_1002 = arith.index_cast %scan3A_970 : i32 to index
      %get3A_1003 = arith.constant 64 : index
      %get3A_1004 = tpu.vector_load %arg11[%get3A_1002, %get3A_1003] {strides = array<i32>} : memref<128x128xf32, #tpu.memory_space<vmem>>, vector<16xf32>,
      %mul3A_1005 = arith.mulf %get3A_1004, %gather3A : vector<16xf32>
      %swap3A_1006 = arith.index_cast %scan3A_970 : i32 to index
      %swap3A_1007 = arith.constant 64 : index
      %swap3A_1008 = tpu.vector_load %arg11[%swap3A_1006, %swap3A_1007] {strides = array<i32>} : memref<128x128xf32, #tpu.memory_space<vmem>>, vector<16xf32>,
      tpu.vector_store %arg11[%swap3A_1006, %swap3A_1007], %mul3A_1005 {strides = array<i32>} : memref<128x128xf32, #tpu.memory_space<vmem>>, vector<16xf32>,
      %get3A_1009 = arith.index_cast %scan3A_970 : i32 to index
      %get3A_1010 = arith.constant 80 : index
      %get3A_1011 = tpu.vector_load %arg11[%get3A_1009, %get3A_1010] {strides = array<i32>} : memref<128x128xf32, #tpu.memory_space<vmem>>, vector<16xf32>,
      %mul3A_1012 = arith.mulf %get3A_1011, %gather3A : vector<16xf32>
      %swap3A_1013 = arith.index_cast %scan3A_970 : i32 to index
      %swap3A_1014 = arith.constant 80 : index
      %swap3A_1015 = tpu.vector_load %arg11[%swap3A_1013, %swap3A_1014] {strides = array<i32>} : memref<128x128xf32, #tpu.memory_space<vmem>>, vector<16xf32>,
      tpu.vector_store %arg11[%swap3A_1013, %swap3A_1014], %mul3A_1012 {strides = array<i32>} : memref<128x128xf32, #tpu.memory_space<vmem>>, vector<16xf32>,
      %get3A_1016 = arith.index_cast %scan3A_970 : i32 to index
      %get3A_1017 = arith.constant 96 : index
      %get3A_1018 = tpu.vector_load %arg11[%get3A_1016, %get3A_1017] {strides = array<i32>} : memref<128x128xf32, #tpu.memory_space<vmem>>, vector<16xf32>,
      %mul3A_1019 = arith.mulf %get3A_1018, %gather3A : vector<16xf32>
      %swap3A_1020 = arith.index_cast %scan3A_970 : i32 to index
      %swap3A_1021 = arith.constant 96 : index
      %swap3A_1022 = tpu.vector_load %arg11[%swap3A_1020, %swap3A_1021] {strides = array<i32>} : memref<128x128xf32, #tpu.memory_space<vmem>>, vector<16xf32>,
      tpu.vector_store %arg11[%swap3A_1020, %swap3A_1021], %mul3A_1019 {strides = array<i32>} : memref<128x128xf32, #tpu.memory_space<vmem>>, vector<16xf32>,
      %get3A_1023 = arith.index_cast %scan3A_970 : i32 to index
      %get3A_1024 = arith.constant 112 : index
      %get3A_1025 = tpu.vector_load %arg11[%get3A_1023, %get3A_1024] {strides = array<i32>} : memref<128x128xf32, #tpu.memory_space<vmem>>, vector<16xf32>,
      %mul3A_1026 = arith.mulf %get3A_1025, %gather3A : vector<16xf32>
      %swap3A_1027 = arith.index_cast %scan3A_970 : i32 to index
      %swap3A_1028 = arith.constant 112 : index
      %swap3A_1029 = tpu.vector_load %arg11[%swap3A_1027, %swap3A_1028] {strides = array<i32>} : memref<128x128xf32, #tpu.memory_space<vmem>>, vector<16xf32>,
      tpu.vector_store %arg11[%swap3A_1027, %swap3A_1028], %mul3A_1026 {strides = array<i32>} : memref<128x128xf32, #tpu.memory_space<vmem>>, vector<16xf32>,
    }
    %scan3A_916 = arith.constant 128 : i32
    %add3A_917 = arith.constant 3840 : i32
    %add3A_918 = arith.addi %mul3A_2, %add3A_917 : i32
    %dma_start3A_919 = arith.constant 0 : i32
    %dma_start3A_920 = tpu.memref_slice %arg5[%add3A_918, %dma_start3A_919] : memref<131072x128xf32, #tpu.memory_space<hbm>> -> memref<128x128xf32, #tpu.memory_space<hbm>>
    %dma_start3A_921 = arith.constant 0 : i32
    %dma_start3A_922 = tpu.memref_slice %arg5[%add3A_918, %dma_start3A_921] : memref<131072x128xf32, #tpu.memory_space<hbm>> -> memref<128x128xf32, #tpu.memory_space<hbm>>
    tpu.enqueue_dma source(%arg11 : memref<128x128xf32, #tpu.memory_space<vmem>>) target(%dma_start3A_922 : memref<128x128xf32, #tpu.memory_space<hbm>>) target_semaphore(%arg25 : memref<!tpu.dma_semaphore, #tpu.memory_space<semaphore_mem>>)
    %dma_wait3A_923 = arith.constant 31 : i32
    %dma_wait3A_924 = arith.constant 0 : i32
    %dma_wait3A_925 = tpu.memref_slice %arg6[%dma_wait3A_923, %dma_wait3A_924] : memref<32x128xi32, #tpu.memory_space<vmem>> -> memref<1x128xi32, #tpu.memory_space<vmem>>
    %dma_wait3A_926 = tpu.memref_squeeze %dma_wait3A_925 : memref<1x128xi32, #tpu.memory_space<vmem>> -> memref<128xi32, #tpu.memory_space<vmem>>
    %dma_wait3A_927 = arith.constant 0 : i32
    %dma_wait3A_928 = arith.constant 0 : i32
    %dma_wait3A_929 = tpu.memref_slice %arg4[%dma_wait3A_927, %dma_wait3A_928] : memref<100000x128xf32, #tpu.memory_space<hbm>> -> memref<100000x128xf32, #tpu.memory_space<hbm>>
    tpu.wait_indirect_dma semaphore(%arg19 : memref<!tpu.dma_semaphore, #tpu.memory_space<semaphore_mem>>) src(%dma_wait3A_929 : memref<100000x128xf32, #tpu.memory_space<hbm>>) dst(%arg12 : memref<128x128xf32, #tpu.memory_space<vmem>>)
    %scan3A_930 = arith.constant 0 : i32
    %scan3A_931 = arith.constant 0 : i32
    %scan3A_932 = arith.constant 128 : i32
    %scan3A_933 = arith.addi %scan3A_931, %scan3A_932 : i32
    %scan3A_934 = arith.constant 1 : i32
    scf.for %scan3A_970 = %scan3A_931 to %scan3A_933 step %scan3A_934  : i32 {
      %broadcast_in_dim3A = arith.constant 0 : i32
      %broadcast_in_dim3A_971 = vector.broadcast %broadcast_in_dim3A : i32 to vector<16xi32>
      %add3A_972 = arith.constant 3968 : i32
      %add3A_973 = arith.addi %add3A_972, %scan3A_970 : i32
      %add3A_974 = vector.broadcast %add3A_973 : i32 to vector<16xi32>
      %add3A_975 = arith.addi %broadcast_in_dim3A_971, %add3A_974 : vector<16xi32>
      %gather3A = tpu.vector_load_idx %arg8[%add3A_975] : memref<4096xf32, #tpu.memory_space<vmem>>[vector<16xi32>], vector<16xf32>,
      %get3A = arith.index_cast %scan3A_970 : i32 to index
      %get3A_976 = arith.constant 0 : index
      %get3A_977 = tpu.vector_load %arg12[%get3A, %get3A_976] {strides = array<i32>} : memref<128x128xf32, #tpu.memory_space<vmem>>, vector<16xf32>,
      %mul3A_978 = arith.mulf %get3A_977, %gather3A : vector<16xf32>
      %swap3A = arith.index_cast %scan3A_970 : i32 to index
      %swap3A_979 = arith.constant 0 : index
      %swap3A_980 = tpu.vector_load %arg12[%swap3A, %swap3A_979] {strides = array<i32>} : memref<128x128xf32, #tpu.memory_space<vmem>>, vector<16xf32>,
      tpu.vector_store %arg12[%swap3A, %swap3A_979], %mul3A_978 {strides = array<i32>} : memref<128x128xf32, #tpu.memory_space<vmem>>, vector<16xf32>,
      %get3A_981 = arith.index_cast %scan3A_970 : i32 to index
      %get3A_982 = arith.constant 16 : index
      %get3A_983 = tpu.vector_load %arg12[%get3A_981, %get3A_982] {strides = array<i32>} : memref<128x128xf32, #tpu.memory_space<vmem>>, vector<16xf32>,
      %mul3A_984 = arith.mulf %get3A_983, %gather3A : vector<16xf32>
      %swap3A_985 = arith.index_cast %scan3A_970 : i32 to index
      %swap3A_986 = arith.constant 16 : index
      %swap3A_987 = tpu.vector_load %arg12[%swap3A_985, %swap3A_986] {strides = array<i32>} : memref<128x128xf32, #tpu.memory_space<vmem>>, vector<16xf32>,
      tpu.vector_store %arg12[%swap3A_985, %swap3A_986], %mul3A_984 {strides = array<i32>} : memref<128x128xf32, #tpu.memory_space<vmem>>, vector<16xf32>,
      %get3A_988 = arith.index_cast %scan3A_970 : i32 to index
      %get3A_989 = arith.constant 32 : index
      %get3A_990 = tpu.vector_load %arg12[%get3A_988, %get3A_989] {strides = array<i32>} : memref<128x128xf32, #tpu.memory_space<vmem>>, vector<16xf32>,
      %mul3A_991 = arith.mulf %get3A_990, %gather3A : vector<16xf32>
      %swap3A_992 = arith.index_cast %scan3A_970 : i32 to index
      %swap3A_993 = arith.constant 32 : index
      %swap3A_994 = tpu.vector_load %arg12[%swap3A_992, %swap3A_993] {strides = array<i32>} : memref<128x128xf32, #tpu.memory_space<vmem>>, vector<16xf32>,
      tpu.vector_store %arg12[%swap3A_992, %swap3A_993], %mul3A_991 {strides = array<i32>} : memref<128x128xf32, #tpu.memory_space<vmem>>, vector<16xf32>,
      %get3A_995 = arith.index_cast %scan3A_970 : i32 to index
      %get3A_996 = arith.constant 48 : index
      %get3A_997 = tpu.vector_load %arg12[%get3A_995, %get3A_996] {strides = array<i32>} : memref<128x128xf32, #tpu.memory_space<vmem>>, vector<16xf32>,
      %mul3A_998 = arith.mulf %get3A_997, %gather3A : vector<16xf32>
      %swap3A_999 = arith.index_cast %scan3A_970 : i32 to index
      %swap3A_1000 = arith.constant 48 : index
      %swap3A_1001 = tpu.vector_load %arg12[%swap3A_999, %swap3A_1000] {strides = array<i32>} : memref<128x128xf32, #tpu.memory_space<vmem>>, vector<16xf32>,
      tpu.vector_store %arg12[%swap3A_999, %swap3A_1000], %mul3A_998 {strides = array<i32>} : memref<128x128xf32, #tpu.memory_space<vmem>>, vector<16xf32>,
      %get3A_1002 = arith.index_cast %scan3A_970 : i32 to index
      %get3A_1003 = arith.constant 64 : index
      %get3A_1004 = tpu.vector_load %arg12[%get3A_1002, %get3A_1003] {strides = array<i32>} : memref<128x128xf32, #tpu.memory_space<vmem>>, vector<16xf32>,
      %mul3A_1005 = arith.mulf %get3A_1004, %gather3A : vector<16xf32>
      %swap3A_1006 = arith.index_cast %scan3A_970 : i32 to index
      %swap3A_1007 = arith.constant 64 : index
      %swap3A_1008 = tpu.vector_load %arg12[%swap3A_1006, %swap3A_1007] {strides = array<i32>} : memref<128x128xf32, #tpu.memory_space<vmem>>, vector<16xf32>,
      tpu.vector_store %arg12[%swap3A_1006, %swap3A_1007], %mul3A_1005 {strides = array<i32>} : memref<128x128xf32, #tpu.memory_space<vmem>>, vector<16xf32>,
      %get3A_1009 = arith.index_cast %scan3A_970 : i32 to index
      %get3A_1010 = arith.constant 80 : index
      %get3A_1011 = tpu.vector_load %arg12[%get3A_1009, %get3A_1010] {strides = array<i32>} : memref<128x128xf32, #tpu.memory_space<vmem>>, vector<16xf32>,
      %mul3A_1012 = arith.mulf %get3A_1011, %gather3A : vector<16xf32>
      %swap3A_1013 = arith.index_cast %scan3A_970 : i32 to index
      %swap3A_1014 = arith.constant 80 : index
      %swap3A_1015 = tpu.vector_load %arg12[%swap3A_1013, %swap3A_1014] {strides = array<i32>} : memref<128x128xf32, #tpu.memory_space<vmem>>, vector<16xf32>,
      tpu.vector_store %arg12[%swap3A_1013, %swap3A_1014], %mul3A_1012 {strides = array<i32>} : memref<128x128xf32, #tpu.memory_space<vmem>>, vector<16xf32>,
      %get3A_1016 = arith.index_cast %scan3A_970 : i32 to index
      %get3A_1017 = arith.constant 96 : index
      %get3A_1018 = tpu.vector_load %arg12[%get3A_1016, %get3A_1017] {strides = array<i32>} : memref<128x128xf32, #tpu.memory_space<vmem>>, vector<16xf32>,
      %mul3A_1019 = arith.mulf %get3A_1018, %gather3A : vector<16xf32>
      %swap3A_1020 = arith.index_cast %scan3A_970 : i32 to index
      %swap3A_1021 = arith.constant 96 : index
      %swap3A_1022 = tpu.vector_load %arg12[%swap3A_1020, %swap3A_1021] {strides = array<i32>} : memref<128x128xf32, #tpu.memory_space<vmem>>, vector<16xf32>,
      tpu.vector_store %arg12[%swap3A_1020, %swap3A_1021], %mul3A_1019 {strides = array<i32>} : memref<128x128xf32, #tpu.memory_space<vmem>>, vector<16xf32>,
      %get3A_1023 = arith.index_cast %scan3A_970 : i32 to index
      %get3A_1024 = arith.constant 112 : index
      %get3A_1025 = tpu.vector_load %arg12[%get3A_1023, %get3A_1024] {strides = array<i32>} : memref<128x128xf32, #tpu.memory_space<vmem>>, vector<16xf32>,
      %mul3A_1026 = arith.mulf %get3A_1025, %gather3A : vector<16xf32>
      %swap3A_1027 = arith.index_cast %scan3A_970 : i32 to index
      %swap3A_1028 = arith.constant 112 : index
      %swap3A_1029 = tpu.vector_load %arg12[%swap3A_1027, %swap3A_1028] {strides = array<i32>} : memref<128x128xf32, #tpu.memory_space<vmem>>, vector<16xf32>,
      tpu.vector_store %arg12[%swap3A_1027, %swap3A_1028], %mul3A_1026 {strides = array<i32>} : memref<128x128xf32, #tpu.memory_space<vmem>>, vector<16xf32>,
    }
    %scan3A_935 = arith.constant 128 : i32
    %add3A_936 = arith.constant 3968 : i32
    %add3A_937 = arith.addi %mul3A_2, %add3A_936 : i32
    %dma_start3A_938 = arith.constant 0 : i32
    %dma_start3A_939 = tpu.memref_slice %arg5[%add3A_937, %dma_start3A_938] : memref<131072x128xf32, #tpu.memory_space<hbm>> -> memref<128x128xf32, #tpu.memory_space<hbm>>
    %dma_start3A_940 = arith.constant 0 : i32
    %dma_start3A_941 = tpu.memref_slice %arg5[%add3A_937, %dma_start3A_940] : memref<131072x128xf32, #tpu.memory_space<hbm>> -> memref<128x128xf32, #tpu.memory_space<hbm>>
    tpu.enqueue_dma source(%arg12 : memref<128x128xf32, #tpu.memory_space<vmem>>) target(%dma_start3A_941 : memref<128x128xf32, #tpu.memory_space<hbm>>) target_semaphore(%arg26 : memref<!tpu.dma_semaphore, #tpu.memory_space<semaphore_mem>>)
    %dma_wait3A_942 = arith.constant 0 : i32
    %dma_wait3A_943 = tpu.memref_slice %arg5[%add3A_880, %dma_wait3A_942] : memref<131072x128xf32, #tpu.memory_space<hbm>> -> memref<128x128xf32, #tpu.memory_space<hbm>>
    %dma_wait3A_944 = arith.constant 0 : i32
    %dma_wait3A_945 = tpu.memref_slice %arg5[%add3A_880, %dma_wait3A_944] : memref<131072x128xf32, #tpu.memory_space<hbm>> -> memref<128x128xf32, #tpu.memory_space<hbm>>
    tpu.wait_dma2 semaphore(%arg23 : memref<!tpu.dma_semaphore, #tpu.memory_space<semaphore_mem>>) src(%arg9 : memref<128x128xf32, #tpu.memory_space<vmem>>) dst(%dma_wait3A_945 : memref<128x128xf32, #tpu.memory_space<hbm>>)
    %dma_wait3A_946 = arith.constant 0 : i32
    %dma_wait3A_947 = tpu.memref_slice %arg5[%add3A_899, %dma_wait3A_946] : memref<131072x128xf32, #tpu.memory_space<hbm>> -> memref<128x128xf32, #tpu.memory_space<hbm>>
    %dma_wait3A_948 = arith.constant 0 : i32
    %dma_wait3A_949 = tpu.memref_slice %arg5[%add3A_899, %dma_wait3A_948] : memref<131072x128xf32, #tpu.memory_space<hbm>> -> memref<128x128xf32, #tpu.memory_space<hbm>>
    tpu.wait_dma2 semaphore(%arg24 : memref<!tpu.dma_semaphore, #tpu.memory_space<semaphore_mem>>) src(%arg10 : memref<128x128xf32, #tpu.memory_space<vmem>>) dst(%dma_wait3A_949 : memref<128x128xf32, #tpu.memory_space<hbm>>)
    %dma_wait3A_950 = arith.constant 0 : i32
    %dma_wait3A_951 = tpu.memref_slice %arg5[%add3A_918, %dma_wait3A_950] : memref<131072x128xf32, #tpu.memory_space<hbm>> -> memref<128x128xf32, #tpu.memory_space<hbm>>
    %dma_wait3A_952 = arith.constant 0 : i32
    %dma_wait3A_953 = tpu.memref_slice %arg5[%add3A_918, %dma_wait3A_952] : memref<131072x128xf32, #tpu.memory_space<hbm>> -> memref<128x128xf32, #tpu.memory_space<hbm>>
    tpu.wait_dma2 semaphore(%arg25 : memref<!tpu.dma_semaphore, #tpu.memory_space<semaphore_mem>>) src(%arg11 : memref<128x128xf32, #tpu.memory_space<vmem>>) dst(%dma_wait3A_953 : memref<128x128xf32, #tpu.memory_space<hbm>>)
    %dma_wait3A_954 = arith.constant 0 : i32
    %dma_wait3A_955 = tpu.memref_slice %arg5[%add3A_937, %dma_wait3A_954] : memref<131072x128xf32, #tpu.memory_space<hbm>> -> memref<128x128xf32, #tpu.memory_space<hbm>>
    %dma_wait3A_956 = arith.constant 0 : i32
    %dma_wait3A_957 = tpu.memref_slice %arg5[%add3A_937, %dma_wait3A_956] : memref<131072x128xf32, #tpu.memory_space<hbm>> -> memref<128x128xf32, #tpu.memory_space<hbm>>
    tpu.wait_dma2 semaphore(%arg26 : memref<!tpu.dma_semaphore, #tpu.memory_space<semaphore_mem>>) src(%arg12 : memref<128x128xf32, #tpu.memory_space<vmem>>) dst(%dma_wait3A_957 : memref<128x128xf32, #tpu.memory_space<hbm>>)
    %dma_wait3A_958 = arith.constant 0 : i32
    %dma_wait3A_959 = tpu.memref_slice %arg5[%add3A_801, %dma_wait3A_958] : memref<131072x128xf32, #tpu.memory_space<hbm>> -> memref<128x128xf32, #tpu.memory_space<hbm>>
    %dma_wait3A_960 = arith.constant 0 : i32
    %dma_wait3A_961 = tpu.memref_slice %arg5[%add3A_801, %dma_wait3A_960] : memref<131072x128xf32, #tpu.memory_space<hbm>> -> memref<128x128xf32, #tpu.memory_space<hbm>>
    tpu.wait_dma2 semaphore(%arg27 : memref<!tpu.dma_semaphore, #tpu.memory_space<semaphore_mem>>) src(%arg13 : memref<128x128xf32, #tpu.memory_space<vmem>>) dst(%dma_wait3A_961 : memref<128x128xf32, #tpu.memory_space<hbm>>)
    %dma_wait3A_962 = arith.constant 0 : i32
    %dma_wait3A_963 = tpu.memref_slice %arg5[%add3A_831, %dma_wait3A_962] : memref<131072x128xf32, #tpu.memory_space<hbm>> -> memref<128x128xf32, #tpu.memory_space<hbm>>
    %dma_wait3A_964 = arith.constant 0 : i32
    %dma_wait3A_965 = tpu.memref_slice %arg5[%add3A_831, %dma_wait3A_964] : memref<131072x128xf32, #tpu.memory_space<hbm>> -> memref<128x128xf32, #tpu.memory_space<hbm>>
    tpu.wait_dma2 semaphore(%arg28 : memref<!tpu.dma_semaphore, #tpu.memory_space<semaphore_mem>>) src(%arg14 : memref<128x128xf32, #tpu.memory_space<vmem>>) dst(%dma_wait3A_965 : memref<128x128xf32, #tpu.memory_space<hbm>>)
    %dma_wait3A_966 = arith.constant 0 : i32
    %dma_wait3A_967 = tpu.memref_slice %arg5[%add3A_861, %dma_wait3A_966] : memref<131072x128xf32, #tpu.memory_space<hbm>> -> memref<128x128xf32, #tpu.memory_space<hbm>>
    %dma_wait3A_968 = arith.constant 0 : i32
    %dma_wait3A_969 = tpu.memref_slice %arg5[%add3A_861, %dma_wait3A_968] : memref<131072x128xf32, #tpu.memory_space<hbm>> -> memref<128x128xf32, #tpu.memory_space<hbm>>
    tpu.wait_dma2 semaphore(%arg29 : memref<!tpu.dma_semaphore, #tpu.memory_space<semaphore_mem>>) src(%arg15 : memref<128x128xf32, #tpu.memory_space<vmem>>) dst(%dma_wait3A_969 : memref<128x128xf32, #tpu.memory_space<hbm>>)
    return
  }
}

</mosaic_0001>

<sc_bundles>
// kernel: _sc_call.3.cloned.1.call-start
scs
__scs_entry_jumppad:
0x0: {  	(pc) =	sbr.rel $0x88, $3  }
0x1: {  	(tag) =	ssettag $0x0;
	lr =	simm.s32 $0x1  }
0x2: {  	[smem:$0x3F9E] =	sst lr;
	_ =	strace $0xD0000000  }
0x3: {  	_ = 	snop  }
0x4: {  	_ = 	snop  }
0x5: {  	_ = 	snop  }
0x6: {  	_ = 	snop  }
0x7: {  	_ = 	snop  }
__scs_overlays_trampoline_lowered:
0x8: {  	[smem:$0x3FAD] =	sst s0  }
0x9: {  	[smem:$0x3FAE] =	sst s1  }
0xa: {  	[smem:$0x3FAF] =	sst s2  }
0xb: {  	[smem:$0x3FB0] =	sst s3  }
0xc: {  	[smem:$0x3FB1] =	sst s4  }
0xd: {  	[smem:$0x3FB2] =	sst s5  }
0xe: {  	[smem:$0x3FB3] =	sst s6  }
0xf: {  	[smem:$0x3FB4] =	sst s7  }
0x10: {  	[smem:$0x3FB5] =	sst s8  }
0x11: {  	[smem:$0x3FB6] =	sst s9;
	s0 =	simm.s32 @!p0 $0x0  }
0x12: {  	s1 =	sld [smem:$0x3F9C];
	s0 =	simm.s32 @p0 $0x1  }
0x13: {  	[smem:$0x3FB7] =	sst s0;
	s0 =	simm.s32 @!p1 $0x0  }
0x14: {  	s2 =	sld [smem:$0x3F9B];
	s0 =	simm.s32 @p1 $0x1  }
0x15: {  	[smem:$0x3FB8] =	sst s0;
	s0 =	simm.s32 @!p2 $0x0  }
0x16: {  	s3 =	sld [smem:$0x3FDB];
	s0 =	simm.s32 @p2 $0x1  }
0x17: {  	s4 =	simm.s32 $0x1BF5;
	[smem:$0x3FBA] =	sst s0  }
0x18: {  	s0 =	sld [smem:$0x3F9D];
	_ =	swait.ge [sflag:s4], $0x0  }
0x19: {  	s7 =	sld [smem:$0x3F9E]  }
0x1a: {  	s8 =	sadd.s32 $0xFFFFE003, lr  }
0x1b: {  	s9 =	sadd.s32 $0xFFFFFEF7, lr;
	s5 =	simm.s32 $0xFFFFFFFF;
	p2 =	slt.u32 s8, $0xFFFFF086  }
0x1c: {  	p1 =	slt.u32 s9, $0xF7A;
	s5 =	simm.s32 @!p2 $0x0  }
0x1d: {  	s5 =	simm.s32 @p1 $0x1;
	p0 =	seq.s32 s7, s2  }
0x1e: {  	s7 =	smul.u32 @!p0 $0xF7A, s2;
	p2 =	seq.s32 @!p0 s5, $0x0  }
0x1f: {  	s9 =	smul.u32 $0xF7A, s1;
	s8 =	simm.s32 @!p0 $0x1BF5;
	p2 =	por !p2, p0  }
0x20: {  	[sflag:s8] =	ssyncset.s32 @!p0 $0xFFFFF086;
	s6 =	sadd.s32 @!p0 s3, s7;
	s7 =	simm.s32 @!p0 $0x108  }
0x21: {  	s3 =	sadd.s32 s3, s9;
	s6 =	sadd.s32 @!p0 $0x88, s6;
	s7 =	simm.s32 @p2 $0x1082  }
0x22: {  	[simem:s7], [sflag:s8] =	dma.local @!p0 [hbm:s6], $0xF7A  }
0x23: {  	s9 =	sor.u32 $0xD0000000, s2;
	s6 =	simm.s32 $0x108;
	_ =	swait.ge @!p0 [sflag:s8], $0x0  }
0x24: {  	s3 =	sadd.s32 $0x88, s3;
	s6 =	simm.s32 @!p1 $0x1082;
	[sflag:s4] =	ssyncset.s32 $0xFFFFF086  }
0x25: {  	[simem:s6], [sflag:s4] =	dma.local [hbm:s3], $0xF7A  }
0x26: {  	[smem:$0x3F9E] =	sst s1;
	(tag) =	ssettag s2;
	_ =	strace s9  }
0x27: {  	s1 =	sld [smem:$0x3FAE]  }
0x28: {  	s2 =	sld [smem:$0x3FAF]  }
0x29: {  	s4 =	sld [smem:$0x3FB1]  }
0x2a: {  	p0 =	seq.s32 s5, $0x0;
	s5 =	sld [smem:$0x3FB2]  }
0x2b: {  	s6 =	sld [smem:$0x3FB3]  }
0x2c: {  	s7 =	sld [smem:$0x3FB4]  }
0x2d: {  	s3 =	simm.s32 $0x108;
	s8 =	sld [smem:$0x3FB5]  }
0x2e: {  	s3 =	simm.s32 @!p0 $0x1082;
	s9 =	sld [smem:$0x3FB6]  }
0x2f: {  	lr =	sadd.s32 s0, s3;
	s0 =	sld [smem:$0x3FAD]  }
0x30: {  	s3 =	sld [smem:$0x3FB0]  }
0x31: {  	[smem:$0x3FB9] =	sst s10  }
0x32: {  	s10 =	sld [smem:$0x3FB7];
	_ =	sdelay $0x3  }
0x33: {  	p0 =	seq.s32 s10, $0x1;
	s10 =	sld [smem:$0x3FB9];
	_ =	sdelay $0x3  }
0x34: {  	[smem:$0x3FB9] =	sst s10  }
0x35: {  	s10 =	sld [smem:$0x3FB8];
	_ =	sdelay $0x3  }
0x36: {  	p1 =	seq.s32 s10, $0x1;
	s10 =	sld [smem:$0x3FB9];
	_ =	sdelay $0x3  }
0x37: {  	[smem:$0x3FB9] =	sst s10  }
0x38: {  	s10 =	sld [smem:$0x3FBA]  }
0x39: {  	_ = 	snop;
	(pc) =	sbr.ind lr, $3  }
0x3a: {  	_ = 	snop  }
0x3b: {  	_ = 	snop  }
0x3c: {  	p2 =	seq.s32 s10, $0x1;
	s10 =	sld [smem:$0x3FB9]  }
0x3d: {  	_ =	shalt  }
0x3e: {  	_ =	shalt  }
0x3f: {  	_ =	shalt  }
0x40: {  	_ =	shalt  }
0x41: {  	_ =	shalt  }
0x42: {  	_ =	shalt  }
0x43: {  	_ =	shalt  }
0x44: {  	_ =	shalt  }
0x45: {  	_ =	shalt  }
0x46: {  	_ =	shalt  }
0x47: {  	_ =	shalt  }
0x48: {  	_ =	shalt  }
0x49: {  	_ =	shalt  }
0x4a: {  	_ =	shalt  }
0x4b: {  	_ =	shalt  }
0x4c: {  	_ =	shalt  }
0x4d: {  	_ =	shalt  }
0x4e: {  	_ =	shalt  }
0x4f: {  	_ =	shalt  }
0x50: {  	_ =	shalt  }
0x51: {  	_ =	shalt  }
0x52: {  	_ =	shalt  }
0x53: {  	_ =	shalt  }
0x54: {  	_ =	shalt  }
0x55: {  	_ =	shalt  }
0x56: {  	_ =	shalt  }
0x57: {  	_ =	shalt  }
0x58: {  	_ =	shalt  }
0x59: {  	_ =	shalt  }
0x5a: {  	_ =	shalt  }
0x5b: {  	_ =	shalt  }
0x5c: {  	_ =	shalt  }
0x5d: {  	_ =	shalt  }
0x5e: {  	_ =	shalt  }
0x5f: {  	_ =	shalt  }
0x60: {  	_ =	shalt  }
0x61: {  	_ =	shalt  }
0x62: {  	_ =	shalt  }
0x63: {  	_ =	shalt  }
0x64: {  	_ =	shalt  }
0x65: {  	_ =	shalt  }
0x66: {  	_ =	shalt  }
0x67: {  	_ =	shalt  }
0x68: {  	_ =	shalt  }
0x69: {  	_ =	shalt  }
0x6a: {  	_ =	shalt  }
0x6b: {  	_ =	shalt  }
0x6c: {  	_ =	shalt  }
0x6d: {  	_ =	shalt  }
0x6e: {  	_ =	shalt  }
0x6f: {  	_ =	shalt  }
0x70: {  	_ =	shalt  }
0x71: {  	_ =	shalt  }
0x72: {  	_ =	shalt  }
0x73: {  	_ =	shalt  }
0x74: {  	_ =	shalt  }
0x75: {  	_ =	shalt  }
0x76: {  	_ =	shalt  }
0x77: {  	_ =	shalt  }
0x78: {  	_ =	shalt  }
0x79: {  	_ =	shalt  }
0x7a: {  	_ =	shalt  }
0x7b: {  	_ =	shalt  }
0x7c: {  	_ =	shalt  }
0x7d: {  	_ =	shalt  }
0x7e: {  	_ =	shalt  }
0x7f: {  	_ =	shalt  }
0x80: {  	_ =	shalt  }
0x81: {  	_ =	shalt  }
0x82: {  	_ =	shalt  }
0x83: {  	_ =	shalt  }
0x84: {  	_ =	shalt  }
0x85: {  	_ =	shalt  }
0x86: {  	_ =	shalt  }
0x87: {  	_ =	shalt  }
.Lfunc_end0:
.L_simem_size_0:
called_computation_lowered:
.L_overlay_start_0:
0x88: {  	s2 =	sld [smem:$0x3FD9]  }
0x89: {  	s3 =	sld [smem:$0x3FFE];
	_ =	sdelay $0x1  }
0x8a: {  	s1 =	srdreg.scid  }
0x8b: {  	s0 =	sand.u32 $0x1, s1  }
0x8c: {  	s18 =	sshll.u32 s0, $0xA;
	s2 =	sadd.s32 s3, s2  }
0x8d: {  	s2 =	sadd.s32 s2, s18  }
0x8e: {  	[smem:$0x3FC5] =	sst s2  }
0x8f: {  	_ = 	snop  }
0x90: {  	s2 =	sld [smem:$0x3FC9]  }
0x91: {  	s19 =	sld [smem:$0x3FC8]  }
0x92: {  	s4 =	sld [smem:$0x3FC7]  }
0x93: {  	s5 =	sld [smem:$0x3FD0];
	(tm) =	ssettm $0x1  }
0x94: {  	s6 =	sld [smem:$0x3FFB];
	_ =	sdelay $0x3  }
0x95: {  	_ =	strace s6  }
0x96: {  	s6 =	sld [smem:$0x3FFC];
	_ =	sdelay $0x3  }
0x97: {  	_ =	strace s6  }
0x98: {  	s6 =	sld [smem:$0x3FFD];
	_ =	sdelay $0x3  }
0x99: {  	_ =	strace s6  }
0x9a: {  	_ =	strace $0x8FFFFFFF  }
0x9b: {  	s20 =	sld [smem:$0x3FDB];
	_ =	sdelay $0x1  }
0x9c: {  	s7 =	simm.s32 $_scs_section_size  }
0x9d: {  	s8 =	simm.s32 $_size__tile_overlayer_lowered;
	s9 =	simm.s32 $_tile_overlayer_lowered  }
0x9e: {  	s23 =	simm.s32 $0x1BFF;
	s22 =	sshll.u32 s9, $0x1;
	s6 =	sadd.s32 s7, s20  }
0x9f: {  	s10 =	simm.s32 $0x0;
	s21 =	sshll.u32 s8, $0x1;
	s8 =	sadd.s32 s22, s6  }
0xa0: {  	[timem:s10], [sflag:s23] =	dma.local [hbm:s8], s21  }
0xa1: {  	_ =	swait.ge [sflag:s23], s21  }
0xa2: {  	s7 =	ssub.s32 $0x0, s21;
	[sflag:s23] =	ssyncset.done $0x0  }
0xa3: {  	[sflag:s23] =	ssyncadd.s32 s7;
	_ =	sdelay $0x1  }
0xa4: {  	s24 =	simm.s32 $0x1B8B  }
0xa5: {  	_ =	swait.ge [sflag:s24], $0x1  }
0xa6: {  	[sflag:s24] =	ssyncset.done $0x0  }
0xa7: {  	s25 =	simm.s32 $0x1B8E;
	[sflag:s24] =	ssyncadd.s32 $0xFFFFFFFF  }
0xa8: {  	s26 =	simm.s32 $execute0_lowered;
	[smem:$0x3FD2] =	sst s25  }
0xa9: {  	s7 =	sshll.u32 s26, $0x1;
	_ =	strace $0x80000046;
	[dreg:$0x1] =	wrdreg $0xFFFFFFFF  }
0xaa: {  	s28 =	simm.s32 $_size_execute0_lowered;
	s6 =	sadd.s32 s6, s7;
	[dreg:$0x0] =	wrdreg $0x0  }
0xab: {  	s7 =	sshll.u32 s28, $0x1;
	[dreg:$0x2] =	wrdreg s6  }
0xac: {  	[dreg:$0x3] =	wrdreg s7  }
0xad: {  	[dreg:$0x4] =	wrdreg $0xC0  }
0xae: {  	_ =	task [dreg:s10], $0x5FFFF  }
0xaf: {  	[dreg:$0x1] =	wrdreg $0xFFFFFFFF  }
0xb0: {  	[dreg:$0x0] =	wrdreg $0x60  }
0xb1: {  	[dreg:$0x2] =	wrdreg s2  }
0xb2: {  	[dreg:$0x3] =	wrdreg s19  }
0xb3: {  	[dreg:$0x4] =	wrdreg s4  }
0xb4: {  	[dreg:$0x5] =	wrdreg s5  }
0xb5: {  	[dreg:$0x6] =	wrdreg $0x9  }
0xb6: {  	_ =	task.clear_ibuf [dreg:s10], $0x7FFFF;
	_ =	strace $0x90000046  }
0xb7: {  	s29 =	simm.s32 $0x9;
	_ =	strace $0x80000048  }
0xb8: {  	_ =	swait.ge [sflag:s29], $0x1  }
0xb9: {  	[sflag:s29] =	ssyncadd.s32 $0xFFFFFFFF  }
0xba: {  	_ =	strace $0x90000048  }
0xbb: {  	_ =	sfence  }
0xbc: {  	s30 =	sld [smem:$0x0];
	_ =	sdelay $0x2  }
0xbd: {  	s31 =	sshll.u32 s1, $0xD;
	s1 =	sshrl.u32 s1, $0x2  }
0xbe: {  	s3 =	sand.u32 $0x4000, s31;
	s1 =	sadd.s32 s1, s30  }
0xbf: {  	s0 =	sor.u32 s3, s0;
	s1 =	sshll.u32 s1, $0x11  }
0xc0: {  	s0 =	sor.u32 s1, s0  }
0xc1: {  	s0 =	sadd.s32 $0x8F2B, s0  }
0xc2: {  	[sflag:s0] =	ssyncadd.remote.s32 $0x1  }
0xc3: {  	_ =	sfence.sel $0xFFFF  }
0xc4: {  	[dreg:$0x0] =	wrdreg $0xFFFFFFFF;
	(pc) =	sbr.abs _section_cstart, $3  }
0xc5: {  	[dreg:$0x1] =	wrdreg $0xFFFFFFFF  }
0xc6: {  	_ =	task.clear_ibuf [dreg:s10], $0x2FFFF;
	_ =	strace $0x9FFFFFFF  }
0xc7: {  	(tm) =	ssettm $0x7FFFFFFF  }
tec
execute0_lowered:
.L_overlay_start_1:
0x0: {  	(tag) =	ssettag $0x1  }
0x1: {  	s0 =	rddreg [dreg:$0x0]  }
0x2: {  	s1 =	rddreg [dreg:$0x1]  }
0x3: {  	s5 =	srdreg.scid;
	s6 =	stileid.u32  }
0x4: {  	s2 =	rddreg [dreg:$0x2];
	s5 =	sand.u32 $0x1, s5;
	s6 =	sshll.u32 s6, $0x1  }
0x5: {  	s4 =	rddreg [dreg:$0x3];
	s7 =	ssub.s32 $0x2, s5;
	s5 =	sor.u32 s5, s6  }
0x6: {  	s3 =	simm.s32 $0x0;
	s8 =	sshll.u32 s5, $0x10;
	s5 =	sshll.u32 s5, $0x9  }
0x7: {  	[smem:$0x7FF] =	sst s3;
	s0 =	sadd.s32 s0, s5  }
0x8: {  	_ =	strace $0x80000047;
	s16 =	sadd.s32 s1, s5;
	[dreg:$0x6] =	wrdreg s0  }
0x9: {  	s4 =	sadd.s32 s4, s8;
	[dreg:$0x7] =	wrdreg s16  }
0xa: {  	s17 =	sadd.s32 $0x800, s4;
	[dreg:$0x5] =	wrdreg s4  }
0xb: {  	s18 =	sadd.s32 $0x1000, s4;
	[dreg:$0x8] =	wrdreg s17  }
0xc: {  	s19 =	sadd.s32 $0x1800, s4;
	[dreg:$0x9] =	wrdreg s18  }
0xd: {  	s20 =	sadd.s32 $0x2000, s4;
	[dreg:$0xa] =	wrdreg s19  }
0xe: {  	s21 =	sadd.s32 $0x2800, s4;
	[dreg:$0xb] =	wrdreg s20  }
0xf: {  	s22 =	sadd.s32 $0x3000, s4;
	[dreg:$0xc] =	wrdreg s21  }
0x10: {  	s23 =	sadd.s32 $0x3800, s4;
	[dreg:$0xd] =	wrdreg s22  }
0x11: {  	s24 =	sadd.s32 $0x4000, s4;
	[dreg:$0xe] =	wrdreg s23  }
0x12: {  	s25 =	sadd.s32 $0x4800, s4;
	[dreg:$0xf] =	wrdreg s24  }
0x13: {  	s26 =	sadd.s32 $0x5000, s4;
	[dreg:$0x10] =	wrdreg s25  }
0x14: {  	s1 =	sadd.s32 $0x5800, s4;
	[dreg:$0x11] =	wrdreg s26  }
0x15: {  	s15 =	sshrl.u32 s7, $0x1;
	s5 =	sadd.s32 $0x6000, s4;
	[dreg:$0x12] =	wrdreg s1  }
0x16: {  	s6 =	ssub.s32 s7, s15;
	s7 =	sadd.s32 $0x6800, s4;
	[dreg:$0x13] =	wrdreg s5  }
0x17: {  	s8 =	sadd.s32 $0x7000, s4;
	[dreg:$0x14] =	wrdreg s7  }
0x18: {  	s9 =	sadd.s32 $0x7800, s4;
	[dreg:$0x15] =	wrdreg s8  }
0x19: {  	s10 =	sadd.s32 $0x8000, s4;
	[dreg:$0x16] =	wrdreg s9  }
0x1a: {  	s11 =	sadd.s32 $0x8800, s4;
	[dreg:$0x17] =	wrdreg s10  }
0x1b: {  	s12 =	sadd.s32 $0x9000, s4;
	[dreg:$0x18] =	wrdreg s11  }
0x1c: {  	s28 =	simm.s32 $0x5;
	s13 =	smax.u32 s6, $0x1;
	[dreg:$0x19] =	wrdreg s12  }
0x1d: {  	s29 =	simm.s32 $0xA;
	s14 =	sadd.s32 $0x9800, s4;
	[dreg:$0x1a] =	wrdreg s13  }
0x1e: {  	s30 =	simm.s32 $0x6;
	s15 =	sadd.s32 $0xA000, s4;
	[dreg:$0x1b] =	wrdreg s14  }
0x1f: {  	s31 =	simm.s32 $0xB;
	s16 =	sadd.s32 $0xA800, s4;
	[dreg:$0x1c] =	wrdreg s15  }
0x20: {  	s0 =	simm.s32 $0x7;
	[dreg:$0x1d] =	wrdreg s16;
	s17 =	sadd.s32 $0xB000, s4  }
0x21: {  	s6 =	simm.s32 $0xE;
	s18 =	sadd.s32 $0xB800, s4;
	[dreg:$0x1e] =	wrdreg s17  }
0x22: {  	s19 =	sadd.s32 $0xC000, s4;
	s20 =	sadd.s32 $0xC800, s4;
	[dreg:$0x1f] =	wrdreg s18  }
0x23: {  	s21 =	sadd.s32 $0xD000, s4;
	s22 =	sadd.s32 $0xD800, s4;
	[smem:$0x7F6] =	sst s19  }
0x24: {  	s23 =	sadd.s32 $0xE000, s4;
	s24 =	sadd.s32 $0xE800, s4;
	[smem:$0x7F7] =	sst s20  }
0x25: {  	s25 =	sadd.s32 $0xF000, s4;
	s26 =	sadd.s32 $0xF800, s4;
	[smem:$0x7F8] =	sst s21  }
0x26: {  	s11 =	simm.s32 $0xF;
	s12 =	simm.s32 $0x80;
	[smem:$0x7F9] =	sst s22  }
0x27: {  	s13 =	simm.s32 $0x3000;
	s14 =	simm.s32 $0x7000;
	[smem:$0x7FA] =	sst s23  }
0x28: {  	s15 =	simm.s32 $0xB000;
	s16 =	simm.s32 $0xF000;
	[smem:$0x7FB] =	sst s24  }
0x29: {  	s1 =	simm.s32 $0xC;
	s5 =	simm.s32 $0xD;
	[smem:$0x7FC] =	sst s25  }
0x2a: {  	s7 =	simm.s32 $0x0;
	[smem:$0x7FD] =	sst s26;
	s17 =	simm.s32 $0x13000  }
0x2b: {  	s18 =	simm.s32 $0x1;
	s19 =	simm.s32 $0x2000;
	s20 =	simm.s32 $0x17000  }
0x2c: {  	s21 =	simm.s32 $0x2;
	s22 =	simm.s32 $0x1B000;
	s23 =	simm.s32 $0x3  }
0x2d: {  	s24 =	simm.s32 $0x8;
	s25 =	simm.s32 $0x4;
	s26 =	simm.s32 $0x9  }
.LBB2_1:
0x2e: {  	s4 =	rddreg [dreg:$0x6]  }
0x2f: {  	[tilespmem:s3], [sflag:$0xF] =	stream.linear.gather [hbm4b:s4+s3], $0x1000, $0x38;
	[tilespmem:$0x1F000] =	vst v63  }
0x30: {  	_ =	swait.ge [sflag:s11], $0x1000  }
0x31: {  	[sflag:s11] =	ssyncset.done $0x0  }
0x32: {  	s8 =	simm.s32 $0x1000;
	s10 =	rddreg [dreg:$0x7];
	[sflag:s11] =	ssyncadd.s32 $0xFFFFF000  }
0x33: {  	[tilespmem:s8], [sflag:$0xF] =	stream.linear.gather [hbm4b:s10+s3], $0x1000, $0x38;
	[tilespmem:$0x1F000] =	vst v63  }
0x34: {  	_ =	swait.ge [sflag:s11], $0x1000  }
0x35: {  	[sflag:s11] =	ssyncset.done $0x0  }
0x36: {  	s9 =	simm.s32 $0x0;
	[sflag:s11] =	ssyncadd.s32 $0xFFFFF000  }
0x37: {  	v1 =	vld [tilespmem:s9+$0x1070]  }
0x38: {  	v5 =	vld [tilespmem:s9+$0x1000]  }
0x39: {  	v6 =	vld [tilespmem:s9+$0x1010]  }
0x3a: {  	v4 =	vld [tilespmem:s9+$0x1020]  }
0x3b: {  	v3 =	vld [tilespmem:s9+$0x1030]  }
0x3c: {  	v0 =	vld [tilespmem:s9+$0x1040];
	v7 =	vcvt.s32.f32 v1  }
0x3d: {  	v1 =	vld [tilespmem:s9+$0x1050];
	v5 =	vcvt.s32.f32 v5  }
0x3e: {  	s8 =	simm.s32 $0x80;
	s10 =	simm.s32 $0x400;
	v2 =	vld [tilespmem:s9+$0x1060];
	v6 =	vcvt.s32.f32 v6;
	[tilespmem:s9+$0x2070] =	vst v7  }
.LBB2_2:
0x3f: {  	p0 =	sne.s32 s10, $0x3E00;
	v7 =	vld [tilespmem:s8+$0x1070];
	[tilespmem:s9+$0x2000] =	vst v5;
	v4 =	vcvt.s32.f32 v4  }
0x40: {  	v5 =	vld [tilespmem:s8+$0x1000];
	[tilespmem:s9+$0x2010] =	vst v6;
	v3 =	vcvt.s32.f32 v3  }
0x41: {  	v6 =	vld [tilespmem:s8+$0x1010];
	[tilespmem:s9+$0x2020] =	vst v4;
	v0 =	vcvt.s32.f32 v0  }
.Ltmp0:
0x42: {  	v4 =	vld [tilespmem:s8+$0x1020];
	[tilespmem:s9+$0x2030] =	vst v3;
	v1 =	vcvt.s32.f32 v1;
	(pc) =	sbr.rel @p0 .LBB2_2-.Ltmp0, $4  }
0x43: {  	v3 =	vld [tilespmem:s8+$0x1030];
	[tilespmem:s9+$0x2040] =	vst v0;
	v2 =	vcvt.s32.f32 v2  }
0x44: {  	v0 =	vld [tilespmem:s8+$0x1040];
	v7 =	vcvt.s32.f32 v7;
	[tilespmem:s9+$0x2050] =	vst v1  }
0x45: {  	v5 =	vcvt.s32.f32 v5;
	v1 =	vld [tilespmem:s8+$0x1050];
	[tilespmem:s9+$0x2060] =	vst v2;
	s9 =	smov.u32 s8  }
0x46: {  	s8 =	sshra.s32 s10, $0x2;
	s10 =	sadd.s32 $0x200, s10;
	v6 =	vcvt.s32.f32 v6;
	v2 =	vld [tilespmem:s9+$0x1060];
	[tilespmem:s9+$0x2070] =	vst v7  }
0x47: {  	v7 =	vld [tilespmem:s8+$0x1070];
	[tilespmem:s9+$0x2000] =	vst v5;
	v4 =	vcvt.s32.f32 v4  }
0x48: {  	v5 =	vld [tilespmem:s8+$0x1000];
	[tilespmem:s9+$0x2010] =	vst v6;
	v3 =	vcvt.s32.f32 v3  }
0x49: {  	v6 =	vld [tilespmem:s8+$0x1010];
	[tilespmem:s9+$0x2020] =	vst v4;
	v0 =	vcvt.s32.f32 v0  }
0x4a: {  	v4 =	vld [tilespmem:s8+$0x1020];
	[tilespmem:s9+$0x2030] =	vst v3;
	v1 =	vcvt.s32.f32 v1  }
0x4b: {  	v3 =	vld [tilespmem:s8+$0x1030];
	[tilespmem:s9+$0x2040] =	vst v0;
	v2 =	vcvt.s32.f32 v2  }
0x4c: {  	v0 =	vld [tilespmem:s8+$0x1040];
	[tilespmem:s9+$0x2050] =	vst v1;
	v7 =	vcvt.s32.f32 v7  }
0x4d: {  	v1 =	vld [tilespmem:s8+$0x1050];
	[tilespmem:s9+$0x2060] =	vst v2;
	v2 =	vcvt.s32.f32 v5  }
0x4e: {  	v5 =	vld [tilespmem:s8+$0x1060];
	v6 =	vcvt.s32.f32 v6;
	[tilespmem:s8+$0x2070] =	vst v7  }
0x4f: {  	[tilespmem:s8+$0x2000] =	vst v2;
	v2 =	vcvt.s32.f32 v4  }
0x50: {  	[tilespmem:s8+$0x2010] =	vst v6;
	v3 =	vcvt.s32.f32 v3  }
0x51: {  	[tilespmem:s8+$0x2020] =	vst v2;
	v0 =	vcvt.s32.f32 v0  }
0x52: {  	[tilespmem:s8+$0x2030] =	vst v3;
	v1 =	vcvt.s32.f32 v1  }
0x53: {  	[tilespmem:s8+$0x2040] =	vst v0;
	v0 =	vcvt.s32.f32 v5  }
0x54: {  	[tilespmem:s8+$0x2050] =	vst v1  }
0x55: {  	[tilespmem:s8+$0x2060] =	vst v0;
	s8 =	simm.s32 $0x0  }
0x56: {  	[tilespmem:s13], [sflag:$0x1] =	stream.indirect.gather [hbm4b:s2+s12], $0x80, s8, s12, $0xb8;
	[tilespmem:$0x1F000] =	vst v63  }
0x57: {  	_ = 	snop  }
0x58: {  	[tilespmem:s14], [sflag:$0x2] =	stream.indirect.gather [hbm4b:s2+s12], $0x80, s12, s12, $0xb8;
	[tilespmem:$0x1F000] =	vst v63  }
0x59: {  	s4 =	simm.s32 $0x100  }
0x5a: {  	[tilespmem:s15], [sflag:$0x3] =	stream.indirect.gather [hbm4b:s2+s12], $0x80, s4, s12, $0xb8;
	[tilespmem:$0x1F000] =	vst v63  }
0x5b: {  	s9 =	simm.s32 $0x180  }
0x5c: {  	[tilespmem:s16], [sflag:$0x4] =	stream.indirect.gather [hbm4b:s2+s12], $0x80, s9, s12, $0xb8;
	[tilespmem:$0x1F000] =	vst v63  }
0x5d: {  	s10 =	simm.s32 $0x200  }
0x5e: {  	[tilespmem:s17], [sflag:$0x5] =	stream.indirect.gather [hbm4b:s2+s12], $0x80, s10, s12, $0xb8;
	[tilespmem:$0x1F000] =	vst v63  }
0x5f: {  	_ =	swait.ge [sflag:s18], $0x4000  }
0x60: {  	v0 =	vmov s8;
	[sflag:s18] =	ssyncset.done $0x0  }
0x61: {  	s8 =	simm.s32 $0x3040;
	[sflag:s18] =	ssyncadd.s32 $0xFFFFC000  }
0x62: {  	v4 =	vld [tilespmem:s8+$0x30]  }
0x63: {  	v7 =	vld [tilespmem:s8+$0x10]  }
0x64: {  	v5 =	vld [tilespmem:s8+$0xFFFFFFC0]  }
0x65: {  	v1 =	vld.idx.msk [tilespmem:v0+s19+$0x0], $0xffff  }
0x66: {  	v9 =	vld [tilespmem:s8+$0xFFFFFFE0]  }
0x67: {  	v0 =	vld [tilespmem:s8+$0xFFFFFFF0]  }
0x68: {  	v2 =	vld [tilespmem:s8+$0x20]  }
0x69: {  	v3 =	vld [tilespmem:s8+$0xFFFFFFD0]  }
0x6a: {  	v8 =	vmul.f32 v4, v1;
	v4 =	vld [tilespmem:s8+$0x0]  }
0x6b: {  	v6 =	vmul.f32 v5, v1  }
0x6c: {  	s9 =	simm.s32 $0x1;
	s10 =	simm.s32 $0x3040;
	v5 =	vmul.f32 v9, v1;
	v7 =	vmul.f32 v7, v1  }
.LBB2_4:
0x6d: {  	p0 =	sne.s32 s9, $0x7F  }
0x6e: {  	v3 =	vmul.f32 v3, v1;
	v2 =	vmul.f32 v2, v1;
	[tilespmem:s8+$0x30] =	vst v8;
	s10 =	sadd.s32 $0x80, s10;
	s4 =	smov.u32 s9;
	s9 =	sadd.s32 $0x1, s9  }
0x6f: {  	[tilespmem:s8+$0xFFFFFFC0] =	vst v6;
	v6 =	vmul.f32 v0, v1;
	v1 =	vmul.f32 v4, v1  }
0x70: {  	[tilespmem:s8+$0x10] =	vst v7  }
0x71: {  	v4 =	vmov s4;
	[tilespmem:s8+$0xFFFFFFE0] =	vst v5  }
0x72: {  	v0 =	vld [tilespmem:s10+$0xFFFFFFF0];
	[tilespmem:s8+$0xFFFFFFF0] =	vst v6  }
0x73: {  	v5 =	vld [tilespmem:s10+$0x30];
	[tilespmem:s8+$0x0] =	vst v1  }
0x74: {  	v7 =	vld [tilespmem:s10+$0x10];
	[tilespmem:s8+$0x20] =	vst v2  }
0x75: {  	v6 =	vld [tilespmem:s10+$0xFFFFFFC0];
	[tilespmem:s8+$0xFFFFFFD0] =	vst v3;
	s8 =	smov.u32 s10  }
0x76: {  	v1 =	vld.idx.msk [tilespmem:v4+s19+$0x0], $0xffff  }
0x77: {  	v9 =	vld [tilespmem:s10+$0xFFFFFFE0]  }
0x78: {  	v2 =	vld [tilespmem:s10+$0x20]  }
.Ltmp1:
0x79: {  	v3 =	vld [tilespmem:s10+$0xFFFFFFD0];
	(pc) =	sbr.rel @p0 .LBB2_4-.Ltmp1, $3  }
0x7a: {  	v4 =	vld [tilespmem:s10+$0x0];
	_ =	sdelay $0x1  }
0x7b: {  	v6 =	vmul.f32 v6, v1;
	v8 =	vmul.f32 v5, v1  }
0x7c: {  	v7 =	vmul.f32 v7, v1;
	v5 =	vmul.f32 v9, v1  }
0x7d: {  	[tilespmem:s8+$0x30] =	vst v8  }
0x7e: {  	[tilespmem:s8+$0xFFFFFFC0] =	vst v6  }
0x7f: {  	v0 =	vmul.f32 v0, v1;
	[tilespmem:s8+$0x10] =	vst v7  }
0x80: {  	v2 =	vmul.f32 v2, v1;
	[tilespmem:s8+$0xFFFFFFE0] =	vst v5  }
0x81: {  	v4 =	vmul.f32 v4, v1;
	[tilespmem:s8+$0xFFFFFFF0] =	vst v0  }
0x82: {  	v0 =	vmul.f32 v3, v1;
	[tilespmem:s8+$0x20] =	vst v2  }
0x83: {  	[tilespmem:s8+$0x0] =	vst v4  }
0x84: {  	s4 =	rddreg [dreg:$0x5];
	[tilespmem:s8+$0xFFFFFFD0] =	vst v0  }
0x85: {  	[hbm4b:s4+s3] =	stream.linear.scatter [tilespmem:s13], [sflag:$0x8], $0x4000, $0x38;
	[tilespmem:$0x1F000] =	vst v63  }
0x86: {  	s9 =	simm.s32 $0x80;
	s10 =	simm.s32 $0x280  }
0x87: {  	[tilespmem:s20], [sflag:$0x6] =	stream.indirect.gather [hbm4b:s2+s9], $0x80, s10, s9, $0xb8;
	[tilespmem:$0x1F000] =	vst v63  }
0x88: {  	_ =	swait.ge [sflag:s21], $0x4000  }
0x89: {  	v0 =	vmov s9;
	[sflag:s21] =	ssyncset.done $0x0  }
0x8a: {  	s8 =	simm.s32 $0x7040;
	[sflag:s21] =	ssyncadd.s32 $0xFFFFC000  }
0x8b: {  	v4 =	vld [tilespmem:s8+$0x30]  }
0x8c: {  	v7 =	vld [tilespmem:s8+$0x10]  }
0x8d: {  	v5 =	vld [tilespmem:s8+$0xFFFFFFC0]  }
0x8e: {  	v1 =	vld.idx.msk [tilespmem:v0+s19+$0x0], $0xffff  }
0x8f: {  	v9 =	vld [tilespmem:s8+$0xFFFFFFE0]  }
0x90: {  	v0 =	vld [tilespmem:s8+$0xFFFFFFF0]  }
0x91: {  	v2 =	vld [tilespmem:s8+$0x20]  }
0x92: {  	v3 =	vld [tilespmem:s8+$0xFFFFFFD0]  }
0x93: {  	v8 =	vmul.f32 v4, v1;
	v4 =	vld [tilespmem:s8+$0x0]  }
0x94: {  	v6 =	vmul.f32 v5, v1  }
0x95: {  	s9 =	simm.s32 $0x81;
	s10 =	simm.s32 $0x7040;
	v5 =	vmul.f32 v9, v1;
	v7 =	vmul.f32 v7, v1  }
.LBB2_6:
0x96: {  	p0 =	sne.s32 s9, $0xFF  }
0x97: {  	v3 =	vmul.f32 v3, v1;
	v2 =	vmul.f32 v2, v1;
	[tilespmem:s8+$0x30] =	vst v8;
	s10 =	sadd.s32 $0x80, s10;
	s4 =	smov.u32 s9;
	s9 =	sadd.s32 $0x1, s9  }
0x98: {  	[tilespmem:s8+$0xFFFFFFC0] =	vst v6;
	v6 =	vmul.f32 v0, v1;
	v1 =	vmul.f32 v4, v1  }
0x99: {  	[tilespmem:s8+$0x10] =	vst v7  }
0x9a: {  	v4 =	vmov s4;
	[tilespmem:s8+$0xFFFFFFE0] =	vst v5  }
0x9b: {  	v0 =	vld [tilespmem:s10+$0xFFFFFFF0];
	[tilespmem:s8+$0xFFFFFFF0] =	vst v6  }
0x9c: {  	v5 =	vld [tilespmem:s10+$0x30];
	[tilespmem:s8+$0x0] =	vst v1  }
0x9d: {  	v7 =	vld [tilespmem:s10+$0x10];
	[tilespmem:s8+$0x20] =	vst v2  }
0x9e: {  	v6 =	vld [tilespmem:s10+$0xFFFFFFC0];
	[tilespmem:s8+$0xFFFFFFD0] =	vst v3;
	s8 =	smov.u32 s10  }
0x9f: {  	v1 =	vld.idx.msk [tilespmem:v4+s19+$0x0], $0xffff  }
0xa0: {  	v9 =	vld [tilespmem:s10+$0xFFFFFFE0]  }
0xa1: {  	v2 =	vld [tilespmem:s10+$0x20]  }
.Ltmp2:
0xa2: {  	v3 =	vld [tilespmem:s10+$0xFFFFFFD0];
	(pc) =	sbr.rel @p0 .LBB2_6-.Ltmp2, $3  }
0xa3: {  	v4 =	vld [tilespmem:s10+$0x0];
	_ =	sdelay $0x1  }
0xa4: {  	v6 =	vmul.f32 v6, v1;
	v8 =	vmul.f32 v5, v1  }
0xa5: {  	v7 =	vmul.f32 v7, v1;
	v5 =	vmul.f32 v9, v1  }
0xa6: {  	[tilespmem:s8+$0x30] =	vst v8  }
0xa7: {  	[tilespmem:s8+$0xFFFFFFC0] =	vst v6  }
0xa8: {  	v0 =	vmul.f32 v0, v1;
	[tilespmem:s8+$0x10] =	vst v7  }
0xa9: {  	v2 =	vmul.f32 v2, v1;
	[tilespmem:s8+$0xFFFFFFE0] =	vst v5  }
0xaa: {  	v4 =	vmul.f32 v4, v1;
	[tilespmem:s8+$0xFFFFFFF0] =	vst v0  }
0xab: {  	v0 =	vmul.f32 v3, v1;
	[tilespmem:s8+$0x20] =	vst v2  }
0xac: {  	[tilespmem:s8+$0x0] =	vst v4  }
0xad: {  	s4 =	rddreg [dreg:$0x8];
	[tilespmem:s8+$0xFFFFFFD0] =	vst v0  }
0xae: {  	[hbm4b:s4+s3] =	stream.linear.scatter [tilespmem:s14], [sflag:$0x9], $0x4000, $0x38;
	[tilespmem:$0x1F000] =	vst v63  }
0xaf: {  	s9 =	simm.s32 $0x300  }
0xb0: {  	[tilespmem:s22], [sflag:$0x7] =	stream.indirect.gather [hbm4b:s2+s12], $0x80, s9, s12, $0xb8;
	[tilespmem:$0x1F000] =	vst v63  }
0xb1: {  	s10 =	simm.s32 $0x100;
	_ =	swait.ge [sflag:s23], $0x4000  }
0xb2: {  	v0 =	vmov s10;
	[sflag:s23] =	ssyncset.done $0x0  }
0xb3: {  	s8 =	simm.s32 $0xB040;
	[sflag:s23] =	ssyncadd.s32 $0xFFFFC000  }
0xb4: {  	v4 =	vld [tilespmem:s8+$0x30]  }
0xb5: {  	v7 =	vld [tilespmem:s8+$0x10]  }
0xb6: {  	v5 =	vld [tilespmem:s8+$0xFFFFFFC0]  }
0xb7: {  	v1 =	vld.idx.msk [tilespmem:v0+s19+$0x0], $0xffff  }
0xb8: {  	v9 =	vld [tilespmem:s8+$0xFFFFFFE0]  }
0xb9: {  	v0 =	vld [tilespmem:s8+$0xFFFFFFF0]  }
0xba: {  	v2 =	vld [tilespmem:s8+$0x20]  }
0xbb: {  	v3 =	vld [tilespmem:s8+$0xFFFFFFD0]  }
0xbc: {  	v8 =	vmul.f32 v4, v1;
	v4 =	vld [tilespmem:s8+$0x0]  }
0xbd: {  	v6 =	vmul.f32 v5, v1  }
0xbe: {  	s10 =	simm.s32 $0xB040;
	s9 =	simm.s32 $0x101;
	v5 =	vmul.f32 v9, v1;
	v7 =	vmul.f32 v7, v1  }
.LBB2_8:
0xbf: {  	p0 =	sne.s32 s9, $0x17F  }
0xc0: {  	v3 =	vmul.f32 v3, v1;
	v2 =	vmul.f32 v2, v1;
	[tilespmem:s8+$0x30] =	vst v8;
	s10 =	sadd.s32 $0x80, s10;
	s4 =	smov.u32 s9;
	s9 =	sadd.s32 $0x1, s9  }
0xc1: {  	[tilespmem:s8+$0xFFFFFFC0] =	vst v6;
	v6 =	vmul.f32 v0, v1;
	v1 =	vmul.f32 v4, v1  }
0xc2: {  	[tilespmem:s8+$0x10] =	vst v7  }
0xc3: {  	v4 =	vmov s4;
	[tilespmem:s8+$0xFFFFFFE0] =	vst v5  }
0xc4: {  	v0 =	vld [tilespmem:s10+$0xFFFFFFF0];
	[tilespmem:s8+$0xFFFFFFF0] =	vst v6  }
0xc5: {  	v5 =	vld [tilespmem:s10+$0x30];
	[tilespmem:s8+$0x0] =	vst v1  }
0xc6: {  	v7 =	vld [tilespmem:s10+$0x10];
	[tilespmem:s8+$0x20] =	vst v2  }
0xc7: {  	v6 =	vld [tilespmem:s10+$0xFFFFFFC0];
	[tilespmem:s8+$0xFFFFFFD0] =	vst v3;
	s8 =	smov.u32 s10  }
0xc8: {  	v1 =	vld.idx.msk [tilespmem:v4+s19+$0x0], $0xffff  }
0xc9: {  	v9 =	vld [tilespmem:s10+$0xFFFFFFE0]  }
0xca: {  	v2 =	vld [tilespmem:s10+$0x20]  }
.Ltmp3:
0xcb: {  	v3 =	vld [tilespmem:s10+$0xFFFFFFD0];
	(pc) =	sbr.rel @p0 .LBB2_8-.Ltmp3, $3  }
0xcc: {  	v4 =	vld [tilespmem:s10+$0x0];
	_ =	sdelay $0x1  }
0xcd: {  	v6 =	vmul.f32 v6, v1;
	v8 =	vmul.f32 v5, v1  }
0xce: {  	v7 =	vmul.f32 v7, v1;
	v5 =	vmul.f32 v9, v1  }
0xcf: {  	[tilespmem:s8+$0x30] =	vst v8  }
0xd0: {  	[tilespmem:s8+$0xFFFFFFC0] =	vst v6  }
0xd1: {  	v0 =	vmul.f32 v0, v1;
	[tilespmem:s8+$0x10] =	vst v7  }
0xd2: {  	v2 =	vmul.f32 v2, v1;
	[tilespmem:s8+$0xFFFFFFE0] =	vst v5  }
0xd3: {  	v4 =	vmul.f32 v4, v1;
	[tilespmem:s8+$0xFFFFFFF0] =	vst v0  }
0xd4: {  	v0 =	vmul.f32 v3, v1;
	[tilespmem:s8+$0x20] =	vst v2  }
0xd5: {  	[tilespmem:s8+$0x0] =	vst v4  }
0xd6: {  	s4 =	rddreg [dreg:$0x9];
	[tilespmem:s8+$0xFFFFFFD0] =	vst v0  }
0xd7: {  	[hbm4b:s4+s3] =	stream.linear.scatter [tilespmem:s15], [sflag:$0xA], $0x4000, $0x38;
	[tilespmem:$0x1F000] =	vst v63  }
0xd8: {  	_ =	swait.ge [sflag:s24], $0x4000  }
0xd9: {  	[sflag:s24] =	ssyncset.done $0x0  }
0xda: {  	s9 =	simm.s32 $0x380;
	[sflag:s24] =	ssyncadd.s32 $0xFFFFC000  }
0xdb: {  	[tilespmem:s13], [sflag:$0x1] =	stream.indirect.gather [hbm4b:s2+s12], $0x80, s9, s12, $0xb8;
	[tilespmem:$0x1F000] =	vst v63  }
0xdc: {  	s10 =	simm.s32 $0x180;
	_ =	swait.ge [sflag:s25], $0x4000  }
0xdd: {  	v0 =	vmov s10;
	[sflag:s25] =	ssyncset.done $0x0  }
0xde: {  	s8 =	simm.s32 $0xF040;
	[sflag:s25] =	ssyncadd.s32 $0xFFFFC000  }
0xdf: {  	v4 =	vld [tilespmem:s8+$0x30]  }
0xe0: {  	v7 =	vld [tilespmem:s8+$0x10]  }
0xe1: {  	v5 =	vld [tilespmem:s8+$0xFFFFFFC0]  }
0xe2: {  	v1 =	vld.idx.msk [tilespmem:v0+s19+$0x0], $0xffff  }
0xe3: {  	v9 =	vld [tilespmem:s8+$0xFFFFFFE0]  }
0xe4: {  	v0 =	vld [tilespmem:s8+$0xFFFFFFF0]  }
0xe5: {  	v2 =	vld [tilespmem:s8+$0x20]  }
0xe6: {  	v3 =	vld [tilespmem:s8+$0xFFFFFFD0]  }
0xe7: {  	v8 =	vmul.f32 v4, v1;
	v4 =	vld [tilespmem:s8+$0x0]  }
0xe8: {  	v6 =	vmul.f32 v5, v1  }
0xe9: {  	s10 =	simm.s32 $0xF040;
	s9 =	simm.s32 $0x181;
	v5 =	vmul.f32 v9, v1;
	v7 =	vmul.f32 v7, v1  }
.LBB2_10:
0xea: {  	p0 =	sne.s32 s9, $0x1FF  }
0xeb: {  	v3 =	vmul.f32 v3, v1;
	v2 =	vmul.f32 v2, v1;
	[tilespmem:s8+$0x30] =	vst v8;
	s10 =	sadd.s32 $0x80, s10;
	s4 =	smov.u32 s9;
	s9 =	sadd.s32 $0x1, s9  }
0xec: {  	[tilespmem:s8+$0xFFFFFFC0] =	vst v6;
	v6 =	vmul.f32 v0, v1;
	v1 =	vmul.f32 v4, v1  }
0xed: {  	[tilespmem:s8+$0x10] =	vst v7  }
0xee: {  	v4 =	vmov s4;
	[tilespmem:s8+$0xFFFFFFE0] =	vst v5  }
0xef: {  	v0 =	vld [tilespmem:s10+$0xFFFFFFF0];
	[tilespmem:s8+$0xFFFFFFF0] =	vst v6  }
0xf0: {  	v5 =	vld [tilespmem:s10+$0x30];
	[tilespmem:s8+$0x0] =	vst v1  }
0xf1: {  	v7 =	vld [tilespmem:s10+$0x10];
	[tilespmem:s8+$0x20] =	vst v2  }
0xf2: {  	v6 =	vld [tilespmem:s10+$0xFFFFFFC0];
	[tilespmem:s8+$0xFFFFFFD0] =	vst v3;
	s8 =	smov.u32 s10  }
0xf3: {  	v1 =	vld.idx.msk [tilespmem:v4+s19+$0x0], $0xffff  }
0xf4: {  	v9 =	vld [tilespmem:s10+$0xFFFFFFE0]  }
0xf5: {  	v2 =	vld [tilespmem:s10+$0x20]  }
.Ltmp4:
0xf6: {  	v3 =	vld [tilespmem:s10+$0xFFFFFFD0];
	(pc) =	sbr.rel @p0 .LBB2_10-.Ltmp4, $3  }
0xf7: {  	v4 =	vld [tilespmem:s10+$0x0];
	_ =	sdelay $0x1  }
0xf8: {  	v6 =	vmul.f32 v6, v1;
	v8 =	vmul.f32 v5, v1  }
0xf9: {  	v7 =	vmul.f32 v7, v1;
	v5 =	vmul.f32 v9, v1  }
0xfa: {  	[tilespmem:s8+$0x30] =	vst v8  }
0xfb: {  	[tilespmem:s8+$0xFFFFFFC0] =	vst v6  }
0xfc: {  	v0 =	vmul.f32 v0, v1;
	[tilespmem:s8+$0x10] =	vst v7  }
0xfd: {  	v2 =	vmul.f32 v2, v1;
	[tilespmem:s8+$0xFFFFFFE0] =	vst v5  }
0xfe: {  	v4 =	vmul.f32 v4, v1;
	[tilespmem:s8+$0xFFFFFFF0] =	vst v0  }
0xff: {  	v0 =	vmul.f32 v3, v1;
	[tilespmem:s8+$0x20] =	vst v2  }
0x100: {  	[tilespmem:s8+$0x0] =	vst v4  }
0x101: {  	s4 =	rddreg [dreg:$0xa];
	[tilespmem:s8+$0xFFFFFFD0] =	vst v0  }
0x102: {  	[hbm4b:s4+s3] =	stream.linear.scatter [tilespmem:s16], [sflag:$0xB], $0x4000, $0x38;
	[tilespmem:$0x1F000] =	vst v63  }
0x103: {  	_ =	swait.ge [sflag:s26], $0x4000  }
0x104: {  	[sflag:s26] =	ssyncset.done $0x0  }
0x105: {  	s9 =	simm.s32 $0x400;
	[sflag:s26] =	ssyncadd.s32 $0xFFFFC000  }
0x106: {  	[tilespmem:s14], [sflag:$0x2] =	stream.indirect.gather [hbm4b:s2+s12], $0x80, s9, s12, $0xb8;
	[tilespmem:$0x1F000] =	vst v63  }
0x107: {  	s10 =	simm.s32 $0x200;
	_ =	swait.ge [sflag:s28], $0x4000  }
0x108: {  	v0 =	vmov s10;
	[sflag:s28] =	ssyncset.done $0x0  }
0x109: {  	s8 =	simm.s32 $0x13040;
	[sflag:s28] =	ssyncadd.s32 $0xFFFFC000  }
0x10a: {  	v4 =	vld [tilespmem:s8+$0x30]  }
0x10b: {  	v7 =	vld [tilespmem:s8+$0x10]  }
0x10c: {  	v5 =	vld [tilespmem:s8+$0xFFFFFFC0]  }
0x10d: {  	v1 =	vld.idx.msk [tilespmem:v0+s19+$0x0], $0xffff  }
0x10e: {  	v9 =	vld [tilespmem:s8+$0xFFFFFFE0]  }
0x10f: {  	v0 =	vld [tilespmem:s8+$0xFFFFFFF0]  }
0x110: {  	v2 =	vld [tilespmem:s8+$0x20]  }
0x111: {  	v3 =	vld [tilespmem:s8+$0xFFFFFFD0]  }
0x112: {  	v8 =	vmul.f32 v4, v1;
	v4 =	vld [tilespmem:s8+$0x0]  }
0x113: {  	v6 =	vmul.f32 v5, v1  }
0x114: {  	s10 =	simm.s32 $0x13040;
	s9 =	simm.s32 $0x201;
	v5 =	vmul.f32 v9, v1;
	v7 =	vmul.f32 v7, v1  }
.LBB2_12:
0x115: {  	p0 =	sne.s32 s9, $0x27F  }
0x116: {  	v3 =	vmul.f32 v3, v1;
	v2 =	vmul.f32 v2, v1;
	[tilespmem:s8+$0x30] =	vst v8;
	s10 =	sadd.s32 $0x80, s10;
	s4 =	smov.u32 s9;
	s9 =	sadd.s32 $0x1, s9  }
0x117: {  	[tilespmem:s8+$0xFFFFFFC0] =	vst v6;
	v6 =	vmul.f32 v0, v1;
	v1 =	vmul.f32 v4, v1  }
0x118: {  	[tilespmem:s8+$0x10] =	vst v7  }
0x119: {  	v4 =	vmov s4;
	[tilespmem:s8+$0xFFFFFFE0] =	vst v5  }
0x11a: {  	v0 =	vld [tilespmem:s10+$0xFFFFFFF0];
	[tilespmem:s8+$0xFFFFFFF0] =	vst v6  }
0x11b: {  	v5 =	vld [tilespmem:s10+$0x30];
	[tilespmem:s8+$0x0] =	vst v1  }
0x11c: {  	v7 =	vld [tilespmem:s10+$0x10];
	[tilespmem:s8+$0x20] =	vst v2  }
0x11d: {  	v6 =	vld [tilespmem:s10+$0xFFFFFFC0];
	[tilespmem:s8+$0xFFFFFFD0] =	vst v3;
	s8 =	smov.u32 s10  }
0x11e: {  	v1 =	vld.idx.msk [tilespmem:v4+s19+$0x0], $0xffff  }
0x11f: {  	v9 =	vld [tilespmem:s10+$0xFFFFFFE0]  }
0x120: {  	v2 =	vld [tilespmem:s10+$0x20]  }
.Ltmp5:
0x121: {  	v3 =	vld [tilespmem:s10+$0xFFFFFFD0];
	(pc) =	sbr.rel @p0 .LBB2_12-.Ltmp5, $3  }
0x122: {  	v4 =	vld [tilespmem:s10+$0x0];
	_ =	sdelay $0x1  }
0x123: {  	v6 =	vmul.f32 v6, v1;
	v8 =	vmul.f32 v5, v1  }
0x124: {  	v7 =	vmul.f32 v7, v1;
	v5 =	vmul.f32 v9, v1  }
0x125: {  	[tilespmem:s8+$0x30] =	vst v8  }
0x126: {  	[tilespmem:s8+$0xFFFFFFC0] =	vst v6  }
0x127: {  	v0 =	vmul.f32 v0, v1;
	[tilespmem:s8+$0x10] =	vst v7  }
0x128: {  	v2 =	vmul.f32 v2, v1;
	[tilespmem:s8+$0xFFFFFFE0] =	vst v5  }
0x129: {  	v4 =	vmul.f32 v4, v1;
	[tilespmem:s8+$0xFFFFFFF0] =	vst v0  }
0x12a: {  	v0 =	vmul.f32 v3, v1;
	[tilespmem:s8+$0x20] =	vst v2  }
0x12b: {  	[tilespmem:s8+$0x0] =	vst v4  }
0x12c: {  	s4 =	rddreg [dreg:$0xb];
	[tilespmem:s8+$0xFFFFFFD0] =	vst v0  }
0x12d: {  	[hbm4b:s4+s3] =	stream.linear.scatter [tilespmem:s17], [sflag:$0xC], $0x4000, $0x38;
	[tilespmem:$0x1F000] =	vst v63  }
0x12e: {  	_ =	swait.ge [sflag:s29], $0x4000  }
0x12f: {  	[sflag:s29] =	ssyncset.done $0x0  }
0x130: {  	s9 =	simm.s32 $0x480;
	[sflag:s29] =	ssyncadd.s32 $0xFFFFC000  }
0x131: {  	[tilespmem:s15], [sflag:$0x3] =	stream.indirect.gather [hbm4b:s2+s12], $0x80, s9, s12, $0xb8;
	[tilespmem:$0x1F000] =	vst v63  }
0x132: {  	s10 =	simm.s32 $0x280;
	_ =	swait.ge [sflag:s30], $0x4000  }
0x133: {  	v0 =	vmov s10;
	[sflag:s30] =	ssyncset.done $0x0  }
0x134: {  	s8 =	simm.s32 $0x17040;
	[sflag:s30] =	ssyncadd.s32 $0xFFFFC000  }
0x135: {  	v4 =	vld [tilespmem:s8+$0x30]  }
0x136: {  	v7 =	vld [tilespmem:s8+$0x10]  }
0x137: {  	v5 =	vld [tilespmem:s8+$0xFFFFFFC0]  }
0x138: {  	v1 =	vld.idx.msk [tilespmem:v0+s19+$0x0], $0xffff  }
0x139: {  	v9 =	vld [tilespmem:s8+$0xFFFFFFE0]  }
0x13a: {  	v0 =	vld [tilespmem:s8+$0xFFFFFFF0]  }
0x13b: {  	v2 =	vld [tilespmem:s8+$0x20]  }
0x13c: {  	v3 =	vld [tilespmem:s8+$0xFFFFFFD0]  }
0x13d: {  	v8 =	vmul.f32 v4, v1;
	v4 =	vld [tilespmem:s8+$0x0]  }
0x13e: {  	v6 =	vmul.f32 v5, v1  }
0x13f: {  	s10 =	simm.s32 $0x17040;
	s9 =	simm.s32 $0x281;
	v5 =	vmul.f32 v9, v1;
	v7 =	vmul.f32 v7, v1  }
.LBB2_14:
0x140: {  	p0 =	sne.s32 s9, $0x2FF  }
0x141: {  	v3 =	vmul.f32 v3, v1;
	v2 =	vmul.f32 v2, v1;
	[tilespmem:s8+$0x30] =	vst v8;
	s10 =	sadd.s32 $0x80, s10;
	s4 =	smov.u32 s9;
	s9 =	sadd.s32 $0x1, s9  }
0x142: {  	[tilespmem:s8+$0xFFFFFFC0] =	vst v6;
	v6 =	vmul.f32 v0, v1;
	v1 =	vmul.f32 v4, v1  }
0x143: {  	[tilespmem:s8+$0x10] =	vst v7  }
0x144: {  	v4 =	vmov s4;
	[tilespmem:s8+$0xFFFFFFE0] =	vst v5  }
0x145: {  	v0 =	vld [tilespmem:s10+$0xFFFFFFF0];
	[tilespmem:s8+$0xFFFFFFF0] =	vst v6  }
0x146: {  	v5 =	vld [tilespmem:s10+$0x30];
	[tilespmem:s8+$0x0] =	vst v1  }
0x147: {  	v7 =	vld [tilespmem:s10+$0x10];
	[tilespmem:s8+$0x20] =	vst v2  }
0x148: {  	v6 =	vld [tilespmem:s10+$0xFFFFFFC0];
	[tilespmem:s8+$0xFFFFFFD0] =	vst v3;
	s8 =	smov.u32 s10  }
0x149: {  	v1 =	vld.idx.msk [tilespmem:v4+s19+$0x0], $0xffff  }
0x14a: {  	v9 =	vld [tilespmem:s10+$0xFFFFFFE0]  }
0x14b: {  	v2 =	vld [tilespmem:s10+$0x20]  }
.Ltmp6:
0x14c: {  	v3 =	vld [tilespmem:s10+$0xFFFFFFD0];
	(pc) =	sbr.rel @p0 .LBB2_14-.Ltmp6, $3  }
0x14d: {  	v4 =	vld [tilespmem:s10+$0x0];
	_ =	sdelay $0x1  }
0x14e: {  	v6 =	vmul.f32 v6, v1;
	v8 =	vmul.f32 v5, v1  }
0x14f: {  	v7 =	vmul.f32 v7, v1;
	v5 =	vmul.f32 v9, v1  }
0x150: {  	[tilespmem:s8+$0x30] =	vst v8  }
0x151: {  	[tilespmem:s8+$0xFFFFFFC0] =	vst v6  }
0x152: {  	v0 =	vmul.f32 v0, v1;
	[tilespmem:s8+$0x10] =	vst v7  }
0x153: {  	v2 =	vmul.f32 v2, v1;
	[tilespmem:s8+$0xFFFFFFE0] =	vst v5  }
0x154: {  	v4 =	vmul.f32 v4, v1;
	[tilespmem:s8+$0xFFFFFFF0] =	vst v0  }
0x155: {  	v0 =	vmul.f32 v3, v1;
	[tilespmem:s8+$0x20] =	vst v2  }
0x156: {  	[tilespmem:s8+$0x0] =	vst v4  }
0x157: {  	s4 =	rddreg [dreg:$0xc];
	[tilespmem:s8+$0xFFFFFFD0] =	vst v0  }
0x158: {  	[hbm4b:s4+s3] =	stream.linear.scatter [tilespmem:s20], [sflag:$0xD], $0x4000, $0x38;
	[tilespmem:$0x1F000] =	vst v63  }
0x159: {  	_ =	swait.ge [sflag:s31], $0x4000  }
0x15a: {  	[sflag:s31] =	ssyncset.done $0x0  }
0x15b: {  	s9 =	simm.s32 $0x500;
	[sflag:s31] =	ssyncadd.s32 $0xFFFFC000  }
0x15c: {  	[tilespmem:s16], [sflag:$0x4] =	stream.indirect.gather [hbm4b:s2+s12], $0x80, s9, s12, $0xb8;
	[tilespmem:$0x1F000] =	vst v63  }
0x15d: {  	s10 =	simm.s32 $0x300;
	_ =	swait.ge [sflag:s0], $0x4000  }
0x15e: {  	v0 =	vmov s10;
	[sflag:s0] =	ssyncset.done $0x0  }
0x15f: {  	s8 =	simm.s32 $0x1B040;
	[sflag:s0] =	ssyncadd.s32 $0xFFFFC000  }
0x160: {  	v4 =	vld [tilespmem:s8+$0x30]  }
0x161: {  	v7 =	vld [tilespmem:s8+$0x10]  }
0x162: {  	v5 =	vld [tilespmem:s8+$0xFFFFFFC0]  }
0x163: {  	v1 =	vld.idx.msk [tilespmem:v0+s19+$0x0], $0xffff  }
0x164: {  	v9 =	vld [tilespmem:s8+$0xFFFFFFE0]  }
0x165: {  	v0 =	vld [tilespmem:s8+$0xFFFFFFF0]  }
0x166: {  	v2 =	vld [tilespmem:s8+$0x20]  }
0x167: {  	v3 =	vld [tilespmem:s8+$0xFFFFFFD0]  }
0x168: {  	v8 =	vmul.f32 v4, v1;
	v4 =	vld [tilespmem:s8+$0x0]  }
0x169: {  	v6 =	vmul.f32 v5, v1  }
0x16a: {  	s10 =	simm.s32 $0x1B040;
	s9 =	simm.s32 $0x301;
	v5 =	vmul.f32 v9, v1;
	v7 =	vmul.f32 v7, v1  }
.LBB2_16:
0x16b: {  	p0 =	sne.s32 s9, $0x37F  }
0x16c: {  	v3 =	vmul.f32 v3, v1;
	v2 =	vmul.f32 v2, v1;
	[tilespmem:s8+$0x30] =	vst v8;
	s10 =	sadd.s32 $0x80, s10;
	s4 =	smov.u32 s9;
	s9 =	sadd.s32 $0x1, s9  }
0x16d: {  	[tilespmem:s8+$0xFFFFFFC0] =	vst v6;
	v6 =	vmul.f32 v0, v1;
	v1 =	vmul.f32 v4, v1  }
0x16e: {  	[tilespmem:s8+$0x10] =	vst v7  }
0x16f: {  	v4 =	vmov s4;
	[tilespmem:s8+$0xFFFFFFE0] =	vst v5  }
0x170: {  	v0 =	vld [tilespmem:s10+$0xFFFFFFF0];
	[tilespmem:s8+$0xFFFFFFF0] =	vst v6  }
0x171: {  	v5 =	vld [tilespmem:s10+$0x30];
	[tilespmem:s8+$0x0] =	vst v1  }
0x172: {  	v7 =	vld [tilespmem:s10+$0x10];
	[tilespmem:s8+$0x20] =	vst v2  }
0x173: {  	v6 =	vld [tilespmem:s10+$0xFFFFFFC0];
	[tilespmem:s8+$0xFFFFFFD0] =	vst v3;
	s8 =	smov.u32 s10  }
0x174: {  	v1 =	vld.idx.msk [tilespmem:v4+s19+$0x0], $0xffff  }
0x175: {  	v9 =	vld [tilespmem:s10+$0xFFFFFFE0]  }
0x176: {  	v2 =	vld [tilespmem:s10+$0x20]  }
.Ltmp7:
0x177: {  	v3 =	vld [tilespmem:s10+$0xFFFFFFD0];
	(pc) =	sbr.rel @p0 .LBB2_16-.Ltmp7, $3  }
0x178: {  	v4 =	vld [tilespmem:s10+$0x0];
	_ =	sdelay $0x1  }
0x179: {  	v6 =	vmul.f32 v6, v1;
	v8 =	vmul.f32 v5, v1  }
0x17a: {  	v7 =	vmul.f32 v7, v1;
	v5 =	vmul.f32 v9, v1  }
0x17b: {  	[tilespmem:s8+$0x30] =	vst v8  }
0x17c: {  	[tilespmem:s8+$0xFFFFFFC0] =	vst v6  }
0x17d: {  	v0 =	vmul.f32 v0, v1;
	[tilespmem:s8+$0x10] =	vst v7  }
0x17e: {  	v2 =	vmul.f32 v2, v1;
	[tilespmem:s8+$0xFFFFFFE0] =	vst v5  }
0x17f: {  	v4 =	vmul.f32 v4, v1;
	[tilespmem:s8+$0xFFFFFFF0] =	vst v0  }
0x180: {  	v0 =	vmul.f32 v3, v1;
	[tilespmem:s8+$0x20] =	vst v2  }
0x181: {  	[tilespmem:s8+$0x0] =	vst v4  }
0x182: {  	s4 =	rddreg [dreg:$0xd];
	[tilespmem:s8+$0xFFFFFFD0] =	vst v0  }
0x183: {  	[hbm4b:s4+s3] =	stream.linear.scatter [tilespmem:s22], [sflag:$0xE], $0x4000, $0x38;
	[tilespmem:$0x1F000] =	vst v63  }
0x184: {  	_ =	swait.ge [sflag:s1], $0x4000  }
0x185: {  	[sflag:s1] =	ssyncset.done $0x0  }
0x186: {  	s9 =	simm.s32 $0x580;
	[sflag:s1] =	ssyncadd.s32 $0xFFFFC000  }
0x187: {  	[tilespmem:s17], [sflag:$0x5] =	stream.indirect.gather [hbm4b:s2+s12], $0x80, s9, s12, $0xb8;
	[tilespmem:$0x1F000] =	vst v63  }
0x188: {  	s10 =	simm.s32 $0x380;
	_ =	swait.ge [sflag:s18], $0x4000  }
0x189: {  	v0 =	vmov s10;
	[sflag:s18] =	ssyncset.done $0x0  }
0x18a: {  	s8 =	simm.s32 $0x3040;
	[sflag:s18] =	ssyncadd.s32 $0xFFFFC000  }
0x18b: {  	v4 =	vld [tilespmem:s8+$0x30]  }
0x18c: {  	v7 =	vld [tilespmem:s8+$0x10]  }
0x18d: {  	v5 =	vld [tilespmem:s8+$0xFFFFFFC0]  }
0x18e: {  	v1 =	vld.idx.msk [tilespmem:v0+s19+$0x0], $0xffff  }
0x18f: {  	v9 =	vld [tilespmem:s8+$0xFFFFFFE0]  }
0x190: {  	v0 =	vld [tilespmem:s8+$0xFFFFFFF0]  }
0x191: {  	v2 =	vld [tilespmem:s8+$0x20]  }
0x192: {  	v3 =	vld [tilespmem:s8+$0xFFFFFFD0]  }
0x193: {  	v8 =	vmul.f32 v4, v1;
	v4 =	vld [tilespmem:s8+$0x0]  }
0x194: {  	v6 =	vmul.f32 v5, v1  }
0x195: {  	s10 =	simm.s32 $0x3040;
	s9 =	simm.s32 $0x381;
	v5 =	vmul.f32 v9, v1;
	v7 =	vmul.f32 v7, v1  }
.LBB2_18:
0x196: {  	p0 =	sne.s32 s9, $0x3FF  }
0x197: {  	v3 =	vmul.f32 v3, v1;
	v2 =	vmul.f32 v2, v1;
	[tilespmem:s8+$0x30] =	vst v8;
	s10 =	sadd.s32 $0x80, s10;
	s4 =	smov.u32 s9;
	s9 =	sadd.s32 $0x1, s9  }
0x198: {  	[tilespmem:s8+$0xFFFFFFC0] =	vst v6;
	v6 =	vmul.f32 v0, v1;
	v1 =	vmul.f32 v4, v1  }
0x199: {  	[tilespmem:s8+$0x10] =	vst v7  }
0x19a: {  	v4 =	vmov s4;
	[tilespmem:s8+$0xFFFFFFE0] =	vst v5  }
0x19b: {  	v0 =	vld [tilespmem:s10+$0xFFFFFFF0];
	[tilespmem:s8+$0xFFFFFFF0] =	vst v6  }
0x19c: {  	v5 =	vld [tilespmem:s10+$0x30];
	[tilespmem:s8+$0x0] =	vst v1  }
0x19d: {  	v7 =	vld [tilespmem:s10+$0x10];
	[tilespmem:s8+$0x20] =	vst v2  }
0x19e: {  	v6 =	vld [tilespmem:s10+$0xFFFFFFC0];
	[tilespmem:s8+$0xFFFFFFD0] =	vst v3;
	s8 =	smov.u32 s10  }
0x19f: {  	v1 =	vld.idx.msk [tilespmem:v4+s19+$0x0], $0xffff  }
0x1a0: {  	v9 =	vld [tilespmem:s10+$0xFFFFFFE0]  }
0x1a1: {  	v2 =	vld [tilespmem:s10+$0x20]  }
.Ltmp8:
0x1a2: {  	v3 =	vld [tilespmem:s10+$0xFFFFFFD0];
	(pc) =	sbr.rel @p0 .LBB2_18-.Ltmp8, $3  }
0x1a3: {  	v4 =	vld [tilespmem:s10+$0x0];
	_ =	sdelay $0x1  }
0x1a4: {  	v6 =	vmul.f32 v6, v1;
	v8 =	vmul.f32 v5, v1  }
0x1a5: {  	v7 =	vmul.f32 v7, v1;
	v5 =	vmul.f32 v9, v1  }
0x1a6: {  	[tilespmem:s8+$0x30] =	vst v8  }
0x1a7: {  	[tilespmem:s8+$0xFFFFFFC0] =	vst v6  }
0x1a8: {  	v0 =	vmul.f32 v0, v1;
	[tilespmem:s8+$0x10] =	vst v7  }
0x1a9: {  	v2 =	vmul.f32 v2, v1;
	[tilespmem:s8+$0xFFFFFFE0] =	vst v5  }
0x1aa: {  	v4 =	vmul.f32 v4, v1;
	[tilespmem:s8+$0xFFFFFFF0] =	vst v0  }
0x1ab: {  	v0 =	vmul.f32 v3, v1;
	[tilespmem:s8+$0x20] =	vst v2  }
0x1ac: {  	[tilespmem:s8+$0x0] =	vst v4  }
0x1ad: {  	s4 =	rddreg [dreg:$0xe];
	[tilespmem:s8+$0xFFFFFFD0] =	vst v0  }
0x1ae: {  	[hbm4b:s4+s3] =	stream.linear.scatter [tilespmem:s13], [sflag:$0x8], $0x4000, $0x38;
	[tilespmem:$0x1F000] =	vst v63  }
0x1af: {  	_ =	swait.ge [sflag:s5], $0x4000  }
0x1b0: {  	[sflag:s5] =	ssyncset.done $0x0  }
0x1b1: {  	s9 =	simm.s32 $0x600;
	[sflag:s5] =	ssyncadd.s32 $0xFFFFC000  }
0x1b2: {  	[tilespmem:s20], [sflag:$0x6] =	stream.indirect.gather [hbm4b:s2+s12], $0x80, s9, s12, $0xb8;
	[tilespmem:$0x1F000] =	vst v63  }
0x1b3: {  	s10 =	simm.s32 $0x400;
	_ =	swait.ge [sflag:s21], $0x4000  }
0x1b4: {  	v0 =	vmov s10;
	[sflag:s21] =	ssyncset.done $0x0  }
0x1b5: {  	s8 =	simm.s32 $0x7040;
	[sflag:s21] =	ssyncadd.s32 $0xFFFFC000  }
0x1b6: {  	v4 =	vld [tilespmem:s8+$0x30]  }
0x1b7: {  	v7 =	vld [tilespmem:s8+$0x10]  }
0x1b8: {  	v5 =	vld [tilespmem:s8+$0xFFFFFFC0]  }
0x1b9: {  	v1 =	vld.idx.msk [tilespmem:v0+s19+$0x0], $0xffff  }
0x1ba: {  	v9 =	vld [tilespmem:s8+$0xFFFFFFE0]  }
0x1bb: {  	v0 =	vld [tilespmem:s8+$0xFFFFFFF0]  }
0x1bc: {  	v2 =	vld [tilespmem:s8+$0x20]  }
0x1bd: {  	v3 =	vld [tilespmem:s8+$0xFFFFFFD0]  }
0x1be: {  	v8 =	vmul.f32 v4, v1;
	v4 =	vld [tilespmem:s8+$0x0]  }
0x1bf: {  	v6 =	vmul.f32 v5, v1  }
0x1c0: {  	s10 =	simm.s32 $0x7040;
	s9 =	simm.s32 $0x401;
	v5 =	vmul.f32 v9, v1;
	v7 =	vmul.f32 v7, v1  }
.LBB2_20:
0x1c1: {  	p0 =	sne.s32 s9, $0x47F  }
0x1c2: {  	v3 =	vmul.f32 v3, v1;
	v2 =	vmul.f32 v2, v1;
	[tilespmem:s8+$0x30] =	vst v8;
	s10 =	sadd.s32 $0x80, s10;
	s4 =	smov.u32 s9;
	s9 =	sadd.s32 $0x1, s9  }
0x1c3: {  	[tilespmem:s8+$0xFFFFFFC0] =	vst v6;
	v6 =	vmul.f32 v0, v1;
	v1 =	vmul.f32 v4, v1  }
0x1c4: {  	[tilespmem:s8+$0x10] =	vst v7  }
0x1c5: {  	v4 =	vmov s4;
	[tilespmem:s8+$0xFFFFFFE0] =	vst v5  }
0x1c6: {  	v0 =	vld [tilespmem:s10+$0xFFFFFFF0];
	[tilespmem:s8+$0xFFFFFFF0] =	vst v6  }
0x1c7: {  	v5 =	vld [tilespmem:s10+$0x30];
	[tilespmem:s8+$0x0] =	vst v1  }
0x1c8: {  	v7 =	vld [tilespmem:s10+$0x10];
	[tilespmem:s8+$0x20] =	vst v2  }
0x1c9: {  	v6 =	vld [tilespmem:s10+$0xFFFFFFC0];
	[tilespmem:s8+$0xFFFFFFD0] =	vst v3;
	s8 =	smov.u32 s10  }
0x1ca: {  	v1 =	vld.idx.msk [tilespmem:v4+s19+$0x0], $0xffff  }
0x1cb: {  	v9 =	vld [tilespmem:s10+$0xFFFFFFE0]  }
0x1cc: {  	v2 =	vld [tilespmem:s10+$0x20]  }
.Ltmp9:
0x1cd: {  	v3 =	vld [tilespmem:s10+$0xFFFFFFD0];
	(pc) =	sbr.rel @p0 .LBB2_20-.Ltmp9, $3  }
0x1ce: {  	v4 =	vld [tilespmem:s10+$0x0];
	_ =	sdelay $0x1  }
0x1cf: {  	v6 =	vmul.f32 v6, v1;
	v8 =	vmul.f32 v5, v1  }
0x1d0: {  	v7 =	vmul.f32 v7, v1;
	v5 =	vmul.f32 v9, v1  }
0x1d1: {  	[tilespmem:s8+$0x30] =	vst v8  }
0x1d2: {  	[tilespmem:s8+$0xFFFFFFC0] =	vst v6  }
0x1d3: {  	v0 =	vmul.f32 v0, v1;
	[tilespmem:s8+$0x10] =	vst v7  }
0x1d4: {  	v2 =	vmul.f32 v2, v1;
	[tilespmem:s8+$0xFFFFFFE0] =	vst v5  }
0x1d5: {  	v4 =	vmul.f32 v4, v1;
	[tilespmem:s8+$0xFFFFFFF0] =	vst v0  }
0x1d6: {  	v0 =	vmul.f32 v3, v1;
	[tilespmem:s8+$0x20] =	vst v2  }
0x1d7: {  	[tilespmem:s8+$0x0] =	vst v4  }
0x1d8: {  	s4 =	rddreg [dreg:$0xf];
	[tilespmem:s8+$0xFFFFFFD0] =	vst v0  }
0x1d9: {  	[hbm4b:s4+s3] =	stream.linear.scatter [tilespmem:s14], [sflag:$0x9], $0x4000, $0x38;
	[tilespmem:$0x1F000] =	vst v63  }
0x1da: {  	_ =	swait.ge [sflag:s6], $0x4000  }
0x1db: {  	[sflag:s6] =	ssyncset.done $0x0  }
0x1dc: {  	s9 =	simm.s32 $0x680;
	[sflag:s6] =	ssyncadd.s32 $0xFFFFC000  }
0x1dd: {  	[tilespmem:s22], [sflag:$0x7] =	stream.indirect.gather [hbm4b:s2+s12], $0x80, s9, s12, $0xb8;
	[tilespmem:$0x1F000] =	vst v63  }
0x1de: {  	s10 =	simm.s32 $0x480;
	_ =	swait.ge [sflag:s23], $0x4000  }
0x1df: {  	v0 =	vmov s10;
	[sflag:s23] =	ssyncset.done $0x0  }
0x1e0: {  	s8 =	simm.s32 $0xB040;
	[sflag:s23] =	ssyncadd.s32 $0xFFFFC000  }
0x1e1: {  	v4 =	vld [tilespmem:s8+$0x30]  }
0x1e2: {  	v7 =	vld [tilespmem:s8+$0x10]  }
0x1e3: {  	v5 =	vld [tilespmem:s8+$0xFFFFFFC0]  }
0x1e4: {  	v1 =	vld.idx.msk [tilespmem:v0+s19+$0x0], $0xffff  }
0x1e5: {  	v9 =	vld [tilespmem:s8+$0xFFFFFFE0]  }
0x1e6: {  	v0 =	vld [tilespmem:s8+$0xFFFFFFF0]  }
0x1e7: {  	v2 =	vld [tilespmem:s8+$0x20]  }
0x1e8: {  	v3 =	vld [tilespmem:s8+$0xFFFFFFD0]  }
0x1e9: {  	v8 =	vmul.f32 v4, v1;
	v4 =	vld [tilespmem:s8+$0x0]  }
0x1ea: {  	v6 =	vmul.f32 v5, v1  }
0x1eb: {  	s10 =	simm.s32 $0xB040;
	s9 =	simm.s32 $0x481;
	v5 =	vmul.f32 v9, v1;
	v7 =	vmul.f32 v7, v1  }
.LBB2_22:
0x1ec: {  	p0 =	sne.s32 s9, $0x4FF  }
0x1ed: {  	v3 =	vmul.f32 v3, v1;
	v2 =	vmul.f32 v2, v1;
	[tilespmem:s8+$0x30] =	vst v8;
	s10 =	sadd.s32 $0x80, s10;
	s4 =	smov.u32 s9;
	s9 =	sadd.s32 $0x1, s9  }
0x1ee: {  	[tilespmem:s8+$0xFFFFFFC0] =	vst v6;
	v6 =	vmul.f32 v0, v1;
	v1 =	vmul.f32 v4, v1  }
0x1ef: {  	[tilespmem:s8+$0x10] =	vst v7  }
0x1f0: {  	v4 =	vmov s4;
	[tilespmem:s8+$0xFFFFFFE0] =	vst v5  }
0x1f1: {  	v0 =	vld [tilespmem:s10+$0xFFFFFFF0];
	[tilespmem:s8+$0xFFFFFFF0] =	vst v6  }
0x1f2: {  	v5 =	vld [tilespmem:s10+$0x30];
	[tilespmem:s8+$0x0] =	vst v1  }
0x1f3: {  	v7 =	vld [tilespmem:s10+$0x10];
	[tilespmem:s8+$0x20] =	vst v2  }
0x1f4: {  	v6 =	vld [tilespmem:s10+$0xFFFFFFC0];
	[tilespmem:s8+$0xFFFFFFD0] =	vst v3;
	s8 =	smov.u32 s10  }
0x1f5: {  	v1 =	vld.idx.msk [tilespmem:v4+s19+$0x0], $0xffff  }
0x1f6: {  	v9 =	vld [tilespmem:s10+$0xFFFFFFE0]  }
0x1f7: {  	v2 =	vld [tilespmem:s10+$0x20]  }
.Ltmp10:
0x1f8: {  	v3 =	vld [tilespmem:s10+$0xFFFFFFD0];
	(pc) =	sbr.rel @p0 .LBB2_22-.Ltmp10, $3  }
0x1f9: {  	v4 =	vld [tilespmem:s10+$0x0];
	_ =	sdelay $0x1  }
0x1fa: {  	v6 =	vmul.f32 v6, v1;
	v8 =	vmul.f32 v5, v1  }
0x1fb: {  	v7 =	vmul.f32 v7, v1;
	v5 =	vmul.f32 v9, v1  }
0x1fc: {  	[tilespmem:s8+$0x30] =	vst v8  }
0x1fd: {  	[tilespmem:s8+$0xFFFFFFC0] =	vst v6  }
0x1fe: {  	v0 =	vmul.f32 v0, v1;
	[tilespmem:s8+$0x10] =	vst v7  }
0x1ff: {  	v2 =	vmul.f32 v2, v1;
	[tilespmem:s8+$0xFFFFFFE0] =	vst v5  }
0x200: {  	v4 =	vmul.f32 v4, v1;
	[tilespmem:s8+$0xFFFFFFF0] =	vst v0  }
0x201: {  	v0 =	vmul.f32 v3, v1;
	[tilespmem:s8+$0x20] =	vst v2  }
0x202: {  	[tilespmem:s8+$0x0] =	vst v4  }
0x203: {  	s4 =	rddreg [dreg:$0x10];
	[tilespmem:s8+$0xFFFFFFD0] =	vst v0  }
0x204: {  	[hbm4b:s4+s3] =	stream.linear.scatter [tilespmem:s15], [sflag:$0xA], $0x4000, $0x38;
	[tilespmem:$0x1F000] =	vst v63  }
0x205: {  	_ =	swait.ge [sflag:s24], $0x4000  }
0x206: {  	[sflag:s24] =	ssyncset.done $0x0  }
0x207: {  	s9 =	simm.s32 $0x700;
	[sflag:s24] =	ssyncadd.s32 $0xFFFFC000  }
0x208: {  	[tilespmem:s13], [sflag:$0x1] =	stream.indirect.gather [hbm4b:s2+s12], $0x80, s9, s12, $0xb8;
	[tilespmem:$0x1F000] =	vst v63  }
0x209: {  	s10 =	simm.s32 $0x500;
	_ =	swait.ge [sflag:s25], $0x4000  }
0x20a: {  	v0 =	vmov s10;
	[sflag:s25] =	ssyncset.done $0x0  }
0x20b: {  	s8 =	simm.s32 $0xF040;
	[sflag:s25] =	ssyncadd.s32 $0xFFFFC000  }
0x20c: {  	v4 =	vld [tilespmem:s8+$0x30]  }
0x20d: {  	v7 =	vld [tilespmem:s8+$0x10]  }
0x20e: {  	v5 =	vld [tilespmem:s8+$0xFFFFFFC0]  }
0x20f: {  	v1 =	vld.idx.msk [tilespmem:v0+s19+$0x0], $0xffff  }
0x210: {  	v9 =	vld [tilespmem:s8+$0xFFFFFFE0]  }
0x211: {  	v0 =	vld [tilespmem:s8+$0xFFFFFFF0]  }
0x212: {  	v2 =	vld [tilespmem:s8+$0x20]  }
0x213: {  	v3 =	vld [tilespmem:s8+$0xFFFFFFD0]  }
0x214: {  	v8 =	vmul.f32 v4, v1;
	v4 =	vld [tilespmem:s8+$0x0]  }
0x215: {  	v6 =	vmul.f32 v5, v1  }
0x216: {  	s10 =	simm.s32 $0xF040;
	s9 =	simm.s32 $0x501;
	v5 =	vmul.f32 v9, v1;
	v7 =	vmul.f32 v7, v1  }
.LBB2_24:
0x217: {  	p0 =	sne.s32 s9, $0x57F  }
0x218: {  	v3 =	vmul.f32 v3, v1;
	v2 =	vmul.f32 v2, v1;
	[tilespmem:s8+$0x30] =	vst v8;
	s10 =	sadd.s32 $0x80, s10;
	s4 =	smov.u32 s9;
	s9 =	sadd.s32 $0x1, s9  }
0x219: {  	[tilespmem:s8+$0xFFFFFFC0] =	vst v6;
	v6 =	vmul.f32 v0, v1;
	v1 =	vmul.f32 v4, v1  }
0x21a: {  	[tilespmem:s8+$0x10] =	vst v7  }
0x21b: {  	v4 =	vmov s4;
	[tilespmem:s8+$0xFFFFFFE0] =	vst v5  }
0x21c: {  	v0 =	vld [tilespmem:s10+$0xFFFFFFF0];
	[tilespmem:s8+$0xFFFFFFF0] =	vst v6  }
0x21d: {  	v5 =	vld [tilespmem:s10+$0x30];
	[tilespmem:s8+$0x0] =	vst v1  }
0x21e: {  	v7 =	vld [tilespmem:s10+$0x10];
	[tilespmem:s8+$0x20] =	vst v2  }
0x21f: {  	v6 =	vld [tilespmem:s10+$0xFFFFFFC0];
	[tilespmem:s8+$0xFFFFFFD0] =	vst v3;
	s8 =	smov.u32 s10  }
0x220: {  	v1 =	vld.idx.msk [tilespmem:v4+s19+$0x0], $0xffff  }
0x221: {  	v9 =	vld [tilespmem:s10+$0xFFFFFFE0]  }
0x222: {  	v2 =	vld [tilespmem:s10+$0x20]  }
.Ltmp11:
0x223: {  	v3 =	vld [tilespmem:s10+$0xFFFFFFD0];
	(pc) =	sbr.rel @p0 .LBB2_24-.Ltmp11, $3  }
0x224: {  	v4 =	vld [tilespmem:s10+$0x0];
	_ =	sdelay $0x1  }
0x225: {  	v6 =	vmul.f32 v6, v1;
	v8 =	vmul.f32 v5, v1  }
0x226: {  	v7 =	vmul.f32 v7, v1;
	v5 =	vmul.f32 v9, v1  }
0x227: {  	[tilespmem:s8+$0x30] =	vst v8  }
0x228: {  	[tilespmem:s8+$0xFFFFFFC0] =	vst v6  }
0x229: {  	v0 =	vmul.f32 v0, v1;
	[tilespmem:s8+$0x10] =	vst v7  }
0x22a: {  	v2 =	vmul.f32 v2, v1;
	[tilespmem:s8+$0xFFFFFFE0] =	vst v5  }
0x22b: {  	v4 =	vmul.f32 v4, v1;
	[tilespmem:s8+$0xFFFFFFF0] =	vst v0  }
0x22c: {  	v0 =	vmul.f32 v3, v1;
	[tilespmem:s8+$0x20] =	vst v2  }
0x22d: {  	[tilespmem:s8+$0x0] =	vst v4  }
0x22e: {  	s4 =	rddreg [dreg:$0x11];
	[tilespmem:s8+$0xFFFFFFD0] =	vst v0  }
0x22f: {  	[hbm4b:s4+s3] =	stream.linear.scatter [tilespmem:s16], [sflag:$0xB], $0x4000, $0x38;
	[tilespmem:$0x1F000] =	vst v63  }
0x230: {  	_ =	swait.ge [sflag:s26], $0x4000  }
0x231: {  	[sflag:s26] =	ssyncset.done $0x0  }
0x232: {  	s9 =	simm.s32 $0x780;
	[sflag:s26] =	ssyncadd.s32 $0xFFFFC000  }
0x233: {  	[tilespmem:s14], [sflag:$0x2] =	stream.indirect.gather [hbm4b:s2+s12], $0x80, s9, s12, $0xb8;
	[tilespmem:$0x1F000] =	vst v63  }
0x234: {  	s10 =	simm.s32 $0x580;
	_ =	swait.ge [sflag:s28], $0x4000  }
0x235: {  	v0 =	vmov s10;
	[sflag:s28] =	ssyncset.done $0x0  }
0x236: {  	s8 =	simm.s32 $0x13040;
	[sflag:s28] =	ssyncadd.s32 $0xFFFFC000  }
0x237: {  	v4 =	vld [tilespmem:s8+$0x30]  }
0x238: {  	v7 =	vld [tilespmem:s8+$0x10]  }
0x239: {  	v5 =	vld [tilespmem:s8+$0xFFFFFFC0]  }
0x23a: {  	v1 =	vld.idx.msk [tilespmem:v0+s19+$0x0], $0xffff  }
0x23b: {  	v9 =	vld [tilespmem:s8+$0xFFFFFFE0]  }
0x23c: {  	v0 =	vld [tilespmem:s8+$0xFFFFFFF0]  }
0x23d: {  	v2 =	vld [tilespmem:s8+$0x20]  }
0x23e: {  	v3 =	vld [tilespmem:s8+$0xFFFFFFD0]  }
0x23f: {  	v8 =	vmul.f32 v4, v1;
	v4 =	vld [tilespmem:s8+$0x0]  }
0x240: {  	v6 =	vmul.f32 v5, v1  }
0x241: {  	s10 =	simm.s32 $0x13040;
	s9 =	simm.s32 $0x581;
	v5 =	vmul.f32 v9, v1;
	v7 =	vmul.f32 v7, v1  }
.LBB2_26:
0x242: {  	p0 =	sne.s32 s9, $0x5FF  }
0x243: {  	v3 =	vmul.f32 v3, v1;
	v2 =	vmul.f32 v2, v1;
	[tilespmem:s8+$0x30] =	vst v8;
	s10 =	sadd.s32 $0x80, s10;
	s4 =	smov.u32 s9;
	s9 =	sadd.s32 $0x1, s9  }
0x244: {  	[tilespmem:s8+$0xFFFFFFC0] =	vst v6;
	v6 =	vmul.f32 v0, v1;
	v1 =	vmul.f32 v4, v1  }
0x245: {  	[tilespmem:s8+$0x10] =	vst v7  }
0x246: {  	v4 =	vmov s4;
	[tilespmem:s8+$0xFFFFFFE0] =	vst v5  }
0x247: {  	v0 =	vld [tilespmem:s10+$0xFFFFFFF0];
	[tilespmem:s8+$0xFFFFFFF0] =	vst v6  }
0x248: {  	v5 =	vld [tilespmem:s10+$0x30];
	[tilespmem:s8+$0x0] =	vst v1  }
0x249: {  	v7 =	vld [tilespmem:s10+$0x10];
	[tilespmem:s8+$0x20] =	vst v2  }
0x24a: {  	v6 =	vld [tilespmem:s10+$0xFFFFFFC0];
	[tilespmem:s8+$0xFFFFFFD0] =	vst v3;
	s8 =	smov.u32 s10  }
0x24b: {  	v1 =	vld.idx.msk [tilespmem:v4+s19+$0x0], $0xffff  }
0x24c: {  	v9 =	vld [tilespmem:s10+$0xFFFFFFE0]  }
0x24d: {  	v2 =	vld [tilespmem:s10+$0x20]  }
.Ltmp12:
0x24e: {  	v3 =	vld [tilespmem:s10+$0xFFFFFFD0];
	(pc) =	sbr.rel @p0 .LBB2_26-.Ltmp12, $3  }
0x24f: {  	v4 =	vld [tilespmem:s10+$0x0];
	_ =	sdelay $0x1  }
0x250: {  	v6 =	vmul.f32 v6, v1;
	v8 =	vmul.f32 v5, v1  }
0x251: {  	v7 =	vmul.f32 v7, v1;
	v5 =	vmul.f32 v9, v1  }
0x252: {  	[tilespmem:s8+$0x30] =	vst v8  }
0x253: {  	[tilespmem:s8+$0xFFFFFFC0] =	vst v6  }
0x254: {  	v0 =	vmul.f32 v0, v1;
	[tilespmem:s8+$0x10] =	vst v7  }
0x255: {  	v2 =	vmul.f32 v2, v1;
	[tilespmem:s8+$0xFFFFFFE0] =	vst v5  }
0x256: {  	v4 =	vmul.f32 v4, v1;
	[tilespmem:s8+$0xFFFFFFF0] =	vst v0  }
0x257: {  	v0 =	vmul.f32 v3, v1;
	[tilespmem:s8+$0x20] =	vst v2  }
0x258: {  	[tilespmem:s8+$0x0] =	vst v4  }
0x259: {  	s4 =	rddreg [dreg:$0x12];
	[tilespmem:s8+$0xFFFFFFD0] =	vst v0  }
0x25a: {  	[hbm4b:s4+s3] =	stream.linear.scatter [tilespmem:s17], [sflag:$0xC], $0x4000, $0x38;
	[tilespmem:$0x1F000] =	vst v63  }
0x25b: {  	_ =	swait.ge [sflag:s29], $0x4000  }
0x25c: {  	[sflag:s29] =	ssyncset.done $0x0  }
0x25d: {  	s9 =	simm.s32 $0x800;
	[sflag:s29] =	ssyncadd.s32 $0xFFFFC000  }
0x25e: {  	[tilespmem:s15], [sflag:$0x3] =	stream.indirect.gather [hbm4b:s2+s12], $0x80, s9, s12, $0xb8;
	[tilespmem:$0x1F000] =	vst v63  }
0x25f: {  	s10 =	simm.s32 $0x600;
	_ =	swait.ge [sflag:s30], $0x4000  }
0x260: {  	v0 =	vmov s10;
	[sflag:s30] =	ssyncset.done $0x0  }
0x261: {  	s8 =	simm.s32 $0x17040;
	[sflag:s30] =	ssyncadd.s32 $0xFFFFC000  }
0x262: {  	v4 =	vld [tilespmem:s8+$0x30]  }
0x263: {  	v7 =	vld [tilespmem:s8+$0x10]  }
0x264: {  	v5 =	vld [tilespmem:s8+$0xFFFFFFC0]  }
0x265: {  	v1 =	vld.idx.msk [tilespmem:v0+s19+$0x0], $0xffff  }
0x266: {  	v9 =	vld [tilespmem:s8+$0xFFFFFFE0]  }
0x267: {  	v0 =	vld [tilespmem:s8+$0xFFFFFFF0]  }
0x268: {  	v2 =	vld [tilespmem:s8+$0x20]  }
0x269: {  	v3 =	vld [tilespmem:s8+$0xFFFFFFD0]  }
0x26a: {  	v8 =	vmul.f32 v4, v1;
	v4 =	vld [tilespmem:s8+$0x0]  }
0x26b: {  	v6 =	vmul.f32 v5, v1  }
0x26c: {  	s10 =	simm.s32 $0x17040;
	s9 =	simm.s32 $0x601;
	v5 =	vmul.f32 v9, v1;
	v7 =	vmul.f32 v7, v1  }
.LBB2_28:
0x26d: {  	p0 =	sne.s32 s9, $0x67F  }
0x26e: {  	v3 =	vmul.f32 v3, v1;
	v2 =	vmul.f32 v2, v1;
	[tilespmem:s8+$0x30] =	vst v8;
	s10 =	sadd.s32 $0x80, s10;
	s4 =	smov.u32 s9;
	s9 =	sadd.s32 $0x1, s9  }
0x26f: {  	[tilespmem:s8+$0xFFFFFFC0] =	vst v6;
	v6 =	vmul.f32 v0, v1;
	v1 =	vmul.f32 v4, v1  }
0x270: {  	[tilespmem:s8+$0x10] =	vst v7  }
0x271: {  	v4 =	vmov s4;
	[tilespmem:s8+$0xFFFFFFE0] =	vst v5  }
0x272: {  	v0 =	vld [tilespmem:s10+$0xFFFFFFF0];
	[tilespmem:s8+$0xFFFFFFF0] =	vst v6  }
0x273: {  	v5 =	vld [tilespmem:s10+$0x30];
	[tilespmem:s8+$0x0] =	vst v1  }
0x274: {  	v7 =	vld [tilespmem:s10+$0x10];
	[tilespmem:s8+$0x20] =	vst v2  }
0x275: {  	v6 =	vld [tilespmem:s10+$0xFFFFFFC0];
	[tilespmem:s8+$0xFFFFFFD0] =	vst v3;
	s8 =	smov.u32 s10  }
0x276: {  	v1 =	vld.idx.msk [tilespmem:v4+s19+$0x0], $0xffff  }
0x277: {  	v9 =	vld [tilespmem:s10+$0xFFFFFFE0]  }
0x278: {  	v2 =	vld [tilespmem:s10+$0x20]  }
.Ltmp13:
0x279: {  	v3 =	vld [tilespmem:s10+$0xFFFFFFD0];
	(pc) =	sbr.rel @p0 .LBB2_28-.Ltmp13, $3  }
0x27a: {  	v4 =	vld [tilespmem:s10+$0x0];
	_ =	sdelay $0x1  }
0x27b: {  	v6 =	vmul.f32 v6, v1;
	v8 =	vmul.f32 v5, v1  }
0x27c: {  	v7 =	vmul.f32 v7, v1;
	v5 =	vmul.f32 v9, v1  }
0x27d: {  	[tilespmem:s8+$0x30] =	vst v8  }
0x27e: {  	[tilespmem:s8+$0xFFFFFFC0] =	vst v6  }
0x27f: {  	v0 =	vmul.f32 v0, v1;
	[tilespmem:s8+$0x10] =	vst v7  }
0x280: {  	v2 =	vmul.f32 v2, v1;
	[tilespmem:s8+$0xFFFFFFE0] =	vst v5  }
0x281: {  	v4 =	vmul.f32 v4, v1;
	[tilespmem:s8+$0xFFFFFFF0] =	vst v0  }
0x282: {  	v0 =	vmul.f32 v3, v1;
	[tilespmem:s8+$0x20] =	vst v2  }
0x283: {  	[tilespmem:s8+$0x0] =	vst v4  }
0x284: {  	s4 =	rddreg [dreg:$0x13];
	[tilespmem:s8+$0xFFFFFFD0] =	vst v0  }
0x285: {  	[hbm4b:s4+s3] =	stream.linear.scatter [tilespmem:s20], [sflag:$0xD], $0x4000, $0x38;
	[tilespmem:$0x1F000] =	vst v63  }
0x286: {  	_ =	swait.ge [sflag:s31], $0x4000  }
0x287: {  	[sflag:s31] =	ssyncset.done $0x0  }
0x288: {  	s9 =	simm.s32 $0x880;
	[sflag:s31] =	ssyncadd.s32 $0xFFFFC000  }
0x289: {  	[tilespmem:s16], [sflag:$0x4] =	stream.indirect.gather [hbm4b:s2+s12], $0x80, s9, s12, $0xb8;
	[tilespmem:$0x1F000] =	vst v63  }
0x28a: {  	s10 =	simm.s32 $0x680;
	_ =	swait.ge [sflag:s0], $0x4000  }
0x28b: {  	v0 =	vmov s10;
	[sflag:s0] =	ssyncset.done $0x0  }
0x28c: {  	s8 =	simm.s32 $0x1B040;
	[sflag:s0] =	ssyncadd.s32 $0xFFFFC000  }
0x28d: {  	v4 =	vld [tilespmem:s8+$0x30]  }
0x28e: {  	v7 =	vld [tilespmem:s8+$0x10]  }
0x28f: {  	v5 =	vld [tilespmem:s8+$0xFFFFFFC0]  }
0x290: {  	v1 =	vld.idx.msk [tilespmem:v0+s19+$0x0], $0xffff  }
0x291: {  	v9 =	vld [tilespmem:s8+$0xFFFFFFE0]  }
0x292: {  	v0 =	vld [tilespmem:s8+$0xFFFFFFF0]  }
0x293: {  	v2 =	vld [tilespmem:s8+$0x20]  }
0x294: {  	v3 =	vld [tilespmem:s8+$0xFFFFFFD0]  }
0x295: {  	v8 =	vmul.f32 v4, v1;
	v4 =	vld [tilespmem:s8+$0x0]  }
0x296: {  	v6 =	vmul.f32 v5, v1  }
0x297: {  	s10 =	simm.s32 $0x1B040;
	s9 =	simm.s32 $0x681;
	v5 =	vmul.f32 v9, v1;
	v7 =	vmul.f32 v7, v1  }
.LBB2_30:
0x298: {  	p0 =	sne.s32 s9, $0x6FF  }
0x299: {  	v3 =	vmul.f32 v3, v1;
	v2 =	vmul.f32 v2, v1;
	[tilespmem:s8+$0x30] =	vst v8;
	s10 =	sadd.s32 $0x80, s10;
	s4 =	smov.u32 s9;
	s9 =	sadd.s32 $0x1, s9  }
0x29a: {  	[tilespmem:s8+$0xFFFFFFC0] =	vst v6;
	v6 =	vmul.f32 v0, v1;
	v1 =	vmul.f32 v4, v1  }
0x29b: {  	[tilespmem:s8+$0x10] =	vst v7  }
0x29c: {  	v4 =	vmov s4;
	[tilespmem:s8+$0xFFFFFFE0] =	vst v5  }
0x29d: {  	v0 =	vld [tilespmem:s10+$0xFFFFFFF0];
	[tilespmem:s8+$0xFFFFFFF0] =	vst v6  }
0x29e: {  	v5 =	vld [tilespmem:s10+$0x30];
	[tilespmem:s8+$0x0] =	vst v1  }
0x29f: {  	v7 =	vld [tilespmem:s10+$0x10];
	[tilespmem:s8+$0x20] =	vst v2  }
0x2a0: {  	v6 =	vld [tilespmem:s10+$0xFFFFFFC0];
	[tilespmem:s8+$0xFFFFFFD0] =	vst v3;
	s8 =	smov.u32 s10  }
0x2a1: {  	v1 =	vld.idx.msk [tilespmem:v4+s19+$0x0], $0xffff  }
0x2a2: {  	v9 =	vld [tilespmem:s10+$0xFFFFFFE0]  }
0x2a3: {  	v2 =	vld [tilespmem:s10+$0x20]  }
.Ltmp14:
0x2a4: {  	v3 =	vld [tilespmem:s10+$0xFFFFFFD0];
	(pc) =	sbr.rel @p0 .LBB2_30-.Ltmp14, $3  }
0x2a5: {  	v4 =	vld [tilespmem:s10+$0x0];
	_ =	sdelay $0x1  }
0x2a6: {  	v6 =	vmul.f32 v6, v1;
	v8 =	vmul.f32 v5, v1  }
0x2a7: {  	v7 =	vmul.f32 v7, v1;
	v5 =	vmul.f32 v9, v1  }
0x2a8: {  	[tilespmem:s8+$0x30] =	vst v8  }
0x2a9: {  	[tilespmem:s8+$0xFFFFFFC0] =	vst v6  }
0x2aa: {  	v0 =	vmul.f32 v0, v1;
	[tilespmem:s8+$0x10] =	vst v7  }
0x2ab: {  	v2 =	vmul.f32 v2, v1;
	[tilespmem:s8+$0xFFFFFFE0] =	vst v5  }
0x2ac: {  	v4 =	vmul.f32 v4, v1;
	[tilespmem:s8+$0xFFFFFFF0] =	vst v0  }
0x2ad: {  	v0 =	vmul.f32 v3, v1;
	[tilespmem:s8+$0x20] =	vst v2  }
0x2ae: {  	[tilespmem:s8+$0x0] =	vst v4  }
0x2af: {  	s4 =	rddreg [dreg:$0x14];
	[tilespmem:s8+$0xFFFFFFD0] =	vst v0  }
0x2b0: {  	[hbm4b:s4+s3] =	stream.linear.scatter [tilespmem:s22], [sflag:$0xE], $0x4000, $0x38;
	[tilespmem:$0x1F000] =	vst v63  }
0x2b1: {  	_ =	swait.ge [sflag:s1], $0x4000  }
0x2b2: {  	[sflag:s1] =	ssyncset.done $0x0  }
0x2b3: {  	s9 =	simm.s32 $0x900;
	[sflag:s1] =	ssyncadd.s32 $0xFFFFC000  }
0x2b4: {  	[tilespmem:s17], [sflag:$0x5] =	stream.indirect.gather [hbm4b:s2+s12], $0x80, s9, s12, $0xb8;
	[tilespmem:$0x1F000] =	vst v63  }
0x2b5: {  	s10 =	simm.s32 $0x700;
	_ =	swait.ge [sflag:s18], $0x4000  }
0x2b6: {  	v0 =	vmov s10;
	[sflag:s18] =	ssyncset.done $0x0  }
0x2b7: {  	s8 =	simm.s32 $0x3040;
	[sflag:s18] =	ssyncadd.s32 $0xFFFFC000  }
0x2b8: {  	v4 =	vld [tilespmem:s8+$0x30]  }
0x2b9: {  	v7 =	vld [tilespmem:s8+$0x10]  }
0x2ba: {  	v5 =	vld [tilespmem:s8+$0xFFFFFFC0]  }
0x2bb: {  	v1 =	vld.idx.msk [tilespmem:v0+s19+$0x0], $0xffff  }
0x2bc: {  	v9 =	vld [tilespmem:s8+$0xFFFFFFE0]  }
0x2bd: {  	v0 =	vld [tilespmem:s8+$0xFFFFFFF0]  }
0x2be: {  	v2 =	vld [tilespmem:s8+$0x20]  }
0x2bf: {  	v3 =	vld [tilespmem:s8+$0xFFFFFFD0]  }
0x2c0: {  	v8 =	vmul.f32 v4, v1;
	v4 =	vld [tilespmem:s8+$0x0]  }
0x2c1: {  	v6 =	vmul.f32 v5, v1  }
0x2c2: {  	s10 =	simm.s32 $0x3040;
	s9 =	simm.s32 $0x701;
	v5 =	vmul.f32 v9, v1;
	v7 =	vmul.f32 v7, v1  }
.LBB2_32:
0x2c3: {  	p0 =	sne.s32 s9, $0x77F  }
0x2c4: {  	v3 =	vmul.f32 v3, v1;
	v2 =	vmul.f32 v2, v1;
	[tilespmem:s8+$0x30] =	vst v8;
	s10 =	sadd.s32 $0x80, s10;
	s4 =	smov.u32 s9;
	s9 =	sadd.s32 $0x1, s9  }
0x2c5: {  	[tilespmem:s8+$0xFFFFFFC0] =	vst v6;
	v6 =	vmul.f32 v0, v1;
	v1 =	vmul.f32 v4, v1  }
0x2c6: {  	[tilespmem:s8+$0x10] =	vst v7  }
0x2c7: {  	v4 =	vmov s4;
	[tilespmem:s8+$0xFFFFFFE0] =	vst v5  }
0x2c8: {  	v0 =	vld [tilespmem:s10+$0xFFFFFFF0];
	[tilespmem:s8+$0xFFFFFFF0] =	vst v6  }
0x2c9: {  	v5 =	vld [tilespmem:s10+$0x30];
	[tilespmem:s8+$0x0] =	vst v1  }
0x2ca: {  	v7 =	vld [tilespmem:s10+$0x10];
	[tilespmem:s8+$0x20] =	vst v2  }
0x2cb: {  	v6 =	vld [tilespmem:s10+$0xFFFFFFC0];
	[tilespmem:s8+$0xFFFFFFD0] =	vst v3;
	s8 =	smov.u32 s10  }
0x2cc: {  	v1 =	vld.idx.msk [tilespmem:v4+s19+$0x0], $0xffff  }
0x2cd: {  	v9 =	vld [tilespmem:s10+$0xFFFFFFE0]  }
0x2ce: {  	v2 =	vld [tilespmem:s10+$0x20]  }
.Ltmp15:
0x2cf: {  	v3 =	vld [tilespmem:s10+$0xFFFFFFD0];
	(pc) =	sbr.rel @p0 .LBB2_32-.Ltmp15, $3  }
0x2d0: {  	v4 =	vld [tilespmem:s10+$0x0];
	_ =	sdelay $0x1  }
0x2d1: {  	v6 =	vmul.f32 v6, v1;
	v8 =	vmul.f32 v5, v1  }
0x2d2: {  	v7 =	vmul.f32 v7, v1;
	v5 =	vmul.f32 v9, v1  }
0x2d3: {  	[tilespmem:s8+$0x30] =	vst v8  }
0x2d4: {  	[tilespmem:s8+$0xFFFFFFC0] =	vst v6  }
0x2d5: {  	v0 =	vmul.f32 v0, v1;
	[tilespmem:s8+$0x10] =	vst v7  }
0x2d6: {  	v2 =	vmul.f32 v2, v1;
	[tilespmem:s8+$0xFFFFFFE0] =	vst v5  }
0x2d7: {  	v4 =	vmul.f32 v4, v1;
	[tilespmem:s8+$0xFFFFFFF0] =	vst v0  }
0x2d8: {  	v0 =	vmul.f32 v3, v1;
	[tilespmem:s8+$0x20] =	vst v2  }
0x2d9: {  	[tilespmem:s8+$0x0] =	vst v4  }
0x2da: {  	s4 =	rddreg [dreg:$0x15];
	[tilespmem:s8+$0xFFFFFFD0] =	vst v0  }
0x2db: {  	[hbm4b:s4+s3] =	stream.linear.scatter [tilespmem:s13], [sflag:$0x8], $0x4000, $0x38;
	[tilespmem:$0x1F000] =	vst v63  }
0x2dc: {  	_ =	swait.ge [sflag:s5], $0x4000  }
0x2dd: {  	[sflag:s5] =	ssyncset.done $0x0  }
0x2de: {  	s9 =	simm.s32 $0x980;
	[sflag:s5] =	ssyncadd.s32 $0xFFFFC000  }
0x2df: {  	[tilespmem:s20], [sflag:$0x6] =	stream.indirect.gather [hbm4b:s2+s12], $0x80, s9, s12, $0xb8;
	[tilespmem:$0x1F000] =	vst v63  }
0x2e0: {  	s10 =	simm.s32 $0x780;
	_ =	swait.ge [sflag:s21], $0x4000  }
0x2e1: {  	v0 =	vmov s10;
	[sflag:s21] =	ssyncset.done $0x0  }
0x2e2: {  	s8 =	simm.s32 $0x7040;
	[sflag:s21] =	ssyncadd.s32 $0xFFFFC000  }
0x2e3: {  	v4 =	vld [tilespmem:s8+$0x30]  }
0x2e4: {  	v7 =	vld [tilespmem:s8+$0x10]  }
0x2e5: {  	v5 =	vld [tilespmem:s8+$0xFFFFFFC0]  }
0x2e6: {  	v1 =	vld.idx.msk [tilespmem:v0+s19+$0x0], $0xffff  }
0x2e7: {  	v9 =	vld [tilespmem:s8+$0xFFFFFFE0]  }
0x2e8: {  	v0 =	vld [tilespmem:s8+$0xFFFFFFF0]  }
0x2e9: {  	v2 =	vld [tilespmem:s8+$0x20]  }
0x2ea: {  	v3 =	vld [tilespmem:s8+$0xFFFFFFD0]  }
0x2eb: {  	v8 =	vmul.f32 v4, v1;
	v4 =	vld [tilespmem:s8+$0x0]  }
0x2ec: {  	v6 =	vmul.f32 v5, v1  }
0x2ed: {  	s10 =	simm.s32 $0x7040;
	s9 =	simm.s32 $0x781;
	v5 =	vmul.f32 v9, v1;
	v7 =	vmul.f32 v7, v1  }
.LBB2_34:
0x2ee: {  	p0 =	sne.s32 s9, $0x7FF  }
0x2ef: {  	v3 =	vmul.f32 v3, v1;
	v2 =	vmul.f32 v2, v1;
	[tilespmem:s8+$0x30] =	vst v8;
	s10 =	sadd.s32 $0x80, s10;
	s4 =	smov.u32 s9;
	s9 =	sadd.s32 $0x1, s9  }
0x2f0: {  	[tilespmem:s8+$0xFFFFFFC0] =	vst v6;
	v6 =	vmul.f32 v0, v1;
	v1 =	vmul.f32 v4, v1  }
0x2f1: {  	[tilespmem:s8+$0x10] =	vst v7  }
0x2f2: {  	v4 =	vmov s4;
	[tilespmem:s8+$0xFFFFFFE0] =	vst v5  }
0x2f3: {  	v0 =	vld [tilespmem:s10+$0xFFFFFFF0];
	[tilespmem:s8+$0xFFFFFFF0] =	vst v6  }
0x2f4: {  	v5 =	vld [tilespmem:s10+$0x30];
	[tilespmem:s8+$0x0] =	vst v1  }
0x2f5: {  	v7 =	vld [tilespmem:s10+$0x10];
	[tilespmem:s8+$0x20] =	vst v2  }
0x2f6: {  	v6 =	vld [tilespmem:s10+$0xFFFFFFC0];
	[tilespmem:s8+$0xFFFFFFD0] =	vst v3;
	s8 =	smov.u32 s10  }
0x2f7: {  	v1 =	vld.idx.msk [tilespmem:v4+s19+$0x0], $0xffff  }
0x2f8: {  	v9 =	vld [tilespmem:s10+$0xFFFFFFE0]  }
0x2f9: {  	v2 =	vld [tilespmem:s10+$0x20]  }
.Ltmp16:
0x2fa: {  	v3 =	vld [tilespmem:s10+$0xFFFFFFD0];
	(pc) =	sbr.rel @p0 .LBB2_34-.Ltmp16, $3  }
0x2fb: {  	v4 =	vld [tilespmem:s10+$0x0];
	_ =	sdelay $0x1  }
0x2fc: {  	v6 =	vmul.f32 v6, v1;
	v8 =	vmul.f32 v5, v1  }
0x2fd: {  	v7 =	vmul.f32 v7, v1;
	v5 =	vmul.f32 v9, v1  }
0x2fe: {  	[tilespmem:s8+$0x30] =	vst v8  }
0x2ff: {  	[tilespmem:s8+$0xFFFFFFC0] =	vst v6  }
0x300: {  	v0 =	vmul.f32 v0, v1;
	[tilespmem:s8+$0x10] =	vst v7  }
0x301: {  	v2 =	vmul.f32 v2, v1;
	[tilespmem:s8+$0xFFFFFFE0] =	vst v5  }
0x302: {  	v4 =	vmul.f32 v4, v1;
	[tilespmem:s8+$0xFFFFFFF0] =	vst v0  }
0x303: {  	v0 =	vmul.f32 v3, v1;
	[tilespmem:s8+$0x20] =	vst v2  }
0x304: {  	[tilespmem:s8+$0x0] =	vst v4  }
0x305: {  	s4 =	rddreg [dreg:$0x16];
	[tilespmem:s8+$0xFFFFFFD0] =	vst v0  }
0x306: {  	[hbm4b:s4+s3] =	stream.linear.scatter [tilespmem:s14], [sflag:$0x9], $0x4000, $0x38;
	[tilespmem:$0x1F000] =	vst v63  }
0x307: {  	_ =	swait.ge [sflag:s6], $0x4000  }
0x308: {  	[sflag:s6] =	ssyncset.done $0x0  }
0x309: {  	s9 =	simm.s32 $0xA00;
	[sflag:s6] =	ssyncadd.s32 $0xFFFFC000  }
0x30a: {  	[tilespmem:s22], [sflag:$0x7] =	stream.indirect.gather [hbm4b:s2+s12], $0x80, s9, s12, $0xb8;
	[tilespmem:$0x1F000] =	vst v63  }
0x30b: {  	s10 =	simm.s32 $0x800;
	_ =	swait.ge [sflag:s23], $0x4000  }
0x30c: {  	v0 =	vmov s10;
	[sflag:s23] =	ssyncset.done $0x0  }
0x30d: {  	s8 =	simm.s32 $0xB040;
	[sflag:s23] =	ssyncadd.s32 $0xFFFFC000  }
0x30e: {  	v4 =	vld [tilespmem:s8+$0x30]  }
0x30f: {  	v7 =	vld [tilespmem:s8+$0x10]  }
0x310: {  	v5 =	vld [tilespmem:s8+$0xFFFFFFC0]  }
0x311: {  	v1 =	vld.idx.msk [tilespmem:v0+s19+$0x0], $0xffff  }
0x312: {  	v9 =	vld [tilespmem:s8+$0xFFFFFFE0]  }
0x313: {  	v0 =	vld [tilespmem:s8+$0xFFFFFFF0]  }
0x314: {  	v2 =	vld [tilespmem:s8+$0x20]  }
0x315: {  	v3 =	vld [tilespmem:s8+$0xFFFFFFD0]  }
0x316: {  	v8 =	vmul.f32 v4, v1;
	v4 =	vld [tilespmem:s8+$0x0]  }
0x317: {  	v6 =	vmul.f32 v5, v1  }
0x318: {  	s10 =	simm.s32 $0xB040;
	s9 =	simm.s32 $0x801;
	v5 =	vmul.f32 v9, v1;
	v7 =	vmul.f32 v7, v1  }
.LBB2_36:
0x319: {  	p0 =	sne.s32 s9, $0x87F  }
0x31a: {  	v3 =	vmul.f32 v3, v1;
	v2 =	vmul.f32 v2, v1;
	[tilespmem:s8+$0x30] =	vst v8;
	s10 =	sadd.s32 $0x80, s10;
	s4 =	smov.u32 s9;
	s9 =	sadd.s32 $0x1, s9  }
0x31b: {  	[tilespmem:s8+$0xFFFFFFC0] =	vst v6;
	v6 =	vmul.f32 v0, v1;
	v1 =	vmul.f32 v4, v1  }
0x31c: {  	[tilespmem:s8+$0x10] =	vst v7  }
0x31d: {  	v4 =	vmov s4;
	[tilespmem:s8+$0xFFFFFFE0] =	vst v5  }
0x31e: {  	v0 =	vld [tilespmem:s10+$0xFFFFFFF0];
	[tilespmem:s8+$0xFFFFFFF0] =	vst v6  }
0x31f: {  	v5 =	vld [tilespmem:s10+$0x30];
	[tilespmem:s8+$0x0] =	vst v1  }
0x320: {  	v7 =	vld [tilespmem:s10+$0x10];
	[tilespmem:s8+$0x20] =	vst v2  }
0x321: {  	v6 =	vld [tilespmem:s10+$0xFFFFFFC0];
	[tilespmem:s8+$0xFFFFFFD0] =	vst v3;
	s8 =	smov.u32 s10  }
0x322: {  	v1 =	vld.idx.msk [tilespmem:v4+s19+$0x0], $0xffff  }
0x323: {  	v9 =	vld [tilespmem:s10+$0xFFFFFFE0]  }
0x324: {  	v2 =	vld [tilespmem:s10+$0x20]  }
.Ltmp17:
0x325: {  	v3 =	vld [tilespmem:s10+$0xFFFFFFD0];
	(pc) =	sbr.rel @p0 .LBB2_36-.Ltmp17, $3  }
0x326: {  	v4 =	vld [tilespmem:s10+$0x0];
	_ =	sdelay $0x1  }
0x327: {  	v6 =	vmul.f32 v6, v1;
	v8 =	vmul.f32 v5, v1  }
0x328: {  	v7 =	vmul.f32 v7, v1;
	v5 =	vmul.f32 v9, v1  }
0x329: {  	[tilespmem:s8+$0x30] =	vst v8  }
0x32a: {  	[tilespmem:s8+$0xFFFFFFC0] =	vst v6  }
0x32b: {  	v0 =	vmul.f32 v0, v1;
	[tilespmem:s8+$0x10] =	vst v7  }
0x32c: {  	v2 =	vmul.f32 v2, v1;
	[tilespmem:s8+$0xFFFFFFE0] =	vst v5  }
0x32d: {  	v4 =	vmul.f32 v4, v1;
	[tilespmem:s8+$0xFFFFFFF0] =	vst v0  }
0x32e: {  	v0 =	vmul.f32 v3, v1;
	[tilespmem:s8+$0x20] =	vst v2  }
0x32f: {  	[tilespmem:s8+$0x0] =	vst v4  }
0x330: {  	s4 =	rddreg [dreg:$0x17];
	[tilespmem:s8+$0xFFFFFFD0] =	vst v0  }
0x331: {  	[hbm4b:s4+s3] =	stream.linear.scatter [tilespmem:s15], [sflag:$0xA], $0x4000, $0x38;
	[tilespmem:$0x1F000] =	vst v63  }
0x332: {  	_ =	swait.ge [sflag:s24], $0x4000  }
0x333: {  	[sflag:s24] =	ssyncset.done $0x0  }
0x334: {  	s9 =	simm.s32 $0xA80;
	[sflag:s24] =	ssyncadd.s32 $0xFFFFC000  }
0x335: {  	[tilespmem:s13], [sflag:$0x1] =	stream.indirect.gather [hbm4b:s2+s12], $0x80, s9, s12, $0xb8;
	[tilespmem:$0x1F000] =	vst v63  }
0x336: {  	s10 =	simm.s32 $0x880;
	_ =	swait.ge [sflag:s25], $0x4000  }
0x337: {  	v0 =	vmov s10;
	[sflag:s25] =	ssyncset.done $0x0  }
0x338: {  	s8 =	simm.s32 $0xF040;
	[sflag:s25] =	ssyncadd.s32 $0xFFFFC000  }
0x339: {  	v4 =	vld [tilespmem:s8+$0x30]  }
0x33a: {  	v7 =	vld [tilespmem:s8+$0x10]  }
0x33b: {  	v5 =	vld [tilespmem:s8+$0xFFFFFFC0]  }
0x33c: {  	v1 =	vld.idx.msk [tilespmem:v0+s19+$0x0], $0xffff  }
0x33d: {  	v9 =	vld [tilespmem:s8+$0xFFFFFFE0]  }
0x33e: {  	v0 =	vld [tilespmem:s8+$0xFFFFFFF0]  }
0x33f: {  	v2 =	vld [tilespmem:s8+$0x20]  }
0x340: {  	v3 =	vld [tilespmem:s8+$0xFFFFFFD0]  }
0x341: {  	v8 =	vmul.f32 v4, v1;
	v4 =	vld [tilespmem:s8+$0x0]  }
0x342: {  	v6 =	vmul.f32 v5, v1  }
0x343: {  	s10 =	simm.s32 $0xF040;
	s9 =	simm.s32 $0x881;
	v5 =	vmul.f32 v9, v1;
	v7 =	vmul.f32 v7, v1  }
.LBB2_38:
0x344: {  	p0 =	sne.s32 s9, $0x8FF  }
0x345: {  	v3 =	vmul.f32 v3, v1;
	v2 =	vmul.f32 v2, v1;
	[tilespmem:s8+$0x30] =	vst v8;
	s10 =	sadd.s32 $0x80, s10;
	s4 =	smov.u32 s9;
	s9 =	sadd.s32 $0x1, s9  }
0x346: {  	[tilespmem:s8+$0xFFFFFFC0] =	vst v6;
	v6 =	vmul.f32 v0, v1;
	v1 =	vmul.f32 v4, v1  }
0x347: {  	[tilespmem:s8+$0x10] =	vst v7  }
0x348: {  	v4 =	vmov s4;
	[tilespmem:s8+$0xFFFFFFE0] =	vst v5  }
0x349: {  	v0 =	vld [tilespmem:s10+$0xFFFFFFF0];
	[tilespmem:s8+$0xFFFFFFF0] =	vst v6  }
0x34a: {  	v5 =	vld [tilespmem:s10+$0x30];
	[tilespmem:s8+$0x0] =	vst v1  }
0x34b: {  	v7 =	vld [tilespmem:s10+$0x10];
	[tilespmem:s8+$0x20] =	vst v2  }
0x34c: {  	v6 =	vld [tilespmem:s10+$0xFFFFFFC0];
	[tilespmem:s8+$0xFFFFFFD0] =	vst v3;
	s8 =	smov.u32 s10  }
0x34d: {  	v1 =	vld.idx.msk [tilespmem:v4+s19+$0x0], $0xffff  }
0x34e: {  	v9 =	vld [tilespmem:s10+$0xFFFFFFE0]  }
0x34f: {  	v2 =	vld [tilespmem:s10+$0x20]  }
.Ltmp18:
0x350: {  	v3 =	vld [tilespmem:s10+$0xFFFFFFD0];
	(pc) =	sbr.rel @p0 .LBB2_38-.Ltmp18, $3  }
0x351: {  	v4 =	vld [tilespmem:s10+$0x0];
	_ =	sdelay $0x1  }
0x352: {  	v6 =	vmul.f32 v6, v1;
	v8 =	vmul.f32 v5, v1  }
0x353: {  	v7 =	vmul.f32 v7, v1;
	v5 =	vmul.f32 v9, v1  }
0x354: {  	[tilespmem:s8+$0x30] =	vst v8  }
0x355: {  	[tilespmem:s8+$0xFFFFFFC0] =	vst v6  }
0x356: {  	v0 =	vmul.f32 v0, v1;
	[tilespmem:s8+$0x10] =	vst v7  }
0x357: {  	v2 =	vmul.f32 v2, v1;
	[tilespmem:s8+$0xFFFFFFE0] =	vst v5  }
0x358: {  	v4 =	vmul.f32 v4, v1;
	[tilespmem:s8+$0xFFFFFFF0] =	vst v0  }
0x359: {  	v0 =	vmul.f32 v3, v1;
	[tilespmem:s8+$0x20] =	vst v2  }
0x35a: {  	[tilespmem:s8+$0x0] =	vst v4  }
0x35b: {  	s4 =	rddreg [dreg:$0x18];
	[tilespmem:s8+$0xFFFFFFD0] =	vst v0  }
0x35c: {  	[hbm4b:s4+s3] =	stream.linear.scatter [tilespmem:s16], [sflag:$0xB], $0x4000, $0x38;
	[tilespmem:$0x1F000] =	vst v63  }
0x35d: {  	_ =	swait.ge [sflag:s26], $0x4000  }
0x35e: {  	[sflag:s26] =	ssyncset.done $0x0  }
0x35f: {  	s9 =	simm.s32 $0xB00;
	[sflag:s26] =	ssyncadd.s32 $0xFFFFC000  }
0x360: {  	[tilespmem:s14], [sflag:$0x2] =	stream.indirect.gather [hbm4b:s2+s12], $0x80, s9, s12, $0xb8;
	[tilespmem:$0x1F000] =	vst v63  }
0x361: {  	s10 =	simm.s32 $0x900;
	_ =	swait.ge [sflag:s28], $0x4000  }
0x362: {  	v0 =	vmov s10;
	[sflag:s28] =	ssyncset.done $0x0  }
0x363: {  	s8 =	simm.s32 $0x13040;
	[sflag:s28] =	ssyncadd.s32 $0xFFFFC000  }
0x364: {  	v4 =	vld [tilespmem:s8+$0x30]  }
0x365: {  	v7 =	vld [tilespmem:s8+$0x10]  }
0x366: {  	v5 =	vld [tilespmem:s8+$0xFFFFFFC0]  }
0x367: {  	v1 =	vld.idx.msk [tilespmem:v0+s19+$0x0], $0xffff  }
0x368: {  	v9 =	vld [tilespmem:s8+$0xFFFFFFE0]  }
0x369: {  	v0 =	vld [tilespmem:s8+$0xFFFFFFF0]  }
0x36a: {  	v2 =	vld [tilespmem:s8+$0x20]  }
0x36b: {  	v3 =	vld [tilespmem:s8+$0xFFFFFFD0]  }
0x36c: {  	v8 =	vmul.f32 v4, v1;
	v4 =	vld [tilespmem:s8+$0x0]  }
0x36d: {  	v6 =	vmul.f32 v5, v1  }
0x36e: {  	s10 =	simm.s32 $0x13040;
	s9 =	simm.s32 $0x901;
	v5 =	vmul.f32 v9, v1;
	v7 =	vmul.f32 v7, v1  }
.LBB2_40:
0x36f: {  	p0 =	sne.s32 s9, $0x97F  }
0x370: {  	v3 =	vmul.f32 v3, v1;
	v2 =	vmul.f32 v2, v1;
	[tilespmem:s8+$0x30] =	vst v8;
	s10 =	sadd.s32 $0x80, s10;
	s4 =	smov.u32 s9;
	s9 =	sadd.s32 $0x1, s9  }
0x371: {  	[tilespmem:s8+$0xFFFFFFC0] =	vst v6;
	v6 =	vmul.f32 v0, v1;
	v1 =	vmul.f32 v4, v1  }
0x372: {  	[tilespmem:s8+$0x10] =	vst v7  }
0x373: {  	v4 =	vmov s4;
	[tilespmem:s8+$0xFFFFFFE0] =	vst v5  }
0x374: {  	v0 =	vld [tilespmem:s10+$0xFFFFFFF0];
	[tilespmem:s8+$0xFFFFFFF0] =	vst v6  }
0x375: {  	v5 =	vld [tilespmem:s10+$0x30];
	[tilespmem:s8+$0x0] =	vst v1  }
0x376: {  	v7 =	vld [tilespmem:s10+$0x10];
	[tilespmem:s8+$0x20] =	vst v2  }
0x377: {  	v6 =	vld [tilespmem:s10+$0xFFFFFFC0];
	[tilespmem:s8+$0xFFFFFFD0] =	vst v3;
	s8 =	smov.u32 s10  }
0x378: {  	v1 =	vld.idx.msk [tilespmem:v4+s19+$0x0], $0xffff  }
0x379: {  	v9 =	vld [tilespmem:s10+$0xFFFFFFE0]  }
0x37a: {  	v2 =	vld [tilespmem:s10+$0x20]  }
.Ltmp19:
0x37b: {  	v3 =	vld [tilespmem:s10+$0xFFFFFFD0];
	(pc) =	sbr.rel @p0 .LBB2_40-.Ltmp19, $3  }
0x37c: {  	v4 =	vld [tilespmem:s10+$0x0];
	_ =	sdelay $0x1  }
0x37d: {  	v6 =	vmul.f32 v6, v1;
	v8 =	vmul.f32 v5, v1  }
0x37e: {  	v7 =	vmul.f32 v7, v1;
	v5 =	vmul.f32 v9, v1  }
0x37f: {  	[tilespmem:s8+$0x30] =	vst v8  }
0x380: {  	[tilespmem:s8+$0xFFFFFFC0] =	vst v6  }
0x381: {  	v0 =	vmul.f32 v0, v1;
	[tilespmem:s8+$0x10] =	vst v7  }
0x382: {  	v2 =	vmul.f32 v2, v1;
	[tilespmem:s8+$0xFFFFFFE0] =	vst v5  }
0x383: {  	v4 =	vmul.f32 v4, v1;
	[tilespmem:s8+$0xFFFFFFF0] =	vst v0  }
0x384: {  	v0 =	vmul.f32 v3, v1;
	[tilespmem:s8+$0x20] =	vst v2  }
0x385: {  	[tilespmem:s8+$0x0] =	vst v4  }
0x386: {  	s4 =	rddreg [dreg:$0x19];
	[tilespmem:s8+$0xFFFFFFD0] =	vst v0  }
0x387: {  	[hbm4b:s4+s3] =	stream.linear.scatter [tilespmem:s17], [sflag:$0xC], $0x4000, $0x38;
	[tilespmem:$0x1F000] =	vst v63  }
0x388: {  	_ =	swait.ge [sflag:s29], $0x4000  }
0x389: {  	[sflag:s29] =	ssyncset.done $0x0  }
0x38a: {  	s9 =	simm.s32 $0xB80;
	[sflag:s29] =	ssyncadd.s32 $0xFFFFC000  }
0x38b: {  	[tilespmem:s15], [sflag:$0x3] =	stream.indirect.gather [hbm4b:s2+s12], $0x80, s9, s12, $0xb8;
	[tilespmem:$0x1F000] =	vst v63  }
0x38c: {  	s10 =	simm.s32 $0x980;
	_ =	swait.ge [sflag:s30], $0x4000  }
0x38d: {  	v0 =	vmov s10;
	[sflag:s30] =	ssyncset.done $0x0  }
0x38e: {  	s8 =	simm.s32 $0x17040;
	[sflag:s30] =	ssyncadd.s32 $0xFFFFC000  }
0x38f: {  	v4 =	vld [tilespmem:s8+$0x30]  }
0x390: {  	v7 =	vld [tilespmem:s8+$0x10]  }
0x391: {  	v5 =	vld [tilespmem:s8+$0xFFFFFFC0]  }
0x392: {  	v1 =	vld.idx.msk [tilespmem:v0+s19+$0x0], $0xffff  }
0x393: {  	v9 =	vld [tilespmem:s8+$0xFFFFFFE0]  }
0x394: {  	v0 =	vld [tilespmem:s8+$0xFFFFFFF0]  }
0x395: {  	v2 =	vld [tilespmem:s8+$0x20]  }
0x396: {  	v3 =	vld [tilespmem:s8+$0xFFFFFFD0]  }
0x397: {  	v8 =	vmul.f32 v4, v1;
	v4 =	vld [tilespmem:s8+$0x0]  }
0x398: {  	v6 =	vmul.f32 v5, v1  }
0x399: {  	s10 =	simm.s32 $0x17040;
	s9 =	simm.s32 $0x981;
	v5 =	vmul.f32 v9, v1;
	v7 =	vmul.f32 v7, v1  }
.LBB2_42:
0x39a: {  	p0 =	sne.s32 s9, $0x9FF  }
0x39b: {  	v3 =	vmul.f32 v3, v1;
	v2 =	vmul.f32 v2, v1;
	[tilespmem:s8+$0x30] =	vst v8;
	s10 =	sadd.s32 $0x80, s10;
	s4 =	smov.u32 s9;
	s9 =	sadd.s32 $0x1, s9  }
0x39c: {  	[tilespmem:s8+$0xFFFFFFC0] =	vst v6;
	v6 =	vmul.f32 v0, v1;
	v1 =	vmul.f32 v4, v1  }
0x39d: {  	[tilespmem:s8+$0x10] =	vst v7  }
0x39e: {  	v4 =	vmov s4;
	[tilespmem:s8+$0xFFFFFFE0] =	vst v5  }
0x39f: {  	v0 =	vld [tilespmem:s10+$0xFFFFFFF0];
	[tilespmem:s8+$0xFFFFFFF0] =	vst v6  }
0x3a0: {  	v5 =	vld [tilespmem:s10+$0x30];
	[tilespmem:s8+$0x0] =	vst v1  }
0x3a1: {  	v7 =	vld [tilespmem:s10+$0x10];
	[tilespmem:s8+$0x20] =	vst v2  }
0x3a2: {  	v6 =	vld [tilespmem:s10+$0xFFFFFFC0];
	[tilespmem:s8+$0xFFFFFFD0] =	vst v3;
	s8 =	smov.u32 s10  }
0x3a3: {  	v1 =	vld.idx.msk [tilespmem:v4+s19+$0x0], $0xffff  }
0x3a4: {  	v9 =	vld [tilespmem:s10+$0xFFFFFFE0]  }
0x3a5: {  	v2 =	vld [tilespmem:s10+$0x20]  }
.Ltmp20:
0x3a6: {  	v3 =	vld [tilespmem:s10+$0xFFFFFFD0];
	(pc) =	sbr.rel @p0 .LBB2_42-.Ltmp20, $3  }
0x3a7: {  	v4 =	vld [tilespmem:s10+$0x0];
	_ =	sdelay $0x1  }
0x3a8: {  	v6 =	vmul.f32 v6, v1;
	v8 =	vmul.f32 v5, v1  }
0x3a9: {  	v7 =	vmul.f32 v7, v1;
	v5 =	vmul.f32 v9, v1  }
0x3aa: {  	[tilespmem:s8+$0x30] =	vst v8  }
0x3ab: {  	[tilespmem:s8+$0xFFFFFFC0] =	vst v6  }
0x3ac: {  	v0 =	vmul.f32 v0, v1;
	[tilespmem:s8+$0x10] =	vst v7  }
0x3ad: {  	v2 =	vmul.f32 v2, v1;
	[tilespmem:s8+$0xFFFFFFE0] =	vst v5  }
0x3ae: {  	v4 =	vmul.f32 v4, v1;
	[tilespmem:s8+$0xFFFFFFF0] =	vst v0  }
0x3af: {  	v0 =	vmul.f32 v3, v1;
	[tilespmem:s8+$0x20] =	vst v2  }
0x3b0: {  	[tilespmem:s8+$0x0] =	vst v4  }
0x3b1: {  	s4 =	rddreg [dreg:$0x1b];
	[tilespmem:s8+$0xFFFFFFD0] =	vst v0  }
0x3b2: {  	[hbm4b:s4+s3] =	stream.linear.scatter [tilespmem:s20], [sflag:$0xD], $0x4000, $0x38;
	[tilespmem:$0x1F000] =	vst v63  }
0x3b3: {  	_ =	swait.ge [sflag:s31], $0x4000  }
0x3b4: {  	[sflag:s31] =	ssyncset.done $0x0  }
0x3b5: {  	s9 =	simm.s32 $0xC00;
	[sflag:s31] =	ssyncadd.s32 $0xFFFFC000  }
0x3b6: {  	[tilespmem:s16], [sflag:$0x4] =	stream.indirect.gather [hbm4b:s2+s12], $0x80, s9, s12, $0xb8;
	[tilespmem:$0x1F000] =	vst v63  }
0x3b7: {  	s10 =	simm.s32 $0xA00;
	_ =	swait.ge [sflag:s0], $0x4000  }
0x3b8: {  	v0 =	vmov s10;
	[sflag:s0] =	ssyncset.done $0x0  }
0x3b9: {  	s8 =	simm.s32 $0x1B040;
	[sflag:s0] =	ssyncadd.s32 $0xFFFFC000  }
0x3ba: {  	v4 =	vld [tilespmem:s8+$0x30]  }
0x3bb: {  	v7 =	vld [tilespmem:s8+$0x10]  }
0x3bc: {  	v5 =	vld [tilespmem:s8+$0xFFFFFFC0]  }
0x3bd: {  	v1 =	vld.idx.msk [tilespmem:v0+s19+$0x0], $0xffff  }
0x3be: {  	v9 =	vld [tilespmem:s8+$0xFFFFFFE0]  }
0x3bf: {  	v0 =	vld [tilespmem:s8+$0xFFFFFFF0]  }
0x3c0: {  	v2 =	vld [tilespmem:s8+$0x20]  }
0x3c1: {  	v3 =	vld [tilespmem:s8+$0xFFFFFFD0]  }
0x3c2: {  	v8 =	vmul.f32 v4, v1;
	v4 =	vld [tilespmem:s8+$0x0]  }
0x3c3: {  	v6 =	vmul.f32 v5, v1  }
0x3c4: {  	s10 =	simm.s32 $0x1B040;
	s9 =	simm.s32 $0xA01;
	v5 =	vmul.f32 v9, v1;
	v7 =	vmul.f32 v7, v1  }
.LBB2_44:
0x3c5: {  	p0 =	sne.s32 s9, $0xA7F  }
0x3c6: {  	v3 =	vmul.f32 v3, v1;
	v2 =	vmul.f32 v2, v1;
	[tilespmem:s8+$0x30] =	vst v8;
	s10 =	sadd.s32 $0x80, s10;
	s4 =	smov.u32 s9;
	s9 =	sadd.s32 $0x1, s9  }
0x3c7: {  	[tilespmem:s8+$0xFFFFFFC0] =	vst v6;
	v6 =	vmul.f32 v0, v1;
	v1 =	vmul.f32 v4, v1  }
0x3c8: {  	[tilespmem:s8+$0x10] =	vst v7  }
0x3c9: {  	v4 =	vmov s4;
	[tilespmem:s8+$0xFFFFFFE0] =	vst v5  }
0x3ca: {  	v0 =	vld [tilespmem:s10+$0xFFFFFFF0];
	[tilespmem:s8+$0xFFFFFFF0] =	vst v6  }
0x3cb: {  	v5 =	vld [tilespmem:s10+$0x30];
	[tilespmem:s8+$0x0] =	vst v1  }
0x3cc: {  	v7 =	vld [tilespmem:s10+$0x10];
	[tilespmem:s8+$0x20] =	vst v2  }
0x3cd: {  	v6 =	vld [tilespmem:s10+$0xFFFFFFC0];
	[tilespmem:s8+$0xFFFFFFD0] =	vst v3;
	s8 =	smov.u32 s10  }
0x3ce: {  	v1 =	vld.idx.msk [tilespmem:v4+s19+$0x0], $0xffff  }
0x3cf: {  	v9 =	vld [tilespmem:s10+$0xFFFFFFE0]  }
0x3d0: {  	v2 =	vld [tilespmem:s10+$0x20]  }
.Ltmp21:
0x3d1: {  	v3 =	vld [tilespmem:s10+$0xFFFFFFD0];
	(pc) =	sbr.rel @p0 .LBB2_44-.Ltmp21, $3  }
0x3d2: {  	v4 =	vld [tilespmem:s10+$0x0];
	_ =	sdelay $0x1  }
0x3d3: {  	v6 =	vmul.f32 v6, v1;
	v8 =	vmul.f32 v5, v1  }
0x3d4: {  	v7 =	vmul.f32 v7, v1;
	v5 =	vmul.f32 v9, v1  }
0x3d5: {  	[tilespmem:s8+$0x30] =	vst v8  }
0x3d6: {  	[tilespmem:s8+$0xFFFFFFC0] =	vst v6  }
0x3d7: {  	v0 =	vmul.f32 v0, v1;
	[tilespmem:s8+$0x10] =	vst v7  }
0x3d8: {  	v2 =	vmul.f32 v2, v1;
	[tilespmem:s8+$0xFFFFFFE0] =	vst v5  }
0x3d9: {  	v4 =	vmul.f32 v4, v1;
	[tilespmem:s8+$0xFFFFFFF0] =	vst v0  }
0x3da: {  	v0 =	vmul.f32 v3, v1;
	[tilespmem:s8+$0x20] =	vst v2  }
0x3db: {  	[tilespmem:s8+$0x0] =	vst v4  }
0x3dc: {  	s4 =	rddreg [dreg:$0x1c];
	[tilespmem:s8+$0xFFFFFFD0] =	vst v0  }
0x3dd: {  	[hbm4b:s4+s3] =	stream.linear.scatter [tilespmem:s22], [sflag:$0xE], $0x4000, $0x38;
	[tilespmem:$0x1F000] =	vst v63  }
0x3de: {  	_ =	swait.ge [sflag:s1], $0x4000  }
0x3df: {  	[sflag:s1] =	ssyncset.done $0x0  }
0x3e0: {  	s9 =	simm.s32 $0xC80;
	[sflag:s1] =	ssyncadd.s32 $0xFFFFC000  }
0x3e1: {  	[tilespmem:s17], [sflag:$0x5] =	stream.indirect.gather [hbm4b:s2+s12], $0x80, s9, s12, $0xb8;
	[tilespmem:$0x1F000] =	vst v63  }
0x3e2: {  	s10 =	simm.s32 $0xA80;
	_ =	swait.ge [sflag:s18], $0x4000  }
0x3e3: {  	v0 =	vmov s10;
	[sflag:s18] =	ssyncset.done $0x0  }
0x3e4: {  	s8 =	simm.s32 $0x3040;
	[sflag:s18] =	ssyncadd.s32 $0xFFFFC000  }
0x3e5: {  	v4 =	vld [tilespmem:s8+$0x30]  }
0x3e6: {  	v7 =	vld [tilespmem:s8+$0x10]  }
0x3e7: {  	v5 =	vld [tilespmem:s8+$0xFFFFFFC0]  }
0x3e8: {  	v1 =	vld.idx.msk [tilespmem:v0+s19+$0x0], $0xffff  }
0x3e9: {  	v9 =	vld [tilespmem:s8+$0xFFFFFFE0]  }
0x3ea: {  	v0 =	vld [tilespmem:s8+$0xFFFFFFF0]  }
0x3eb: {  	v2 =	vld [tilespmem:s8+$0x20]  }
0x3ec: {  	v3 =	vld [tilespmem:s8+$0xFFFFFFD0]  }
0x3ed: {  	v8 =	vmul.f32 v4, v1;
	v4 =	vld [tilespmem:s8+$0x0]  }
0x3ee: {  	v6 =	vmul.f32 v5, v1  }
0x3ef: {  	s10 =	simm.s32 $0x3040;
	s9 =	simm.s32 $0xA81;
	v5 =	vmul.f32 v9, v1;
	v7 =	vmul.f32 v7, v1  }
.LBB2_46:
0x3f0: {  	p0 =	sne.s32 s9, $0xAFF  }
0x3f1: {  	v3 =	vmul.f32 v3, v1;
	v2 =	vmul.f32 v2, v1;
	[tilespmem:s8+$0x30] =	vst v8;
	s10 =	sadd.s32 $0x80, s10;
	s4 =	smov.u32 s9;
	s9 =	sadd.s32 $0x1, s9  }
0x3f2: {  	[tilespmem:s8+$0xFFFFFFC0] =	vst v6;
	v6 =	vmul.f32 v0, v1;
	v1 =	vmul.f32 v4, v1  }
0x3f3: {  	[tilespmem:s8+$0x10] =	vst v7  }
0x3f4: {  	v4 =	vmov s4;
	[tilespmem:s8+$0xFFFFFFE0] =	vst v5  }
0x3f5: {  	v0 =	vld [tilespmem:s10+$0xFFFFFFF0];
	[tilespmem:s8+$0xFFFFFFF0] =	vst v6  }
0x3f6: {  	v5 =	vld [tilespmem:s10+$0x30];
	[tilespmem:s8+$0x0] =	vst v1  }
0x3f7: {  	v7 =	vld [tilespmem:s10+$0x10];
	[tilespmem:s8+$0x20] =	vst v2  }
0x3f8: {  	v6 =	vld [tilespmem:s10+$0xFFFFFFC0];
	[tilespmem:s8+$0xFFFFFFD0] =	vst v3;
	s8 =	smov.u32 s10  }
0x3f9: {  	v1 =	vld.idx.msk [tilespmem:v4+s19+$0x0], $0xffff  }
0x3fa: {  	v9 =	vld [tilespmem:s10+$0xFFFFFFE0]  }
0x3fb: {  	v2 =	vld [tilespmem:s10+$0x20]  }
.Ltmp22:
0x3fc: {  	v3 =	vld [tilespmem:s10+$0xFFFFFFD0];
	(pc) =	sbr.rel @p0 .LBB2_46-.Ltmp22, $3  }
0x3fd: {  	v4 =	vld [tilespmem:s10+$0x0];
	_ =	sdelay $0x1  }
0x3fe: {  	v6 =	vmul.f32 v6, v1;
	v8 =	vmul.f32 v5, v1  }
0x3ff: {  	v7 =	vmul.f32 v7, v1;
	v5 =	vmul.f32 v9, v1  }
0x400: {  	[tilespmem:s8+$0x30] =	vst v8  }
0x401: {  	[tilespmem:s8+$0xFFFFFFC0] =	vst v6  }
0x402: {  	v0 =	vmul.f32 v0, v1;
	[tilespmem:s8+$0x10] =	vst v7  }
0x403: {  	v2 =	vmul.f32 v2, v1;
	[tilespmem:s8+$0xFFFFFFE0] =	vst v5  }
0x404: {  	v4 =	vmul.f32 v4, v1;
	[tilespmem:s8+$0xFFFFFFF0] =	vst v0  }
0x405: {  	v0 =	vmul.f32 v3, v1;
	[tilespmem:s8+$0x20] =	vst v2  }
0x406: {  	[tilespmem:s8+$0x0] =	vst v4  }
0x407: {  	s4 =	rddreg [dreg:$0x1d];
	[tilespmem:s8+$0xFFFFFFD0] =	vst v0  }
0x408: {  	[hbm4b:s4+s3] =	stream.linear.scatter [tilespmem:s13], [sflag:$0x8], $0x4000, $0x38;
	[tilespmem:$0x1F000] =	vst v63  }
0x409: {  	_ =	swait.ge [sflag:s5], $0x4000  }
0x40a: {  	[sflag:s5] =	ssyncset.done $0x0  }
0x40b: {  	s9 =	simm.s32 $0xD00;
	[sflag:s5] =	ssyncadd.s32 $0xFFFFC000  }
0x40c: {  	[tilespmem:s20], [sflag:$0x6] =	stream.indirect.gather [hbm4b:s2+s12], $0x80, s9, s12, $0xb8;
	[tilespmem:$0x1F000] =	vst v63  }
0x40d: {  	s10 =	simm.s32 $0xB00;
	_ =	swait.ge [sflag:s21], $0x4000  }
0x40e: {  	v0 =	vmov s10;
	[sflag:s21] =	ssyncset.done $0x0  }
0x40f: {  	s8 =	simm.s32 $0x7040;
	[sflag:s21] =	ssyncadd.s32 $0xFFFFC000  }
0x410: {  	v4 =	vld [tilespmem:s8+$0x30]  }
0x411: {  	v7 =	vld [tilespmem:s8+$0x10]  }
0x412: {  	v5 =	vld [tilespmem:s8+$0xFFFFFFC0]  }
0x413: {  	v1 =	vld.idx.msk [tilespmem:v0+s19+$0x0], $0xffff  }
0x414: {  	v9 =	vld [tilespmem:s8+$0xFFFFFFE0]  }
0x415: {  	v0 =	vld [tilespmem:s8+$0xFFFFFFF0]  }
0x416: {  	v2 =	vld [tilespmem:s8+$0x20]  }
0x417: {  	v3 =	vld [tilespmem:s8+$0xFFFFFFD0]  }
0x418: {  	v8 =	vmul.f32 v4, v1;
	v4 =	vld [tilespmem:s8+$0x0]  }
0x419: {  	v6 =	vmul.f32 v5, v1  }
0x41a: {  	s10 =	simm.s32 $0x7040;
	s9 =	simm.s32 $0xB01;
	v5 =	vmul.f32 v9, v1;
	v7 =	vmul.f32 v7, v1  }
.LBB2_48:
0x41b: {  	p0 =	sne.s32 s9, $0xB7F  }
0x41c: {  	v3 =	vmul.f32 v3, v1;
	v2 =	vmul.f32 v2, v1;
	[tilespmem:s8+$0x30] =	vst v8;
	s10 =	sadd.s32 $0x80, s10;
	s4 =	smov.u32 s9;
	s9 =	sadd.s32 $0x1, s9  }
0x41d: {  	[tilespmem:s8+$0xFFFFFFC0] =	vst v6;
	v6 =	vmul.f32 v0, v1;
	v1 =	vmul.f32 v4, v1  }
0x41e: {  	[tilespmem:s8+$0x10] =	vst v7  }
0x41f: {  	v4 =	vmov s4;
	[tilespmem:s8+$0xFFFFFFE0] =	vst v5  }
0x420: {  	v0 =	vld [tilespmem:s10+$0xFFFFFFF0];
	[tilespmem:s8+$0xFFFFFFF0] =	vst v6  }
0x421: {  	v5 =	vld [tilespmem:s10+$0x30];
	[tilespmem:s8+$0x0] =	vst v1  }
0x422: {  	v7 =	vld [tilespmem:s10+$0x10];
	[tilespmem:s8+$0x20] =	vst v2  }
0x423: {  	v6 =	vld [tilespmem:s10+$0xFFFFFFC0];
	[tilespmem:s8+$0xFFFFFFD0] =	vst v3;
	s8 =	smov.u32 s10  }
0x424: {  	v1 =	vld.idx.msk [tilespmem:v4+s19+$0x0], $0xffff  }
0x425: {  	v9 =	vld [tilespmem:s10+$0xFFFFFFE0]  }
0x426: {  	v2 =	vld [tilespmem:s10+$0x20]  }
.Ltmp23:
0x427: {  	v3 =	vld [tilespmem:s10+$0xFFFFFFD0];
	(pc) =	sbr.rel @p0 .LBB2_48-.Ltmp23, $3  }
0x428: {  	v4 =	vld [tilespmem:s10+$0x0];
	_ =	sdelay $0x1  }
0x429: {  	v6 =	vmul.f32 v6, v1;
	v8 =	vmul.f32 v5, v1  }
0x42a: {  	v7 =	vmul.f32 v7, v1;
	v5 =	vmul.f32 v9, v1  }
0x42b: {  	[tilespmem:s8+$0x30] =	vst v8  }
0x42c: {  	[tilespmem:s8+$0xFFFFFFC0] =	vst v6  }
0x42d: {  	v0 =	vmul.f32 v0, v1;
	[tilespmem:s8+$0x10] =	vst v7  }
0x42e: {  	v2 =	vmul.f32 v2, v1;
	[tilespmem:s8+$0xFFFFFFE0] =	vst v5  }
0x42f: {  	v4 =	vmul.f32 v4, v1;
	[tilespmem:s8+$0xFFFFFFF0] =	vst v0  }
0x430: {  	v0 =	vmul.f32 v3, v1;
	[tilespmem:s8+$0x20] =	vst v2  }
0x431: {  	[tilespmem:s8+$0x0] =	vst v4  }
0x432: {  	s4 =	rddreg [dreg:$0x1e];
	[tilespmem:s8+$0xFFFFFFD0] =	vst v0  }
0x433: {  	[hbm4b:s4+s3] =	stream.linear.scatter [tilespmem:s14], [sflag:$0x9], $0x4000, $0x38;
	[tilespmem:$0x1F000] =	vst v63  }
0x434: {  	_ =	swait.ge [sflag:s6], $0x4000  }
0x435: {  	[sflag:s6] =	ssyncset.done $0x0  }
0x436: {  	s9 =	simm.s32 $0xD80;
	[sflag:s6] =	ssyncadd.s32 $0xFFFFC000  }
0x437: {  	[tilespmem:s22], [sflag:$0x7] =	stream.indirect.gather [hbm4b:s2+s12], $0x80, s9, s12, $0xb8;
	[tilespmem:$0x1F000] =	vst v63  }
0x438: {  	s10 =	simm.s32 $0xB80;
	_ =	swait.ge [sflag:s23], $0x4000  }
0x439: {  	v0 =	vmov s10;
	[sflag:s23] =	ssyncset.done $0x0  }
0x43a: {  	s8 =	simm.s32 $0xB040;
	[sflag:s23] =	ssyncadd.s32 $0xFFFFC000  }
0x43b: {  	v4 =	vld [tilespmem:s8+$0x30]  }
0x43c: {  	v7 =	vld [tilespmem:s8+$0x10]  }
0x43d: {  	v5 =	vld [tilespmem:s8+$0xFFFFFFC0]  }
0x43e: {  	v1 =	vld.idx.msk [tilespmem:v0+s19+$0x0], $0xffff  }
0x43f: {  	v9 =	vld [tilespmem:s8+$0xFFFFFFE0]  }
0x440: {  	v0 =	vld [tilespmem:s8+$0xFFFFFFF0]  }
0x441: {  	v2 =	vld [tilespmem:s8+$0x20]  }
0x442: {  	v3 =	vld [tilespmem:s8+$0xFFFFFFD0]  }
0x443: {  	v8 =	vmul.f32 v4, v1;
	v4 =	vld [tilespmem:s8+$0x0]  }
0x444: {  	v6 =	vmul.f32 v5, v1  }
0x445: {  	s10 =	simm.s32 $0xB040;
	s9 =	simm.s32 $0xB81;
	v5 =	vmul.f32 v9, v1;
	v7 =	vmul.f32 v7, v1  }
.LBB2_50:
0x446: {  	p0 =	sne.s32 s9, $0xBFF  }
0x447: {  	v3 =	vmul.f32 v3, v1;
	v2 =	vmul.f32 v2, v1;
	[tilespmem:s8+$0x30] =	vst v8;
	s10 =	sadd.s32 $0x80, s10;
	s4 =	smov.u32 s9;
	s9 =	sadd.s32 $0x1, s9  }
0x448: {  	[tilespmem:s8+$0xFFFFFFC0] =	vst v6;
	v6 =	vmul.f32 v0, v1;
	v1 =	vmul.f32 v4, v1  }
0x449: {  	[tilespmem:s8+$0x10] =	vst v7  }
0x44a: {  	v4 =	vmov s4;
	[tilespmem:s8+$0xFFFFFFE0] =	vst v5  }
0x44b: {  	v0 =	vld [tilespmem:s10+$0xFFFFFFF0];
	[tilespmem:s8+$0xFFFFFFF0] =	vst v6  }
0x44c: {  	v5 =	vld [tilespmem:s10+$0x30];
	[tilespmem:s8+$0x0] =	vst v1  }
0x44d: {  	v7 =	vld [tilespmem:s10+$0x10];
	[tilespmem:s8+$0x20] =	vst v2  }
0x44e: {  	v6 =	vld [tilespmem:s10+$0xFFFFFFC0];
	[tilespmem:s8+$0xFFFFFFD0] =	vst v3;
	s8 =	smov.u32 s10  }
0x44f: {  	v1 =	vld.idx.msk [tilespmem:v4+s19+$0x0], $0xffff  }
0x450: {  	v9 =	vld [tilespmem:s10+$0xFFFFFFE0]  }
0x451: {  	v2 =	vld [tilespmem:s10+$0x20]  }
.Ltmp24:
0x452: {  	v3 =	vld [tilespmem:s10+$0xFFFFFFD0];
	(pc) =	sbr.rel @p0 .LBB2_50-.Ltmp24, $3  }
0x453: {  	v4 =	vld [tilespmem:s10+$0x0];
	_ =	sdelay $0x1  }
0x454: {  	v6 =	vmul.f32 v6, v1;
	v8 =	vmul.f32 v5, v1  }
0x455: {  	v7 =	vmul.f32 v7, v1;
	v5 =	vmul.f32 v9, v1  }
0x456: {  	[tilespmem:s8+$0x30] =	vst v8  }
0x457: {  	[tilespmem:s8+$0xFFFFFFC0] =	vst v6  }
0x458: {  	v0 =	vmul.f32 v0, v1;
	[tilespmem:s8+$0x10] =	vst v7  }
0x459: {  	v2 =	vmul.f32 v2, v1;
	[tilespmem:s8+$0xFFFFFFE0] =	vst v5  }
0x45a: {  	v4 =	vmul.f32 v4, v1;
	[tilespmem:s8+$0xFFFFFFF0] =	vst v0  }
0x45b: {  	v0 =	vmul.f32 v3, v1;
	[tilespmem:s8+$0x20] =	vst v2  }
0x45c: {  	[tilespmem:s8+$0x0] =	vst v4  }
0x45d: {  	s4 =	rddreg [dreg:$0x1f];
	[tilespmem:s8+$0xFFFFFFD0] =	vst v0  }
0x45e: {  	[hbm4b:s4+s3] =	stream.linear.scatter [tilespmem:s15], [sflag:$0xA], $0x4000, $0x38;
	[tilespmem:$0x1F000] =	vst v63  }
0x45f: {  	_ =	swait.ge [sflag:s24], $0x4000  }
0x460: {  	[sflag:s24] =	ssyncset.done $0x0  }
0x461: {  	s9 =	simm.s32 $0xE00;
	[sflag:s24] =	ssyncadd.s32 $0xFFFFC000  }
0x462: {  	[tilespmem:s13], [sflag:$0x1] =	stream.indirect.gather [hbm4b:s2+s12], $0x80, s9, s12, $0xb8;
	[tilespmem:$0x1F000] =	vst v63  }
0x463: {  	s10 =	simm.s32 $0xC00;
	_ =	swait.ge [sflag:s25], $0x4000  }
0x464: {  	v0 =	vmov s10;
	[sflag:s25] =	ssyncset.done $0x0  }
0x465: {  	s8 =	simm.s32 $0xF040;
	[sflag:s25] =	ssyncadd.s32 $0xFFFFC000  }
0x466: {  	v4 =	vld [tilespmem:s8+$0x30]  }
0x467: {  	v7 =	vld [tilespmem:s8+$0x10]  }
0x468: {  	v5 =	vld [tilespmem:s8+$0xFFFFFFC0]  }
0x469: {  	v1 =	vld.idx.msk [tilespmem:v0+s19+$0x0], $0xffff  }
0x46a: {  	v9 =	vld [tilespmem:s8+$0xFFFFFFE0]  }
0x46b: {  	v0 =	vld [tilespmem:s8+$0xFFFFFFF0]  }
0x46c: {  	v2 =	vld [tilespmem:s8+$0x20]  }
0x46d: {  	v3 =	vld [tilespmem:s8+$0xFFFFFFD0]  }
0x46e: {  	v8 =	vmul.f32 v4, v1;
	v4 =	vld [tilespmem:s8+$0x0]  }
0x46f: {  	v6 =	vmul.f32 v5, v1  }
0x470: {  	s10 =	simm.s32 $0xF040;
	s9 =	simm.s32 $0xC01;
	v5 =	vmul.f32 v9, v1;
	v7 =	vmul.f32 v7, v1  }
.LBB2_52:
0x471: {  	p0 =	sne.s32 s9, $0xC7F  }
0x472: {  	v3 =	vmul.f32 v3, v1;
	v2 =	vmul.f32 v2, v1;
	[tilespmem:s8+$0x30] =	vst v8;
	s10 =	sadd.s32 $0x80, s10;
	s4 =	smov.u32 s9;
	s9 =	sadd.s32 $0x1, s9  }
0x473: {  	[tilespmem:s8+$0xFFFFFFC0] =	vst v6;
	v6 =	vmul.f32 v0, v1;
	v1 =	vmul.f32 v4, v1  }
0x474: {  	[tilespmem:s8+$0x10] =	vst v7  }
0x475: {  	v4 =	vmov s4;
	[tilespmem:s8+$0xFFFFFFE0] =	vst v5  }
0x476: {  	v0 =	vld [tilespmem:s10+$0xFFFFFFF0];
	[tilespmem:s8+$0xFFFFFFF0] =	vst v6  }
0x477: {  	v5 =	vld [tilespmem:s10+$0x30];
	[tilespmem:s8+$0x0] =	vst v1  }
0x478: {  	v7 =	vld [tilespmem:s10+$0x10];
	[tilespmem:s8+$0x20] =	vst v2  }
0x479: {  	v6 =	vld [tilespmem:s10+$0xFFFFFFC0];
	[tilespmem:s8+$0xFFFFFFD0] =	vst v3;
	s8 =	smov.u32 s10  }
0x47a: {  	v1 =	vld.idx.msk [tilespmem:v4+s19+$0x0], $0xffff  }
0x47b: {  	v9 =	vld [tilespmem:s10+$0xFFFFFFE0]  }
0x47c: {  	v2 =	vld [tilespmem:s10+$0x20]  }
.Ltmp25:
0x47d: {  	v3 =	vld [tilespmem:s10+$0xFFFFFFD0];
	(pc) =	sbr.rel @p0 .LBB2_52-.Ltmp25, $3  }
0x47e: {  	v4 =	vld [tilespmem:s10+$0x0];
	_ =	sdelay $0x1  }
0x47f: {  	v6 =	vmul.f32 v6, v1;
	v8 =	vmul.f32 v5, v1  }
0x480: {  	v7 =	vmul.f32 v7, v1;
	v5 =	vmul.f32 v9, v1  }
0x481: {  	[tilespmem:s8+$0x30] =	vst v8  }
0x482: {  	[tilespmem:s8+$0xFFFFFFC0] =	vst v6  }
0x483: {  	v0 =	vmul.f32 v0, v1;
	[tilespmem:s8+$0x10] =	vst v7  }
0x484: {  	v2 =	vmul.f32 v2, v1;
	[tilespmem:s8+$0xFFFFFFE0] =	vst v5  }
0x485: {  	v4 =	vmul.f32 v4, v1;
	[tilespmem:s8+$0xFFFFFFF0] =	vst v0  }
0x486: {  	s4 =	sld [smem:$0x7F6];
	v0 =	vmul.f32 v3, v1;
	[tilespmem:s8+$0x20] =	vst v2  }
0x487: {  	[tilespmem:s8+$0x0] =	vst v4  }
0x488: {  	[tilespmem:s8+$0xFFFFFFD0] =	vst v0  }
0x489: {  	[hbm4b:s4+s3] =	stream.linear.scatter [tilespmem:s16], [sflag:$0xB], $0x4000, $0x38;
	[tilespmem:$0x1F000] =	vst v63  }
0x48a: {  	_ =	swait.ge [sflag:s26], $0x4000  }
0x48b: {  	[sflag:s26] =	ssyncset.done $0x0  }
0x48c: {  	s9 =	simm.s32 $0xE80;
	[sflag:s26] =	ssyncadd.s32 $0xFFFFC000  }
0x48d: {  	[tilespmem:s14], [sflag:$0x2] =	stream.indirect.gather [hbm4b:s2+s12], $0x80, s9, s12, $0xb8;
	[tilespmem:$0x1F000] =	vst v63  }
0x48e: {  	s10 =	simm.s32 $0xC80;
	_ =	swait.ge [sflag:s28], $0x4000  }
0x48f: {  	v0 =	vmov s10;
	[sflag:s28] =	ssyncset.done $0x0  }
0x490: {  	s8 =	simm.s32 $0x13040;
	[sflag:s28] =	ssyncadd.s32 $0xFFFFC000  }
0x491: {  	v4 =	vld [tilespmem:s8+$0x30]  }
0x492: {  	v7 =	vld [tilespmem:s8+$0x10]  }
0x493: {  	v5 =	vld [tilespmem:s8+$0xFFFFFFC0]  }
0x494: {  	v1 =	vld.idx.msk [tilespmem:v0+s19+$0x0], $0xffff  }
0x495: {  	v9 =	vld [tilespmem:s8+$0xFFFFFFE0]  }
0x496: {  	v0 =	vld [tilespmem:s8+$0xFFFFFFF0]  }
0x497: {  	v2 =	vld [tilespmem:s8+$0x20]  }
0x498: {  	v3 =	vld [tilespmem:s8+$0xFFFFFFD0]  }
0x499: {  	v8 =	vmul.f32 v4, v1;
	v4 =	vld [tilespmem:s8+$0x0]  }
0x49a: {  	v6 =	vmul.f32 v5, v1  }
0x49b: {  	s10 =	simm.s32 $0x13040;
	s9 =	simm.s32 $0xC81;
	v5 =	vmul.f32 v9, v1;
	v7 =	vmul.f32 v7, v1  }
.LBB2_54:
0x49c: {  	p0 =	sne.s32 s9, $0xCFF  }
0x49d: {  	v3 =	vmul.f32 v3, v1;
	v2 =	vmul.f32 v2, v1;
	[tilespmem:s8+$0x30] =	vst v8;
	s10 =	sadd.s32 $0x80, s10;
	s4 =	smov.u32 s9;
	s9 =	sadd.s32 $0x1, s9  }
0x49e: {  	[tilespmem:s8+$0xFFFFFFC0] =	vst v6;
	v6 =	vmul.f32 v0, v1;
	v1 =	vmul.f32 v4, v1  }
0x49f: {  	[tilespmem:s8+$0x10] =	vst v7  }
0x4a0: {  	v4 =	vmov s4;
	[tilespmem:s8+$0xFFFFFFE0] =	vst v5  }
0x4a1: {  	v0 =	vld [tilespmem:s10+$0xFFFFFFF0];
	[tilespmem:s8+$0xFFFFFFF0] =	vst v6  }
0x4a2: {  	v5 =	vld [tilespmem:s10+$0x30];
	[tilespmem:s8+$0x0] =	vst v1  }
0x4a3: {  	v7 =	vld [tilespmem:s10+$0x10];
	[tilespmem:s8+$0x20] =	vst v2  }
0x4a4: {  	v6 =	vld [tilespmem:s10+$0xFFFFFFC0];
	[tilespmem:s8+$0xFFFFFFD0] =	vst v3;
	s8 =	smov.u32 s10  }
0x4a5: {  	v1 =	vld.idx.msk [tilespmem:v4+s19+$0x0], $0xffff  }
0x4a6: {  	v9 =	vld [tilespmem:s10+$0xFFFFFFE0]  }
0x4a7: {  	v2 =	vld [tilespmem:s10+$0x20]  }
.Ltmp26:
0x4a8: {  	v3 =	vld [tilespmem:s10+$0xFFFFFFD0];
	(pc) =	sbr.rel @p0 .LBB2_54-.Ltmp26, $3  }
0x4a9: {  	v4 =	vld [tilespmem:s10+$0x0];
	_ =	sdelay $0x1  }
0x4aa: {  	v6 =	vmul.f32 v6, v1;
	v8 =	vmul.f32 v5, v1  }
0x4ab: {  	v7 =	vmul.f32 v7, v1;
	v5 =	vmul.f32 v9, v1  }
0x4ac: {  	[tilespmem:s8+$0x30] =	vst v8  }
0x4ad: {  	[tilespmem:s8+$0xFFFFFFC0] =	vst v6  }
0x4ae: {  	v0 =	vmul.f32 v0, v1;
	[tilespmem:s8+$0x10] =	vst v7  }
0x4af: {  	v2 =	vmul.f32 v2, v1;
	[tilespmem:s8+$0xFFFFFFE0] =	vst v5  }
0x4b0: {  	v4 =	vmul.f32 v4, v1;
	[tilespmem:s8+$0xFFFFFFF0] =	vst v0  }
0x4b1: {  	s4 =	sld [smem:$0x7F7];
	v0 =	vmul.f32 v3, v1;
	[tilespmem:s8+$0x20] =	vst v2  }
0x4b2: {  	[tilespmem:s8+$0x0] =	vst v4  }
0x4b3: {  	[tilespmem:s8+$0xFFFFFFD0] =	vst v0  }
0x4b4: {  	[hbm4b:s4+s3] =	stream.linear.scatter [tilespmem:s17], [sflag:$0xC], $0x4000, $0x38;
	[tilespmem:$0x1F000] =	vst v63  }
0x4b5: {  	_ =	swait.ge [sflag:s29], $0x4000  }
0x4b6: {  	[sflag:s29] =	ssyncset.done $0x0  }
0x4b7: {  	s9 =	simm.s32 $0xF00;
	[sflag:s29] =	ssyncadd.s32 $0xFFFFC000  }
0x4b8: {  	[tilespmem:s15], [sflag:$0x3] =	stream.indirect.gather [hbm4b:s2+s12], $0x80, s9, s12, $0xb8;
	[tilespmem:$0x1F000] =	vst v63  }
0x4b9: {  	s10 =	simm.s32 $0xD00;
	_ =	swait.ge [sflag:s30], $0x4000  }
0x4ba: {  	v0 =	vmov s10;
	[sflag:s30] =	ssyncset.done $0x0  }
0x4bb: {  	s8 =	simm.s32 $0x17040;
	[sflag:s30] =	ssyncadd.s32 $0xFFFFC000  }
0x4bc: {  	v4 =	vld [tilespmem:s8+$0x30]  }
0x4bd: {  	v7 =	vld [tilespmem:s8+$0x10]  }
0x4be: {  	v5 =	vld [tilespmem:s8+$0xFFFFFFC0]  }
0x4bf: {  	v1 =	vld.idx.msk [tilespmem:v0+s19+$0x0], $0xffff  }
0x4c0: {  	v9 =	vld [tilespmem:s8+$0xFFFFFFE0]  }
0x4c1: {  	v0 =	vld [tilespmem:s8+$0xFFFFFFF0]  }
0x4c2: {  	v2 =	vld [tilespmem:s8+$0x20]  }
0x4c3: {  	v3 =	vld [tilespmem:s8+$0xFFFFFFD0]  }
0x4c4: {  	v8 =	vmul.f32 v4, v1;
	v4 =	vld [tilespmem:s8+$0x0]  }
0x4c5: {  	v6 =	vmul.f32 v5, v1  }
0x4c6: {  	s10 =	simm.s32 $0x17040;
	s9 =	simm.s32 $0xD01;
	v5 =	vmul.f32 v9, v1;
	v7 =	vmul.f32 v7, v1  }
.LBB2_56:
0x4c7: {  	p0 =	sne.s32 s9, $0xD7F  }
0x4c8: {  	v3 =	vmul.f32 v3, v1;
	v2 =	vmul.f32 v2, v1;
	[tilespmem:s8+$0x30] =	vst v8;
	s10 =	sadd.s32 $0x80, s10;
	s4 =	smov.u32 s9;
	s9 =	sadd.s32 $0x1, s9  }
0x4c9: {  	[tilespmem:s8+$0xFFFFFFC0] =	vst v6;
	v6 =	vmul.f32 v0, v1;
	v1 =	vmul.f32 v4, v1  }
0x4ca: {  	[tilespmem:s8+$0x10] =	vst v7  }
0x4cb: {  	v4 =	vmov s4;
	[tilespmem:s8+$0xFFFFFFE0] =	vst v5  }
0x4cc: {  	v0 =	vld [tilespmem:s10+$0xFFFFFFF0];
	[tilespmem:s8+$0xFFFFFFF0] =	vst v6  }
0x4cd: {  	v5 =	vld [tilespmem:s10+$0x30];
	[tilespmem:s8+$0x0] =	vst v1  }
0x4ce: {  	v7 =	vld [tilespmem:s10+$0x10];
	[tilespmem:s8+$0x20] =	vst v2  }
0x4cf: {  	v6 =	vld [tilespmem:s10+$0xFFFFFFC0];
	[tilespmem:s8+$0xFFFFFFD0] =	vst v3;
	s8 =	smov.u32 s10  }
0x4d0: {  	v1 =	vld.idx.msk [tilespmem:v4+s19+$0x0], $0xffff  }
0x4d1: {  	v9 =	vld [tilespmem:s10+$0xFFFFFFE0]  }
0x4d2: {  	v2 =	vld [tilespmem:s10+$0x20]  }
.Ltmp27:
0x4d3: {  	v3 =	vld [tilespmem:s10+$0xFFFFFFD0];
	(pc) =	sbr.rel @p0 .LBB2_56-.Ltmp27, $3  }
0x4d4: {  	v4 =	vld [tilespmem:s10+$0x0];
	_ =	sdelay $0x1  }
0x4d5: {  	v6 =	vmul.f32 v6, v1;
	v8 =	vmul.f32 v5, v1  }
0x4d6: {  	v7 =	vmul.f32 v7, v1;
	v5 =	vmul.f32 v9, v1  }
0x4d7: {  	[tilespmem:s8+$0x30] =	vst v8  }
0x4d8: {  	[tilespmem:s8+$0xFFFFFFC0] =	vst v6  }
0x4d9: {  	v0 =	vmul.f32 v0, v1;
	[tilespmem:s8+$0x10] =	vst v7  }
0x4da: {  	v2 =	vmul.f32 v2, v1;
	[tilespmem:s8+$0xFFFFFFE0] =	vst v5  }
0x4db: {  	v4 =	vmul.f32 v4, v1;
	[tilespmem:s8+$0xFFFFFFF0] =	vst v0  }
0x4dc: {  	s4 =	sld [smem:$0x7F8];
	v0 =	vmul.f32 v3, v1;
	[tilespmem:s8+$0x20] =	vst v2  }
0x4dd: {  	[tilespmem:s8+$0x0] =	vst v4  }
0x4de: {  	[tilespmem:s8+$0xFFFFFFD0] =	vst v0  }
0x4df: {  	[hbm4b:s4+s3] =	stream.linear.scatter [tilespmem:s20], [sflag:$0xD], $0x4000, $0x38;
	[tilespmem:$0x1F000] =	vst v63  }
0x4e0: {  	_ =	swait.ge [sflag:s31], $0x4000  }
0x4e1: {  	[sflag:s31] =	ssyncset.done $0x0  }
0x4e2: {  	s9 =	simm.s32 $0xF80;
	[sflag:s31] =	ssyncadd.s32 $0xFFFFC000  }
0x4e3: {  	[tilespmem:s16], [sflag:$0x4] =	stream.indirect.gather [hbm4b:s2+s12], $0x80, s9, s12, $0xb8;
	[tilespmem:$0x1F000] =	vst v63  }
0x4e4: {  	s10 =	simm.s32 $0xD80;
	_ =	swait.ge [sflag:s0], $0x4000  }
0x4e5: {  	v0 =	vmov s10;
	[sflag:s0] =	ssyncset.done $0x0  }
0x4e6: {  	s8 =	simm.s32 $0x1B040;
	[sflag:s0] =	ssyncadd.s32 $0xFFFFC000  }
0x4e7: {  	v4 =	vld [tilespmem:s8+$0x30]  }
0x4e8: {  	v7 =	vld [tilespmem:s8+$0x10]  }
0x4e9: {  	v5 =	vld [tilespmem:s8+$0xFFFFFFC0]  }
0x4ea: {  	v1 =	vld.idx.msk [tilespmem:v0+s19+$0x0], $0xffff  }
0x4eb: {  	v9 =	vld [tilespmem:s8+$0xFFFFFFE0]  }
0x4ec: {  	v0 =	vld [tilespmem:s8+$0xFFFFFFF0]  }
0x4ed: {  	v2 =	vld [tilespmem:s8+$0x20]  }
0x4ee: {  	v3 =	vld [tilespmem:s8+$0xFFFFFFD0]  }
0x4ef: {  	v8 =	vmul.f32 v4, v1;
	v4 =	vld [tilespmem:s8+$0x0]  }
0x4f0: {  	v6 =	vmul.f32 v5, v1  }
0x4f1: {  	s10 =	simm.s32 $0x1B040;
	s9 =	simm.s32 $0xD81;
	v5 =	vmul.f32 v9, v1;
	v7 =	vmul.f32 v7, v1  }
.LBB2_58:
0x4f2: {  	p0 =	sne.s32 s9, $0xDFF  }
0x4f3: {  	v3 =	vmul.f32 v3, v1;
	v2 =	vmul.f32 v2, v1;
	[tilespmem:s8+$0x30] =	vst v8;
	s10 =	sadd.s32 $0x80, s10;
	s4 =	smov.u32 s9;
	s9 =	sadd.s32 $0x1, s9  }
0x4f4: {  	[tilespmem:s8+$0xFFFFFFC0] =	vst v6;
	v6 =	vmul.f32 v0, v1;
	v1 =	vmul.f32 v4, v1  }
0x4f5: {  	[tilespmem:s8+$0x10] =	vst v7  }
0x4f6: {  	v4 =	vmov s4;
	[tilespmem:s8+$0xFFFFFFE0] =	vst v5  }
0x4f7: {  	v0 =	vld [tilespmem:s10+$0xFFFFFFF0];
	[tilespmem:s8+$0xFFFFFFF0] =	vst v6  }
0x4f8: {  	v5 =	vld [tilespmem:s10+$0x30];
	[tilespmem:s8+$0x0] =	vst v1  }
0x4f9: {  	v7 =	vld [tilespmem:s10+$0x10];
	[tilespmem:s8+$0x20] =	vst v2  }
0x4fa: {  	v6 =	vld [tilespmem:s10+$0xFFFFFFC0];
	[tilespmem:s8+$0xFFFFFFD0] =	vst v3;
	s8 =	smov.u32 s10  }
0x4fb: {  	v1 =	vld.idx.msk [tilespmem:v4+s19+$0x0], $0xffff  }
0x4fc: {  	v9 =	vld [tilespmem:s10+$0xFFFFFFE0]  }
0x4fd: {  	v2 =	vld [tilespmem:s10+$0x20]  }
.Ltmp28:
0x4fe: {  	v3 =	vld [tilespmem:s10+$0xFFFFFFD0];
	(pc) =	sbr.rel @p0 .LBB2_58-.Ltmp28, $3  }
0x4ff: {  	v4 =	vld [tilespmem:s10+$0x0];
	_ =	sdelay $0x1  }
0x500: {  	v6 =	vmul.f32 v6, v1;
	v8 =	vmul.f32 v5, v1  }
0x501: {  	v7 =	vmul.f32 v7, v1;
	v5 =	vmul.f32 v9, v1  }
0x502: {  	[tilespmem:s8+$0x30] =	vst v8  }
0x503: {  	[tilespmem:s8+$0xFFFFFFC0] =	vst v6  }
0x504: {  	v0 =	vmul.f32 v0, v1;
	[tilespmem:s8+$0x10] =	vst v7  }
0x505: {  	v2 =	vmul.f32 v2, v1;
	[tilespmem:s8+$0xFFFFFFE0] =	vst v5  }
0x506: {  	v4 =	vmul.f32 v4, v1;
	[tilespmem:s8+$0xFFFFFFF0] =	vst v0  }
0x507: {  	s4 =	sld [smem:$0x7F9];
	v0 =	vmul.f32 v3, v1;
	[tilespmem:s8+$0x20] =	vst v2  }
0x508: {  	[tilespmem:s8+$0x0] =	vst v4  }
0x509: {  	[tilespmem:s8+$0xFFFFFFD0] =	vst v0  }
0x50a: {  	[hbm4b:s4+s3] =	stream.linear.scatter [tilespmem:s22], [sflag:$0xE], $0x4000, $0x38;
	[tilespmem:$0x1F000] =	vst v63  }
0x50b: {  	s10 =	simm.s32 $0xE00;
	_ =	swait.ge [sflag:s18], $0x4000  }
0x50c: {  	v0 =	vmov s10;
	[sflag:s18] =	ssyncset.done $0x0  }
0x50d: {  	s8 =	simm.s32 $0x3040;
	[sflag:s18] =	ssyncadd.s32 $0xFFFFC000  }
0x50e: {  	v4 =	vld [tilespmem:s8+$0x30]  }
0x50f: {  	v7 =	vld [tilespmem:s8+$0x10]  }
0x510: {  	v5 =	vld [tilespmem:s8+$0xFFFFFFC0]  }
0x511: {  	v1 =	vld.idx.msk [tilespmem:v0+s19+$0x0], $0xffff  }
0x512: {  	v9 =	vld [tilespmem:s8+$0xFFFFFFE0]  }
0x513: {  	v0 =	vld [tilespmem:s8+$0xFFFFFFF0]  }
0x514: {  	v2 =	vld [tilespmem:s8+$0x20]  }
0x515: {  	v3 =	vld [tilespmem:s8+$0xFFFFFFD0]  }
0x516: {  	v8 =	vmul.f32 v4, v1;
	v4 =	vld [tilespmem:s8+$0x0]  }
0x517: {  	v6 =	vmul.f32 v5, v1  }
0x518: {  	s9 =	simm.s32 $0xE01;
	s10 =	simm.s32 $0x3040;
	v5 =	vmul.f32 v9, v1;
	v7 =	vmul.f32 v7, v1  }
.LBB2_60:
0x519: {  	p0 =	sne.s32 s9, $0xE7F  }
0x51a: {  	v3 =	vmul.f32 v3, v1;
	v2 =	vmul.f32 v2, v1;
	[tilespmem:s8+$0x30] =	vst v8;
	s10 =	sadd.s32 $0x80, s10;
	s4 =	smov.u32 s9;
	s9 =	sadd.s32 $0x1, s9  }
0x51b: {  	[tilespmem:s8+$0xFFFFFFC0] =	vst v6;
	v6 =	vmul.f32 v0, v1;
	v1 =	vmul.f32 v4, v1  }
0x51c: {  	[tilespmem:s8+$0x10] =	vst v7  }
0x51d: {  	v4 =	vmov s4;
	[tilespmem:s8+$0xFFFFFFE0] =	vst v5  }
0x51e: {  	v0 =	vld [tilespmem:s10+$0xFFFFFFF0];
	[tilespmem:s8+$0xFFFFFFF0] =	vst v6  }
0x51f: {  	v5 =	vld [tilespmem:s10+$0x30];
	[tilespmem:s8+$0x0] =	vst v1  }
0x520: {  	v7 =	vld [tilespmem:s10+$0x10];
	[tilespmem:s8+$0x20] =	vst v2  }
0x521: {  	v6 =	vld [tilespmem:s10+$0xFFFFFFC0];
	[tilespmem:s8+$0xFFFFFFD0] =	vst v3;
	s8 =	smov.u32 s10  }
0x522: {  	v1 =	vld.idx.msk [tilespmem:v4+s19+$0x0], $0xffff  }
0x523: {  	v9 =	vld [tilespmem:s10+$0xFFFFFFE0]  }
0x524: {  	v2 =	vld [tilespmem:s10+$0x20]  }
.Ltmp29:
0x525: {  	v3 =	vld [tilespmem:s10+$0xFFFFFFD0];
	(pc) =	sbr.rel @p0 .LBB2_60-.Ltmp29, $3  }
0x526: {  	v4 =	vld [tilespmem:s10+$0x0];
	_ =	sdelay $0x1  }
0x527: {  	v6 =	vmul.f32 v6, v1;
	v8 =	vmul.f32 v5, v1  }
0x528: {  	v7 =	vmul.f32 v7, v1;
	v5 =	vmul.f32 v9, v1  }
0x529: {  	[tilespmem:s8+$0x30] =	vst v8  }
0x52a: {  	[tilespmem:s8+$0xFFFFFFC0] =	vst v6  }
0x52b: {  	v0 =	vmul.f32 v0, v1;
	[tilespmem:s8+$0x10] =	vst v7  }
0x52c: {  	v2 =	vmul.f32 v2, v1;
	[tilespmem:s8+$0xFFFFFFE0] =	vst v5  }
0x52d: {  	v4 =	vmul.f32 v4, v1;
	[tilespmem:s8+$0xFFFFFFF0] =	vst v0  }
0x52e: {  	s4 =	sld [smem:$0x7FA];
	v0 =	vmul.f32 v3, v1;
	[tilespmem:s8+$0x20] =	vst v2  }
0x52f: {  	[tilespmem:s8+$0x0] =	vst v4  }
0x530: {  	[tilespmem:s8+$0xFFFFFFD0] =	vst v0  }
0x531: {  	[hbm4b:s4+s3] =	stream.linear.scatter [tilespmem:s13], [sflag:$0x8], $0x4000, $0x38;
	[tilespmem:$0x1F000] =	vst v63  }
0x532: {  	s10 =	simm.s32 $0xE80;
	_ =	swait.ge [sflag:s21], $0x4000  }
0x533: {  	v0 =	vmov s10;
	[sflag:s21] =	ssyncset.done $0x0  }
0x534: {  	s8 =	simm.s32 $0x7040;
	[sflag:s21] =	ssyncadd.s32 $0xFFFFC000  }
0x535: {  	v4 =	vld [tilespmem:s8+$0x30]  }
0x536: {  	v7 =	vld [tilespmem:s8+$0x10]  }
0x537: {  	v5 =	vld [tilespmem:s8+$0xFFFFFFC0]  }
0x538: {  	v1 =	vld.idx.msk [tilespmem:v0+s19+$0x0], $0xffff  }
0x539: {  	v9 =	vld [tilespmem:s8+$0xFFFFFFE0]  }
0x53a: {  	v0 =	vld [tilespmem:s8+$0xFFFFFFF0]  }
0x53b: {  	v2 =	vld [tilespmem:s8+$0x20]  }
0x53c: {  	v3 =	vld [tilespmem:s8+$0xFFFFFFD0]  }
0x53d: {  	v8 =	vmul.f32 v4, v1;
	v4 =	vld [tilespmem:s8+$0x0]  }
0x53e: {  	v6 =	vmul.f32 v5, v1  }
0x53f: {  	s9 =	simm.s32 $0xE81;
	s10 =	simm.s32 $0x7040;
	v5 =	vmul.f32 v9, v1;
	v7 =	vmul.f32 v7, v1  }
.LBB2_62:
0x540: {  	p0 =	sne.s32 s9, $0xEFF  }
0x541: {  	v3 =	vmul.f32 v3, v1;
	v2 =	vmul.f32 v2, v1;
	[tilespmem:s8+$0x30] =	vst v8;
	s10 =	sadd.s32 $0x80, s10;
	s4 =	smov.u32 s9;
	s9 =	sadd.s32 $0x1, s9  }
0x542: {  	[tilespmem:s8+$0xFFFFFFC0] =	vst v6;
	v6 =	vmul.f32 v0, v1;
	v1 =	vmul.f32 v4, v1  }
0x543: {  	[tilespmem:s8+$0x10] =	vst v7  }
0x544: {  	v4 =	vmov s4;
	[tilespmem:s8+$0xFFFFFFE0] =	vst v5  }
0x545: {  	v0 =	vld [tilespmem:s10+$0xFFFFFFF0];
	[tilespmem:s8+$0xFFFFFFF0] =	vst v6  }
0x546: {  	v5 =	vld [tilespmem:s10+$0x30];
	[tilespmem:s8+$0x0] =	vst v1  }
0x547: {  	v7 =	vld [tilespmem:s10+$0x10];
	[tilespmem:s8+$0x20] =	vst v2  }
0x548: {  	v6 =	vld [tilespmem:s10+$0xFFFFFFC0];
	[tilespmem:s8+$0xFFFFFFD0] =	vst v3;
	s8 =	smov.u32 s10  }
0x549: {  	v1 =	vld.idx.msk [tilespmem:v4+s19+$0x0], $0xffff  }
0x54a: {  	v9 =	vld [tilespmem:s10+$0xFFFFFFE0]  }
0x54b: {  	v2 =	vld [tilespmem:s10+$0x20]  }
.Ltmp30:
0x54c: {  	v3 =	vld [tilespmem:s10+$0xFFFFFFD0];
	(pc) =	sbr.rel @p0 .LBB2_62-.Ltmp30, $3  }
0x54d: {  	v4 =	vld [tilespmem:s10+$0x0];
	_ =	sdelay $0x1  }
0x54e: {  	v6 =	vmul.f32 v6, v1;
	v8 =	vmul.f32 v5, v1  }
0x54f: {  	v7 =	vmul.f32 v7, v1;
	v5 =	vmul.f32 v9, v1  }
0x550: {  	[tilespmem:s8+$0x30] =	vst v8  }
0x551: {  	[tilespmem:s8+$0xFFFFFFC0] =	vst v6  }
0x552: {  	v0 =	vmul.f32 v0, v1;
	[tilespmem:s8+$0x10] =	vst v7  }
0x553: {  	v2 =	vmul.f32 v2, v1;
	[tilespmem:s8+$0xFFFFFFE0] =	vst v5  }
0x554: {  	v4 =	vmul.f32 v4, v1;
	[tilespmem:s8+$0xFFFFFFF0] =	vst v0  }
0x555: {  	s4 =	sld [smem:$0x7FB];
	v0 =	vmul.f32 v3, v1;
	[tilespmem:s8+$0x20] =	vst v2  }
0x556: {  	[tilespmem:s8+$0x0] =	vst v4  }
0x557: {  	[tilespmem:s8+$0xFFFFFFD0] =	vst v0  }
0x558: {  	[hbm4b:s4+s3] =	stream.linear.scatter [tilespmem:s14], [sflag:$0x9], $0x4000, $0x38;
	[tilespmem:$0x1F000] =	vst v63  }
0x559: {  	s10 =	simm.s32 $0xF00;
	_ =	swait.ge [sflag:s23], $0x4000  }
0x55a: {  	v0 =	vmov s10;
	[sflag:s23] =	ssyncset.done $0x0  }
0x55b: {  	s8 =	simm.s32 $0xB040;
	[sflag:s23] =	ssyncadd.s32 $0xFFFFC000  }
0x55c: {  	v4 =	vld [tilespmem:s8+$0x30]  }
0x55d: {  	v7 =	vld [tilespmem:s8+$0x10]  }
0x55e: {  	v5 =	vld [tilespmem:s8+$0xFFFFFFC0]  }
0x55f: {  	v1 =	vld.idx.msk [tilespmem:v0+s19+$0x0], $0xffff  }
0x560: {  	v9 =	vld [tilespmem:s8+$0xFFFFFFE0]  }
0x561: {  	v0 =	vld [tilespmem:s8+$0xFFFFFFF0]  }
0x562: {  	v2 =	vld [tilespmem:s8+$0x20]  }
0x563: {  	v3 =	vld [tilespmem:s8+$0xFFFFFFD0]  }
0x564: {  	v8 =	vmul.f32 v4, v1;
	v4 =	vld [tilespmem:s8+$0x0]  }
0x565: {  	v6 =	vmul.f32 v5, v1  }
0x566: {  	s9 =	simm.s32 $0xF01;
	s10 =	simm.s32 $0xB040;
	v5 =	vmul.f32 v9, v1;
	v7 =	vmul.f32 v7, v1  }
.LBB2_64:
0x567: {  	p0 =	sne.s32 s9, $0xF7F  }
0x568: {  	v3 =	vmul.f32 v3, v1;
	v2 =	vmul.f32 v2, v1;
	[tilespmem:s8+$0x30] =	vst v8;
	s10 =	sadd.s32 $0x80, s10;
	s4 =	smov.u32 s9;
	s9 =	sadd.s32 $0x1, s9  }
0x569: {  	[tilespmem:s8+$0xFFFFFFC0] =	vst v6;
	v6 =	vmul.f32 v0, v1;
	v1 =	vmul.f32 v4, v1  }
0x56a: {  	[tilespmem:s8+$0x10] =	vst v7  }
0x56b: {  	v4 =	vmov s4;
	[tilespmem:s8+$0xFFFFFFE0] =	vst v5  }
0x56c: {  	v0 =	vld [tilespmem:s10+$0xFFFFFFF0];
	[tilespmem:s8+$0xFFFFFFF0] =	vst v6  }
0x56d: {  	v5 =	vld [tilespmem:s10+$0x30];
	[tilespmem:s8+$0x0] =	vst v1  }
0x56e: {  	v7 =	vld [tilespmem:s10+$0x10];
	[tilespmem:s8+$0x20] =	vst v2  }
0x56f: {  	v6 =	vld [tilespmem:s10+$0xFFFFFFC0];
	[tilespmem:s8+$0xFFFFFFD0] =	vst v3;
	s8 =	smov.u32 s10  }
0x570: {  	v1 =	vld.idx.msk [tilespmem:v4+s19+$0x0], $0xffff  }
0x571: {  	v9 =	vld [tilespmem:s10+$0xFFFFFFE0]  }
0x572: {  	v2 =	vld [tilespmem:s10+$0x20]  }
.Ltmp31:
0x573: {  	v3 =	vld [tilespmem:s10+$0xFFFFFFD0];
	(pc) =	sbr.rel @p0 .LBB2_64-.Ltmp31, $3  }
0x574: {  	v4 =	vld [tilespmem:s10+$0x0];
	_ =	sdelay $0x1  }
0x575: {  	v6 =	vmul.f32 v6, v1;
	v8 =	vmul.f32 v5, v1  }
0x576: {  	v7 =	vmul.f32 v7, v1;
	v5 =	vmul.f32 v9, v1  }
0x577: {  	[tilespmem:s8+$0x30] =	vst v8  }
0x578: {  	[tilespmem:s8+$0xFFFFFFC0] =	vst v6  }
0x579: {  	v0 =	vmul.f32 v0, v1;
	[tilespmem:s8+$0x10] =	vst v7  }
0x57a: {  	v2 =	vmul.f32 v2, v1;
	[tilespmem:s8+$0xFFFFFFE0] =	vst v5  }
0x57b: {  	v4 =	vmul.f32 v4, v1;
	[tilespmem:s8+$0xFFFFFFF0] =	vst v0  }
0x57c: {  	s4 =	sld [smem:$0x7FC];
	v0 =	vmul.f32 v3, v1;
	[tilespmem:s8+$0x20] =	vst v2  }
0x57d: {  	[tilespmem:s8+$0x0] =	vst v4  }
0x57e: {  	[tilespmem:s8+$0xFFFFFFD0] =	vst v0  }
0x57f: {  	[hbm4b:s4+s3] =	stream.linear.scatter [tilespmem:s15], [sflag:$0xA], $0x4000, $0x38;
	[tilespmem:$0x1F000] =	vst v63  }
0x580: {  	s10 =	simm.s32 $0xF80;
	_ =	swait.ge [sflag:s25], $0x4000  }
0x581: {  	v0 =	vmov s10;
	[sflag:s25] =	ssyncset.done $0x0  }
0x582: {  	s8 =	simm.s32 $0xF040;
	[sflag:s25] =	ssyncadd.s32 $0xFFFFC000  }
0x583: {  	v4 =	vld [tilespmem:s8+$0x30]  }
0x584: {  	v7 =	vld [tilespmem:s8+$0x10]  }
0x585: {  	v5 =	vld [tilespmem:s8+$0xFFFFFFC0]  }
0x586: {  	v1 =	vld.idx.msk [tilespmem:v0+s19+$0x0], $0xffff  }
0x587: {  	v9 =	vld [tilespmem:s8+$0xFFFFFFE0]  }
0x588: {  	v0 =	vld [tilespmem:s8+$0xFFFFFFF0]  }
0x589: {  	v2 =	vld [tilespmem:s8+$0x20]  }
0x58a: {  	v3 =	vld [tilespmem:s8+$0xFFFFFFD0]  }
0x58b: {  	v8 =	vmul.f32 v4, v1;
	v4 =	vld [tilespmem:s8+$0x0]  }
0x58c: {  	v6 =	vmul.f32 v5, v1  }
0x58d: {  	s9 =	simm.s32 $0xF81;
	s10 =	simm.s32 $0xF040;
	v5 =	vmul.f32 v9, v1;
	v7 =	vmul.f32 v7, v1  }
.LBB2_66:
0x58e: {  	p0 =	sne.s32 s9, $0xFFF  }
0x58f: {  	v3 =	vmul.f32 v3, v1;
	v2 =	vmul.f32 v2, v1;
	[tilespmem:s8+$0x30] =	vst v8;
	s10 =	sadd.s32 $0x80, s10;
	s4 =	smov.u32 s9;
	s9 =	sadd.s32 $0x1, s9  }
0x590: {  	[tilespmem:s8+$0xFFFFFFC0] =	vst v6;
	v6 =	vmul.f32 v0, v1;
	v1 =	vmul.f32 v4, v1  }
0x591: {  	[tilespmem:s8+$0x10] =	vst v7  }
0x592: {  	v4 =	vmov s4;
	[tilespmem:s8+$0xFFFFFFE0] =	vst v5  }
0x593: {  	v0 =	vld [tilespmem:s10+$0xFFFFFFF0];
	[tilespmem:s8+$0xFFFFFFF0] =	vst v6  }
0x594: {  	v5 =	vld [tilespmem:s10+$0x30];
	[tilespmem:s8+$0x0] =	vst v1  }
0x595: {  	v7 =	vld [tilespmem:s10+$0x10];
	[tilespmem:s8+$0x20] =	vst v2  }
0x596: {  	v6 =	vld [tilespmem:s10+$0xFFFFFFC0];
	[tilespmem:s8+$0xFFFFFFD0] =	vst v3;
	s8 =	smov.u32 s10  }
0x597: {  	v1 =	vld.idx.msk [tilespmem:v4+s19+$0x0], $0xffff  }
0x598: {  	v9 =	vld [tilespmem:s10+$0xFFFFFFE0]  }
0x599: {  	v2 =	vld [tilespmem:s10+$0x20]  }
.Ltmp32:
0x59a: {  	v3 =	vld [tilespmem:s10+$0xFFFFFFD0];
	(pc) =	sbr.rel @p0 .LBB2_66-.Ltmp32, $3  }
0x59b: {  	v4 =	vld [tilespmem:s10+$0x0];
	_ =	sdelay $0x1  }
0x59c: {  	v6 =	vmul.f32 v6, v1;
	v8 =	vmul.f32 v5, v1  }
0x59d: {  	v7 =	vmul.f32 v7, v1;
	v5 =	vmul.f32 v9, v1  }
0x59e: {  	[tilespmem:s8+$0x30] =	vst v8  }
0x59f: {  	[tilespmem:s8+$0xFFFFFFC0] =	vst v6  }
0x5a0: {  	v0 =	vmul.f32 v0, v1;
	[tilespmem:s8+$0x10] =	vst v7  }
0x5a1: {  	v2 =	vmul.f32 v2, v1;
	[tilespmem:s8+$0xFFFFFFE0] =	vst v5  }
0x5a2: {  	v63 =	vmul.f32 v3, v1;
	[tilespmem:s8+$0xFFFFFFF0] =	vst v0  }
0x5a3: {  	s4 =	sld [smem:$0x7FD];
	v4 =	vmul.f32 v4, v1;
	[tilespmem:s8+$0x20] =	vst v2  }
0x5a4: {  	[tilespmem:s8+$0xFFFFFFD0] =	vst v63  }
0x5a5: {  	[tilespmem:s8+$0x0] =	vst v4  }
0x5a6: {  	[hbm4b:s4+s3] =	stream.linear.scatter [tilespmem:s16], [sflag:$0xB], $0x4000, $0x38;
	[tilespmem:$0x1F000] =	vst v63  }
0x5a7: {  	_ =	swait.ge [sflag:s24], $0x4000  }
0x5a8: {  	[sflag:s24] =	ssyncset.done $0x0  }
0x5a9: {  	[sflag:s24] =	ssyncadd.s32 $0xFFFFC000  }
0x5aa: {  	_ =	swait.ge [sflag:s26], $0x4000  }
0x5ab: {  	[sflag:s26] =	ssyncset.done $0x0  }
0x5ac: {  	[sflag:s26] =	ssyncadd.s32 $0xFFFFC000  }
0x5ad: {  	_ =	swait.ge [sflag:s29], $0x4000  }
0x5ae: {  	[sflag:s29] =	ssyncset.done $0x0  }
0x5af: {  	[sflag:s29] =	ssyncadd.s32 $0xFFFFC000  }
0x5b0: {  	_ =	swait.ge [sflag:s31], $0x4000  }
0x5b1: {  	[sflag:s31] =	ssyncset.done $0x0  }
0x5b2: {  	[sflag:s31] =	ssyncadd.s32 $0xFFFFC000  }
0x5b3: {  	_ =	swait.ge [sflag:s1], $0x4000  }
0x5b4: {  	[sflag:s1] =	ssyncset.done $0x0  }
0x5b5: {  	[sflag:s1] =	ssyncadd.s32 $0xFFFFC000  }
0x5b6: {  	_ =	swait.ge [sflag:s5], $0x4000  }
0x5b7: {  	[sflag:s5] =	ssyncset.done $0x0  }
0x5b8: {  	[sflag:s5] =	ssyncadd.s32 $0xFFFFC000  }
0x5b9: {  	_ =	swait.ge [sflag:s6], $0x4000  }
0x5ba: {  	s7 =	sadd.s32 $0x1, s7;
	s10 =	rddreg [dreg:$0x1a]  }
0x5bb: {  	p0 =	sne.s32 s7, s10  }
.Ltmp33:
0x5bc: {  	_ = 	snop;
	(pc) =	sbr.rel @p0 .LBB2_1-.Ltmp33, $3  }
0x5bd: {  	_ =	sdelay $0x1  }
0x5be: {  	[sflag:s6] =	ssyncset.done $0x0  }
0x5bf: {  	[sflag:s6] =	ssyncadd.s32 $0xFFFFC000  }
0x5c0: {  	_ =	sfence.sel $0x180000  }
0x5c1: {  	[bflag:$0x0] =	sbarrier.arrive $0xFFFF  }
0x5c2: {  	_ =	strace $0x90000047  }
0x5c3: {  	s0 =	stileid.u32;
	[bflag:$0x2] =	sbarrier.arrive $0xFFFF  }
0x5c4: {  	p0 =	sne.s32 s0, $0x0;
	s0 =	rddreg [dreg:$0x4]  }
0x5c5: {  	s0 =	sadd.s32 @!p0 $0x100000, s0  }
0x5c6: {  	[sflag:s0] =	ssyncadd.tile.s32 @!p0 $0x1;
	_ =	shalt  }
.Lfunc_end2:
_tile_overlayer_lowered:
.L_overlay_start_2:
0x5c7: {  	(tag) =	ssettag $0x2  }
0x5c8: {  	s0 =	rddreg [dreg:$0x0];
	s2 =	stileid.u32  }
0x5c9: {  	s1 =	rddreg [dreg:$0x1];
	p0 =	sne.s32 s2, $0x0  }
0x5ca: {  	s3 =	rddreg [dreg:$0x2];
	[bflag:$0x3] =	sbarrier.arrive $0xFFFF;
	s2 =	simm.s32 @!p0 $0x1C0F  }
0x5cb: {  	[timem:s3], [sflag:s2] =	dma.local @!p0 [hbm:s0], s1  }
0x5cc: {  	s0 =	simm.s32 @!p0 $0xF  }
0x5cd: {  	_ =	swait.ge @!p0 [sflag:s0], s1  }
0x5ce: {  	s1 =	ssub.s32 @!p0 $0x0, s1;
	[sflag:s0] =	ssyncset.done @!p0 $0x0  }
0x5cf: {  	[sflag:s0] =	ssyncadd.s32 @!p0 s1  }
0x5d0: {  	[bflag:$0x3] =	sbarrier.arrive $0xFFFF  }
0x5d1: {  	_ =	shalt  }

</sc_bundles>
